<compile_context>
chip_gen: v7x
topology: tpu7x:2x2x1
jax: 0.10.2.dev20260603
libtpu: 0.0.44.dev20260713+nightly
codegen_flags: <defaults>
</compile_context>

<pallas_src>
import functools

import jax
import jax.numpy as jnp
from jax import lax
from jax.experimental import pallas as pl
from jax.experimental.pallas import tpu as pltpu
from jax.experimental.pallas import tpu_sc as plsc

N = 10000
D = 128
E = 320000
K = 3

_info = plsc.get_sparse_core_info()
NC = _info.num_cores
NS = _info.num_subcores
NW = NC * NS
EW = E // NW
C = 80
NCHUNK = EW // C
NBUF = 3
NSTD = 40
CD = 80
DCHUNK = EW // CD
DBUF = 5
DGRP = DCHUNK // DBUF
NP = 10240
RPT = NP // NS

_MESH = plsc.VectorSubcoreMesh(core_axis_name="c", subcore_axis_name="s")


def _deg_body(dst_hbm, out_hbm, dstr_v, ones_v, zb_v, acc_sh,
              i0, i1, i2, i3, i4, t0, t1, t2, t3, t4):
    c = lax.axis_index("c")
    s = lax.axis_index("s")
    wid = s * NC + c
    isems = (i0, i1, i2, i3, i4)
    ssems = (t0, t1, t2, t3, t4)
    one16 = jnp.full((16,), 1.0, jnp.float32)
    zero16 = jnp.zeros((16,), jnp.float32)
    ebase = wid * EW

    def fill_ones(i, _):
        ones_v[pl.ds(i * 16, 16)] = one16
        return 0

    lax.fori_loop(0, CD // 16, fill_ones, 0)

    def fill_zero(i, _):
        zb_v[pl.ds(i * 16, 16)] = zero16
        return 0

    lax.fori_loop(0, RPT // 16, fill_zero, 0)
    pltpu.sync_copy(zb_v, acc_sh.at[pl.ds(s * RPT, RPT)])
    plsc.subcore_barrier()

    for j in range(DBUF):
        pltpu.async_copy(dst_hbm.at[pl.ds(ebase + j * CD, CD)],
                         dstr_v.at[j], isems[j])

    def grp(g, _):
        for j in range(DBUF):
            i = g * DBUF + j
            pltpu.make_async_copy(dst_hbm.at[pl.ds(ebase, CD)],
                                  dstr_v.at[j], isems[j]).wait()
            pltpu.async_copy(ones_v, acc_sh.at[dstr_v.at[j]], ssems[j],
                             add=True)
            pltpu.make_async_copy(ones_v, acc_sh.at[dstr_v.at[j]],
                                  ssems[j]).wait()
            pltpu.async_copy(dst_hbm.at[pl.ds(ebase + (i + DBUF) * CD, CD)],
                             dstr_v.at[j], isems[j])
        return 0

    lax.fori_loop(0, DGRP - 1, grp, 0)
    for j in range(DBUF):
        pltpu.make_async_copy(dst_hbm.at[pl.ds(ebase, CD)],
                              dstr_v.at[j], isems[j]).wait()
        pltpu.async_copy(ones_v, acc_sh.at[dstr_v.at[j]], ssems[j], add=True)
        pltpu.make_async_copy(ones_v, acc_sh.at[dstr_v.at[j]],
                              ssems[j]).wait()

    plsc.subcore_barrier()
    pltpu.sync_copy(acc_sh.at[pl.ds(s * RPT, RPT)],
                    out_hbm.at[c, pl.ds(s * RPT, RPT)])


_deg_call = functools.partial(
    pl.kernel,
    mesh=_MESH,
    out_type=jax.ShapeDtypeStruct((NC, NP), jnp.float32),
    scratch_types=[
        pltpu.VMEM((DBUF, CD), jnp.int32),
        pltpu.VMEM((CD,), jnp.float32),
        pltpu.VMEM((RPT,), jnp.float32),
        pltpu.VMEM_SHARED((NP,), jnp.float32),
        pltpu.SemaphoreType.DMA,
        pltpu.SemaphoreType.DMA,
        pltpu.SemaphoreType.DMA,
        pltpu.SemaphoreType.DMA,
        pltpu.SemaphoreType.DMA,
        pltpu.SemaphoreType.DMA,
        pltpu.SemaphoreType.DMA,
        pltpu.SemaphoreType.DMA,
        pltpu.SemaphoreType.DMA,
        pltpu.SemaphoreType.DMA,
    ],
)(_deg_body)


def _spmv_body(h_hbm, src_hbm, dst_hbm, out_hbm,
               src_v, dstr_v, rows_v, acc_sh,
               g0, g1, g2, i0, i1, i2):
    c = lax.axis_index("c")
    s = lax.axis_index("s")
    wid = s * NC + c
    gsems = (g0, g1, g2)
    isems = (i0, i1, i2)
    zero16 = jnp.zeros((16,), jnp.float32)
    ebase = wid * EW

    pltpu.sync_copy(src_hbm.at[pl.ds(ebase, EW)], src_v)

    def fz(i, _):
        for b in range(NBUF):
            for j in range(D // 16):
                rows_v[b, i, pl.ds(j * 16, 16)] = zero16
        return 0

    lax.fori_loop(0, C, fz, 0)

    def zcp(i, _):
        pltpu.sync_copy(rows_v.at[0], acc_sh.at[pl.ds(s * RPT + i * C, C)])
        return 0

    lax.fori_loop(0, RPT // C, zcp, 0)
    plsc.subcore_barrier()

    for j in range(NBUF):
        pltpu.async_copy(h_hbm.at[src_v.at[pl.ds(j * C, C)]], rows_v.at[j],
                         gsems[j])
        pltpu.async_copy(dst_hbm.at[pl.ds(ebase + j * C, C)], dstr_v.at[j],
                         isems[j])

    def consume(i, j):
        pltpu.make_async_copy(h_hbm.at[src_v.at[pl.ds(0, C)]],
                              rows_v.at[j], gsems[j]).wait()
        pltpu.make_async_copy(dst_hbm.at[pl.ds(ebase, C)],
                              dstr_v.at[j], isems[j]).wait()
        pltpu.sync_copy(rows_v.at[j], acc_sh.at[dstr_v.at[j]], add=True)

    def fire(i, j):
        pltpu.async_copy(h_hbm.at[src_v.at[pl.ds(i * C, C)]],
                         rows_v.at[j], gsems[j])
        pltpu.async_copy(dst_hbm.at[pl.ds(ebase + i * C, C)], dstr_v.at[j],
                         isems[j])

    def grp(g, _):
        for j in range(NBUF):
            i = g * NBUF + j
            consume(i, j)
            fire(i + NBUF, j)
        return 0

    lax.fori_loop(0, NSTD, grp, 0)
    consume(120, 0)
    fire(123, 0)
    consume(121, 1)
    fire(124, 1)
    consume(122, 2)
    consume(123, 0)
    consume(124, 1)

    plsc.subcore_barrier()
    pltpu.sync_copy(acc_sh.at[pl.ds(s * RPT, RPT)],
                    out_hbm.at[c, pl.ds(s * RPT, RPT)])


_spmv_call = functools.partial(
    pl.kernel,
    mesh=_MESH,
    out_type=jax.ShapeDtypeStruct((NC, NP, D), jnp.float32),
    scratch_types=[
        pltpu.VMEM((EW,), jnp.int32),
        pltpu.VMEM((NBUF, C), jnp.int32),
        pltpu.VMEM((NBUF, C, D), jnp.float32),
        pltpu.VMEM_SHARED((NP, D), jnp.float32),
        pltpu.SemaphoreType.DMA,
        pltpu.SemaphoreType.DMA,
        pltpu.SemaphoreType.DMA,
        pltpu.SemaphoreType.DMA,
        pltpu.SemaphoreType.DMA,
        pltpu.SemaphoreType.DMA,
    ],
)(_spmv_body)


BN = 1000


def _scale1_body(degp_ref, x_ref, dinv_ref, h0_ref):
    deg = degp_ref[0] + degp_ref[1]
    dinv = lax.rsqrt(jnp.maximum(deg, 1.0))
    dinv_ref[...] = dinv
    h0_ref[...] = x_ref[...] * dinv


def _scale1_call(degp, x):
    return pl.pallas_call(
        _scale1_body,
        grid=(N // BN,),
        in_specs=[
            pl.BlockSpec((NC, BN, 1), lambda i: (0, i, 0)),
            pl.BlockSpec((BN, D), lambda i: (i, 0)),
        ],
        out_specs=[
            pl.BlockSpec((BN, 1), lambda i: (i, 0)),
            pl.BlockSpec((BN, D), lambda i: (i, 0)),
        ],
        out_shape=[
            jax.ShapeDtypeStruct((N, 1), jnp.float32),
            jax.ShapeDtypeStruct((N, D), jnp.float32),
        ],
    )(degp, x)


def _scale2_body(p_ref, dinv_ref, tx1_ref, h1_ref):
    dinv = dinv_ref[...]
    tx1 = -(dinv * (p_ref[0] + p_ref[1]))
    tx1_ref[...] = tx1
    h1_ref[...] = dinv * tx1


def _scale2_call(p, dinv):
    return pl.pallas_call(
        _scale2_body,
        grid=(N // BN,),
        in_specs=[
            pl.BlockSpec((NC, BN, D), lambda i: (0, i, 0)),
            pl.BlockSpec((BN, 1), lambda i: (i, 0)),
        ],
        out_specs=[
            pl.BlockSpec((BN, D), lambda i: (i, 0)),
            pl.BlockSpec((BN, D), lambda i: (i, 0)),
        ],
        out_shape=[
            jax.ShapeDtypeStruct((N, D), jnp.float32),
            jax.ShapeDtypeStruct((N, D), jnp.float32),
        ],
    )(p, dinv)


def _final_body(x_ref, tx1_ref, q_ref, dinv_ref, fc_ref, w_ref, b_ref, out_ref):
    x = x_ref[...]
    tx1 = tx1_ref[...]
    tx2 = -2.0 * dinv_ref[...] * (q_ref[0] + q_ref[1]) - x
    fc = fc_ref[...]
    acc = jnp.dot(fc[:, 0:1] * x, w_ref[0], preferred_element_type=jnp.float32)
    acc = acc + jnp.dot(fc[:, 1:2] * tx1, w_ref[1],
                        preferred_element_type=jnp.float32)
    acc = acc + jnp.dot(fc[:, 2:3] * tx2, w_ref[2],
                        preferred_element_type=jnp.float32)
    out_ref[...] = acc + b_ref[...]


def _final_call(x, tx1, q, dinv, fc_t, weight, bias2d):
    return pl.pallas_call(
        _final_body,
        grid=(N // BN,),
        in_specs=[
            pl.BlockSpec((BN, D), lambda i: (i, 0)),
            pl.BlockSpec((BN, D), lambda i: (i, 0)),
            pl.BlockSpec((NC, BN, D), lambda i: (0, i, 0)),
            pl.BlockSpec((BN, 1), lambda i: (i, 0)),
            pl.BlockSpec((BN, K), lambda i: (i, 0)),
            pl.BlockSpec((K, D, D), lambda i: (0, 0, 0)),
            pl.BlockSpec((1, D), lambda i: (0, 0)),
        ],
        out_specs=pl.BlockSpec((BN, D), lambda i: (i, 0)),
        out_shape=jax.ShapeDtypeStruct((N, D), jnp.float32),
    )(x, tx1, q, dinv, fc_t, weight, bias2d)


def kernel(x, filter_coeff, edge_index, weight, bias):
    src = edge_index[0]
    dst = edge_index[1]
    fc_t = jnp.transpose(filter_coeff[:, :, 0])
    bias2d = bias.reshape(1, D)

    degp = _deg_call(dst).reshape(NC, NP, 1)
    dinv, h0 = _scale1_call(degp, x)
    p = _spmv_call(h0, src, dst)
    tx1, h1 = _scale2_call(p, dinv)
    q = _spmv_call(h1, src, dst)
    return _final_call(x, tx1, q, dinv, fc_t, weight, bias2d)

# --- scband reference (transcript-rebuilt; emitter-appended) ---
"""Pipeline reference for scband-sgnndynamic-dgl-60790967108361 (READ-ONLY COPY).

The authoritative reference and input builder live on the scoring server;
editing this copy changes nothing except your own understanding.
"""

import jax, jax.numpy as jnp
import numpy as np
import math

N = 10000
E = 320000
D_IN = 128
D_OUT = 128
K = 3


def setup_inputs(seed: int = 0) -> dict:
    key = jax.random.key(seed)
    k1, k2, k3, k4 = jax.random.split(key, 4)
    x = jax.random.normal(k1, (N, D_IN), dtype=jnp.float32)
    filter_coeff = jax.random.uniform(k2, (K, N, 1), dtype=jnp.float32)
    edge_index = jax.random.randint(k3, (2, E), 0, N, dtype=jnp.int32)
    # glorot init for weight [K, in, out]
    stdv = math.sqrt(6.0 / (D_IN + D_OUT))
    weight = jax.random.uniform(k4, (K, D_IN, D_OUT), dtype=jnp.float32, minval=-stdv, maxval=stdv)
    bias = jnp.zeros((D_OUT,), dtype=jnp.float32)
    return {"x": x, "filter_coeff": filter_coeff, "edge_index": edge_index, "weight": weight, "bias": bias}


def reference(x, filter_coeff, edge_index, weight, bias):
    # Chebyshev-filtered GNN over scaled normalized Laplacian (sym normalization).
    n = x.shape[0]
    src = edge_index[0]
    dst = edge_index[1]
    lambda_max = 2.0
    scale = 1.0
    # in-degrees, clipped at 1 (matches g.in_degrees().clip(1))
    deg = jax.ops.segment_sum(jnp.ones(src.shape[0], dtype=jnp.float32), dst, num_segments=n)
    deg = jnp.clip(deg, 1.0, None)
    dinv = deg ** (-0.5)
    # L = I - D^{-1/2} A D^{-1/2}; off-diagonal entries of L are -dinv[i]*dinv[j]
    w_off = -(dinv[src] * dinv[dst])
    # L_hat = 2*L/lambda_max - I: off-diag scaled, diag = 2/lambda_max - 1
    w_hat = (2.0 / lambda_max) * w_off
    diag = 2.0 / lambda_max - 1.0

    def spmv(h):
        msg = h[src] * w_hat[:, None]
        agg = jax.ops.segment_sum(msg, dst, num_segments=n)
        return agg + diag * h

    Tx_0 = x
    Tx_1 = x
    out = jnp.matmul(filter_coeff[0] * Tx_0, weight[0])
    k_order = weight.shape[0]
    if k_order > 1:
        Tx_1 = spmv(x) * scale
        out = out + jnp.matmul(filter_coeff[1] * Tx_1, weight[1])
    for k in range(2, k_order):
        Tx_2 = spmv(Tx_1) * scale
        Tx_2 = 2.0 * Tx_2 - Tx_0
        out = out + jnp.matmul(filter_coeff[k] * Tx_2, weight[k])
        Tx_0, Tx_1 = Tx_1, Tx_2
    out = out + bias
    return out

if __name__ == "__main__":
    import jax
    _d = setup_inputs()
    print(jax.jit(kernel)(*tuple(_d.values())))

</pallas_src>

<mosaic_0001>
#map = affine_map<(d0, d1) -> (0, 0)>
#map1 = affine_map<(d0, d1) -> (0)>
#map2 = affine_map<(d0, d1) -> (0, 0, 0)>
module attributes {stable_mosaic.version = 14 : i64} {
  func.func @_spmv_body(%arg0: i32, %arg1: i32, %arg2: memref<10000x128xf32, #tpu.memory_space<hbm>>, %arg3: memref<320000xi32, #tpu.memory_space<hbm>>, %arg4: memref<320000xi32, #tpu.memory_space<hbm>>, %arg5: memref<2x10240x128xf32, #tpu.memory_space<hbm>>, %arg6: memref<10000xi32, #tpu.memory_space<vmem>>, %arg7: memref<3x80xi32, #tpu.memory_space<vmem>>, %arg8: memref<3x80x128xf32, #tpu.memory_space<vmem>>, %arg9: memref<10240x128xf32, #tpu.memory_space<vmem_shared>>, %arg10: memref<!tpu.dma_semaphore, #tpu.memory_space<semaphore_mem>>, %arg11: memref<!tpu.dma_semaphore, #tpu.memory_space<semaphore_mem>>, %arg12: memref<!tpu.dma_semaphore, #tpu.memory_space<semaphore_mem>>, %arg13: memref<!tpu.dma_semaphore, #tpu.memory_space<semaphore_mem>>, %arg14: memref<!tpu.dma_semaphore, #tpu.memory_space<semaphore_mem>>, %arg15: memref<!tpu.dma_semaphore, #tpu.memory_space<semaphore_mem>>) attributes {dimension_semantics = [#tpu.dimension_semantics<core_parallel>, #tpu.dimension_semantics<subcore_parallel>], iteration_bounds = array<i64: 2, 16>, scalar_prefetch = 0 : i64, scratch_operands = 10 : i64, tpu.core_type = #tpu.core_type<sc_vector_subcore>, window_params = [{transform_indices = #map}, {transform_indices = #map1}, {transform_indices = #map1}, {transform_indices = #map2}]} {
    %mul3A = arith.constant 2 : i32
    %mul3A_0 = arith.muli %arg1, %mul3A : i32
    %add3A = arith.addi %mul3A_0, %arg0 : i32
    %broadcast_in_dim3A = arith.constant 0.000000e+00 : f32
    %broadcast_in_dim3A_1 = vector.broadcast %broadcast_in_dim3A : f32 to vector<16xf32>
    %mul3A_2 = arith.constant 10000 : i32
    %mul3A_3 = arith.muli %add3A, %mul3A_2 : i32
    "tpu.region"() ({
      %run_scoped3A_236 = tpu.sem_alloc : memref<!tpu.dma_semaphore, #tpu.memory_space<semaphore_mem>>
      %dma_start3A_237 = tpu.memref_slice %arg3[%mul3A_3] : memref<320000xi32, #tpu.memory_space<hbm>> -> memref<10000xi32, #tpu.memory_space<hbm>>
      %dma_start3A_238 = tpu.memref_slice %arg3[%mul3A_3] : memref<320000xi32, #tpu.memory_space<hbm>> -> memref<10000xi32, #tpu.memory_space<hbm>>
      tpu.enqueue_dma source(%dma_start3A_238 : memref<10000xi32, #tpu.memory_space<hbm>>) target(%arg6 : memref<10000xi32, #tpu.memory_space<vmem>>) target_semaphore(%run_scoped3A_236 : memref<!tpu.dma_semaphore, #tpu.memory_space<semaphore_mem>>)
      %dma_wait3A_239 = tpu.memref_slice %arg3[%mul3A_3] : memref<320000xi32, #tpu.memory_space<hbm>> -> memref<10000xi32, #tpu.memory_space<hbm>>
      %dma_wait3A_240 = tpu.memref_slice %arg3[%mul3A_3] : memref<320000xi32, #tpu.memory_space<hbm>> -> memref<10000xi32, #tpu.memory_space<hbm>>
      tpu.wait_dma2 semaphore(%run_scoped3A_236 : memref<!tpu.dma_semaphore, #tpu.memory_space<semaphore_mem>>) src(%dma_wait3A_240 : memref<10000xi32, #tpu.memory_space<hbm>>) dst(%arg6 : memref<10000xi32, #tpu.memory_space<vmem>>)
      tpu.yield
    }) : () -> ()
    %scan3A = arith.constant 0 : i32
    %scan3A_4 = arith.constant 0 : i32
    %scan3A_5 = arith.constant 80 : i32
    %scan3A_6 = arith.addi %scan3A_4, %scan3A_5 : i32
    %scan3A_7 = arith.constant 1 : i32
    %scan3A_8 = scf.for %scan3A_236 = %scan3A_4 to %scan3A_6 step %scan3A_7 iter_args(%scan3A_237 = %scan3A) -> (i32)  : i32 {
      %swap3A = arith.constant 0 : i32
      %swap3A_238 = arith.index_cast %swap3A : i32 to index
      %swap3A_239 = arith.index_cast %scan3A_236 : i32 to index
      %swap3A_240 = arith.constant 0 : index
      %swap3A_241 = tpu.vector_load %arg8[%swap3A_238, %swap3A_239, %swap3A_240] {strides = array<i32>} : memref<3x80x128xf32, #tpu.memory_space<vmem>>, vector<1x1x16xf32>,
      %swap3A_242 = vector.shape_cast %swap3A_241 : vector<1x1x16xf32> to vector<16xf32>
      %swap3A_243 = vector.shape_cast %broadcast_in_dim3A_1 : vector<16xf32> to vector<1x1x16xf32>
      tpu.vector_store %arg8[%swap3A_238, %swap3A_239, %swap3A_240], %swap3A_243 {strides = array<i32>} : memref<3x80x128xf32, #tpu.memory_space<vmem>>, vector<1x1x16xf32>,
      %swap3A_244 = arith.constant 0 : i32
      %swap3A_245 = arith.index_cast %swap3A_244 : i32 to index
      %swap3A_246 = arith.index_cast %scan3A_236 : i32 to index
      %swap3A_247 = arith.constant 16 : index
      %swap3A_248 = tpu.vector_load %arg8[%swap3A_245, %swap3A_246, %swap3A_247] {strides = array<i32>} : memref<3x80x128xf32, #tpu.memory_space<vmem>>, vector<1x1x16xf32>,
      %swap3A_249 = vector.shape_cast %swap3A_248 : vector<1x1x16xf32> to vector<16xf32>
      %swap3A_250 = vector.shape_cast %broadcast_in_dim3A_1 : vector<16xf32> to vector<1x1x16xf32>
      tpu.vector_store %arg8[%swap3A_245, %swap3A_246, %swap3A_247], %swap3A_250 {strides = array<i32>} : memref<3x80x128xf32, #tpu.memory_space<vmem>>, vector<1x1x16xf32>,
      %swap3A_251 = arith.constant 0 : i32
      %swap3A_252 = arith.index_cast %swap3A_251 : i32 to index
      %swap3A_253 = arith.index_cast %scan3A_236 : i32 to index
      %swap3A_254 = arith.constant 32 : index
      %swap3A_255 = tpu.vector_load %arg8[%swap3A_252, %swap3A_253, %swap3A_254] {strides = array<i32>} : memref<3x80x128xf32, #tpu.memory_space<vmem>>, vector<1x1x16xf32>,
      %swap3A_256 = vector.shape_cast %swap3A_255 : vector<1x1x16xf32> to vector<16xf32>
      %swap3A_257 = vector.shape_cast %broadcast_in_dim3A_1 : vector<16xf32> to vector<1x1x16xf32>
      tpu.vector_store %arg8[%swap3A_252, %swap3A_253, %swap3A_254], %swap3A_257 {strides = array<i32>} : memref<3x80x128xf32, #tpu.memory_space<vmem>>, vector<1x1x16xf32>,
      %swap3A_258 = arith.constant 0 : i32
      %swap3A_259 = arith.index_cast %swap3A_258 : i32 to index
      %swap3A_260 = arith.index_cast %scan3A_236 : i32 to index
      %swap3A_261 = arith.constant 48 : index
      %swap3A_262 = tpu.vector_load %arg8[%swap3A_259, %swap3A_260, %swap3A_261] {strides = array<i32>} : memref<3x80x128xf32, #tpu.memory_space<vmem>>, vector<1x1x16xf32>,
      %swap3A_263 = vector.shape_cast %swap3A_262 : vector<1x1x16xf32> to vector<16xf32>
      %swap3A_264 = vector.shape_cast %broadcast_in_dim3A_1 : vector<16xf32> to vector<1x1x16xf32>
      tpu.vector_store %arg8[%swap3A_259, %swap3A_260, %swap3A_261], %swap3A_264 {strides = array<i32>} : memref<3x80x128xf32, #tpu.memory_space<vmem>>, vector<1x1x16xf32>,
      %swap3A_265 = arith.constant 0 : i32
      %swap3A_266 = arith.index_cast %swap3A_265 : i32 to index
      %swap3A_267 = arith.index_cast %scan3A_236 : i32 to index
      %swap3A_268 = arith.constant 64 : index
      %swap3A_269 = tpu.vector_load %arg8[%swap3A_266, %swap3A_267, %swap3A_268] {strides = array<i32>} : memref<3x80x128xf32, #tpu.memory_space<vmem>>, vector<1x1x16xf32>,
      %swap3A_270 = vector.shape_cast %swap3A_269 : vector<1x1x16xf32> to vector<16xf32>
      %swap3A_271 = vector.shape_cast %broadcast_in_dim3A_1 : vector<16xf32> to vector<1x1x16xf32>
      tpu.vector_store %arg8[%swap3A_266, %swap3A_267, %swap3A_268], %swap3A_271 {strides = array<i32>} : memref<3x80x128xf32, #tpu.memory_space<vmem>>, vector<1x1x16xf32>,
      %swap3A_272 = arith.constant 0 : i32
      %swap3A_273 = arith.index_cast %swap3A_272 : i32 to index
      %swap3A_274 = arith.index_cast %scan3A_236 : i32 to index
      %swap3A_275 = arith.constant 80 : index
      %swap3A_276 = tpu.vector_load %arg8[%swap3A_273, %swap3A_274, %swap3A_275] {strides = array<i32>} : memref<3x80x128xf32, #tpu.memory_space<vmem>>, vector<1x1x16xf32>,
      %swap3A_277 = vector.shape_cast %swap3A_276 : vector<1x1x16xf32> to vector<16xf32>
      %swap3A_278 = vector.shape_cast %broadcast_in_dim3A_1 : vector<16xf32> to vector<1x1x16xf32>
      tpu.vector_store %arg8[%swap3A_273, %swap3A_274, %swap3A_275], %swap3A_278 {strides = array<i32>} : memref<3x80x128xf32, #tpu.memory_space<vmem>>, vector<1x1x16xf32>,
      %swap3A_279 = arith.constant 0 : i32
      %swap3A_280 = arith.index_cast %swap3A_279 : i32 to index
      %swap3A_281 = arith.index_cast %scan3A_236 : i32 to index
      %swap3A_282 = arith.constant 96 : index
      %swap3A_283 = tpu.vector_load %arg8[%swap3A_280, %swap3A_281, %swap3A_282] {strides = array<i32>} : memref<3x80x128xf32, #tpu.memory_space<vmem>>, vector<1x1x16xf32>,
      %swap3A_284 = vector.shape_cast %swap3A_283 : vector<1x1x16xf32> to vector<16xf32>
      %swap3A_285 = vector.shape_cast %broadcast_in_dim3A_1 : vector<16xf32> to vector<1x1x16xf32>
      tpu.vector_store %arg8[%swap3A_280, %swap3A_281, %swap3A_282], %swap3A_285 {strides = array<i32>} : memref<3x80x128xf32, #tpu.memory_space<vmem>>, vector<1x1x16xf32>,
      %swap3A_286 = arith.constant 0 : i32
      %swap3A_287 = arith.index_cast %swap3A_286 : i32 to index
      %swap3A_288 = arith.index_cast %scan3A_236 : i32 to index
      %swap3A_289 = arith.constant 112 : index
      %swap3A_290 = tpu.vector_load %arg8[%swap3A_287, %swap3A_288, %swap3A_289] {strides = array<i32>} : memref<3x80x128xf32, #tpu.memory_space<vmem>>, vector<1x1x16xf32>,
      %swap3A_291 = vector.shape_cast %swap3A_290 : vector<1x1x16xf32> to vector<16xf32>
      %swap3A_292 = vector.shape_cast %broadcast_in_dim3A_1 : vector<16xf32> to vector<1x1x16xf32>
      tpu.vector_store %arg8[%swap3A_287, %swap3A_288, %swap3A_289], %swap3A_292 {strides = array<i32>} : memref<3x80x128xf32, #tpu.memory_space<vmem>>, vector<1x1x16xf32>,
      %swap3A_293 = arith.constant 1 : i32
      %swap3A_294 = arith.index_cast %swap3A_293 : i32 to index
      %swap3A_295 = arith.index_cast %scan3A_236 : i32 to index
      %swap3A_296 = arith.constant 0 : index
      %swap3A_297 = tpu.vector_load %arg8[%swap3A_294, %swap3A_295, %swap3A_296] {strides = array<i32>} : memref<3x80x128xf32, #tpu.memory_space<vmem>>, vector<1x1x16xf32>,
      %swap3A_298 = vector.shape_cast %swap3A_297 : vector<1x1x16xf32> to vector<16xf32>
      %swap3A_299 = vector.shape_cast %broadcast_in_dim3A_1 : vector<16xf32> to vector<1x1x16xf32>
      tpu.vector_store %arg8[%swap3A_294, %swap3A_295, %swap3A_296], %swap3A_299 {strides = array<i32>} : memref<3x80x128xf32, #tpu.memory_space<vmem>>, vector<1x1x16xf32>,
      %swap3A_300 = arith.constant 1 : i32
      %swap3A_301 = arith.index_cast %swap3A_300 : i32 to index
      %swap3A_302 = arith.index_cast %scan3A_236 : i32 to index
      %swap3A_303 = arith.constant 16 : index
      %swap3A_304 = tpu.vector_load %arg8[%swap3A_301, %swap3A_302, %swap3A_303] {strides = array<i32>} : memref<3x80x128xf32, #tpu.memory_space<vmem>>, vector<1x1x16xf32>,
      %swap3A_305 = vector.shape_cast %swap3A_304 : vector<1x1x16xf32> to vector<16xf32>
      %swap3A_306 = vector.shape_cast %broadcast_in_dim3A_1 : vector<16xf32> to vector<1x1x16xf32>
      tpu.vector_store %arg8[%swap3A_301, %swap3A_302, %swap3A_303], %swap3A_306 {strides = array<i32>} : memref<3x80x128xf32, #tpu.memory_space<vmem>>, vector<1x1x16xf32>,
      %swap3A_307 = arith.constant 1 : i32
      %swap3A_308 = arith.index_cast %swap3A_307 : i32 to index
      %swap3A_309 = arith.index_cast %scan3A_236 : i32 to index
      %swap3A_310 = arith.constant 32 : index
      %swap3A_311 = tpu.vector_load %arg8[%swap3A_308, %swap3A_309, %swap3A_310] {strides = array<i32>} : memref<3x80x128xf32, #tpu.memory_space<vmem>>, vector<1x1x16xf32>,
      %swap3A_312 = vector.shape_cast %swap3A_311 : vector<1x1x16xf32> to vector<16xf32>
      %swap3A_313 = vector.shape_cast %broadcast_in_dim3A_1 : vector<16xf32> to vector<1x1x16xf32>
      tpu.vector_store %arg8[%swap3A_308, %swap3A_309, %swap3A_310], %swap3A_313 {strides = array<i32>} : memref<3x80x128xf32, #tpu.memory_space<vmem>>, vector<1x1x16xf32>,
      %swap3A_314 = arith.constant 1 : i32
      %swap3A_315 = arith.index_cast %swap3A_314 : i32 to index
      %swap3A_316 = arith.index_cast %scan3A_236 : i32 to index
      %swap3A_317 = arith.constant 48 : index
      %swap3A_318 = tpu.vector_load %arg8[%swap3A_315, %swap3A_316, %swap3A_317] {strides = array<i32>} : memref<3x80x128xf32, #tpu.memory_space<vmem>>, vector<1x1x16xf32>,
      %swap3A_319 = vector.shape_cast %swap3A_318 : vector<1x1x16xf32> to vector<16xf32>
      %swap3A_320 = vector.shape_cast %broadcast_in_dim3A_1 : vector<16xf32> to vector<1x1x16xf32>
      tpu.vector_store %arg8[%swap3A_315, %swap3A_316, %swap3A_317], %swap3A_320 {strides = array<i32>} : memref<3x80x128xf32, #tpu.memory_space<vmem>>, vector<1x1x16xf32>,
      %swap3A_321 = arith.constant 1 : i32
      %swap3A_322 = arith.index_cast %swap3A_321 : i32 to index
      %swap3A_323 = arith.index_cast %scan3A_236 : i32 to index
      %swap3A_324 = arith.constant 64 : index
      %swap3A_325 = tpu.vector_load %arg8[%swap3A_322, %swap3A_323, %swap3A_324] {strides = array<i32>} : memref<3x80x128xf32, #tpu.memory_space<vmem>>, vector<1x1x16xf32>,
      %swap3A_326 = vector.shape_cast %swap3A_325 : vector<1x1x16xf32> to vector<16xf32>
      %swap3A_327 = vector.shape_cast %broadcast_in_dim3A_1 : vector<16xf32> to vector<1x1x16xf32>
      tpu.vector_store %arg8[%swap3A_322, %swap3A_323, %swap3A_324], %swap3A_327 {strides = array<i32>} : memref<3x80x128xf32, #tpu.memory_space<vmem>>, vector<1x1x16xf32>,
      %swap3A_328 = arith.constant 1 : i32
      %swap3A_329 = arith.index_cast %swap3A_328 : i32 to index
      %swap3A_330 = arith.index_cast %scan3A_236 : i32 to index
      %swap3A_331 = arith.constant 80 : index
      %swap3A_332 = tpu.vector_load %arg8[%swap3A_329, %swap3A_330, %swap3A_331] {strides = array<i32>} : memref<3x80x128xf32, #tpu.memory_space<vmem>>, vector<1x1x16xf32>,
      %swap3A_333 = vector.shape_cast %swap3A_332 : vector<1x1x16xf32> to vector<16xf32>
      %swap3A_334 = vector.shape_cast %broadcast_in_dim3A_1 : vector<16xf32> to vector<1x1x16xf32>
      tpu.vector_store %arg8[%swap3A_329, %swap3A_330, %swap3A_331], %swap3A_334 {strides = array<i32>} : memref<3x80x128xf32, #tpu.memory_space<vmem>>, vector<1x1x16xf32>,
      %swap3A_335 = arith.constant 1 : i32
      %swap3A_336 = arith.index_cast %swap3A_335 : i32 to index
      %swap3A_337 = arith.index_cast %scan3A_236 : i32 to index
      %swap3A_338 = arith.constant 96 : index
      %swap3A_339 = tpu.vector_load %arg8[%swap3A_336, %swap3A_337, %swap3A_338] {strides = array<i32>} : memref<3x80x128xf32, #tpu.memory_space<vmem>>, vector<1x1x16xf32>,
      %swap3A_340 = vector.shape_cast %swap3A_339 : vector<1x1x16xf32> to vector<16xf32>
      %swap3A_341 = vector.shape_cast %broadcast_in_dim3A_1 : vector<16xf32> to vector<1x1x16xf32>
      tpu.vector_store %arg8[%swap3A_336, %swap3A_337, %swap3A_338], %swap3A_341 {strides = array<i32>} : memref<3x80x128xf32, #tpu.memory_space<vmem>>, vector<1x1x16xf32>,
      %swap3A_342 = arith.constant 1 : i32
      %swap3A_343 = arith.index_cast %swap3A_342 : i32 to index
      %swap3A_344 = arith.index_cast %scan3A_236 : i32 to index
      %swap3A_345 = arith.constant 112 : index
      %swap3A_346 = tpu.vector_load %arg8[%swap3A_343, %swap3A_344, %swap3A_345] {strides = array<i32>} : memref<3x80x128xf32, #tpu.memory_space<vmem>>, vector<1x1x16xf32>,
      %swap3A_347 = vector.shape_cast %swap3A_346 : vector<1x1x16xf32> to vector<16xf32>
      %swap3A_348 = vector.shape_cast %broadcast_in_dim3A_1 : vector<16xf32> to vector<1x1x16xf32>
      tpu.vector_store %arg8[%swap3A_343, %swap3A_344, %swap3A_345], %swap3A_348 {strides = array<i32>} : memref<3x80x128xf32, #tpu.memory_space<vmem>>, vector<1x1x16xf32>,
      %swap3A_349 = arith.constant 2 : i32
      %swap3A_350 = arith.index_cast %swap3A_349 : i32 to index
      %swap3A_351 = arith.index_cast %scan3A_236 : i32 to index
      %swap3A_352 = arith.constant 0 : index
      %swap3A_353 = tpu.vector_load %arg8[%swap3A_350, %swap3A_351, %swap3A_352] {strides = array<i32>} : memref<3x80x128xf32, #tpu.memory_space<vmem>>, vector<1x1x16xf32>,
      %swap3A_354 = vector.shape_cast %swap3A_353 : vector<1x1x16xf32> to vector<16xf32>
      %swap3A_355 = vector.shape_cast %broadcast_in_dim3A_1 : vector<16xf32> to vector<1x1x16xf32>
      tpu.vector_store %arg8[%swap3A_350, %swap3A_351, %swap3A_352], %swap3A_355 {strides = array<i32>} : memref<3x80x128xf32, #tpu.memory_space<vmem>>, vector<1x1x16xf32>,
      %swap3A_356 = arith.constant 2 : i32
      %swap3A_357 = arith.index_cast %swap3A_356 : i32 to index
      %swap3A_358 = arith.index_cast %scan3A_236 : i32 to index
      %swap3A_359 = arith.constant 16 : index
      %swap3A_360 = tpu.vector_load %arg8[%swap3A_357, %swap3A_358, %swap3A_359] {strides = array<i32>} : memref<3x80x128xf32, #tpu.memory_space<vmem>>, vector<1x1x16xf32>,
      %swap3A_361 = vector.shape_cast %swap3A_360 : vector<1x1x16xf32> to vector<16xf32>
      %swap3A_362 = vector.shape_cast %broadcast_in_dim3A_1 : vector<16xf32> to vector<1x1x16xf32>
      tpu.vector_store %arg8[%swap3A_357, %swap3A_358, %swap3A_359], %swap3A_362 {strides = array<i32>} : memref<3x80x128xf32, #tpu.memory_space<vmem>>, vector<1x1x16xf32>,
      %swap3A_363 = arith.constant 2 : i32
      %swap3A_364 = arith.index_cast %swap3A_363 : i32 to index
      %swap3A_365 = arith.index_cast %scan3A_236 : i32 to index
      %swap3A_366 = arith.constant 32 : index
      %swap3A_367 = tpu.vector_load %arg8[%swap3A_364, %swap3A_365, %swap3A_366] {strides = array<i32>} : memref<3x80x128xf32, #tpu.memory_space<vmem>>, vector<1x1x16xf32>,
      %swap3A_368 = vector.shape_cast %swap3A_367 : vector<1x1x16xf32> to vector<16xf32>
      %swap3A_369 = vector.shape_cast %broadcast_in_dim3A_1 : vector<16xf32> to vector<1x1x16xf32>
      tpu.vector_store %arg8[%swap3A_364, %swap3A_365, %swap3A_366], %swap3A_369 {strides = array<i32>} : memref<3x80x128xf32, #tpu.memory_space<vmem>>, vector<1x1x16xf32>,
      %swap3A_370 = arith.constant 2 : i32
      %swap3A_371 = arith.index_cast %swap3A_370 : i32 to index
      %swap3A_372 = arith.index_cast %scan3A_236 : i32 to index
      %swap3A_373 = arith.constant 48 : index
      %swap3A_374 = tpu.vector_load %arg8[%swap3A_371, %swap3A_372, %swap3A_373] {strides = array<i32>} : memref<3x80x128xf32, #tpu.memory_space<vmem>>, vector<1x1x16xf32>,
      %swap3A_375 = vector.shape_cast %swap3A_374 : vector<1x1x16xf32> to vector<16xf32>
      %swap3A_376 = vector.shape_cast %broadcast_in_dim3A_1 : vector<16xf32> to vector<1x1x16xf32>
      tpu.vector_store %arg8[%swap3A_371, %swap3A_372, %swap3A_373], %swap3A_376 {strides = array<i32>} : memref<3x80x128xf32, #tpu.memory_space<vmem>>, vector<1x1x16xf32>,
      %swap3A_377 = arith.constant 2 : i32
      %swap3A_378 = arith.index_cast %swap3A_377 : i32 to index
      %swap3A_379 = arith.index_cast %scan3A_236 : i32 to index
      %swap3A_380 = arith.constant 64 : index
      %swap3A_381 = tpu.vector_load %arg8[%swap3A_378, %swap3A_379, %swap3A_380] {strides = array<i32>} : memref<3x80x128xf32, #tpu.memory_space<vmem>>, vector<1x1x16xf32>,
      %swap3A_382 = vector.shape_cast %swap3A_381 : vector<1x1x16xf32> to vector<16xf32>
      %swap3A_383 = vector.shape_cast %broadcast_in_dim3A_1 : vector<16xf32> to vector<1x1x16xf32>
      tpu.vector_store %arg8[%swap3A_378, %swap3A_379, %swap3A_380], %swap3A_383 {strides = array<i32>} : memref<3x80x128xf32, #tpu.memory_space<vmem>>, vector<1x1x16xf32>,
      %swap3A_384 = arith.constant 2 : i32
      %swap3A_385 = arith.index_cast %swap3A_384 : i32 to index
      %swap3A_386 = arith.index_cast %scan3A_236 : i32 to index
      %swap3A_387 = arith.constant 80 : index
      %swap3A_388 = tpu.vector_load %arg8[%swap3A_385, %swap3A_386, %swap3A_387] {strides = array<i32>} : memref<3x80x128xf32, #tpu.memory_space<vmem>>, vector<1x1x16xf32>,
      %swap3A_389 = vector.shape_cast %swap3A_388 : vector<1x1x16xf32> to vector<16xf32>
      %swap3A_390 = vector.shape_cast %broadcast_in_dim3A_1 : vector<16xf32> to vector<1x1x16xf32>
      tpu.vector_store %arg8[%swap3A_385, %swap3A_386, %swap3A_387], %swap3A_390 {strides = array<i32>} : memref<3x80x128xf32, #tpu.memory_space<vmem>>, vector<1x1x16xf32>,
      %swap3A_391 = arith.constant 2 : i32
      %swap3A_392 = arith.index_cast %swap3A_391 : i32 to index
      %swap3A_393 = arith.index_cast %scan3A_236 : i32 to index
      %swap3A_394 = arith.constant 96 : index
      %swap3A_395 = tpu.vector_load %arg8[%swap3A_392, %swap3A_393, %swap3A_394] {strides = array<i32>} : memref<3x80x128xf32, #tpu.memory_space<vmem>>, vector<1x1x16xf32>,
      %swap3A_396 = vector.shape_cast %swap3A_395 : vector<1x1x16xf32> to vector<16xf32>
      %swap3A_397 = vector.shape_cast %broadcast_in_dim3A_1 : vector<16xf32> to vector<1x1x16xf32>
      tpu.vector_store %arg8[%swap3A_392, %swap3A_393, %swap3A_394], %swap3A_397 {strides = array<i32>} : memref<3x80x128xf32, #tpu.memory_space<vmem>>, vector<1x1x16xf32>,
      %swap3A_398 = arith.constant 2 : i32
      %swap3A_399 = arith.index_cast %swap3A_398 : i32 to index
      %swap3A_400 = arith.index_cast %scan3A_236 : i32 to index
      %swap3A_401 = arith.constant 112 : index
      %swap3A_402 = tpu.vector_load %arg8[%swap3A_399, %swap3A_400, %swap3A_401] {strides = array<i32>} : memref<3x80x128xf32, #tpu.memory_space<vmem>>, vector<1x1x16xf32>,
      %swap3A_403 = vector.shape_cast %swap3A_402 : vector<1x1x16xf32> to vector<16xf32>
      %swap3A_404 = vector.shape_cast %broadcast_in_dim3A_1 : vector<16xf32> to vector<1x1x16xf32>
      tpu.vector_store %arg8[%swap3A_399, %swap3A_400, %swap3A_401], %swap3A_404 {strides = array<i32>} : memref<3x80x128xf32, #tpu.memory_space<vmem>>, vector<1x1x16xf32>,
      %scan3A_405 = arith.constant 0 : i32
      scf.yield %scan3A_405 : i32
    }
    %scan3A_9 = arith.constant 80 : i32
    %scan3A_10 = arith.constant 0 : i32
    %scan3A_11 = arith.constant 0 : i32
    %scan3A_12 = arith.constant 8 : i32
    %scan3A_13 = arith.addi %scan3A_11, %scan3A_12 : i32
    %scan3A_14 = arith.constant 1 : i32
    %scan3A_15 = scf.for %scan3A_236 = %scan3A_11 to %scan3A_13 step %scan3A_14 iter_args(%scan3A_237 = %scan3A_10) -> (i32)  : i32 {
      %mul3A_238 = arith.constant 640 : i32
      %mul3A_239 = arith.muli %arg1, %mul3A_238 : i32
      %mul3A_240 = arith.constant 80 : i32
      %mul3A_241 = arith.muli %scan3A_236, %mul3A_240 : i32
      %add3A_242 = arith.addi %mul3A_239, %mul3A_241 : i32
      %run_scoped3A_243 = arith.constant 0 : i32
      "tpu.region"() ({
        %run_scoped3A_245 = tpu.sem_alloc : memref<!tpu.dma_semaphore, #tpu.memory_space<semaphore_mem>>
        %dma_start3A_246 = arith.constant 0 : i32
        %dma_start3A_247 = arith.constant 0 : i32
        %dma_start3A_248 = tpu.memref_slice %arg8[%run_scoped3A_243, %dma_start3A_246, %dma_start3A_247] : memref<3x80x128xf32, #tpu.memory_space<vmem>> -> memref<1x80x128xf32, #tpu.memory_space<vmem>>
        %dma_start3A_249 = tpu.memref_squeeze %dma_start3A_248 : memref<1x80x128xf32, #tpu.memory_space<vmem>> -> memref<80x128xf32, #tpu.memory_space<vmem>>
        %dma_start3A_250 = arith.constant 0 : i32
        %dma_start3A_251 = tpu.memref_slice %arg9[%add3A_242, %dma_start3A_250] : memref<10240x128xf32, #tpu.memory_space<vmem_shared>> -> memref<80x128xf32, #tpu.memory_space<vmem_shared>>
        %dma_start3A_252 = arith.constant 0 : i32
        %dma_start3A_253 = tpu.memref_slice %arg9[%add3A_242, %dma_start3A_252] : memref<10240x128xf32, #tpu.memory_space<vmem_shared>> -> memref<80x128xf32, #tpu.memory_space<vmem_shared>>
        %dma_start3A_254 = arith.constant 0 : i32
        %dma_start3A_255 = arith.constant 0 : i32
        %dma_start3A_256 = tpu.memref_slice %arg8[%run_scoped3A_243, %dma_start3A_254, %dma_start3A_255] : memref<3x80x128xf32, #tpu.memory_space<vmem>> -> memref<1x80x128xf32, #tpu.memory_space<vmem>>
        %dma_start3A_257 = tpu.memref_squeeze %dma_start3A_256 : memref<1x80x128xf32, #tpu.memory_space<vmem>> -> memref<80x128xf32, #tpu.memory_space<vmem>>
        tpu.enqueue_dma source(%dma_start3A_257 : memref<80x128xf32, #tpu.memory_space<vmem>>) target(%dma_start3A_253 : memref<80x128xf32, #tpu.memory_space<vmem_shared>>) target_semaphore(%run_scoped3A_245 : memref<!tpu.dma_semaphore, #tpu.memory_space<semaphore_mem>>)
        %dma_wait3A_258 = arith.constant 0 : i32
        %dma_wait3A_259 = arith.constant 0 : i32
        %dma_wait3A_260 = tpu.memref_slice %arg8[%run_scoped3A_243, %dma_wait3A_258, %dma_wait3A_259] : memref<3x80x128xf32, #tpu.memory_space<vmem>> -> memref<1x80x128xf32, #tpu.memory_space<vmem>>
        %dma_wait3A_261 = tpu.memref_squeeze %dma_wait3A_260 : memref<1x80x128xf32, #tpu.memory_space<vmem>> -> memref<80x128xf32, #tpu.memory_space<vmem>>
        %dma_wait3A_262 = arith.constant 0 : i32
        %dma_wait3A_263 = tpu.memref_slice %arg9[%add3A_242, %dma_wait3A_262] : memref<10240x128xf32, #tpu.memory_space<vmem_shared>> -> memref<80x128xf32, #tpu.memory_space<vmem_shared>>
        %dma_wait3A_264 = arith.constant 0 : i32
        %dma_wait3A_265 = tpu.memref_slice %arg9[%add3A_242, %dma_wait3A_264] : memref<10240x128xf32, #tpu.memory_space<vmem_shared>> -> memref<80x128xf32, #tpu.memory_space<vmem_shared>>
        %dma_wait3A_266 = arith.constant 0 : i32
        %dma_wait3A_267 = arith.constant 0 : i32
        %dma_wait3A_268 = tpu.memref_slice %arg8[%run_scoped3A_243, %dma_wait3A_266, %dma_wait3A_267] : memref<3x80x128xf32, #tpu.memory_space<vmem>> -> memref<1x80x128xf32, #tpu.memory_space<vmem>>
        %dma_wait3A_269 = tpu.memref_squeeze %dma_wait3A_268 : memref<1x80x128xf32, #tpu.memory_space<vmem>> -> memref<80x128xf32, #tpu.memory_space<vmem>>
        tpu.wait_dma2 semaphore(%run_scoped3A_245 : memref<!tpu.dma_semaphore, #tpu.memory_space<semaphore_mem>>) src(%dma_wait3A_269 : memref<80x128xf32, #tpu.memory_space<vmem>>) dst(%dma_wait3A_265 : memref<80x128xf32, #tpu.memory_space<vmem_shared>>)
        tpu.yield
      }) : () -> ()
      %scan3A_244 = arith.constant 0 : i32
      scf.yield %scan3A_244 : i32
    }
    %scan3A_16 = arith.constant 8 : i32
    %barrier3A = arith.constant 0 : index
    tpu.barrier barrier_id(%barrier3A)
    %dma_start3A = arith.constant 0 : i32
    %dma_start3A_17 = arith.constant 0 : i32
    %dma_start3A_18 = arith.constant 0 : i32
    %dma_start3A_19 = tpu.memref_slice %arg8[%dma_start3A, %dma_start3A_17, %dma_start3A_18] : memref<3x80x128xf32, #tpu.memory_space<vmem>> -> memref<1x80x128xf32, #tpu.memory_space<vmem>>
    %dma_start3A_20 = tpu.memref_squeeze %dma_start3A_19 : memref<1x80x128xf32, #tpu.memory_space<vmem>> -> memref<80x128xf32, #tpu.memory_space<vmem>>
    %dma_start3A_21 = arith.constant 0 : i32
    %dma_start3A_22 = tpu.memref_slice %arg6[%dma_start3A_21] : memref<10000xi32, #tpu.memory_space<vmem>> -> memref<80xi32, #tpu.memory_space<vmem>>
    %dma_start3A_23 = arith.constant 0 : i32
    %dma_start3A_24 = arith.constant 0 : i32
    %dma_start3A_25 = tpu.memref_slice %arg2[%dma_start3A_23, %dma_start3A_24] : memref<10000x128xf32, #tpu.memory_space<hbm>> -> memref<10000x128xf32, #tpu.memory_space<hbm>>
    tpu.enqueue_indirect_dma source(%dma_start3A_25 : memref<10000x128xf32, #tpu.memory_space<hbm>>) target(%dma_start3A_20 : memref<80x128xf32, #tpu.memory_space<vmem>>) offsets(%dma_start3A_22 : memref<80xi32, #tpu.memory_space<vmem>>) semaphore(%arg10 : memref<!tpu.dma_semaphore, #tpu.memory_space<semaphore_mem>>)
    %add3A_26 = arith.constant 0 : i32
    %add3A_27 = arith.addi %mul3A_3, %add3A_26 : i32
    %dma_start3A_28 = arith.constant 0 : i32
    %dma_start3A_29 = arith.constant 0 : i32
    %dma_start3A_30 = tpu.memref_slice %arg7[%dma_start3A_28, %dma_start3A_29] : memref<3x80xi32, #tpu.memory_space<vmem>> -> memref<1x80xi32, #tpu.memory_space<vmem>>
    %dma_start3A_31 = tpu.memref_squeeze %dma_start3A_30 : memref<1x80xi32, #tpu.memory_space<vmem>> -> memref<80xi32, #tpu.memory_space<vmem>>
    %dma_start3A_32 = tpu.memref_slice %arg4[%add3A_27] : memref<320000xi32, #tpu.memory_space<hbm>> -> memref<80xi32, #tpu.memory_space<hbm>>
    %dma_start3A_33 = arith.constant 0 : i32
    %dma_start3A_34 = tpu.memref_slice %arg7[%dma_start3A_28, %dma_start3A_33] : memref<3x80xi32, #tpu.memory_space<vmem>> -> memref<1x80xi32, #tpu.memory_space<vmem>>
    %dma_start3A_35 = tpu.memref_squeeze %dma_start3A_34 : memref<1x80xi32, #tpu.memory_space<vmem>> -> memref<80xi32, #tpu.memory_space<vmem>>
    %dma_start3A_36 = tpu.memref_slice %arg4[%add3A_27] : memref<320000xi32, #tpu.memory_space<hbm>> -> memref<80xi32, #tpu.memory_space<hbm>>
    tpu.enqueue_dma source(%dma_start3A_36 : memref<80xi32, #tpu.memory_space<hbm>>) target(%dma_start3A_35 : memref<80xi32, #tpu.memory_space<vmem>>) target_semaphore(%arg13 : memref<!tpu.dma_semaphore, #tpu.memory_space<semaphore_mem>>)
    %dma_start3A_37 = arith.constant 1 : i32
    %dma_start3A_38 = arith.constant 0 : i32
    %dma_start3A_39 = arith.constant 0 : i32
    %dma_start3A_40 = tpu.memref_slice %arg8[%dma_start3A_37, %dma_start3A_38, %dma_start3A_39] : memref<3x80x128xf32, #tpu.memory_space<vmem>> -> memref<1x80x128xf32, #tpu.memory_space<vmem>>
    %dma_start3A_41 = tpu.memref_squeeze %dma_start3A_40 : memref<1x80x128xf32, #tpu.memory_space<vmem>> -> memref<80x128xf32, #tpu.memory_space<vmem>>
    %dma_start3A_42 = arith.constant 80 : i32
    %dma_start3A_43 = tpu.memref_slice %arg6[%dma_start3A_42] : memref<10000xi32, #tpu.memory_space<vmem>> -> memref<80xi32, #tpu.memory_space<vmem>>
    %dma_start3A_44 = arith.constant 0 : i32
    %dma_start3A_45 = arith.constant 0 : i32
    %dma_start3A_46 = tpu.memref_slice %arg2[%dma_start3A_44, %dma_start3A_45] : memref<10000x128xf32, #tpu.memory_space<hbm>> -> memref<10000x128xf32, #tpu.memory_space<hbm>>
    tpu.enqueue_indirect_dma source(%dma_start3A_46 : memref<10000x128xf32, #tpu.memory_space<hbm>>) target(%dma_start3A_41 : memref<80x128xf32, #tpu.memory_space<vmem>>) offsets(%dma_start3A_43 : memref<80xi32, #tpu.memory_space<vmem>>) semaphore(%arg11 : memref<!tpu.dma_semaphore, #tpu.memory_space<semaphore_mem>>)
    %add3A_47 = arith.constant 80 : i32
    %add3A_48 = arith.addi %mul3A_3, %add3A_47 : i32
    %dma_start3A_49 = arith.constant 1 : i32
    %dma_start3A_50 = arith.constant 0 : i32
    %dma_start3A_51 = tpu.memref_slice %arg7[%dma_start3A_49, %dma_start3A_50] : memref<3x80xi32, #tpu.memory_space<vmem>> -> memref<1x80xi32, #tpu.memory_space<vmem>>
    %dma_start3A_52 = tpu.memref_squeeze %dma_start3A_51 : memref<1x80xi32, #tpu.memory_space<vmem>> -> memref<80xi32, #tpu.memory_space<vmem>>
    %dma_start3A_53 = tpu.memref_slice %arg4[%add3A_48] : memref<320000xi32, #tpu.memory_space<hbm>> -> memref<80xi32, #tpu.memory_space<hbm>>
    %dma_start3A_54 = arith.constant 0 : i32
    %dma_start3A_55 = tpu.memref_slice %arg7[%dma_start3A_49, %dma_start3A_54] : memref<3x80xi32, #tpu.memory_space<vmem>> -> memref<1x80xi32, #tpu.memory_space<vmem>>
    %dma_start3A_56 = tpu.memref_squeeze %dma_start3A_55 : memref<1x80xi32, #tpu.memory_space<vmem>> -> memref<80xi32, #tpu.memory_space<vmem>>
    %dma_start3A_57 = tpu.memref_slice %arg4[%add3A_48] : memref<320000xi32, #tpu.memory_space<hbm>> -> memref<80xi32, #tpu.memory_space<hbm>>
    tpu.enqueue_dma source(%dma_start3A_57 : memref<80xi32, #tpu.memory_space<hbm>>) target(%dma_start3A_56 : memref<80xi32, #tpu.memory_space<vmem>>) target_semaphore(%arg14 : memref<!tpu.dma_semaphore, #tpu.memory_space<semaphore_mem>>)
    %dma_start3A_58 = arith.constant 2 : i32
    %dma_start3A_59 = arith.constant 0 : i32
    %dma_start3A_60 = arith.constant 0 : i32
    %dma_start3A_61 = tpu.memref_slice %arg8[%dma_start3A_58, %dma_start3A_59, %dma_start3A_60] : memref<3x80x128xf32, #tpu.memory_space<vmem>> -> memref<1x80x128xf32, #tpu.memory_space<vmem>>
    %dma_start3A_62 = tpu.memref_squeeze %dma_start3A_61 : memref<1x80x128xf32, #tpu.memory_space<vmem>> -> memref<80x128xf32, #tpu.memory_space<vmem>>
    %dma_start3A_63 = arith.constant 160 : i32
    %dma_start3A_64 = tpu.memref_slice %arg6[%dma_start3A_63] : memref<10000xi32, #tpu.memory_space<vmem>> -> memref<80xi32, #tpu.memory_space<vmem>>
    %dma_start3A_65 = arith.constant 0 : i32
    %dma_start3A_66 = arith.constant 0 : i32
    %dma_start3A_67 = tpu.memref_slice %arg2[%dma_start3A_65, %dma_start3A_66] : memref<10000x128xf32, #tpu.memory_space<hbm>> -> memref<10000x128xf32, #tpu.memory_space<hbm>>
    tpu.enqueue_indirect_dma source(%dma_start3A_67 : memref<10000x128xf32, #tpu.memory_space<hbm>>) target(%dma_start3A_62 : memref<80x128xf32, #tpu.memory_space<vmem>>) offsets(%dma_start3A_64 : memref<80xi32, #tpu.memory_space<vmem>>) semaphore(%arg12 : memref<!tpu.dma_semaphore, #tpu.memory_space<semaphore_mem>>)
    %add3A_68 = arith.constant 160 : i32
    %add3A_69 = arith.addi %mul3A_3, %add3A_68 : i32
    %dma_start3A_70 = arith.constant 2 : i32
    %dma_start3A_71 = arith.constant 0 : i32
    %dma_start3A_72 = tpu.memref_slice %arg7[%dma_start3A_70, %dma_start3A_71] : memref<3x80xi32, #tpu.memory_space<vmem>> -> memref<1x80xi32, #tpu.memory_space<vmem>>
    %dma_start3A_73 = tpu.memref_squeeze %dma_start3A_72 : memref<1x80xi32, #tpu.memory_space<vmem>> -> memref<80xi32, #tpu.memory_space<vmem>>
    %dma_start3A_74 = tpu.memref_slice %arg4[%add3A_69] : memref<320000xi32, #tpu.memory_space<hbm>> -> memref<80xi32, #tpu.memory_space<hbm>>
    %dma_start3A_75 = arith.constant 0 : i32
    %dma_start3A_76 = tpu.memref_slice %arg7[%dma_start3A_70, %dma_start3A_75] : memref<3x80xi32, #tpu.memory_space<vmem>> -> memref<1x80xi32, #tpu.memory_space<vmem>>
    %dma_start3A_77 = tpu.memref_squeeze %dma_start3A_76 : memref<1x80xi32, #tpu.memory_space<vmem>> -> memref<80xi32, #tpu.memory_space<vmem>>
    %dma_start3A_78 = tpu.memref_slice %arg4[%add3A_69] : memref<320000xi32, #tpu.memory_space<hbm>> -> memref<80xi32, #tpu.memory_space<hbm>>
    tpu.enqueue_dma source(%dma_start3A_78 : memref<80xi32, #tpu.memory_space<hbm>>) target(%dma_start3A_77 : memref<80xi32, #tpu.memory_space<vmem>>) target_semaphore(%arg15 : memref<!tpu.dma_semaphore, #tpu.memory_space<semaphore_mem>>)
    %scan3A_79 = arith.constant 0 : i32
    %scan3A_80 = arith.constant 0 : i32
    %scan3A_81 = arith.constant 40 : i32
    %scan3A_82 = arith.addi %scan3A_80, %scan3A_81 : i32
    %scan3A_83 = arith.constant 1 : i32
    %scan3A_84 = scf.for %scan3A_236 = %scan3A_80 to %scan3A_82 step %scan3A_83 iter_args(%scan3A_237 = %scan3A_79) -> (i32)  : i32 {
      %mul3A_238 = arith.constant 3 : i32
      %mul3A_239 = arith.muli %scan3A_236, %mul3A_238 : i32
      %add3A_240 = arith.constant 0 : i32
      %add3A_241 = arith.addi %mul3A_239, %add3A_240 : i32
      %dma_wait3A_242 = arith.constant 0 : i32
      %dma_wait3A_243 = arith.constant 0 : i32
      %dma_wait3A_244 = arith.constant 0 : i32
      %dma_wait3A_245 = tpu.memref_slice %arg8[%dma_wait3A_242, %dma_wait3A_243, %dma_wait3A_244] : memref<3x80x128xf32, #tpu.memory_space<vmem>> -> memref<1x80x128xf32, #tpu.memory_space<vmem>>
      %dma_wait3A_246 = tpu.memref_squeeze %dma_wait3A_245 : memref<1x80x128xf32, #tpu.memory_space<vmem>> -> memref<80x128xf32, #tpu.memory_space<vmem>>
      %dma_wait3A_247 = arith.constant 0 : i32
      %dma_wait3A_248 = tpu.memref_slice %arg6[%dma_wait3A_247] : memref<10000xi32, #tpu.memory_space<vmem>> -> memref<80xi32, #tpu.memory_space<vmem>>
      %dma_wait3A_249 = arith.constant 0 : i32
      %dma_wait3A_250 = arith.constant 0 : i32
      %dma_wait3A_251 = tpu.memref_slice %arg2[%dma_wait3A_249, %dma_wait3A_250] : memref<10000x128xf32, #tpu.memory_space<hbm>> -> memref<10000x128xf32, #tpu.memory_space<hbm>>
      tpu.wait_indirect_dma semaphore(%arg10 : memref<!tpu.dma_semaphore, #tpu.memory_space<semaphore_mem>>) src(%dma_wait3A_251 : memref<10000x128xf32, #tpu.memory_space<hbm>>) dst(%dma_wait3A_246 : memref<80x128xf32, #tpu.memory_space<vmem>>)
      %dma_wait3A_252 = arith.constant 0 : i32
      %dma_wait3A_253 = arith.constant 0 : i32
      %dma_wait3A_254 = tpu.memref_slice %arg7[%dma_wait3A_252, %dma_wait3A_253] : memref<3x80xi32, #tpu.memory_space<vmem>> -> memref<1x80xi32, #tpu.memory_space<vmem>>
      %dma_wait3A_255 = tpu.memref_squeeze %dma_wait3A_254 : memref<1x80xi32, #tpu.memory_space<vmem>> -> memref<80xi32, #tpu.memory_space<vmem>>
      %dma_wait3A_256 = tpu.memref_slice %arg4[%mul3A_3] : memref<320000xi32, #tpu.memory_space<hbm>> -> memref<80xi32, #tpu.memory_space<hbm>>
      %dma_wait3A_257 = arith.constant 0 : i32
      %dma_wait3A_258 = tpu.memref_slice %arg7[%dma_wait3A_252, %dma_wait3A_257] : memref<3x80xi32, #tpu.memory_space<vmem>> -> memref<1x80xi32, #tpu.memory_space<vmem>>
      %dma_wait3A_259 = tpu.memref_squeeze %dma_wait3A_258 : memref<1x80xi32, #tpu.memory_space<vmem>> -> memref<80xi32, #tpu.memory_space<vmem>>
      %dma_wait3A_260 = tpu.memref_slice %arg4[%mul3A_3] : memref<320000xi32, #tpu.memory_space<hbm>> -> memref<80xi32, #tpu.memory_space<hbm>>
      tpu.wait_dma2 semaphore(%arg13 : memref<!tpu.dma_semaphore, #tpu.memory_space<semaphore_mem>>) src(%dma_wait3A_260 : memref<80xi32, #tpu.memory_space<hbm>>) dst(%dma_wait3A_259 : memref<80xi32, #tpu.memory_space<vmem>>)
      %run_scoped3A_261 = arith.constant 0 : i32
      %run_scoped3A_262 = arith.constant 0 : i32
      "tpu.region"() ({
        %run_scoped3A_389 = tpu.sem_alloc : memref<!tpu.dma_semaphore, #tpu.memory_space<semaphore_mem>>
        %dma_start3A_390 = arith.constant 0 : i32
        %dma_start3A_391 = arith.constant 0 : i32
        %dma_start3A_392 = tpu.memref_slice %arg8[%run_scoped3A_261, %dma_start3A_390, %dma_start3A_391] : memref<3x80x128xf32, #tpu.memory_space<vmem>> -> memref<1x80x128xf32, #tpu.memory_space<vmem>>
        %dma_start3A_393 = tpu.memref_squeeze %dma_start3A_392 : memref<1x80x128xf32, #tpu.memory_space<vmem>> -> memref<80x128xf32, #tpu.memory_space<vmem>>
        %dma_start3A_394 = arith.constant 0 : i32
        %dma_start3A_395 = tpu.memref_slice %arg7[%run_scoped3A_262, %dma_start3A_394] : memref<3x80xi32, #tpu.memory_space<vmem>> -> memref<1x80xi32, #tpu.memory_space<vmem>>
        %dma_start3A_396 = tpu.memref_squeeze %dma_start3A_395 : memref<1x80xi32, #tpu.memory_space<vmem>> -> memref<80xi32, #tpu.memory_space<vmem>>
        %dma_start3A_397 = arith.constant 0 : i32
        %dma_start3A_398 = arith.constant 0 : i32
        %dma_start3A_399 = tpu.memref_slice %arg9[%dma_start3A_397, %dma_start3A_398] : memref<10240x128xf32, #tpu.memory_space<vmem_shared>> -> memref<10240x128xf32, #tpu.memory_space<vmem_shared>>
        tpu.enqueue_indirect_dma source(%dma_start3A_393 : memref<80x128xf32, #tpu.memory_space<vmem>>) target(%dma_start3A_399 : memref<10240x128xf32, #tpu.memory_space<vmem_shared>>) offsets(%dma_start3A_396 : memref<80xi32, #tpu.memory_space<vmem>>) semaphore(%run_scoped3A_389 : memref<!tpu.dma_semaphore, #tpu.memory_space<semaphore_mem>>) {add = true}
        %dma_wait3A_400 = arith.constant 0 : i32
        %dma_wait3A_401 = arith.constant 0 : i32
        %dma_wait3A_402 = tpu.memref_slice %arg8[%run_scoped3A_261, %dma_wait3A_400, %dma_wait3A_401] : memref<3x80x128xf32, #tpu.memory_space<vmem>> -> memref<1x80x128xf32, #tpu.memory_space<vmem>>
        %dma_wait3A_403 = tpu.memref_squeeze %dma_wait3A_402 : memref<1x80x128xf32, #tpu.memory_space<vmem>> -> memref<80x128xf32, #tpu.memory_space<vmem>>
        %dma_wait3A_404 = arith.constant 0 : i32
        %dma_wait3A_405 = tpu.memref_slice %arg7[%run_scoped3A_262, %dma_wait3A_404] : memref<3x80xi32, #tpu.memory_space<vmem>> -> memref<1x80xi32, #tpu.memory_space<vmem>>
        %dma_wait3A_406 = tpu.memref_squeeze %dma_wait3A_405 : memref<1x80xi32, #tpu.memory_space<vmem>> -> memref<80xi32, #tpu.memory_space<vmem>>
        %dma_wait3A_407 = arith.constant 0 : i32
        %dma_wait3A_408 = arith.constant 0 : i32
        %dma_wait3A_409 = tpu.memref_slice %arg9[%dma_wait3A_407, %dma_wait3A_408] : memref<10240x128xf32, #tpu.memory_space<vmem_shared>> -> memref<10240x128xf32, #tpu.memory_space<vmem_shared>>
        tpu.wait_indirect_dma semaphore(%run_scoped3A_389 : memref<!tpu.dma_semaphore, #tpu.memory_space<semaphore_mem>>) src(%dma_wait3A_403 : memref<80x128xf32, #tpu.memory_space<vmem>>) dst(%dma_wait3A_409 : memref<10240x128xf32, #tpu.memory_space<vmem_shared>>)
        tpu.yield
      }) : () -> ()
      %add3A_263 = arith.constant 3 : i32
      %add3A_264 = arith.addi %add3A_241, %add3A_263 : i32
      %mul3A_265 = arith.constant 80 : i32
      %mul3A_266 = arith.muli %add3A_264, %mul3A_265 : i32
      %dma_start3A_267 = arith.constant 0 : i32
      %dma_start3A_268 = arith.constant 0 : i32
      %dma_start3A_269 = arith.constant 0 : i32
      %dma_start3A_270 = tpu.memref_slice %arg8[%dma_start3A_267, %dma_start3A_268, %dma_start3A_269] : memref<3x80x128xf32, #tpu.memory_space<vmem>> -> memref<1x80x128xf32, #tpu.memory_space<vmem>>
      %dma_start3A_271 = tpu.memref_squeeze %dma_start3A_270 : memref<1x80x128xf32, #tpu.memory_space<vmem>> -> memref<80x128xf32, #tpu.memory_space<vmem>>
      %dma_start3A_272 = tpu.memref_slice %arg6[%mul3A_266] : memref<10000xi32, #tpu.memory_space<vmem>> -> memref<80xi32, #tpu.memory_space<vmem>>
      %dma_start3A_273 = arith.constant 0 : i32
      %dma_start3A_274 = arith.constant 0 : i32
      %dma_start3A_275 = tpu.memref_slice %arg2[%dma_start3A_273, %dma_start3A_274] : memref<10000x128xf32, #tpu.memory_space<hbm>> -> memref<10000x128xf32, #tpu.memory_space<hbm>>
      tpu.enqueue_indirect_dma source(%dma_start3A_275 : memref<10000x128xf32, #tpu.memory_space<hbm>>) target(%dma_start3A_271 : memref<80x128xf32, #tpu.memory_space<vmem>>) offsets(%dma_start3A_272 : memref<80xi32, #tpu.memory_space<vmem>>) semaphore(%arg10 : memref<!tpu.dma_semaphore, #tpu.memory_space<semaphore_mem>>)
      %mul3A_276 = arith.constant 80 : i32
      %mul3A_277 = arith.muli %add3A_264, %mul3A_276 : i32
      %add3A_278 = arith.addi %mul3A_3, %mul3A_277 : i32
      %dma_start3A_279 = arith.constant 0 : i32
      %dma_start3A_280 = arith.constant 0 : i32
      %dma_start3A_281 = tpu.memref_slice %arg7[%dma_start3A_279, %dma_start3A_280] : memref<3x80xi32, #tpu.memory_space<vmem>> -> memref<1x80xi32, #tpu.memory_space<vmem>>
      %dma_start3A_282 = tpu.memref_squeeze %dma_start3A_281 : memref<1x80xi32, #tpu.memory_space<vmem>> -> memref<80xi32, #tpu.memory_space<vmem>>
      %dma_start3A_283 = tpu.memref_slice %arg4[%add3A_278] : memref<320000xi32, #tpu.memory_space<hbm>> -> memref<80xi32, #tpu.memory_space<hbm>>
      %dma_start3A_284 = arith.constant 0 : i32
      %dma_start3A_285 = tpu.memref_slice %arg7[%dma_start3A_279, %dma_start3A_284] : memref<3x80xi32, #tpu.memory_space<vmem>> -> memref<1x80xi32, #tpu.memory_space<vmem>>
      %dma_start3A_286 = tpu.memref_squeeze %dma_start3A_285 : memref<1x80xi32, #tpu.memory_space<vmem>> -> memref<80xi32, #tpu.memory_space<vmem>>
      %dma_start3A_287 = tpu.memref_slice %arg4[%add3A_278] : memref<320000xi32, #tpu.memory_space<hbm>> -> memref<80xi32, #tpu.memory_space<hbm>>
      tpu.enqueue_dma source(%dma_start3A_287 : memref<80xi32, #tpu.memory_space<hbm>>) target(%dma_start3A_286 : memref<80xi32, #tpu.memory_space<vmem>>) target_semaphore(%arg13 : memref<!tpu.dma_semaphore, #tpu.memory_space<semaphore_mem>>)
      %mul3A_288 = arith.constant 3 : i32
      %mul3A_289 = arith.muli %scan3A_236, %mul3A_288 : i32
      %add3A_290 = arith.constant 1 : i32
      %add3A_291 = arith.addi %mul3A_289, %add3A_290 : i32
      %dma_wait3A_292 = arith.constant 1 : i32
      %dma_wait3A_293 = arith.constant 0 : i32
      %dma_wait3A_294 = arith.constant 0 : i32
      %dma_wait3A_295 = tpu.memref_slice %arg8[%dma_wait3A_292, %dma_wait3A_293, %dma_wait3A_294] : memref<3x80x128xf32, #tpu.memory_space<vmem>> -> memref<1x80x128xf32, #tpu.memory_space<vmem>>
      %dma_wait3A_296 = tpu.memref_squeeze %dma_wait3A_295 : memref<1x80x128xf32, #tpu.memory_space<vmem>> -> memref<80x128xf32, #tpu.memory_space<vmem>>
      %dma_wait3A_297 = arith.constant 0 : i32
      %dma_wait3A_298 = tpu.memref_slice %arg6[%dma_wait3A_297] : memref<10000xi32, #tpu.memory_space<vmem>> -> memref<80xi32, #tpu.memory_space<vmem>>
      %dma_wait3A_299 = arith.constant 0 : i32
      %dma_wait3A_300 = arith.constant 0 : i32
      %dma_wait3A_301 = tpu.memref_slice %arg2[%dma_wait3A_299, %dma_wait3A_300] : memref<10000x128xf32, #tpu.memory_space<hbm>> -> memref<10000x128xf32, #tpu.memory_space<hbm>>
      tpu.wait_indirect_dma semaphore(%arg11 : memref<!tpu.dma_semaphore, #tpu.memory_space<semaphore_mem>>) src(%dma_wait3A_301 : memref<10000x128xf32, #tpu.memory_space<hbm>>) dst(%dma_wait3A_296 : memref<80x128xf32, #tpu.memory_space<vmem>>)
      %dma_wait3A_302 = arith.constant 1 : i32
      %dma_wait3A_303 = arith.constant 0 : i32
      %dma_wait3A_304 = tpu.memref_slice %arg7[%dma_wait3A_302, %dma_wait3A_303] : memref<3x80xi32, #tpu.memory_space<vmem>> -> memref<1x80xi32, #tpu.memory_space<vmem>>
      %dma_wait3A_305 = tpu.memref_squeeze %dma_wait3A_304 : memref<1x80xi32, #tpu.memory_space<vmem>> -> memref<80xi32, #tpu.memory_space<vmem>>
      %dma_wait3A_306 = tpu.memref_slice %arg4[%mul3A_3] : memref<320000xi32, #tpu.memory_space<hbm>> -> memref<80xi32, #tpu.memory_space<hbm>>
      %dma_wait3A_307 = arith.constant 0 : i32
      %dma_wait3A_308 = tpu.memref_slice %arg7[%dma_wait3A_302, %dma_wait3A_307] : memref<3x80xi32, #tpu.memory_space<vmem>> -> memref<1x80xi32, #tpu.memory_space<vmem>>
      %dma_wait3A_309 = tpu.memref_squeeze %dma_wait3A_308 : memref<1x80xi32, #tpu.memory_space<vmem>> -> memref<80xi32, #tpu.memory_space<vmem>>
      %dma_wait3A_310 = tpu.memref_slice %arg4[%mul3A_3] : memref<320000xi32, #tpu.memory_space<hbm>> -> memref<80xi32, #tpu.memory_space<hbm>>
      tpu.wait_dma2 semaphore(%arg14 : memref<!tpu.dma_semaphore, #tpu.memory_space<semaphore_mem>>) src(%dma_wait3A_310 : memref<80xi32, #tpu.memory_space<hbm>>) dst(%dma_wait3A_309 : memref<80xi32, #tpu.memory_space<vmem>>)
      %run_scoped3A_311 = arith.constant 1 : i32
      %run_scoped3A_312 = arith.constant 1 : i32
      "tpu.region"() ({
        %run_scoped3A_389 = tpu.sem_alloc : memref<!tpu.dma_semaphore, #tpu.memory_space<semaphore_mem>>
        %dma_start3A_390 = arith.constant 0 : i32
        %dma_start3A_391 = arith.constant 0 : i32
        %dma_start3A_392 = tpu.memref_slice %arg8[%run_scoped3A_311, %dma_start3A_390, %dma_start3A_391] : memref<3x80x128xf32, #tpu.memory_space<vmem>> -> memref<1x80x128xf32, #tpu.memory_space<vmem>>
        %dma_start3A_393 = tpu.memref_squeeze %dma_start3A_392 : memref<1x80x128xf32, #tpu.memory_space<vmem>> -> memref<80x128xf32, #tpu.memory_space<vmem>>
        %dma_start3A_394 = arith.constant 0 : i32
        %dma_start3A_395 = tpu.memref_slice %arg7[%run_scoped3A_312, %dma_start3A_394] : memref<3x80xi32, #tpu.memory_space<vmem>> -> memref<1x80xi32, #tpu.memory_space<vmem>>
        %dma_start3A_396 = tpu.memref_squeeze %dma_start3A_395 : memref<1x80xi32, #tpu.memory_space<vmem>> -> memref<80xi32, #tpu.memory_space<vmem>>
        %dma_start3A_397 = arith.constant 0 : i32
        %dma_start3A_398 = arith.constant 0 : i32
        %dma_start3A_399 = tpu.memref_slice %arg9[%dma_start3A_397, %dma_start3A_398] : memref<10240x128xf32, #tpu.memory_space<vmem_shared>> -> memref<10240x128xf32, #tpu.memory_space<vmem_shared>>
        tpu.enqueue_indirect_dma source(%dma_start3A_393 : memref<80x128xf32, #tpu.memory_space<vmem>>) target(%dma_start3A_399 : memref<10240x128xf32, #tpu.memory_space<vmem_shared>>) offsets(%dma_start3A_396 : memref<80xi32, #tpu.memory_space<vmem>>) semaphore(%run_scoped3A_389 : memref<!tpu.dma_semaphore, #tpu.memory_space<semaphore_mem>>) {add = true}
        %dma_wait3A_400 = arith.constant 0 : i32
        %dma_wait3A_401 = arith.constant 0 : i32
        %dma_wait3A_402 = tpu.memref_slice %arg8[%run_scoped3A_311, %dma_wait3A_400, %dma_wait3A_401] : memref<3x80x128xf32, #tpu.memory_space<vmem>> -> memref<1x80x128xf32, #tpu.memory_space<vmem>>
        %dma_wait3A_403 = tpu.memref_squeeze %dma_wait3A_402 : memref<1x80x128xf32, #tpu.memory_space<vmem>> -> memref<80x128xf32, #tpu.memory_space<vmem>>
        %dma_wait3A_404 = arith.constant 0 : i32
        %dma_wait3A_405 = tpu.memref_slice %arg7[%run_scoped3A_312, %dma_wait3A_404] : memref<3x80xi32, #tpu.memory_space<vmem>> -> memref<1x80xi32, #tpu.memory_space<vmem>>
        %dma_wait3A_406 = tpu.memref_squeeze %dma_wait3A_405 : memref<1x80xi32, #tpu.memory_space<vmem>> -> memref<80xi32, #tpu.memory_space<vmem>>
        %dma_wait3A_407 = arith.constant 0 : i32
        %dma_wait3A_408 = arith.constant 0 : i32
        %dma_wait3A_409 = tpu.memref_slice %arg9[%dma_wait3A_407, %dma_wait3A_408] : memref<10240x128xf32, #tpu.memory_space<vmem_shared>> -> memref<10240x128xf32, #tpu.memory_space<vmem_shared>>
        tpu.wait_indirect_dma semaphore(%run_scoped3A_389 : memref<!tpu.dma_semaphore, #tpu.memory_space<semaphore_mem>>) src(%dma_wait3A_403 : memref<80x128xf32, #tpu.memory_space<vmem>>) dst(%dma_wait3A_409 : memref<10240x128xf32, #tpu.memory_space<vmem_shared>>)
        tpu.yield
      }) : () -> ()
      %add3A_313 = arith.constant 3 : i32
      %add3A_314 = arith.addi %add3A_291, %add3A_313 : i32
      %mul3A_315 = arith.constant 80 : i32
      %mul3A_316 = arith.muli %add3A_314, %mul3A_315 : i32
      %dma_start3A_317 = arith.constant 1 : i32
      %dma_start3A_318 = arith.constant 0 : i32
      %dma_start3A_319 = arith.constant 0 : i32
      %dma_start3A_320 = tpu.memref_slice %arg8[%dma_start3A_317, %dma_start3A_318, %dma_start3A_319] : memref<3x80x128xf32, #tpu.memory_space<vmem>> -> memref<1x80x128xf32, #tpu.memory_space<vmem>>
      %dma_start3A_321 = tpu.memref_squeeze %dma_start3A_320 : memref<1x80x128xf32, #tpu.memory_space<vmem>> -> memref<80x128xf32, #tpu.memory_space<vmem>>
      %dma_start3A_322 = tpu.memref_slice %arg6[%mul3A_316] : memref<10000xi32, #tpu.memory_space<vmem>> -> memref<80xi32, #tpu.memory_space<vmem>>
      %dma_start3A_323 = arith.constant 0 : i32
      %dma_start3A_324 = arith.constant 0 : i32
      %dma_start3A_325 = tpu.memref_slice %arg2[%dma_start3A_323, %dma_start3A_324] : memref<10000x128xf32, #tpu.memory_space<hbm>> -> memref<10000x128xf32, #tpu.memory_space<hbm>>
      tpu.enqueue_indirect_dma source(%dma_start3A_325 : memref<10000x128xf32, #tpu.memory_space<hbm>>) target(%dma_start3A_321 : memref<80x128xf32, #tpu.memory_space<vmem>>) offsets(%dma_start3A_322 : memref<80xi32, #tpu.memory_space<vmem>>) semaphore(%arg11 : memref<!tpu.dma_semaphore, #tpu.memory_space<semaphore_mem>>)
      %mul3A_326 = arith.constant 80 : i32
      %mul3A_327 = arith.muli %add3A_314, %mul3A_326 : i32
      %add3A_328 = arith.addi %mul3A_3, %mul3A_327 : i32
      %dma_start3A_329 = arith.constant 1 : i32
      %dma_start3A_330 = arith.constant 0 : i32
      %dma_start3A_331 = tpu.memref_slice %arg7[%dma_start3A_329, %dma_start3A_330] : memref<3x80xi32, #tpu.memory_space<vmem>> -> memref<1x80xi32, #tpu.memory_space<vmem>>
      %dma_start3A_332 = tpu.memref_squeeze %dma_start3A_331 : memref<1x80xi32, #tpu.memory_space<vmem>> -> memref<80xi32, #tpu.memory_space<vmem>>
      %dma_start3A_333 = tpu.memref_slice %arg4[%add3A_328] : memref<320000xi32, #tpu.memory_space<hbm>> -> memref<80xi32, #tpu.memory_space<hbm>>
      %dma_start3A_334 = arith.constant 0 : i32
      %dma_start3A_335 = tpu.memref_slice %arg7[%dma_start3A_329, %dma_start3A_334] : memref<3x80xi32, #tpu.memory_space<vmem>> -> memref<1x80xi32, #tpu.memory_space<vmem>>
      %dma_start3A_336 = tpu.memref_squeeze %dma_start3A_335 : memref<1x80xi32, #tpu.memory_space<vmem>> -> memref<80xi32, #tpu.memory_space<vmem>>
      %dma_start3A_337 = tpu.memref_slice %arg4[%add3A_328] : memref<320000xi32, #tpu.memory_space<hbm>> -> memref<80xi32, #tpu.memory_space<hbm>>
      tpu.enqueue_dma source(%dma_start3A_337 : memref<80xi32, #tpu.memory_space<hbm>>) target(%dma_start3A_336 : memref<80xi32, #tpu.memory_space<vmem>>) target_semaphore(%arg14 : memref<!tpu.dma_semaphore, #tpu.memory_space<semaphore_mem>>)
      %mul3A_338 = arith.constant 3 : i32
      %mul3A_339 = arith.muli %scan3A_236, %mul3A_338 : i32
      %add3A_340 = arith.constant 2 : i32
      %add3A_341 = arith.addi %mul3A_339, %add3A_340 : i32
      %dma_wait3A_342 = arith.constant 2 : i32
      %dma_wait3A_343 = arith.constant 0 : i32
      %dma_wait3A_344 = arith.constant 0 : i32
      %dma_wait3A_345 = tpu.memref_slice %arg8[%dma_wait3A_342, %dma_wait3A_343, %dma_wait3A_344] : memref<3x80x128xf32, #tpu.memory_space<vmem>> -> memref<1x80x128xf32, #tpu.memory_space<vmem>>
      %dma_wait3A_346 = tpu.memref_squeeze %dma_wait3A_345 : memref<1x80x128xf32, #tpu.memory_space<vmem>> -> memref<80x128xf32, #tpu.memory_space<vmem>>
      %dma_wait3A_347 = arith.constant 0 : i32
      %dma_wait3A_348 = tpu.memref_slice %arg6[%dma_wait3A_347] : memref<10000xi32, #tpu.memory_space<vmem>> -> memref<80xi32, #tpu.memory_space<vmem>>
      %dma_wait3A_349 = arith.constant 0 : i32
      %dma_wait3A_350 = arith.constant 0 : i32
      %dma_wait3A_351 = tpu.memref_slice %arg2[%dma_wait3A_349, %dma_wait3A_350] : memref<10000x128xf32, #tpu.memory_space<hbm>> -> memref<10000x128xf32, #tpu.memory_space<hbm>>
      tpu.wait_indirect_dma semaphore(%arg12 : memref<!tpu.dma_semaphore, #tpu.memory_space<semaphore_mem>>) src(%dma_wait3A_351 : memref<10000x128xf32, #tpu.memory_space<hbm>>) dst(%dma_wait3A_346 : memref<80x128xf32, #tpu.memory_space<vmem>>)
      %dma_wait3A_352 = arith.constant 2 : i32
      %dma_wait3A_353 = arith.constant 0 : i32
      %dma_wait3A_354 = tpu.memref_slice %arg7[%dma_wait3A_352, %dma_wait3A_353] : memref<3x80xi32, #tpu.memory_space<vmem>> -> memref<1x80xi32, #tpu.memory_space<vmem>>
      %dma_wait3A_355 = tpu.memref_squeeze %dma_wait3A_354 : memref<1x80xi32, #tpu.memory_space<vmem>> -> memref<80xi32, #tpu.memory_space<vmem>>
      %dma_wait3A_356 = tpu.memref_slice %arg4[%mul3A_3] : memref<320000xi32, #tpu.memory_space<hbm>> -> memref<80xi32, #tpu.memory_space<hbm>>
      %dma_wait3A_357 = arith.constant 0 : i32
      %dma_wait3A_358 = tpu.memref_slice %arg7[%dma_wait3A_352, %dma_wait3A_357] : memref<3x80xi32, #tpu.memory_space<vmem>> -> memref<1x80xi32, #tpu.memory_space<vmem>>
      %dma_wait3A_359 = tpu.memref_squeeze %dma_wait3A_358 : memref<1x80xi32, #tpu.memory_space<vmem>> -> memref<80xi32, #tpu.memory_space<vmem>>
      %dma_wait3A_360 = tpu.memref_slice %arg4[%mul3A_3] : memref<320000xi32, #tpu.memory_space<hbm>> -> memref<80xi32, #tpu.memory_space<hbm>>
      tpu.wait_dma2 semaphore(%arg15 : memref<!tpu.dma_semaphore, #tpu.memory_space<semaphore_mem>>) src(%dma_wait3A_360 : memref<80xi32, #tpu.memory_space<hbm>>) dst(%dma_wait3A_359 : memref<80xi32, #tpu.memory_space<vmem>>)
      %run_scoped3A_361 = arith.constant 2 : i32
      %run_scoped3A_362 = arith.constant 2 : i32
      "tpu.region"() ({
        %run_scoped3A_389 = tpu.sem_alloc : memref<!tpu.dma_semaphore, #tpu.memory_space<semaphore_mem>>
        %dma_start3A_390 = arith.constant 0 : i32
        %dma_start3A_391 = arith.constant 0 : i32
        %dma_start3A_392 = tpu.memref_slice %arg8[%run_scoped3A_361, %dma_start3A_390, %dma_start3A_391] : memref<3x80x128xf32, #tpu.memory_space<vmem>> -> memref<1x80x128xf32, #tpu.memory_space<vmem>>
        %dma_start3A_393 = tpu.memref_squeeze %dma_start3A_392 : memref<1x80x128xf32, #tpu.memory_space<vmem>> -> memref<80x128xf32, #tpu.memory_space<vmem>>
        %dma_start3A_394 = arith.constant 0 : i32
        %dma_start3A_395 = tpu.memref_slice %arg7[%run_scoped3A_362, %dma_start3A_394] : memref<3x80xi32, #tpu.memory_space<vmem>> -> memref<1x80xi32, #tpu.memory_space<vmem>>
        %dma_start3A_396 = tpu.memref_squeeze %dma_start3A_395 : memref<1x80xi32, #tpu.memory_space<vmem>> -> memref<80xi32, #tpu.memory_space<vmem>>
        %dma_start3A_397 = arith.constant 0 : i32
        %dma_start3A_398 = arith.constant 0 : i32
        %dma_start3A_399 = tpu.memref_slice %arg9[%dma_start3A_397, %dma_start3A_398] : memref<10240x128xf32, #tpu.memory_space<vmem_shared>> -> memref<10240x128xf32, #tpu.memory_space<vmem_shared>>
        tpu.enqueue_indirect_dma source(%dma_start3A_393 : memref<80x128xf32, #tpu.memory_space<vmem>>) target(%dma_start3A_399 : memref<10240x128xf32, #tpu.memory_space<vmem_shared>>) offsets(%dma_start3A_396 : memref<80xi32, #tpu.memory_space<vmem>>) semaphore(%run_scoped3A_389 : memref<!tpu.dma_semaphore, #tpu.memory_space<semaphore_mem>>) {add = true}
        %dma_wait3A_400 = arith.constant 0 : i32
        %dma_wait3A_401 = arith.constant 0 : i32
        %dma_wait3A_402 = tpu.memref_slice %arg8[%run_scoped3A_361, %dma_wait3A_400, %dma_wait3A_401] : memref<3x80x128xf32, #tpu.memory_space<vmem>> -> memref<1x80x128xf32, #tpu.memory_space<vmem>>
        %dma_wait3A_403 = tpu.memref_squeeze %dma_wait3A_402 : memref<1x80x128xf32, #tpu.memory_space<vmem>> -> memref<80x128xf32, #tpu.memory_space<vmem>>
        %dma_wait3A_404 = arith.constant 0 : i32
        %dma_wait3A_405 = tpu.memref_slice %arg7[%run_scoped3A_362, %dma_wait3A_404] : memref<3x80xi32, #tpu.memory_space<vmem>> -> memref<1x80xi32, #tpu.memory_space<vmem>>
        %dma_wait3A_406 = tpu.memref_squeeze %dma_wait3A_405 : memref<1x80xi32, #tpu.memory_space<vmem>> -> memref<80xi32, #tpu.memory_space<vmem>>
        %dma_wait3A_407 = arith.constant 0 : i32
        %dma_wait3A_408 = arith.constant 0 : i32
        %dma_wait3A_409 = tpu.memref_slice %arg9[%dma_wait3A_407, %dma_wait3A_408] : memref<10240x128xf32, #tpu.memory_space<vmem_shared>> -> memref<10240x128xf32, #tpu.memory_space<vmem_shared>>
        tpu.wait_indirect_dma semaphore(%run_scoped3A_389 : memref<!tpu.dma_semaphore, #tpu.memory_space<semaphore_mem>>) src(%dma_wait3A_403 : memref<80x128xf32, #tpu.memory_space<vmem>>) dst(%dma_wait3A_409 : memref<10240x128xf32, #tpu.memory_space<vmem_shared>>)
        tpu.yield
      }) : () -> ()
      %add3A_363 = arith.constant 3 : i32
      %add3A_364 = arith.addi %add3A_341, %add3A_363 : i32
      %mul3A_365 = arith.constant 80 : i32
      %mul3A_366 = arith.muli %add3A_364, %mul3A_365 : i32
      %dma_start3A_367 = arith.constant 2 : i32
      %dma_start3A_368 = arith.constant 0 : i32
      %dma_start3A_369 = arith.constant 0 : i32
      %dma_start3A_370 = tpu.memref_slice %arg8[%dma_start3A_367, %dma_start3A_368, %dma_start3A_369] : memref<3x80x128xf32, #tpu.memory_space<vmem>> -> memref<1x80x128xf32, #tpu.memory_space<vmem>>
      %dma_start3A_371 = tpu.memref_squeeze %dma_start3A_370 : memref<1x80x128xf32, #tpu.memory_space<vmem>> -> memref<80x128xf32, #tpu.memory_space<vmem>>
      %dma_start3A_372 = tpu.memref_slice %arg6[%mul3A_366] : memref<10000xi32, #tpu.memory_space<vmem>> -> memref<80xi32, #tpu.memory_space<vmem>>
      %dma_start3A_373 = arith.constant 0 : i32
      %dma_start3A_374 = arith.constant 0 : i32
      %dma_start3A_375 = tpu.memref_slice %arg2[%dma_start3A_373, %dma_start3A_374] : memref<10000x128xf32, #tpu.memory_space<hbm>> -> memref<10000x128xf32, #tpu.memory_space<hbm>>
      tpu.enqueue_indirect_dma source(%dma_start3A_375 : memref<10000x128xf32, #tpu.memory_space<hbm>>) target(%dma_start3A_371 : memref<80x128xf32, #tpu.memory_space<vmem>>) offsets(%dma_start3A_372 : memref<80xi32, #tpu.memory_space<vmem>>) semaphore(%arg12 : memref<!tpu.dma_semaphore, #tpu.memory_space<semaphore_mem>>)
      %mul3A_376 = arith.constant 80 : i32
      %mul3A_377 = arith.muli %add3A_364, %mul3A_376 : i32
      %add3A_378 = arith.addi %mul3A_3, %mul3A_377 : i32
      %dma_start3A_379 = arith.constant 2 : i32
      %dma_start3A_380 = arith.constant 0 : i32
      %dma_start3A_381 = tpu.memref_slice %arg7[%dma_start3A_379, %dma_start3A_380] : memref<3x80xi32, #tpu.memory_space<vmem>> -> memref<1x80xi32, #tpu.memory_space<vmem>>
      %dma_start3A_382 = tpu.memref_squeeze %dma_start3A_381 : memref<1x80xi32, #tpu.memory_space<vmem>> -> memref<80xi32, #tpu.memory_space<vmem>>
      %dma_start3A_383 = tpu.memref_slice %arg4[%add3A_378] : memref<320000xi32, #tpu.memory_space<hbm>> -> memref<80xi32, #tpu.memory_space<hbm>>
      %dma_start3A_384 = arith.constant 0 : i32
      %dma_start3A_385 = tpu.memref_slice %arg7[%dma_start3A_379, %dma_start3A_384] : memref<3x80xi32, #tpu.memory_space<vmem>> -> memref<1x80xi32, #tpu.memory_space<vmem>>
      %dma_start3A_386 = tpu.memref_squeeze %dma_start3A_385 : memref<1x80xi32, #tpu.memory_space<vmem>> -> memref<80xi32, #tpu.memory_space<vmem>>
      %dma_start3A_387 = tpu.memref_slice %arg4[%add3A_378] : memref<320000xi32, #tpu.memory_space<hbm>> -> memref<80xi32, #tpu.memory_space<hbm>>
      tpu.enqueue_dma source(%dma_start3A_387 : memref<80xi32, #tpu.memory_space<hbm>>) target(%dma_start3A_386 : memref<80xi32, #tpu.memory_space<vmem>>) target_semaphore(%arg15 : memref<!tpu.dma_semaphore, #tpu.memory_space<semaphore_mem>>)
      %scan3A_388 = arith.constant 0 : i32
      scf.yield %scan3A_388 : i32
    }
    %scan3A_85 = arith.constant 40 : i32
    %dma_wait3A = arith.constant 0 : i32
    %dma_wait3A_86 = arith.constant 0 : i32
    %dma_wait3A_87 = arith.constant 0 : i32
    %dma_wait3A_88 = tpu.memref_slice %arg8[%dma_wait3A, %dma_wait3A_86, %dma_wait3A_87] : memref<3x80x128xf32, #tpu.memory_space<vmem>> -> memref<1x80x128xf32, #tpu.memory_space<vmem>>
    %dma_wait3A_89 = tpu.memref_squeeze %dma_wait3A_88 : memref<1x80x128xf32, #tpu.memory_space<vmem>> -> memref<80x128xf32, #tpu.memory_space<vmem>>
    %dma_wait3A_90 = arith.constant 0 : i32
    %dma_wait3A_91 = tpu.memref_slice %arg6[%dma_wait3A_90] : memref<10000xi32, #tpu.memory_space<vmem>> -> memref<80xi32, #tpu.memory_space<vmem>>
    %dma_wait3A_92 = arith.constant 0 : i32
    %dma_wait3A_93 = arith.constant 0 : i32
    %dma_wait3A_94 = tpu.memref_slice %arg2[%dma_wait3A_92, %dma_wait3A_93] : memref<10000x128xf32, #tpu.memory_space<hbm>> -> memref<10000x128xf32, #tpu.memory_space<hbm>>
    tpu.wait_indirect_dma semaphore(%arg10 : memref<!tpu.dma_semaphore, #tpu.memory_space<semaphore_mem>>) src(%dma_wait3A_94 : memref<10000x128xf32, #tpu.memory_space<hbm>>) dst(%dma_wait3A_89 : memref<80x128xf32, #tpu.memory_space<vmem>>)
    %dma_wait3A_95 = arith.constant 0 : i32
    %dma_wait3A_96 = arith.constant 0 : i32
    %dma_wait3A_97 = tpu.memref_slice %arg7[%dma_wait3A_95, %dma_wait3A_96] : memref<3x80xi32, #tpu.memory_space<vmem>> -> memref<1x80xi32, #tpu.memory_space<vmem>>
    %dma_wait3A_98 = tpu.memref_squeeze %dma_wait3A_97 : memref<1x80xi32, #tpu.memory_space<vmem>> -> memref<80xi32, #tpu.memory_space<vmem>>
    %dma_wait3A_99 = tpu.memref_slice %arg4[%mul3A_3] : memref<320000xi32, #tpu.memory_space<hbm>> -> memref<80xi32, #tpu.memory_space<hbm>>
    %dma_wait3A_100 = arith.constant 0 : i32
    %dma_wait3A_101 = tpu.memref_slice %arg7[%dma_wait3A_95, %dma_wait3A_100] : memref<3x80xi32, #tpu.memory_space<vmem>> -> memref<1x80xi32, #tpu.memory_space<vmem>>
    %dma_wait3A_102 = tpu.memref_squeeze %dma_wait3A_101 : memref<1x80xi32, #tpu.memory_space<vmem>> -> memref<80xi32, #tpu.memory_space<vmem>>
    %dma_wait3A_103 = tpu.memref_slice %arg4[%mul3A_3] : memref<320000xi32, #tpu.memory_space<hbm>> -> memref<80xi32, #tpu.memory_space<hbm>>
    tpu.wait_dma2 semaphore(%arg13 : memref<!tpu.dma_semaphore, #tpu.memory_space<semaphore_mem>>) src(%dma_wait3A_103 : memref<80xi32, #tpu.memory_space<hbm>>) dst(%dma_wait3A_102 : memref<80xi32, #tpu.memory_space<vmem>>)
    %run_scoped3A = arith.constant 0 : i32
    %run_scoped3A_104 = arith.constant 0 : i32
    "tpu.region"() ({
      %run_scoped3A_236 = tpu.sem_alloc : memref<!tpu.dma_semaphore, #tpu.memory_space<semaphore_mem>>
      %dma_start3A_237 = arith.constant 0 : i32
      %dma_start3A_238 = arith.constant 0 : i32
      %dma_start3A_239 = tpu.memref_slice %arg8[%run_scoped3A, %dma_start3A_237, %dma_start3A_238] : memref<3x80x128xf32, #tpu.memory_space<vmem>> -> memref<1x80x128xf32, #tpu.memory_space<vmem>>
      %dma_start3A_240 = tpu.memref_squeeze %dma_start3A_239 : memref<1x80x128xf32, #tpu.memory_space<vmem>> -> memref<80x128xf32, #tpu.memory_space<vmem>>
      %dma_start3A_241 = arith.constant 0 : i32
      %dma_start3A_242 = tpu.memref_slice %arg7[%run_scoped3A_104, %dma_start3A_241] : memref<3x80xi32, #tpu.memory_space<vmem>> -> memref<1x80xi32, #tpu.memory_space<vmem>>
      %dma_start3A_243 = tpu.memref_squeeze %dma_start3A_242 : memref<1x80xi32, #tpu.memory_space<vmem>> -> memref<80xi32, #tpu.memory_space<vmem>>
      %dma_start3A_244 = arith.constant 0 : i32
      %dma_start3A_245 = arith.constant 0 : i32
      %dma_start3A_246 = tpu.memref_slice %arg9[%dma_start3A_244, %dma_start3A_245] : memref<10240x128xf32, #tpu.memory_space<vmem_shared>> -> memref<10240x128xf32, #tpu.memory_space<vmem_shared>>
      tpu.enqueue_indirect_dma source(%dma_start3A_240 : memref<80x128xf32, #tpu.memory_space<vmem>>) target(%dma_start3A_246 : memref<10240x128xf32, #tpu.memory_space<vmem_shared>>) offsets(%dma_start3A_243 : memref<80xi32, #tpu.memory_space<vmem>>) semaphore(%run_scoped3A_236 : memref<!tpu.dma_semaphore, #tpu.memory_space<semaphore_mem>>) {add = true}
      %dma_wait3A_247 = arith.constant 0 : i32
      %dma_wait3A_248 = arith.constant 0 : i32
      %dma_wait3A_249 = tpu.memref_slice %arg8[%run_scoped3A, %dma_wait3A_247, %dma_wait3A_248] : memref<3x80x128xf32, #tpu.memory_space<vmem>> -> memref<1x80x128xf32, #tpu.memory_space<vmem>>
      %dma_wait3A_250 = tpu.memref_squeeze %dma_wait3A_249 : memref<1x80x128xf32, #tpu.memory_space<vmem>> -> memref<80x128xf32, #tpu.memory_space<vmem>>
      %dma_wait3A_251 = arith.constant 0 : i32
      %dma_wait3A_252 = tpu.memref_slice %arg7[%run_scoped3A_104, %dma_wait3A_251] : memref<3x80xi32, #tpu.memory_space<vmem>> -> memref<1x80xi32, #tpu.memory_space<vmem>>
      %dma_wait3A_253 = tpu.memref_squeeze %dma_wait3A_252 : memref<1x80xi32, #tpu.memory_space<vmem>> -> memref<80xi32, #tpu.memory_space<vmem>>
      %dma_wait3A_254 = arith.constant 0 : i32
      %dma_wait3A_255 = arith.constant 0 : i32
      %dma_wait3A_256 = tpu.memref_slice %arg9[%dma_wait3A_254, %dma_wait3A_255] : memref<10240x128xf32, #tpu.memory_space<vmem_shared>> -> memref<10240x128xf32, #tpu.memory_space<vmem_shared>>
      tpu.wait_indirect_dma semaphore(%run_scoped3A_236 : memref<!tpu.dma_semaphore, #tpu.memory_space<semaphore_mem>>) src(%dma_wait3A_250 : memref<80x128xf32, #tpu.memory_space<vmem>>) dst(%dma_wait3A_256 : memref<10240x128xf32, #tpu.memory_space<vmem_shared>>)
      tpu.yield
    }) : () -> ()
    %dma_start3A_105 = arith.constant 0 : i32
    %dma_start3A_106 = arith.constant 0 : i32
    %dma_start3A_107 = arith.constant 0 : i32
    %dma_start3A_108 = tpu.memref_slice %arg8[%dma_start3A_105, %dma_start3A_106, %dma_start3A_107] : memref<3x80x128xf32, #tpu.memory_space<vmem>> -> memref<1x80x128xf32, #tpu.memory_space<vmem>>
    %dma_start3A_109 = tpu.memref_squeeze %dma_start3A_108 : memref<1x80x128xf32, #tpu.memory_space<vmem>> -> memref<80x128xf32, #tpu.memory_space<vmem>>
    %dma_start3A_110 = arith.constant 9840 : i32
    %dma_start3A_111 = tpu.memref_slice %arg6[%dma_start3A_110] : memref<10000xi32, #tpu.memory_space<vmem>> -> memref<80xi32, #tpu.memory_space<vmem>>
    %dma_start3A_112 = arith.constant 0 : i32
    %dma_start3A_113 = arith.constant 0 : i32
    %dma_start3A_114 = tpu.memref_slice %arg2[%dma_start3A_112, %dma_start3A_113] : memref<10000x128xf32, #tpu.memory_space<hbm>> -> memref<10000x128xf32, #tpu.memory_space<hbm>>
    tpu.enqueue_indirect_dma source(%dma_start3A_114 : memref<10000x128xf32, #tpu.memory_space<hbm>>) target(%dma_start3A_109 : memref<80x128xf32, #tpu.memory_space<vmem>>) offsets(%dma_start3A_111 : memref<80xi32, #tpu.memory_space<vmem>>) semaphore(%arg10 : memref<!tpu.dma_semaphore, #tpu.memory_space<semaphore_mem>>)
    %add3A_115 = arith.constant 9840 : i32
    %add3A_116 = arith.addi %mul3A_3, %add3A_115 : i32
    %dma_start3A_117 = arith.constant 0 : i32
    %dma_start3A_118 = arith.constant 0 : i32
    %dma_start3A_119 = tpu.memref_slice %arg7[%dma_start3A_117, %dma_start3A_118] : memref<3x80xi32, #tpu.memory_space<vmem>> -> memref<1x80xi32, #tpu.memory_space<vmem>>
    %dma_start3A_120 = tpu.memref_squeeze %dma_start3A_119 : memref<1x80xi32, #tpu.memory_space<vmem>> -> memref<80xi32, #tpu.memory_space<vmem>>
    %dma_start3A_121 = tpu.memref_slice %arg4[%add3A_116] : memref<320000xi32, #tpu.memory_space<hbm>> -> memref<80xi32, #tpu.memory_space<hbm>>
    %dma_start3A_122 = arith.constant 0 : i32
    %dma_start3A_123 = tpu.memref_slice %arg7[%dma_start3A_117, %dma_start3A_122] : memref<3x80xi32, #tpu.memory_space<vmem>> -> memref<1x80xi32, #tpu.memory_space<vmem>>
    %dma_start3A_124 = tpu.memref_squeeze %dma_start3A_123 : memref<1x80xi32, #tpu.memory_space<vmem>> -> memref<80xi32, #tpu.memory_space<vmem>>
    %dma_start3A_125 = tpu.memref_slice %arg4[%add3A_116] : memref<320000xi32, #tpu.memory_space<hbm>> -> memref<80xi32, #tpu.memory_space<hbm>>
    tpu.enqueue_dma source(%dma_start3A_125 : memref<80xi32, #tpu.memory_space<hbm>>) target(%dma_start3A_124 : memref<80xi32, #tpu.memory_space<vmem>>) target_semaphore(%arg13 : memref<!tpu.dma_semaphore, #tpu.memory_space<semaphore_mem>>)
    %dma_wait3A_126 = arith.constant 1 : i32
    %dma_wait3A_127 = arith.constant 0 : i32
    %dma_wait3A_128 = arith.constant 0 : i32
    %dma_wait3A_129 = tpu.memref_slice %arg8[%dma_wait3A_126, %dma_wait3A_127, %dma_wait3A_128] : memref<3x80x128xf32, #tpu.memory_space<vmem>> -> memref<1x80x128xf32, #tpu.memory_space<vmem>>
    %dma_wait3A_130 = tpu.memref_squeeze %dma_wait3A_129 : memref<1x80x128xf32, #tpu.memory_space<vmem>> -> memref<80x128xf32, #tpu.memory_space<vmem>>
    %dma_wait3A_131 = arith.constant 0 : i32
    %dma_wait3A_132 = tpu.memref_slice %arg6[%dma_wait3A_131] : memref<10000xi32, #tpu.memory_space<vmem>> -> memref<80xi32, #tpu.memory_space<vmem>>
    %dma_wait3A_133 = arith.constant 0 : i32
    %dma_wait3A_134 = arith.constant 0 : i32
    %dma_wait3A_135 = tpu.memref_slice %arg2[%dma_wait3A_133, %dma_wait3A_134] : memref<10000x128xf32, #tpu.memory_space<hbm>> -> memref<10000x128xf32, #tpu.memory_space<hbm>>
    tpu.wait_indirect_dma semaphore(%arg11 : memref<!tpu.dma_semaphore, #tpu.memory_space<semaphore_mem>>) src(%dma_wait3A_135 : memref<10000x128xf32, #tpu.memory_space<hbm>>) dst(%dma_wait3A_130 : memref<80x128xf32, #tpu.memory_space<vmem>>)
    %dma_wait3A_136 = arith.constant 1 : i32
    %dma_wait3A_137 = arith.constant 0 : i32
    %dma_wait3A_138 = tpu.memref_slice %arg7[%dma_wait3A_136, %dma_wait3A_137] : memref<3x80xi32, #tpu.memory_space<vmem>> -> memref<1x80xi32, #tpu.memory_space<vmem>>
    %dma_wait3A_139 = tpu.memref_squeeze %dma_wait3A_138 : memref<1x80xi32, #tpu.memory_space<vmem>> -> memref<80xi32, #tpu.memory_space<vmem>>
    %dma_wait3A_140 = tpu.memref_slice %arg4[%mul3A_3] : memref<320000xi32, #tpu.memory_space<hbm>> -> memref<80xi32, #tpu.memory_space<hbm>>
    %dma_wait3A_141 = arith.constant 0 : i32
    %dma_wait3A_142 = tpu.memref_slice %arg7[%dma_wait3A_136, %dma_wait3A_141] : memref<3x80xi32, #tpu.memory_space<vmem>> -> memref<1x80xi32, #tpu.memory_space<vmem>>
    %dma_wait3A_143 = tpu.memref_squeeze %dma_wait3A_142 : memref<1x80xi32, #tpu.memory_space<vmem>> -> memref<80xi32, #tpu.memory_space<vmem>>
    %dma_wait3A_144 = tpu.memref_slice %arg4[%mul3A_3] : memref<320000xi32, #tpu.memory_space<hbm>> -> memref<80xi32, #tpu.memory_space<hbm>>
    tpu.wait_dma2 semaphore(%arg14 : memref<!tpu.dma_semaphore, #tpu.memory_space<semaphore_mem>>) src(%dma_wait3A_144 : memref<80xi32, #tpu.memory_space<hbm>>) dst(%dma_wait3A_143 : memref<80xi32, #tpu.memory_space<vmem>>)
    %run_scoped3A_145 = arith.constant 1 : i32
    %run_scoped3A_146 = arith.constant 1 : i32
    "tpu.region"() ({
      %run_scoped3A_236 = tpu.sem_alloc : memref<!tpu.dma_semaphore, #tpu.memory_space<semaphore_mem>>
      %dma_start3A_237 = arith.constant 0 : i32
      %dma_start3A_238 = arith.constant 0 : i32
      %dma_start3A_239 = tpu.memref_slice %arg8[%run_scoped3A_145, %dma_start3A_237, %dma_start3A_238] : memref<3x80x128xf32, #tpu.memory_space<vmem>> -> memref<1x80x128xf32, #tpu.memory_space<vmem>>
      %dma_start3A_240 = tpu.memref_squeeze %dma_start3A_239 : memref<1x80x128xf32, #tpu.memory_space<vmem>> -> memref<80x128xf32, #tpu.memory_space<vmem>>
      %dma_start3A_241 = arith.constant 0 : i32
      %dma_start3A_242 = tpu.memref_slice %arg7[%run_scoped3A_146, %dma_start3A_241] : memref<3x80xi32, #tpu.memory_space<vmem>> -> memref<1x80xi32, #tpu.memory_space<vmem>>
      %dma_start3A_243 = tpu.memref_squeeze %dma_start3A_242 : memref<1x80xi32, #tpu.memory_space<vmem>> -> memref<80xi32, #tpu.memory_space<vmem>>
      %dma_start3A_244 = arith.constant 0 : i32
      %dma_start3A_245 = arith.constant 0 : i32
      %dma_start3A_246 = tpu.memref_slice %arg9[%dma_start3A_244, %dma_start3A_245] : memref<10240x128xf32, #tpu.memory_space<vmem_shared>> -> memref<10240x128xf32, #tpu.memory_space<vmem_shared>>
      tpu.enqueue_indirect_dma source(%dma_start3A_240 : memref<80x128xf32, #tpu.memory_space<vmem>>) target(%dma_start3A_246 : memref<10240x128xf32, #tpu.memory_space<vmem_shared>>) offsets(%dma_start3A_243 : memref<80xi32, #tpu.memory_space<vmem>>) semaphore(%run_scoped3A_236 : memref<!tpu.dma_semaphore, #tpu.memory_space<semaphore_mem>>) {add = true}
      %dma_wait3A_247 = arith.constant 0 : i32
      %dma_wait3A_248 = arith.constant 0 : i32
      %dma_wait3A_249 = tpu.memref_slice %arg8[%run_scoped3A_145, %dma_wait3A_247, %dma_wait3A_248] : memref<3x80x128xf32, #tpu.memory_space<vmem>> -> memref<1x80x128xf32, #tpu.memory_space<vmem>>
      %dma_wait3A_250 = tpu.memref_squeeze %dma_wait3A_249 : memref<1x80x128xf32, #tpu.memory_space<vmem>> -> memref<80x128xf32, #tpu.memory_space<vmem>>
      %dma_wait3A_251 = arith.constant 0 : i32
      %dma_wait3A_252 = tpu.memref_slice %arg7[%run_scoped3A_146, %dma_wait3A_251] : memref<3x80xi32, #tpu.memory_space<vmem>> -> memref<1x80xi32, #tpu.memory_space<vmem>>
      %dma_wait3A_253 = tpu.memref_squeeze %dma_wait3A_252 : memref<1x80xi32, #tpu.memory_space<vmem>> -> memref<80xi32, #tpu.memory_space<vmem>>
      %dma_wait3A_254 = arith.constant 0 : i32
      %dma_wait3A_255 = arith.constant 0 : i32
      %dma_wait3A_256 = tpu.memref_slice %arg9[%dma_wait3A_254, %dma_wait3A_255] : memref<10240x128xf32, #tpu.memory_space<vmem_shared>> -> memref<10240x128xf32, #tpu.memory_space<vmem_shared>>
      tpu.wait_indirect_dma semaphore(%run_scoped3A_236 : memref<!tpu.dma_semaphore, #tpu.memory_space<semaphore_mem>>) src(%dma_wait3A_250 : memref<80x128xf32, #tpu.memory_space<vmem>>) dst(%dma_wait3A_256 : memref<10240x128xf32, #tpu.memory_space<vmem_shared>>)
      tpu.yield
    }) : () -> ()
    %dma_start3A_147 = arith.constant 1 : i32
    %dma_start3A_148 = arith.constant 0 : i32
    %dma_start3A_149 = arith.constant 0 : i32
    %dma_start3A_150 = tpu.memref_slice %arg8[%dma_start3A_147, %dma_start3A_148, %dma_start3A_149] : memref<3x80x128xf32, #tpu.memory_space<vmem>> -> memref<1x80x128xf32, #tpu.memory_space<vmem>>
    %dma_start3A_151 = tpu.memref_squeeze %dma_start3A_150 : memref<1x80x128xf32, #tpu.memory_space<vmem>> -> memref<80x128xf32, #tpu.memory_space<vmem>>
    %dma_start3A_152 = arith.constant 9920 : i32
    %dma_start3A_153 = tpu.memref_slice %arg6[%dma_start3A_152] : memref<10000xi32, #tpu.memory_space<vmem>> -> memref<80xi32, #tpu.memory_space<vmem>>
    %dma_start3A_154 = arith.constant 0 : i32
    %dma_start3A_155 = arith.constant 0 : i32
    %dma_start3A_156 = tpu.memref_slice %arg2[%dma_start3A_154, %dma_start3A_155] : memref<10000x128xf32, #tpu.memory_space<hbm>> -> memref<10000x128xf32, #tpu.memory_space<hbm>>
    tpu.enqueue_indirect_dma source(%dma_start3A_156 : memref<10000x128xf32, #tpu.memory_space<hbm>>) target(%dma_start3A_151 : memref<80x128xf32, #tpu.memory_space<vmem>>) offsets(%dma_start3A_153 : memref<80xi32, #tpu.memory_space<vmem>>) semaphore(%arg11 : memref<!tpu.dma_semaphore, #tpu.memory_space<semaphore_mem>>)
    %add3A_157 = arith.constant 9920 : i32
    %add3A_158 = arith.addi %mul3A_3, %add3A_157 : i32
    %dma_start3A_159 = arith.constant 1 : i32
    %dma_start3A_160 = arith.constant 0 : i32
    %dma_start3A_161 = tpu.memref_slice %arg7[%dma_start3A_159, %dma_start3A_160] : memref<3x80xi32, #tpu.memory_space<vmem>> -> memref<1x80xi32, #tpu.memory_space<vmem>>
    %dma_start3A_162 = tpu.memref_squeeze %dma_start3A_161 : memref<1x80xi32, #tpu.memory_space<vmem>> -> memref<80xi32, #tpu.memory_space<vmem>>
    %dma_start3A_163 = tpu.memref_slice %arg4[%add3A_158] : memref<320000xi32, #tpu.memory_space<hbm>> -> memref<80xi32, #tpu.memory_space<hbm>>
    %dma_start3A_164 = arith.constant 0 : i32
    %dma_start3A_165 = tpu.memref_slice %arg7[%dma_start3A_159, %dma_start3A_164] : memref<3x80xi32, #tpu.memory_space<vmem>> -> memref<1x80xi32, #tpu.memory_space<vmem>>
    %dma_start3A_166 = tpu.memref_squeeze %dma_start3A_165 : memref<1x80xi32, #tpu.memory_space<vmem>> -> memref<80xi32, #tpu.memory_space<vmem>>
    %dma_start3A_167 = tpu.memref_slice %arg4[%add3A_158] : memref<320000xi32, #tpu.memory_space<hbm>> -> memref<80xi32, #tpu.memory_space<hbm>>
    tpu.enqueue_dma source(%dma_start3A_167 : memref<80xi32, #tpu.memory_space<hbm>>) target(%dma_start3A_166 : memref<80xi32, #tpu.memory_space<vmem>>) target_semaphore(%arg14 : memref<!tpu.dma_semaphore, #tpu.memory_space<semaphore_mem>>)
    %dma_wait3A_168 = arith.constant 2 : i32
    %dma_wait3A_169 = arith.constant 0 : i32
    %dma_wait3A_170 = arith.constant 0 : i32
    %dma_wait3A_171 = tpu.memref_slice %arg8[%dma_wait3A_168, %dma_wait3A_169, %dma_wait3A_170] : memref<3x80x128xf32, #tpu.memory_space<vmem>> -> memref<1x80x128xf32, #tpu.memory_space<vmem>>
    %dma_wait3A_172 = tpu.memref_squeeze %dma_wait3A_171 : memref<1x80x128xf32, #tpu.memory_space<vmem>> -> memref<80x128xf32, #tpu.memory_space<vmem>>
    %dma_wait3A_173 = arith.constant 0 : i32
    %dma_wait3A_174 = tpu.memref_slice %arg6[%dma_wait3A_173] : memref<10000xi32, #tpu.memory_space<vmem>> -> memref<80xi32, #tpu.memory_space<vmem>>
    %dma_wait3A_175 = arith.constant 0 : i32
    %dma_wait3A_176 = arith.constant 0 : i32
    %dma_wait3A_177 = tpu.memref_slice %arg2[%dma_wait3A_175, %dma_wait3A_176] : memref<10000x128xf32, #tpu.memory_space<hbm>> -> memref<10000x128xf32, #tpu.memory_space<hbm>>
    tpu.wait_indirect_dma semaphore(%arg12 : memref<!tpu.dma_semaphore, #tpu.memory_space<semaphore_mem>>) src(%dma_wait3A_177 : memref<10000x128xf32, #tpu.memory_space<hbm>>) dst(%dma_wait3A_172 : memref<80x128xf32, #tpu.memory_space<vmem>>)
    %dma_wait3A_178 = arith.constant 2 : i32
    %dma_wait3A_179 = arith.constant 0 : i32
    %dma_wait3A_180 = tpu.memref_slice %arg7[%dma_wait3A_178, %dma_wait3A_179] : memref<3x80xi32, #tpu.memory_space<vmem>> -> memref<1x80xi32, #tpu.memory_space<vmem>>
    %dma_wait3A_181 = tpu.memref_squeeze %dma_wait3A_180 : memref<1x80xi32, #tpu.memory_space<vmem>> -> memref<80xi32, #tpu.memory_space<vmem>>
    %dma_wait3A_182 = tpu.memref_slice %arg4[%mul3A_3] : memref<320000xi32, #tpu.memory_space<hbm>> -> memref<80xi32, #tpu.memory_space<hbm>>
    %dma_wait3A_183 = arith.constant 0 : i32
    %dma_wait3A_184 = tpu.memref_slice %arg7[%dma_wait3A_178, %dma_wait3A_183] : memref<3x80xi32, #tpu.memory_space<vmem>> -> memref<1x80xi32, #tpu.memory_space<vmem>>
    %dma_wait3A_185 = tpu.memref_squeeze %dma_wait3A_184 : memref<1x80xi32, #tpu.memory_space<vmem>> -> memref<80xi32, #tpu.memory_space<vmem>>
    %dma_wait3A_186 = tpu.memref_slice %arg4[%mul3A_3] : memref<320000xi32, #tpu.memory_space<hbm>> -> memref<80xi32, #tpu.memory_space<hbm>>
    tpu.wait_dma2 semaphore(%arg15 : memref<!tpu.dma_semaphore, #tpu.memory_space<semaphore_mem>>) src(%dma_wait3A_186 : memref<80xi32, #tpu.memory_space<hbm>>) dst(%dma_wait3A_185 : memref<80xi32, #tpu.memory_space<vmem>>)
    %run_scoped3A_187 = arith.constant 2 : i32
    %run_scoped3A_188 = arith.constant 2 : i32
    "tpu.region"() ({
      %run_scoped3A_236 = tpu.sem_alloc : memref<!tpu.dma_semaphore, #tpu.memory_space<semaphore_mem>>
      %dma_start3A_237 = arith.constant 0 : i32
      %dma_start3A_238 = arith.constant 0 : i32
      %dma_start3A_239 = tpu.memref_slice %arg8[%run_scoped3A_187, %dma_start3A_237, %dma_start3A_238] : memref<3x80x128xf32, #tpu.memory_space<vmem>> -> memref<1x80x128xf32, #tpu.memory_space<vmem>>
      %dma_start3A_240 = tpu.memref_squeeze %dma_start3A_239 : memref<1x80x128xf32, #tpu.memory_space<vmem>> -> memref<80x128xf32, #tpu.memory_space<vmem>>
      %dma_start3A_241 = arith.constant 0 : i32
      %dma_start3A_242 = tpu.memref_slice %arg7[%run_scoped3A_188, %dma_start3A_241] : memref<3x80xi32, #tpu.memory_space<vmem>> -> memref<1x80xi32, #tpu.memory_space<vmem>>
      %dma_start3A_243 = tpu.memref_squeeze %dma_start3A_242 : memref<1x80xi32, #tpu.memory_space<vmem>> -> memref<80xi32, #tpu.memory_space<vmem>>
      %dma_start3A_244 = arith.constant 0 : i32
      %dma_start3A_245 = arith.constant 0 : i32
      %dma_start3A_246 = tpu.memref_slice %arg9[%dma_start3A_244, %dma_start3A_245] : memref<10240x128xf32, #tpu.memory_space<vmem_shared>> -> memref<10240x128xf32, #tpu.memory_space<vmem_shared>>
      tpu.enqueue_indirect_dma source(%dma_start3A_240 : memref<80x128xf32, #tpu.memory_space<vmem>>) target(%dma_start3A_246 : memref<10240x128xf32, #tpu.memory_space<vmem_shared>>) offsets(%dma_start3A_243 : memref<80xi32, #tpu.memory_space<vmem>>) semaphore(%run_scoped3A_236 : memref<!tpu.dma_semaphore, #tpu.memory_space<semaphore_mem>>) {add = true}
      %dma_wait3A_247 = arith.constant 0 : i32
      %dma_wait3A_248 = arith.constant 0 : i32
      %dma_wait3A_249 = tpu.memref_slice %arg8[%run_scoped3A_187, %dma_wait3A_247, %dma_wait3A_248] : memref<3x80x128xf32, #tpu.memory_space<vmem>> -> memref<1x80x128xf32, #tpu.memory_space<vmem>>
      %dma_wait3A_250 = tpu.memref_squeeze %dma_wait3A_249 : memref<1x80x128xf32, #tpu.memory_space<vmem>> -> memref<80x128xf32, #tpu.memory_space<vmem>>
      %dma_wait3A_251 = arith.constant 0 : i32
      %dma_wait3A_252 = tpu.memref_slice %arg7[%run_scoped3A_188, %dma_wait3A_251] : memref<3x80xi32, #tpu.memory_space<vmem>> -> memref<1x80xi32, #tpu.memory_space<vmem>>
      %dma_wait3A_253 = tpu.memref_squeeze %dma_wait3A_252 : memref<1x80xi32, #tpu.memory_space<vmem>> -> memref<80xi32, #tpu.memory_space<vmem>>
      %dma_wait3A_254 = arith.constant 0 : i32
      %dma_wait3A_255 = arith.constant 0 : i32
      %dma_wait3A_256 = tpu.memref_slice %arg9[%dma_wait3A_254, %dma_wait3A_255] : memref<10240x128xf32, #tpu.memory_space<vmem_shared>> -> memref<10240x128xf32, #tpu.memory_space<vmem_shared>>
      tpu.wait_indirect_dma semaphore(%run_scoped3A_236 : memref<!tpu.dma_semaphore, #tpu.memory_space<semaphore_mem>>) src(%dma_wait3A_250 : memref<80x128xf32, #tpu.memory_space<vmem>>) dst(%dma_wait3A_256 : memref<10240x128xf32, #tpu.memory_space<vmem_shared>>)
      tpu.yield
    }) : () -> ()
    %dma_wait3A_189 = arith.constant 0 : i32
    %dma_wait3A_190 = arith.constant 0 : i32
    %dma_wait3A_191 = arith.constant 0 : i32
    %dma_wait3A_192 = tpu.memref_slice %arg8[%dma_wait3A_189, %dma_wait3A_190, %dma_wait3A_191] : memref<3x80x128xf32, #tpu.memory_space<vmem>> -> memref<1x80x128xf32, #tpu.memory_space<vmem>>
    %dma_wait3A_193 = tpu.memref_squeeze %dma_wait3A_192 : memref<1x80x128xf32, #tpu.memory_space<vmem>> -> memref<80x128xf32, #tpu.memory_space<vmem>>
    %dma_wait3A_194 = arith.constant 0 : i32
    %dma_wait3A_195 = tpu.memref_slice %arg6[%dma_wait3A_194] : memref<10000xi32, #tpu.memory_space<vmem>> -> memref<80xi32, #tpu.memory_space<vmem>>
    %dma_wait3A_196 = arith.constant 0 : i32
    %dma_wait3A_197 = arith.constant 0 : i32
    %dma_wait3A_198 = tpu.memref_slice %arg2[%dma_wait3A_196, %dma_wait3A_197] : memref<10000x128xf32, #tpu.memory_space<hbm>> -> memref<10000x128xf32, #tpu.memory_space<hbm>>
    tpu.wait_indirect_dma semaphore(%arg10 : memref<!tpu.dma_semaphore, #tpu.memory_space<semaphore_mem>>) src(%dma_wait3A_198 : memref<10000x128xf32, #tpu.memory_space<hbm>>) dst(%dma_wait3A_193 : memref<80x128xf32, #tpu.memory_space<vmem>>)
    %dma_wait3A_199 = arith.constant 0 : i32
    %dma_wait3A_200 = arith.constant 0 : i32
    %dma_wait3A_201 = tpu.memref_slice %arg7[%dma_wait3A_199, %dma_wait3A_200] : memref<3x80xi32, #tpu.memory_space<vmem>> -> memref<1x80xi32, #tpu.memory_space<vmem>>
    %dma_wait3A_202 = tpu.memref_squeeze %dma_wait3A_201 : memref<1x80xi32, #tpu.memory_space<vmem>> -> memref<80xi32, #tpu.memory_space<vmem>>
    %dma_wait3A_203 = tpu.memref_slice %arg4[%mul3A_3] : memref<320000xi32, #tpu.memory_space<hbm>> -> memref<80xi32, #tpu.memory_space<hbm>>
    %dma_wait3A_204 = arith.constant 0 : i32
    %dma_wait3A_205 = tpu.memref_slice %arg7[%dma_wait3A_199, %dma_wait3A_204] : memref<3x80xi32, #tpu.memory_space<vmem>> -> memref<1x80xi32, #tpu.memory_space<vmem>>
    %dma_wait3A_206 = tpu.memref_squeeze %dma_wait3A_205 : memref<1x80xi32, #tpu.memory_space<vmem>> -> memref<80xi32, #tpu.memory_space<vmem>>
    %dma_wait3A_207 = tpu.memref_slice %arg4[%mul3A_3] : memref<320000xi32, #tpu.memory_space<hbm>> -> memref<80xi32, #tpu.memory_space<hbm>>
    tpu.wait_dma2 semaphore(%arg13 : memref<!tpu.dma_semaphore, #tpu.memory_space<semaphore_mem>>) src(%dma_wait3A_207 : memref<80xi32, #tpu.memory_space<hbm>>) dst(%dma_wait3A_206 : memref<80xi32, #tpu.memory_space<vmem>>)
    %run_scoped3A_208 = arith.constant 0 : i32
    %run_scoped3A_209 = arith.constant 0 : i32
    "tpu.region"() ({
      %run_scoped3A_236 = tpu.sem_alloc : memref<!tpu.dma_semaphore, #tpu.memory_space<semaphore_mem>>
      %dma_start3A_237 = arith.constant 0 : i32
      %dma_start3A_238 = arith.constant 0 : i32
      %dma_start3A_239 = tpu.memref_slice %arg8[%run_scoped3A_208, %dma_start3A_237, %dma_start3A_238] : memref<3x80x128xf32, #tpu.memory_space<vmem>> -> memref<1x80x128xf32, #tpu.memory_space<vmem>>
      %dma_start3A_240 = tpu.memref_squeeze %dma_start3A_239 : memref<1x80x128xf32, #tpu.memory_space<vmem>> -> memref<80x128xf32, #tpu.memory_space<vmem>>
      %dma_start3A_241 = arith.constant 0 : i32
      %dma_start3A_242 = tpu.memref_slice %arg7[%run_scoped3A_209, %dma_start3A_241] : memref<3x80xi32, #tpu.memory_space<vmem>> -> memref<1x80xi32, #tpu.memory_space<vmem>>
      %dma_start3A_243 = tpu.memref_squeeze %dma_start3A_242 : memref<1x80xi32, #tpu.memory_space<vmem>> -> memref<80xi32, #tpu.memory_space<vmem>>
      %dma_start3A_244 = arith.constant 0 : i32
      %dma_start3A_245 = arith.constant 0 : i32
      %dma_start3A_246 = tpu.memref_slice %arg9[%dma_start3A_244, %dma_start3A_245] : memref<10240x128xf32, #tpu.memory_space<vmem_shared>> -> memref<10240x128xf32, #tpu.memory_space<vmem_shared>>
      tpu.enqueue_indirect_dma source(%dma_start3A_240 : memref<80x128xf32, #tpu.memory_space<vmem>>) target(%dma_start3A_246 : memref<10240x128xf32, #tpu.memory_space<vmem_shared>>) offsets(%dma_start3A_243 : memref<80xi32, #tpu.memory_space<vmem>>) semaphore(%run_scoped3A_236 : memref<!tpu.dma_semaphore, #tpu.memory_space<semaphore_mem>>) {add = true}
      %dma_wait3A_247 = arith.constant 0 : i32
      %dma_wait3A_248 = arith.constant 0 : i32
      %dma_wait3A_249 = tpu.memref_slice %arg8[%run_scoped3A_208, %dma_wait3A_247, %dma_wait3A_248] : memref<3x80x128xf32, #tpu.memory_space<vmem>> -> memref<1x80x128xf32, #tpu.memory_space<vmem>>
      %dma_wait3A_250 = tpu.memref_squeeze %dma_wait3A_249 : memref<1x80x128xf32, #tpu.memory_space<vmem>> -> memref<80x128xf32, #tpu.memory_space<vmem>>
      %dma_wait3A_251 = arith.constant 0 : i32
      %dma_wait3A_252 = tpu.memref_slice %arg7[%run_scoped3A_209, %dma_wait3A_251] : memref<3x80xi32, #tpu.memory_space<vmem>> -> memref<1x80xi32, #tpu.memory_space<vmem>>
      %dma_wait3A_253 = tpu.memref_squeeze %dma_wait3A_252 : memref<1x80xi32, #tpu.memory_space<vmem>> -> memref<80xi32, #tpu.memory_space<vmem>>
      %dma_wait3A_254 = arith.constant 0 : i32
      %dma_wait3A_255 = arith.constant 0 : i32
      %dma_wait3A_256 = tpu.memref_slice %arg9[%dma_wait3A_254, %dma_wait3A_255] : memref<10240x128xf32, #tpu.memory_space<vmem_shared>> -> memref<10240x128xf32, #tpu.memory_space<vmem_shared>>
      tpu.wait_indirect_dma semaphore(%run_scoped3A_236 : memref<!tpu.dma_semaphore, #tpu.memory_space<semaphore_mem>>) src(%dma_wait3A_250 : memref<80x128xf32, #tpu.memory_space<vmem>>) dst(%dma_wait3A_256 : memref<10240x128xf32, #tpu.memory_space<vmem_shared>>)
      tpu.yield
    }) : () -> ()
    %dma_wait3A_210 = arith.constant 1 : i32
    %dma_wait3A_211 = arith.constant 0 : i32
    %dma_wait3A_212 = arith.constant 0 : i32
    %dma_wait3A_213 = tpu.memref_slice %arg8[%dma_wait3A_210, %dma_wait3A_211, %dma_wait3A_212] : memref<3x80x128xf32, #tpu.memory_space<vmem>> -> memref<1x80x128xf32, #tpu.memory_space<vmem>>
    %dma_wait3A_214 = tpu.memref_squeeze %dma_wait3A_213 : memref<1x80x128xf32, #tpu.memory_space<vmem>> -> memref<80x128xf32, #tpu.memory_space<vmem>>
    %dma_wait3A_215 = arith.constant 0 : i32
    %dma_wait3A_216 = tpu.memref_slice %arg6[%dma_wait3A_215] : memref<10000xi32, #tpu.memory_space<vmem>> -> memref<80xi32, #tpu.memory_space<vmem>>
    %dma_wait3A_217 = arith.constant 0 : i32
    %dma_wait3A_218 = arith.constant 0 : i32
    %dma_wait3A_219 = tpu.memref_slice %arg2[%dma_wait3A_217, %dma_wait3A_218] : memref<10000x128xf32, #tpu.memory_space<hbm>> -> memref<10000x128xf32, #tpu.memory_space<hbm>>
    tpu.wait_indirect_dma semaphore(%arg11 : memref<!tpu.dma_semaphore, #tpu.memory_space<semaphore_mem>>) src(%dma_wait3A_219 : memref<10000x128xf32, #tpu.memory_space<hbm>>) dst(%dma_wait3A_214 : memref<80x128xf32, #tpu.memory_space<vmem>>)
    %dma_wait3A_220 = arith.constant 1 : i32
    %dma_wait3A_221 = arith.constant 0 : i32
    %dma_wait3A_222 = tpu.memref_slice %arg7[%dma_wait3A_220, %dma_wait3A_221] : memref<3x80xi32, #tpu.memory_space<vmem>> -> memref<1x80xi32, #tpu.memory_space<vmem>>
    %dma_wait3A_223 = tpu.memref_squeeze %dma_wait3A_222 : memref<1x80xi32, #tpu.memory_space<vmem>> -> memref<80xi32, #tpu.memory_space<vmem>>
    %dma_wait3A_224 = tpu.memref_slice %arg4[%mul3A_3] : memref<320000xi32, #tpu.memory_space<hbm>> -> memref<80xi32, #tpu.memory_space<hbm>>
    %dma_wait3A_225 = arith.constant 0 : i32
    %dma_wait3A_226 = tpu.memref_slice %arg7[%dma_wait3A_220, %dma_wait3A_225] : memref<3x80xi32, #tpu.memory_space<vmem>> -> memref<1x80xi32, #tpu.memory_space<vmem>>
    %dma_wait3A_227 = tpu.memref_squeeze %dma_wait3A_226 : memref<1x80xi32, #tpu.memory_space<vmem>> -> memref<80xi32, #tpu.memory_space<vmem>>
    %dma_wait3A_228 = tpu.memref_slice %arg4[%mul3A_3] : memref<320000xi32, #tpu.memory_space<hbm>> -> memref<80xi32, #tpu.memory_space<hbm>>
    tpu.wait_dma2 semaphore(%arg14 : memref<!tpu.dma_semaphore, #tpu.memory_space<semaphore_mem>>) src(%dma_wait3A_228 : memref<80xi32, #tpu.memory_space<hbm>>) dst(%dma_wait3A_227 : memref<80xi32, #tpu.memory_space<vmem>>)
    %run_scoped3A_229 = arith.constant 1 : i32
    %run_scoped3A_230 = arith.constant 1 : i32
    "tpu.region"() ({
      %run_scoped3A_236 = tpu.sem_alloc : memref<!tpu.dma_semaphore, #tpu.memory_space<semaphore_mem>>
      %dma_start3A_237 = arith.constant 0 : i32
      %dma_start3A_238 = arith.constant 0 : i32
      %dma_start3A_239 = tpu.memref_slice %arg8[%run_scoped3A_229, %dma_start3A_237, %dma_start3A_238] : memref<3x80x128xf32, #tpu.memory_space<vmem>> -> memref<1x80x128xf32, #tpu.memory_space<vmem>>
      %dma_start3A_240 = tpu.memref_squeeze %dma_start3A_239 : memref<1x80x128xf32, #tpu.memory_space<vmem>> -> memref<80x128xf32, #tpu.memory_space<vmem>>
      %dma_start3A_241 = arith.constant 0 : i32
      %dma_start3A_242 = tpu.memref_slice %arg7[%run_scoped3A_230, %dma_start3A_241] : memref<3x80xi32, #tpu.memory_space<vmem>> -> memref<1x80xi32, #tpu.memory_space<vmem>>
      %dma_start3A_243 = tpu.memref_squeeze %dma_start3A_242 : memref<1x80xi32, #tpu.memory_space<vmem>> -> memref<80xi32, #tpu.memory_space<vmem>>
      %dma_start3A_244 = arith.constant 0 : i32
      %dma_start3A_245 = arith.constant 0 : i32
      %dma_start3A_246 = tpu.memref_slice %arg9[%dma_start3A_244, %dma_start3A_245] : memref<10240x128xf32, #tpu.memory_space<vmem_shared>> -> memref<10240x128xf32, #tpu.memory_space<vmem_shared>>
      tpu.enqueue_indirect_dma source(%dma_start3A_240 : memref<80x128xf32, #tpu.memory_space<vmem>>) target(%dma_start3A_246 : memref<10240x128xf32, #tpu.memory_space<vmem_shared>>) offsets(%dma_start3A_243 : memref<80xi32, #tpu.memory_space<vmem>>) semaphore(%run_scoped3A_236 : memref<!tpu.dma_semaphore, #tpu.memory_space<semaphore_mem>>) {add = true}
      %dma_wait3A_247 = arith.constant 0 : i32
      %dma_wait3A_248 = arith.constant 0 : i32
      %dma_wait3A_249 = tpu.memref_slice %arg8[%run_scoped3A_229, %dma_wait3A_247, %dma_wait3A_248] : memref<3x80x128xf32, #tpu.memory_space<vmem>> -> memref<1x80x128xf32, #tpu.memory_space<vmem>>
      %dma_wait3A_250 = tpu.memref_squeeze %dma_wait3A_249 : memref<1x80x128xf32, #tpu.memory_space<vmem>> -> memref<80x128xf32, #tpu.memory_space<vmem>>
      %dma_wait3A_251 = arith.constant 0 : i32
      %dma_wait3A_252 = tpu.memref_slice %arg7[%run_scoped3A_230, %dma_wait3A_251] : memref<3x80xi32, #tpu.memory_space<vmem>> -> memref<1x80xi32, #tpu.memory_space<vmem>>
      %dma_wait3A_253 = tpu.memref_squeeze %dma_wait3A_252 : memref<1x80xi32, #tpu.memory_space<vmem>> -> memref<80xi32, #tpu.memory_space<vmem>>
      %dma_wait3A_254 = arith.constant 0 : i32
      %dma_wait3A_255 = arith.constant 0 : i32
      %dma_wait3A_256 = tpu.memref_slice %arg9[%dma_wait3A_254, %dma_wait3A_255] : memref<10240x128xf32, #tpu.memory_space<vmem_shared>> -> memref<10240x128xf32, #tpu.memory_space<vmem_shared>>
      tpu.wait_indirect_dma semaphore(%run_scoped3A_236 : memref<!tpu.dma_semaphore, #tpu.memory_space<semaphore_mem>>) src(%dma_wait3A_250 : memref<80x128xf32, #tpu.memory_space<vmem>>) dst(%dma_wait3A_256 : memref<10240x128xf32, #tpu.memory_space<vmem_shared>>)
      tpu.yield
    }) : () -> ()
    %barrier3A_231 = arith.constant 0 : index
    tpu.barrier barrier_id(%barrier3A_231)
    %mul3A_232 = arith.constant 640 : i32
    %mul3A_233 = arith.muli %arg1, %mul3A_232 : i32
    %mul3A_234 = arith.constant 640 : i32
    %mul3A_235 = arith.muli %arg1, %mul3A_234 : i32
    "tpu.region"() ({
      %run_scoped3A_236 = tpu.sem_alloc : memref<!tpu.dma_semaphore, #tpu.memory_space<semaphore_mem>>
      %dma_start3A_237 = arith.constant 0 : i32
      %dma_start3A_238 = tpu.memref_slice %arg5[%arg0, %mul3A_235, %dma_start3A_237] : memref<2x10240x128xf32, #tpu.memory_space<hbm>> -> memref<1x640x128xf32, #tpu.memory_space<hbm>>
      %dma_start3A_239 = tpu.memref_squeeze %dma_start3A_238 : memref<1x640x128xf32, #tpu.memory_space<hbm>> -> memref<640x128xf32, #tpu.memory_space<hbm>>
      %dma_start3A_240 = arith.constant 0 : i32
      %dma_start3A_241 = tpu.memref_slice %arg9[%mul3A_233, %dma_start3A_240] : memref<10240x128xf32, #tpu.memory_space<vmem_shared>> -> memref<640x128xf32, #tpu.memory_space<vmem_shared>>
      tpu.enqueue_dma source(%dma_start3A_241 : memref<640x128xf32, #tpu.memory_space<vmem_shared>>) target(%dma_start3A_239 : memref<640x128xf32, #tpu.memory_space<hbm>>) target_semaphore(%run_scoped3A_236 : memref<!tpu.dma_semaphore, #tpu.memory_space<semaphore_mem>>)
      %dma_wait3A_242 = arith.constant 0 : i32
      %dma_wait3A_243 = tpu.memref_slice %arg5[%arg0, %mul3A_235, %dma_wait3A_242] : memref<2x10240x128xf32, #tpu.memory_space<hbm>> -> memref<1x640x128xf32, #tpu.memory_space<hbm>>
      %dma_wait3A_244 = tpu.memref_squeeze %dma_wait3A_243 : memref<1x640x128xf32, #tpu.memory_space<hbm>> -> memref<640x128xf32, #tpu.memory_space<hbm>>
      %dma_wait3A_245 = arith.constant 0 : i32
      %dma_wait3A_246 = tpu.memref_slice %arg9[%mul3A_233, %dma_wait3A_245] : memref<10240x128xf32, #tpu.memory_space<vmem_shared>> -> memref<640x128xf32, #tpu.memory_space<vmem_shared>>
      tpu.wait_dma2 semaphore(%run_scoped3A_236 : memref<!tpu.dma_semaphore, #tpu.memory_space<semaphore_mem>>) src(%dma_wait3A_246 : memref<640x128xf32, #tpu.memory_space<vmem_shared>>) dst(%dma_wait3A_244 : memref<640x128xf32, #tpu.memory_space<hbm>>)
      tpu.yield
    }) : () -> ()
    return
  }
}

#map = affine_map<(d0, d1) -> (0, 0)>
#map1 = affine_map<(d0, d1) -> (0)>
#map2 = affine_map<(d0, d1) -> (0, 0, 0)>
module attributes {stable_mosaic.version = 14 : i64} {
  func.func @_spmv_body(%arg0: i32, %arg1: i32, %arg2: memref<10000x128xf32, #tpu.memory_space<hbm>>, %arg3: memref<320000xi32, #tpu.memory_space<hbm>>, %arg4: memref<320000xi32, #tpu.memory_space<hbm>>, %arg5: memref<2x10240x128xf32, #tpu.memory_space<hbm>>, %arg6: memref<10000xi32, #tpu.memory_space<vmem>>, %arg7: memref<3x80xi32, #tpu.memory_space<vmem>>, %arg8: memref<3x80x128xf32, #tpu.memory_space<vmem>>, %arg9: memref<10240x128xf32, #tpu.memory_space<vmem_shared>>, %arg10: memref<!tpu.dma_semaphore, #tpu.memory_space<semaphore_mem>>, %arg11: memref<!tpu.dma_semaphore, #tpu.memory_space<semaphore_mem>>, %arg12: memref<!tpu.dma_semaphore, #tpu.memory_space<semaphore_mem>>, %arg13: memref<!tpu.dma_semaphore, #tpu.memory_space<semaphore_mem>>, %arg14: memref<!tpu.dma_semaphore, #tpu.memory_space<semaphore_mem>>, %arg15: memref<!tpu.dma_semaphore, #tpu.memory_space<semaphore_mem>>) attributes {dimension_semantics = [#tpu.dimension_semantics<core_parallel>, #tpu.dimension_semantics<subcore_parallel>], iteration_bounds = array<i64: 2, 16>, scalar_prefetch = 0 : i64, scratch_operands = 10 : i64, tpu.core_type = #tpu.core_type<sc_vector_subcore>, window_params = [{transform_indices = #map}, {transform_indices = #map1}, {transform_indices = #map1}, {transform_indices = #map2}]} {
    %mul3A = arith.constant 2 : i32
    %mul3A_0 = arith.muli %arg1, %mul3A : i32
    %add3A = arith.addi %mul3A_0, %arg0 : i32
    %broadcast_in_dim3A = arith.constant 0.000000e+00 : f32
    %broadcast_in_dim3A_1 = vector.broadcast %broadcast_in_dim3A : f32 to vector<16xf32>
    %mul3A_2 = arith.constant 10000 : i32
    %mul3A_3 = arith.muli %add3A, %mul3A_2 : i32
    "tpu.region"() ({
      %run_scoped3A_236 = tpu.sem_alloc : memref<!tpu.dma_semaphore, #tpu.memory_space<semaphore_mem>>
      %dma_start3A_237 = tpu.memref_slice %arg3[%mul3A_3] : memref<320000xi32, #tpu.memory_space<hbm>> -> memref<10000xi32, #tpu.memory_space<hbm>>
      %dma_start3A_238 = tpu.memref_slice %arg3[%mul3A_3] : memref<320000xi32, #tpu.memory_space<hbm>> -> memref<10000xi32, #tpu.memory_space<hbm>>
      tpu.enqueue_dma source(%dma_start3A_238 : memref<10000xi32, #tpu.memory_space<hbm>>) target(%arg6 : memref<10000xi32, #tpu.memory_space<vmem>>) target_semaphore(%run_scoped3A_236 : memref<!tpu.dma_semaphore, #tpu.memory_space<semaphore_mem>>)
      %dma_wait3A_239 = tpu.memref_slice %arg3[%mul3A_3] : memref<320000xi32, #tpu.memory_space<hbm>> -> memref<10000xi32, #tpu.memory_space<hbm>>
      %dma_wait3A_240 = tpu.memref_slice %arg3[%mul3A_3] : memref<320000xi32, #tpu.memory_space<hbm>> -> memref<10000xi32, #tpu.memory_space<hbm>>
      tpu.wait_dma2 semaphore(%run_scoped3A_236 : memref<!tpu.dma_semaphore, #tpu.memory_space<semaphore_mem>>) src(%dma_wait3A_240 : memref<10000xi32, #tpu.memory_space<hbm>>) dst(%arg6 : memref<10000xi32, #tpu.memory_space<vmem>>)
      tpu.yield
    }) : () -> ()
    %scan3A = arith.constant 0 : i32
    %scan3A_4 = arith.constant 0 : i32
    %scan3A_5 = arith.constant 80 : i32
    %scan3A_6 = arith.addi %scan3A_4, %scan3A_5 : i32
    %scan3A_7 = arith.constant 1 : i32
    %scan3A_8 = scf.for %scan3A_236 = %scan3A_4 to %scan3A_6 step %scan3A_7 iter_args(%scan3A_237 = %scan3A) -> (i32)  : i32 {
      %swap3A = arith.constant 0 : i32
      %swap3A_238 = arith.index_cast %swap3A : i32 to index
      %swap3A_239 = arith.index_cast %scan3A_236 : i32 to index
      %swap3A_240 = arith.constant 0 : index
      %swap3A_241 = tpu.vector_load %arg8[%swap3A_238, %swap3A_239, %swap3A_240] {strides = array<i32>} : memref<3x80x128xf32, #tpu.memory_space<vmem>>, vector<1x1x16xf32>,
      %swap3A_242 = vector.shape_cast %swap3A_241 : vector<1x1x16xf32> to vector<16xf32>
      %swap3A_243 = vector.shape_cast %broadcast_in_dim3A_1 : vector<16xf32> to vector<1x1x16xf32>
      tpu.vector_store %arg8[%swap3A_238, %swap3A_239, %swap3A_240], %swap3A_243 {strides = array<i32>} : memref<3x80x128xf32, #tpu.memory_space<vmem>>, vector<1x1x16xf32>,
      %swap3A_244 = arith.constant 0 : i32
      %swap3A_245 = arith.index_cast %swap3A_244 : i32 to index
      %swap3A_246 = arith.index_cast %scan3A_236 : i32 to index
      %swap3A_247 = arith.constant 16 : index
      %swap3A_248 = tpu.vector_load %arg8[%swap3A_245, %swap3A_246, %swap3A_247] {strides = array<i32>} : memref<3x80x128xf32, #tpu.memory_space<vmem>>, vector<1x1x16xf32>,
      %swap3A_249 = vector.shape_cast %swap3A_248 : vector<1x1x16xf32> to vector<16xf32>
      %swap3A_250 = vector.shape_cast %broadcast_in_dim3A_1 : vector<16xf32> to vector<1x1x16xf32>
      tpu.vector_store %arg8[%swap3A_245, %swap3A_246, %swap3A_247], %swap3A_250 {strides = array<i32>} : memref<3x80x128xf32, #tpu.memory_space<vmem>>, vector<1x1x16xf32>,
      %swap3A_251 = arith.constant 0 : i32
      %swap3A_252 = arith.index_cast %swap3A_251 : i32 to index
      %swap3A_253 = arith.index_cast %scan3A_236 : i32 to index
      %swap3A_254 = arith.constant 32 : index
      %swap3A_255 = tpu.vector_load %arg8[%swap3A_252, %swap3A_253, %swap3A_254] {strides = array<i32>} : memref<3x80x128xf32, #tpu.memory_space<vmem>>, vector<1x1x16xf32>,
      %swap3A_256 = vector.shape_cast %swap3A_255 : vector<1x1x16xf32> to vector<16xf32>
      %swap3A_257 = vector.shape_cast %broadcast_in_dim3A_1 : vector<16xf32> to vector<1x1x16xf32>
      tpu.vector_store %arg8[%swap3A_252, %swap3A_253, %swap3A_254], %swap3A_257 {strides = array<i32>} : memref<3x80x128xf32, #tpu.memory_space<vmem>>, vector<1x1x16xf32>,
      %swap3A_258 = arith.constant 0 : i32
      %swap3A_259 = arith.index_cast %swap3A_258 : i32 to index
      %swap3A_260 = arith.index_cast %scan3A_236 : i32 to index
      %swap3A_261 = arith.constant 48 : index
      %swap3A_262 = tpu.vector_load %arg8[%swap3A_259, %swap3A_260, %swap3A_261] {strides = array<i32>} : memref<3x80x128xf32, #tpu.memory_space<vmem>>, vector<1x1x16xf32>,
      %swap3A_263 = vector.shape_cast %swap3A_262 : vector<1x1x16xf32> to vector<16xf32>
      %swap3A_264 = vector.shape_cast %broadcast_in_dim3A_1 : vector<16xf32> to vector<1x1x16xf32>
      tpu.vector_store %arg8[%swap3A_259, %swap3A_260, %swap3A_261], %swap3A_264 {strides = array<i32>} : memref<3x80x128xf32, #tpu.memory_space<vmem>>, vector<1x1x16xf32>,
      %swap3A_265 = arith.constant 0 : i32
      %swap3A_266 = arith.index_cast %swap3A_265 : i32 to index
      %swap3A_267 = arith.index_cast %scan3A_236 : i32 to index
      %swap3A_268 = arith.constant 64 : index
      %swap3A_269 = tpu.vector_load %arg8[%swap3A_266, %swap3A_267, %swap3A_268] {strides = array<i32>} : memref<3x80x128xf32, #tpu.memory_space<vmem>>, vector<1x1x16xf32>,
      %swap3A_270 = vector.shape_cast %swap3A_269 : vector<1x1x16xf32> to vector<16xf32>
      %swap3A_271 = vector.shape_cast %broadcast_in_dim3A_1 : vector<16xf32> to vector<1x1x16xf32>
      tpu.vector_store %arg8[%swap3A_266, %swap3A_267, %swap3A_268], %swap3A_271 {strides = array<i32>} : memref<3x80x128xf32, #tpu.memory_space<vmem>>, vector<1x1x16xf32>,
      %swap3A_272 = arith.constant 0 : i32
      %swap3A_273 = arith.index_cast %swap3A_272 : i32 to index
      %swap3A_274 = arith.index_cast %scan3A_236 : i32 to index
      %swap3A_275 = arith.constant 80 : index
      %swap3A_276 = tpu.vector_load %arg8[%swap3A_273, %swap3A_274, %swap3A_275] {strides = array<i32>} : memref<3x80x128xf32, #tpu.memory_space<vmem>>, vector<1x1x16xf32>,
      %swap3A_277 = vector.shape_cast %swap3A_276 : vector<1x1x16xf32> to vector<16xf32>
      %swap3A_278 = vector.shape_cast %broadcast_in_dim3A_1 : vector<16xf32> to vector<1x1x16xf32>
      tpu.vector_store %arg8[%swap3A_273, %swap3A_274, %swap3A_275], %swap3A_278 {strides = array<i32>} : memref<3x80x128xf32, #tpu.memory_space<vmem>>, vector<1x1x16xf32>,
      %swap3A_279 = arith.constant 0 : i32
      %swap3A_280 = arith.index_cast %swap3A_279 : i32 to index
      %swap3A_281 = arith.index_cast %scan3A_236 : i32 to index
      %swap3A_282 = arith.constant 96 : index
      %swap3A_283 = tpu.vector_load %arg8[%swap3A_280, %swap3A_281, %swap3A_282] {strides = array<i32>} : memref<3x80x128xf32, #tpu.memory_space<vmem>>, vector<1x1x16xf32>,
      %swap3A_284 = vector.shape_cast %swap3A_283 : vector<1x1x16xf32> to vector<16xf32>
      %swap3A_285 = vector.shape_cast %broadcast_in_dim3A_1 : vector<16xf32> to vector<1x1x16xf32>
      tpu.vector_store %arg8[%swap3A_280, %swap3A_281, %swap3A_282], %swap3A_285 {strides = array<i32>} : memref<3x80x128xf32, #tpu.memory_space<vmem>>, vector<1x1x16xf32>,
      %swap3A_286 = arith.constant 0 : i32
      %swap3A_287 = arith.index_cast %swap3A_286 : i32 to index
      %swap3A_288 = arith.index_cast %scan3A_236 : i32 to index
      %swap3A_289 = arith.constant 112 : index
      %swap3A_290 = tpu.vector_load %arg8[%swap3A_287, %swap3A_288, %swap3A_289] {strides = array<i32>} : memref<3x80x128xf32, #tpu.memory_space<vmem>>, vector<1x1x16xf32>,
      %swap3A_291 = vector.shape_cast %swap3A_290 : vector<1x1x16xf32> to vector<16xf32>
      %swap3A_292 = vector.shape_cast %broadcast_in_dim3A_1 : vector<16xf32> to vector<1x1x16xf32>
      tpu.vector_store %arg8[%swap3A_287, %swap3A_288, %swap3A_289], %swap3A_292 {strides = array<i32>} : memref<3x80x128xf32, #tpu.memory_space<vmem>>, vector<1x1x16xf32>,
      %swap3A_293 = arith.constant 1 : i32
      %swap3A_294 = arith.index_cast %swap3A_293 : i32 to index
      %swap3A_295 = arith.index_cast %scan3A_236 : i32 to index
      %swap3A_296 = arith.constant 0 : index
      %swap3A_297 = tpu.vector_load %arg8[%swap3A_294, %swap3A_295, %swap3A_296] {strides = array<i32>} : memref<3x80x128xf32, #tpu.memory_space<vmem>>, vector<1x1x16xf32>,
      %swap3A_298 = vector.shape_cast %swap3A_297 : vector<1x1x16xf32> to vector<16xf32>
      %swap3A_299 = vector.shape_cast %broadcast_in_dim3A_1 : vector<16xf32> to vector<1x1x16xf32>
      tpu.vector_store %arg8[%swap3A_294, %swap3A_295, %swap3A_296], %swap3A_299 {strides = array<i32>} : memref<3x80x128xf32, #tpu.memory_space<vmem>>, vector<1x1x16xf32>,
      %swap3A_300 = arith.constant 1 : i32
      %swap3A_301 = arith.index_cast %swap3A_300 : i32 to index
      %swap3A_302 = arith.index_cast %scan3A_236 : i32 to index
      %swap3A_303 = arith.constant 16 : index
      %swap3A_304 = tpu.vector_load %arg8[%swap3A_301, %swap3A_302, %swap3A_303] {strides = array<i32>} : memref<3x80x128xf32, #tpu.memory_space<vmem>>, vector<1x1x16xf32>,
      %swap3A_305 = vector.shape_cast %swap3A_304 : vector<1x1x16xf32> to vector<16xf32>
      %swap3A_306 = vector.shape_cast %broadcast_in_dim3A_1 : vector<16xf32> to vector<1x1x16xf32>
      tpu.vector_store %arg8[%swap3A_301, %swap3A_302, %swap3A_303], %swap3A_306 {strides = array<i32>} : memref<3x80x128xf32, #tpu.memory_space<vmem>>, vector<1x1x16xf32>,
      %swap3A_307 = arith.constant 1 : i32
      %swap3A_308 = arith.index_cast %swap3A_307 : i32 to index
      %swap3A_309 = arith.index_cast %scan3A_236 : i32 to index
      %swap3A_310 = arith.constant 32 : index
      %swap3A_311 = tpu.vector_load %arg8[%swap3A_308, %swap3A_309, %swap3A_310] {strides = array<i32>} : memref<3x80x128xf32, #tpu.memory_space<vmem>>, vector<1x1x16xf32>,
      %swap3A_312 = vector.shape_cast %swap3A_311 : vector<1x1x16xf32> to vector<16xf32>
      %swap3A_313 = vector.shape_cast %broadcast_in_dim3A_1 : vector<16xf32> to vector<1x1x16xf32>
      tpu.vector_store %arg8[%swap3A_308, %swap3A_309, %swap3A_310], %swap3A_313 {strides = array<i32>} : memref<3x80x128xf32, #tpu.memory_space<vmem>>, vector<1x1x16xf32>,
      %swap3A_314 = arith.constant 1 : i32
      %swap3A_315 = arith.index_cast %swap3A_314 : i32 to index
      %swap3A_316 = arith.index_cast %scan3A_236 : i32 to index
      %swap3A_317 = arith.constant 48 : index
      %swap3A_318 = tpu.vector_load %arg8[%swap3A_315, %swap3A_316, %swap3A_317] {strides = array<i32>} : memref<3x80x128xf32, #tpu.memory_space<vmem>>, vector<1x1x16xf32>,
      %swap3A_319 = vector.shape_cast %swap3A_318 : vector<1x1x16xf32> to vector<16xf32>
      %swap3A_320 = vector.shape_cast %broadcast_in_dim3A_1 : vector<16xf32> to vector<1x1x16xf32>
      tpu.vector_store %arg8[%swap3A_315, %swap3A_316, %swap3A_317], %swap3A_320 {strides = array<i32>} : memref<3x80x128xf32, #tpu.memory_space<vmem>>, vector<1x1x16xf32>,
      %swap3A_321 = arith.constant 1 : i32
      %swap3A_322 = arith.index_cast %swap3A_321 : i32 to index
      %swap3A_323 = arith.index_cast %scan3A_236 : i32 to index
      %swap3A_324 = arith.constant 64 : index
      %swap3A_325 = tpu.vector_load %arg8[%swap3A_322, %swap3A_323, %swap3A_324] {strides = array<i32>} : memref<3x80x128xf32, #tpu.memory_space<vmem>>, vector<1x1x16xf32>,
      %swap3A_326 = vector.shape_cast %swap3A_325 : vector<1x1x16xf32> to vector<16xf32>
      %swap3A_327 = vector.shape_cast %broadcast_in_dim3A_1 : vector<16xf32> to vector<1x1x16xf32>
      tpu.vector_store %arg8[%swap3A_322, %swap3A_323, %swap3A_324], %swap3A_327 {strides = array<i32>} : memref<3x80x128xf32, #tpu.memory_space<vmem>>, vector<1x1x16xf32>,
      %swap3A_328 = arith.constant 1 : i32
      %swap3A_329 = arith.index_cast %swap3A_328 : i32 to index
      %swap3A_330 = arith.index_cast %scan3A_236 : i32 to index
      %swap3A_331 = arith.constant 80 : index
      %swap3A_332 = tpu.vector_load %arg8[%swap3A_329, %swap3A_330, %swap3A_331] {strides = array<i32>} : memref<3x80x128xf32, #tpu.memory_space<vmem>>, vector<1x1x16xf32>,
      %swap3A_333 = vector.shape_cast %swap3A_332 : vector<1x1x16xf32> to vector<16xf32>
      %swap3A_334 = vector.shape_cast %broadcast_in_dim3A_1 : vector<16xf32> to vector<1x1x16xf32>
      tpu.vector_store %arg8[%swap3A_329, %swap3A_330, %swap3A_331], %swap3A_334 {strides = array<i32>} : memref<3x80x128xf32, #tpu.memory_space<vmem>>, vector<1x1x16xf32>,
      %swap3A_335 = arith.constant 1 : i32
      %swap3A_336 = arith.index_cast %swap3A_335 : i32 to index
      %swap3A_337 = arith.index_cast %scan3A_236 : i32 to index
      %swap3A_338 = arith.constant 96 : index
      %swap3A_339 = tpu.vector_load %arg8[%swap3A_336, %swap3A_337, %swap3A_338] {strides = array<i32>} : memref<3x80x128xf32, #tpu.memory_space<vmem>>, vector<1x1x16xf32>,
      %swap3A_340 = vector.shape_cast %swap3A_339 : vector<1x1x16xf32> to vector<16xf32>
      %swap3A_341 = vector.shape_cast %broadcast_in_dim3A_1 : vector<16xf32> to vector<1x1x16xf32>
      tpu.vector_store %arg8[%swap3A_336, %swap3A_337, %swap3A_338], %swap3A_341 {strides = array<i32>} : memref<3x80x128xf32, #tpu.memory_space<vmem>>, vector<1x1x16xf32>,
      %swap3A_342 = arith.constant 1 : i32
      %swap3A_343 = arith.index_cast %swap3A_342 : i32 to index
      %swap3A_344 = arith.index_cast %scan3A_236 : i32 to index
      %swap3A_345 = arith.constant 112 : index
      %swap3A_346 = tpu.vector_load %arg8[%swap3A_343, %swap3A_344, %swap3A_345] {strides = array<i32>} : memref<3x80x128xf32, #tpu.memory_space<vmem>>, vector<1x1x16xf32>,
      %swap3A_347 = vector.shape_cast %swap3A_346 : vector<1x1x16xf32> to vector<16xf32>
      %swap3A_348 = vector.shape_cast %broadcast_in_dim3A_1 : vector<16xf32> to vector<1x1x16xf32>
      tpu.vector_store %arg8[%swap3A_343, %swap3A_344, %swap3A_345], %swap3A_348 {strides = array<i32>} : memref<3x80x128xf32, #tpu.memory_space<vmem>>, vector<1x1x16xf32>,
      %swap3A_349 = arith.constant 2 : i32
      %swap3A_350 = arith.index_cast %swap3A_349 : i32 to index
      %swap3A_351 = arith.index_cast %scan3A_236 : i32 to index
      %swap3A_352 = arith.constant 0 : index
      %swap3A_353 = tpu.vector_load %arg8[%swap3A_350, %swap3A_351, %swap3A_352] {strides = array<i32>} : memref<3x80x128xf32, #tpu.memory_space<vmem>>, vector<1x1x16xf32>,
      %swap3A_354 = vector.shape_cast %swap3A_353 : vector<1x1x16xf32> to vector<16xf32>
      %swap3A_355 = vector.shape_cast %broadcast_in_dim3A_1 : vector<16xf32> to vector<1x1x16xf32>
      tpu.vector_store %arg8[%swap3A_350, %swap3A_351, %swap3A_352], %swap3A_355 {strides = array<i32>} : memref<3x80x128xf32, #tpu.memory_space<vmem>>, vector<1x1x16xf32>,
      %swap3A_356 = arith.constant 2 : i32
      %swap3A_357 = arith.index_cast %swap3A_356 : i32 to index
      %swap3A_358 = arith.index_cast %scan3A_236 : i32 to index
      %swap3A_359 = arith.constant 16 : index
      %swap3A_360 = tpu.vector_load %arg8[%swap3A_357, %swap3A_358, %swap3A_359] {strides = array<i32>} : memref<3x80x128xf32, #tpu.memory_space<vmem>>, vector<1x1x16xf32>,
      %swap3A_361 = vector.shape_cast %swap3A_360 : vector<1x1x16xf32> to vector<16xf32>
      %swap3A_362 = vector.shape_cast %broadcast_in_dim3A_1 : vector<16xf32> to vector<1x1x16xf32>
      tpu.vector_store %arg8[%swap3A_357, %swap3A_358, %swap3A_359], %swap3A_362 {strides = array<i32>} : memref<3x80x128xf32, #tpu.memory_space<vmem>>, vector<1x1x16xf32>,
      %swap3A_363 = arith.constant 2 : i32
      %swap3A_364 = arith.index_cast %swap3A_363 : i32 to index
      %swap3A_365 = arith.index_cast %scan3A_236 : i32 to index
      %swap3A_366 = arith.constant 32 : index
      %swap3A_367 = tpu.vector_load %arg8[%swap3A_364, %swap3A_365, %swap3A_366] {strides = array<i32>} : memref<3x80x128xf32, #tpu.memory_space<vmem>>, vector<1x1x16xf32>,
      %swap3A_368 = vector.shape_cast %swap3A_367 : vector<1x1x16xf32> to vector<16xf32>
      %swap3A_369 = vector.shape_cast %broadcast_in_dim3A_1 : vector<16xf32> to vector<1x1x16xf32>
      tpu.vector_store %arg8[%swap3A_364, %swap3A_365, %swap3A_366], %swap3A_369 {strides = array<i32>} : memref<3x80x128xf32, #tpu.memory_space<vmem>>, vector<1x1x16xf32>,
      %swap3A_370 = arith.constant 2 : i32
      %swap3A_371 = arith.index_cast %swap3A_370 : i32 to index
      %swap3A_372 = arith.index_cast %scan3A_236 : i32 to index
      %swap3A_373 = arith.constant 48 : index
      %swap3A_374 = tpu.vector_load %arg8[%swap3A_371, %swap3A_372, %swap3A_373] {strides = array<i32>} : memref<3x80x128xf32, #tpu.memory_space<vmem>>, vector<1x1x16xf32>,
      %swap3A_375 = vector.shape_cast %swap3A_374 : vector<1x1x16xf32> to vector<16xf32>
      %swap3A_376 = vector.shape_cast %broadcast_in_dim3A_1 : vector<16xf32> to vector<1x1x16xf32>
      tpu.vector_store %arg8[%swap3A_371, %swap3A_372, %swap3A_373], %swap3A_376 {strides = array<i32>} : memref<3x80x128xf32, #tpu.memory_space<vmem>>, vector<1x1x16xf32>,
      %swap3A_377 = arith.constant 2 : i32
      %swap3A_378 = arith.index_cast %swap3A_377 : i32 to index
      %swap3A_379 = arith.index_cast %scan3A_236 : i32 to index
      %swap3A_380 = arith.constant 64 : index
      %swap3A_381 = tpu.vector_load %arg8[%swap3A_378, %swap3A_379, %swap3A_380] {strides = array<i32>} : memref<3x80x128xf32, #tpu.memory_space<vmem>>, vector<1x1x16xf32>,
      %swap3A_382 = vector.shape_cast %swap3A_381 : vector<1x1x16xf32> to vector<16xf32>
      %swap3A_383 = vector.shape_cast %broadcast_in_dim3A_1 : vector<16xf32> to vector<1x1x16xf32>
      tpu.vector_store %arg8[%swap3A_378, %swap3A_379, %swap3A_380], %swap3A_383 {strides = array<i32>} : memref<3x80x128xf32, #tpu.memory_space<vmem>>, vector<1x1x16xf32>,
      %swap3A_384 = arith.constant 2 : i32
      %swap3A_385 = arith.index_cast %swap3A_384 : i32 to index
      %swap3A_386 = arith.index_cast %scan3A_236 : i32 to index
      %swap3A_387 = arith.constant 80 : index
      %swap3A_388 = tpu.vector_load %arg8[%swap3A_385, %swap3A_386, %swap3A_387] {strides = array<i32>} : memref<3x80x128xf32, #tpu.memory_space<vmem>>, vector<1x1x16xf32>,
      %swap3A_389 = vector.shape_cast %swap3A_388 : vector<1x1x16xf32> to vector<16xf32>
      %swap3A_390 = vector.shape_cast %broadcast_in_dim3A_1 : vector<16xf32> to vector<1x1x16xf32>
      tpu.vector_store %arg8[%swap3A_385, %swap3A_386, %swap3A_387], %swap3A_390 {strides = array<i32>} : memref<3x80x128xf32, #tpu.memory_space<vmem>>, vector<1x1x16xf32>,
      %swap3A_391 = arith.constant 2 : i32
      %swap3A_392 = arith.index_cast %swap3A_391 : i32 to index
      %swap3A_393 = arith.index_cast %scan3A_236 : i32 to index
      %swap3A_394 = arith.constant 96 : index
      %swap3A_395 = tpu.vector_load %arg8[%swap3A_392, %swap3A_393, %swap3A_394] {strides = array<i32>} : memref<3x80x128xf32, #tpu.memory_space<vmem>>, vector<1x1x16xf32>,
      %swap3A_396 = vector.shape_cast %swap3A_395 : vector<1x1x16xf32> to vector<16xf32>
      %swap3A_397 = vector.shape_cast %broadcast_in_dim3A_1 : vector<16xf32> to vector<1x1x16xf32>
      tpu.vector_store %arg8[%swap3A_392, %swap3A_393, %swap3A_394], %swap3A_397 {strides = array<i32>} : memref<3x80x128xf32, #tpu.memory_space<vmem>>, vector<1x1x16xf32>,
      %swap3A_398 = arith.constant 2 : i32
      %swap3A_399 = arith.index_cast %swap3A_398 : i32 to index
      %swap3A_400 = arith.index_cast %scan3A_236 : i32 to index
      %swap3A_401 = arith.constant 112 : index
      %swap3A_402 = tpu.vector_load %arg8[%swap3A_399, %swap3A_400, %swap3A_401] {strides = array<i32>} : memref<3x80x128xf32, #tpu.memory_space<vmem>>, vector<1x1x16xf32>,
      %swap3A_403 = vector.shape_cast %swap3A_402 : vector<1x1x16xf32> to vector<16xf32>
      %swap3A_404 = vector.shape_cast %broadcast_in_dim3A_1 : vector<16xf32> to vector<1x1x16xf32>
      tpu.vector_store %arg8[%swap3A_399, %swap3A_400, %swap3A_401], %swap3A_404 {strides = array<i32>} : memref<3x80x128xf32, #tpu.memory_space<vmem>>, vector<1x1x16xf32>,
      %scan3A_405 = arith.constant 0 : i32
      scf.yield %scan3A_405 : i32
    }
    %scan3A_9 = arith.constant 80 : i32
    %scan3A_10 = arith.constant 0 : i32
    %scan3A_11 = arith.constant 0 : i32
    %scan3A_12 = arith.constant 8 : i32
    %scan3A_13 = arith.addi %scan3A_11, %scan3A_12 : i32
    %scan3A_14 = arith.constant 1 : i32
    %scan3A_15 = scf.for %scan3A_236 = %scan3A_11 to %scan3A_13 step %scan3A_14 iter_args(%scan3A_237 = %scan3A_10) -> (i32)  : i32 {
      %mul3A_238 = arith.constant 640 : i32
      %mul3A_239 = arith.muli %arg1, %mul3A_238 : i32
      %mul3A_240 = arith.constant 80 : i32
      %mul3A_241 = arith.muli %scan3A_236, %mul3A_240 : i32
      %add3A_242 = arith.addi %mul3A_239, %mul3A_241 : i32
      %run_scoped3A_243 = arith.constant 0 : i32
      "tpu.region"() ({
        %run_scoped3A_245 = tpu.sem_alloc : memref<!tpu.dma_semaphore, #tpu.memory_space<semaphore_mem>>
        %dma_start3A_246 = arith.constant 0 : i32
        %dma_start3A_247 = arith.constant 0 : i32
        %dma_start3A_248 = tpu.memref_slice %arg8[%run_scoped3A_243, %dma_start3A_246, %dma_start3A_247] : memref<3x80x128xf32, #tpu.memory_space<vmem>> -> memref<1x80x128xf32, #tpu.memory_space<vmem>>
        %dma_start3A_249 = tpu.memref_squeeze %dma_start3A_248 : memref<1x80x128xf32, #tpu.memory_space<vmem>> -> memref<80x128xf32, #tpu.memory_space<vmem>>
        %dma_start3A_250 = arith.constant 0 : i32
        %dma_start3A_251 = tpu.memref_slice %arg9[%add3A_242, %dma_start3A_250] : memref<10240x128xf32, #tpu.memory_space<vmem_shared>> -> memref<80x128xf32, #tpu.memory_space<vmem_shared>>
        %dma_start3A_252 = arith.constant 0 : i32
        %dma_start3A_253 = tpu.memref_slice %arg9[%add3A_242, %dma_start3A_252] : memref<10240x128xf32, #tpu.memory_space<vmem_shared>> -> memref<80x128xf32, #tpu.memory_space<vmem_shared>>
        %dma_start3A_254 = arith.constant 0 : i32
        %dma_start3A_255 = arith.constant 0 : i32
        %dma_start3A_256 = tpu.memref_slice %arg8[%run_scoped3A_243, %dma_start3A_254, %dma_start3A_255] : memref<3x80x128xf32, #tpu.memory_space<vmem>> -> memref<1x80x128xf32, #tpu.memory_space<vmem>>
        %dma_start3A_257 = tpu.memref_squeeze %dma_start3A_256 : memref<1x80x128xf32, #tpu.memory_space<vmem>> -> memref<80x128xf32, #tpu.memory_space<vmem>>
        tpu.enqueue_dma source(%dma_start3A_257 : memref<80x128xf32, #tpu.memory_space<vmem>>) target(%dma_start3A_253 : memref<80x128xf32, #tpu.memory_space<vmem_shared>>) target_semaphore(%run_scoped3A_245 : memref<!tpu.dma_semaphore, #tpu.memory_space<semaphore_mem>>)
        %dma_wait3A_258 = arith.constant 0 : i32
        %dma_wait3A_259 = arith.constant 0 : i32
        %dma_wait3A_260 = tpu.memref_slice %arg8[%run_scoped3A_243, %dma_wait3A_258, %dma_wait3A_259] : memref<3x80x128xf32, #tpu.memory_space<vmem>> -> memref<1x80x128xf32, #tpu.memory_space<vmem>>
        %dma_wait3A_261 = tpu.memref_squeeze %dma_wait3A_260 : memref<1x80x128xf32, #tpu.memory_space<vmem>> -> memref<80x128xf32, #tpu.memory_space<vmem>>
        %dma_wait3A_262 = arith.constant 0 : i32
        %dma_wait3A_263 = tpu.memref_slice %arg9[%add3A_242, %dma_wait3A_262] : memref<10240x128xf32, #tpu.memory_space<vmem_shared>> -> memref<80x128xf32, #tpu.memory_space<vmem_shared>>
        %dma_wait3A_264 = arith.constant 0 : i32
        %dma_wait3A_265 = tpu.memref_slice %arg9[%add3A_242, %dma_wait3A_264] : memref<10240x128xf32, #tpu.memory_space<vmem_shared>> -> memref<80x128xf32, #tpu.memory_space<vmem_shared>>
        %dma_wait3A_266 = arith.constant 0 : i32
        %dma_wait3A_267 = arith.constant 0 : i32
        %dma_wait3A_268 = tpu.memref_slice %arg8[%run_scoped3A_243, %dma_wait3A_266, %dma_wait3A_267] : memref<3x80x128xf32, #tpu.memory_space<vmem>> -> memref<1x80x128xf32, #tpu.memory_space<vmem>>
        %dma_wait3A_269 = tpu.memref_squeeze %dma_wait3A_268 : memref<1x80x128xf32, #tpu.memory_space<vmem>> -> memref<80x128xf32, #tpu.memory_space<vmem>>
        tpu.wait_dma2 semaphore(%run_scoped3A_245 : memref<!tpu.dma_semaphore, #tpu.memory_space<semaphore_mem>>) src(%dma_wait3A_269 : memref<80x128xf32, #tpu.memory_space<vmem>>) dst(%dma_wait3A_265 : memref<80x128xf32, #tpu.memory_space<vmem_shared>>)
        tpu.yield
      }) : () -> ()
      %scan3A_244 = arith.constant 0 : i32
      scf.yield %scan3A_244 : i32
    }
    %scan3A_16 = arith.constant 8 : i32
    %barrier3A = arith.constant 0 : index
    tpu.barrier barrier_id(%barrier3A)
    %dma_start3A = arith.constant 0 : i32
    %dma_start3A_17 = arith.constant 0 : i32
    %dma_start3A_18 = arith.constant 0 : i32
    %dma_start3A_19 = tpu.memref_slice %arg8[%dma_start3A, %dma_start3A_17, %dma_start3A_18] : memref<3x80x128xf32, #tpu.memory_space<vmem>> -> memref<1x80x128xf32, #tpu.memory_space<vmem>>
    %dma_start3A_20 = tpu.memref_squeeze %dma_start3A_19 : memref<1x80x128xf32, #tpu.memory_space<vmem>> -> memref<80x128xf32, #tpu.memory_space<vmem>>
    %dma_start3A_21 = arith.constant 0 : i32
    %dma_start3A_22 = tpu.memref_slice %arg6[%dma_start3A_21] : memref<10000xi32, #tpu.memory_space<vmem>> -> memref<80xi32, #tpu.memory_space<vmem>>
    %dma_start3A_23 = arith.constant 0 : i32
    %dma_start3A_24 = arith.constant 0 : i32
    %dma_start3A_25 = tpu.memref_slice %arg2[%dma_start3A_23, %dma_start3A_24] : memref<10000x128xf32, #tpu.memory_space<hbm>> -> memref<10000x128xf32, #tpu.memory_space<hbm>>
    tpu.enqueue_indirect_dma source(%dma_start3A_25 : memref<10000x128xf32, #tpu.memory_space<hbm>>) target(%dma_start3A_20 : memref<80x128xf32, #tpu.memory_space<vmem>>) offsets(%dma_start3A_22 : memref<80xi32, #tpu.memory_space<vmem>>) semaphore(%arg10 : memref<!tpu.dma_semaphore, #tpu.memory_space<semaphore_mem>>)
    %add3A_26 = arith.constant 0 : i32
    %add3A_27 = arith.addi %mul3A_3, %add3A_26 : i32
    %dma_start3A_28 = arith.constant 0 : i32
    %dma_start3A_29 = arith.constant 0 : i32
    %dma_start3A_30 = tpu.memref_slice %arg7[%dma_start3A_28, %dma_start3A_29] : memref<3x80xi32, #tpu.memory_space<vmem>> -> memref<1x80xi32, #tpu.memory_space<vmem>>
    %dma_start3A_31 = tpu.memref_squeeze %dma_start3A_30 : memref<1x80xi32, #tpu.memory_space<vmem>> -> memref<80xi32, #tpu.memory_space<vmem>>
    %dma_start3A_32 = tpu.memref_slice %arg4[%add3A_27] : memref<320000xi32, #tpu.memory_space<hbm>> -> memref<80xi32, #tpu.memory_space<hbm>>
    %dma_start3A_33 = arith.constant 0 : i32
    %dma_start3A_34 = tpu.memref_slice %arg7[%dma_start3A_28, %dma_start3A_33] : memref<3x80xi32, #tpu.memory_space<vmem>> -> memref<1x80xi32, #tpu.memory_space<vmem>>
    %dma_start3A_35 = tpu.memref_squeeze %dma_start3A_34 : memref<1x80xi32, #tpu.memory_space<vmem>> -> memref<80xi32, #tpu.memory_space<vmem>>
    %dma_start3A_36 = tpu.memref_slice %arg4[%add3A_27] : memref<320000xi32, #tpu.memory_space<hbm>> -> memref<80xi32, #tpu.memory_space<hbm>>
    tpu.enqueue_dma source(%dma_start3A_36 : memref<80xi32, #tpu.memory_space<hbm>>) target(%dma_start3A_35 : memref<80xi32, #tpu.memory_space<vmem>>) target_semaphore(%arg13 : memref<!tpu.dma_semaphore, #tpu.memory_space<semaphore_mem>>)
    %dma_start3A_37 = arith.constant 1 : i32
    %dma_start3A_38 = arith.constant 0 : i32
    %dma_start3A_39 = arith.constant 0 : i32
    %dma_start3A_40 = tpu.memref_slice %arg8[%dma_start3A_37, %dma_start3A_38, %dma_start3A_39] : memref<3x80x128xf32, #tpu.memory_space<vmem>> -> memref<1x80x128xf32, #tpu.memory_space<vmem>>
    %dma_start3A_41 = tpu.memref_squeeze %dma_start3A_40 : memref<1x80x128xf32, #tpu.memory_space<vmem>> -> memref<80x128xf32, #tpu.memory_space<vmem>>
    %dma_start3A_42 = arith.constant 80 : i32
    %dma_start3A_43 = tpu.memref_slice %arg6[%dma_start3A_42] : memref<10000xi32, #tpu.memory_space<vmem>> -> memref<80xi32, #tpu.memory_space<vmem>>
    %dma_start3A_44 = arith.constant 0 : i32
    %dma_start3A_45 = arith.constant 0 : i32
    %dma_start3A_46 = tpu.memref_slice %arg2[%dma_start3A_44, %dma_start3A_45] : memref<10000x128xf32, #tpu.memory_space<hbm>> -> memref<10000x128xf32, #tpu.memory_space<hbm>>
    tpu.enqueue_indirect_dma source(%dma_start3A_46 : memref<10000x128xf32, #tpu.memory_space<hbm>>) target(%dma_start3A_41 : memref<80x128xf32, #tpu.memory_space<vmem>>) offsets(%dma_start3A_43 : memref<80xi32, #tpu.memory_space<vmem>>) semaphore(%arg11 : memref<!tpu.dma_semaphore, #tpu.memory_space<semaphore_mem>>)
    %add3A_47 = arith.constant 80 : i32
    %add3A_48 = arith.addi %mul3A_3, %add3A_47 : i32
    %dma_start3A_49 = arith.constant 1 : i32
    %dma_start3A_50 = arith.constant 0 : i32
    %dma_start3A_51 = tpu.memref_slice %arg7[%dma_start3A_49, %dma_start3A_50] : memref<3x80xi32, #tpu.memory_space<vmem>> -> memref<1x80xi32, #tpu.memory_space<vmem>>
    %dma_start3A_52 = tpu.memref_squeeze %dma_start3A_51 : memref<1x80xi32, #tpu.memory_space<vmem>> -> memref<80xi32, #tpu.memory_space<vmem>>
    %dma_start3A_53 = tpu.memref_slice %arg4[%add3A_48] : memref<320000xi32, #tpu.memory_space<hbm>> -> memref<80xi32, #tpu.memory_space<hbm>>
    %dma_start3A_54 = arith.constant 0 : i32
    %dma_start3A_55 = tpu.memref_slice %arg7[%dma_start3A_49, %dma_start3A_54] : memref<3x80xi32, #tpu.memory_space<vmem>> -> memref<1x80xi32, #tpu.memory_space<vmem>>
    %dma_start3A_56 = tpu.memref_squeeze %dma_start3A_55 : memref<1x80xi32, #tpu.memory_space<vmem>> -> memref<80xi32, #tpu.memory_space<vmem>>
    %dma_start3A_57 = tpu.memref_slice %arg4[%add3A_48] : memref<320000xi32, #tpu.memory_space<hbm>> -> memref<80xi32, #tpu.memory_space<hbm>>
    tpu.enqueue_dma source(%dma_start3A_57 : memref<80xi32, #tpu.memory_space<hbm>>) target(%dma_start3A_56 : memref<80xi32, #tpu.memory_space<vmem>>) target_semaphore(%arg14 : memref<!tpu.dma_semaphore, #tpu.memory_space<semaphore_mem>>)
    %dma_start3A_58 = arith.constant 2 : i32
    %dma_start3A_59 = arith.constant 0 : i32
    %dma_start3A_60 = arith.constant 0 : i32
    %dma_start3A_61 = tpu.memref_slice %arg8[%dma_start3A_58, %dma_start3A_59, %dma_start3A_60] : memref<3x80x128xf32, #tpu.memory_space<vmem>> -> memref<1x80x128xf32, #tpu.memory_space<vmem>>
    %dma_start3A_62 = tpu.memref_squeeze %dma_start3A_61 : memref<1x80x128xf32, #tpu.memory_space<vmem>> -> memref<80x128xf32, #tpu.memory_space<vmem>>
    %dma_start3A_63 = arith.constant 160 : i32
    %dma_start3A_64 = tpu.memref_slice %arg6[%dma_start3A_63] : memref<10000xi32, #tpu.memory_space<vmem>> -> memref<80xi32, #tpu.memory_space<vmem>>
    %dma_start3A_65 = arith.constant 0 : i32
    %dma_start3A_66 = arith.constant 0 : i32
    %dma_start3A_67 = tpu.memref_slice %arg2[%dma_start3A_65, %dma_start3A_66] : memref<10000x128xf32, #tpu.memory_space<hbm>> -> memref<10000x128xf32, #tpu.memory_space<hbm>>
    tpu.enqueue_indirect_dma source(%dma_start3A_67 : memref<10000x128xf32, #tpu.memory_space<hbm>>) target(%dma_start3A_62 : memref<80x128xf32, #tpu.memory_space<vmem>>) offsets(%dma_start3A_64 : memref<80xi32, #tpu.memory_space<vmem>>) semaphore(%arg12 : memref<!tpu.dma_semaphore, #tpu.memory_space<semaphore_mem>>)
    %add3A_68 = arith.constant 160 : i32
    %add3A_69 = arith.addi %mul3A_3, %add3A_68 : i32
    %dma_start3A_70 = arith.constant 2 : i32
    %dma_start3A_71 = arith.constant 0 : i32
    %dma_start3A_72 = tpu.memref_slice %arg7[%dma_start3A_70, %dma_start3A_71] : memref<3x80xi32, #tpu.memory_space<vmem>> -> memref<1x80xi32, #tpu.memory_space<vmem>>
    %dma_start3A_73 = tpu.memref_squeeze %dma_start3A_72 : memref<1x80xi32, #tpu.memory_space<vmem>> -> memref<80xi32, #tpu.memory_space<vmem>>
    %dma_start3A_74 = tpu.memref_slice %arg4[%add3A_69] : memref<320000xi32, #tpu.memory_space<hbm>> -> memref<80xi32, #tpu.memory_space<hbm>>
    %dma_start3A_75 = arith.constant 0 : i32
    %dma_start3A_76 = tpu.memref_slice %arg7[%dma_start3A_70, %dma_start3A_75] : memref<3x80xi32, #tpu.memory_space<vmem>> -> memref<1x80xi32, #tpu.memory_space<vmem>>
    %dma_start3A_77 = tpu.memref_squeeze %dma_start3A_76 : memref<1x80xi32, #tpu.memory_space<vmem>> -> memref<80xi32, #tpu.memory_space<vmem>>
    %dma_start3A_78 = tpu.memref_slice %arg4[%add3A_69] : memref<320000xi32, #tpu.memory_space<hbm>> -> memref<80xi32, #tpu.memory_space<hbm>>
    tpu.enqueue_dma source(%dma_start3A_78 : memref<80xi32, #tpu.memory_space<hbm>>) target(%dma_start3A_77 : memref<80xi32, #tpu.memory_space<vmem>>) target_semaphore(%arg15 : memref<!tpu.dma_semaphore, #tpu.memory_space<semaphore_mem>>)
    %scan3A_79 = arith.constant 0 : i32
    %scan3A_80 = arith.constant 0 : i32
    %scan3A_81 = arith.constant 40 : i32
    %scan3A_82 = arith.addi %scan3A_80, %scan3A_81 : i32
    %scan3A_83 = arith.constant 1 : i32
    %scan3A_84 = scf.for %scan3A_236 = %scan3A_80 to %scan3A_82 step %scan3A_83 iter_args(%scan3A_237 = %scan3A_79) -> (i32)  : i32 {
      %mul3A_238 = arith.constant 3 : i32
      %mul3A_239 = arith.muli %scan3A_236, %mul3A_238 : i32
      %add3A_240 = arith.constant 0 : i32
      %add3A_241 = arith.addi %mul3A_239, %add3A_240 : i32
      %dma_wait3A_242 = arith.constant 0 : i32
      %dma_wait3A_243 = arith.constant 0 : i32
      %dma_wait3A_244 = arith.constant 0 : i32
      %dma_wait3A_245 = tpu.memref_slice %arg8[%dma_wait3A_242, %dma_wait3A_243, %dma_wait3A_244] : memref<3x80x128xf32, #tpu.memory_space<vmem>> -> memref<1x80x128xf32, #tpu.memory_space<vmem>>
      %dma_wait3A_246 = tpu.memref_squeeze %dma_wait3A_245 : memref<1x80x128xf32, #tpu.memory_space<vmem>> -> memref<80x128xf32, #tpu.memory_space<vmem>>
      %dma_wait3A_247 = arith.constant 0 : i32
      %dma_wait3A_248 = tpu.memref_slice %arg6[%dma_wait3A_247] : memref<10000xi32, #tpu.memory_space<vmem>> -> memref<80xi32, #tpu.memory_space<vmem>>
      %dma_wait3A_249 = arith.constant 0 : i32
      %dma_wait3A_250 = arith.constant 0 : i32
      %dma_wait3A_251 = tpu.memref_slice %arg2[%dma_wait3A_249, %dma_wait3A_250] : memref<10000x128xf32, #tpu.memory_space<hbm>> -> memref<10000x128xf32, #tpu.memory_space<hbm>>
      tpu.wait_indirect_dma semaphore(%arg10 : memref<!tpu.dma_semaphore, #tpu.memory_space<semaphore_mem>>) src(%dma_wait3A_251 : memref<10000x128xf32, #tpu.memory_space<hbm>>) dst(%dma_wait3A_246 : memref<80x128xf32, #tpu.memory_space<vmem>>)
      %dma_wait3A_252 = arith.constant 0 : i32
      %dma_wait3A_253 = arith.constant 0 : i32
      %dma_wait3A_254 = tpu.memref_slice %arg7[%dma_wait3A_252, %dma_wait3A_253] : memref<3x80xi32, #tpu.memory_space<vmem>> -> memref<1x80xi32, #tpu.memory_space<vmem>>
      %dma_wait3A_255 = tpu.memref_squeeze %dma_wait3A_254 : memref<1x80xi32, #tpu.memory_space<vmem>> -> memref<80xi32, #tpu.memory_space<vmem>>
      %dma_wait3A_256 = tpu.memref_slice %arg4[%mul3A_3] : memref<320000xi32, #tpu.memory_space<hbm>> -> memref<80xi32, #tpu.memory_space<hbm>>
      %dma_wait3A_257 = arith.constant 0 : i32
      %dma_wait3A_258 = tpu.memref_slice %arg7[%dma_wait3A_252, %dma_wait3A_257] : memref<3x80xi32, #tpu.memory_space<vmem>> -> memref<1x80xi32, #tpu.memory_space<vmem>>
      %dma_wait3A_259 = tpu.memref_squeeze %dma_wait3A_258 : memref<1x80xi32, #tpu.memory_space<vmem>> -> memref<80xi32, #tpu.memory_space<vmem>>
      %dma_wait3A_260 = tpu.memref_slice %arg4[%mul3A_3] : memref<320000xi32, #tpu.memory_space<hbm>> -> memref<80xi32, #tpu.memory_space<hbm>>
      tpu.wait_dma2 semaphore(%arg13 : memref<!tpu.dma_semaphore, #tpu.memory_space<semaphore_mem>>) src(%dma_wait3A_260 : memref<80xi32, #tpu.memory_space<hbm>>) dst(%dma_wait3A_259 : memref<80xi32, #tpu.memory_space<vmem>>)
      %run_scoped3A_261 = arith.constant 0 : i32
      %run_scoped3A_262 = arith.constant 0 : i32
      "tpu.region"() ({
        %run_scoped3A_389 = tpu.sem_alloc : memref<!tpu.dma_semaphore, #tpu.memory_space<semaphore_mem>>
        %dma_start3A_390 = arith.constant 0 : i32
        %dma_start3A_391 = arith.constant 0 : i32
        %dma_start3A_392 = tpu.memref_slice %arg8[%run_scoped3A_261, %dma_start3A_390, %dma_start3A_391] : memref<3x80x128xf32, #tpu.memory_space<vmem>> -> memref<1x80x128xf32, #tpu.memory_space<vmem>>
        %dma_start3A_393 = tpu.memref_squeeze %dma_start3A_392 : memref<1x80x128xf32, #tpu.memory_space<vmem>> -> memref<80x128xf32, #tpu.memory_space<vmem>>
        %dma_start3A_394 = arith.constant 0 : i32
        %dma_start3A_395 = tpu.memref_slice %arg7[%run_scoped3A_262, %dma_start3A_394] : memref<3x80xi32, #tpu.memory_space<vmem>> -> memref<1x80xi32, #tpu.memory_space<vmem>>
        %dma_start3A_396 = tpu.memref_squeeze %dma_start3A_395 : memref<1x80xi32, #tpu.memory_space<vmem>> -> memref<80xi32, #tpu.memory_space<vmem>>
        %dma_start3A_397 = arith.constant 0 : i32
        %dma_start3A_398 = arith.constant 0 : i32
        %dma_start3A_399 = tpu.memref_slice %arg9[%dma_start3A_397, %dma_start3A_398] : memref<10240x128xf32, #tpu.memory_space<vmem_shared>> -> memref<10240x128xf32, #tpu.memory_space<vmem_shared>>
        tpu.enqueue_indirect_dma source(%dma_start3A_393 : memref<80x128xf32, #tpu.memory_space<vmem>>) target(%dma_start3A_399 : memref<10240x128xf32, #tpu.memory_space<vmem_shared>>) offsets(%dma_start3A_396 : memref<80xi32, #tpu.memory_space<vmem>>) semaphore(%run_scoped3A_389 : memref<!tpu.dma_semaphore, #tpu.memory_space<semaphore_mem>>) {add = true}
        %dma_wait3A_400 = arith.constant 0 : i32
        %dma_wait3A_401 = arith.constant 0 : i32
        %dma_wait3A_402 = tpu.memref_slice %arg8[%run_scoped3A_261, %dma_wait3A_400, %dma_wait3A_401] : memref<3x80x128xf32, #tpu.memory_space<vmem>> -> memref<1x80x128xf32, #tpu.memory_space<vmem>>
        %dma_wait3A_403 = tpu.memref_squeeze %dma_wait3A_402 : memref<1x80x128xf32, #tpu.memory_space<vmem>> -> memref<80x128xf32, #tpu.memory_space<vmem>>
        %dma_wait3A_404 = arith.constant 0 : i32
        %dma_wait3A_405 = tpu.memref_slice %arg7[%run_scoped3A_262, %dma_wait3A_404] : memref<3x80xi32, #tpu.memory_space<vmem>> -> memref<1x80xi32, #tpu.memory_space<vmem>>
        %dma_wait3A_406 = tpu.memref_squeeze %dma_wait3A_405 : memref<1x80xi32, #tpu.memory_space<vmem>> -> memref<80xi32, #tpu.memory_space<vmem>>
        %dma_wait3A_407 = arith.constant 0 : i32
        %dma_wait3A_408 = arith.constant 0 : i32
        %dma_wait3A_409 = tpu.memref_slice %arg9[%dma_wait3A_407, %dma_wait3A_408] : memref<10240x128xf32, #tpu.memory_space<vmem_shared>> -> memref<10240x128xf32, #tpu.memory_space<vmem_shared>>
        tpu.wait_indirect_dma semaphore(%run_scoped3A_389 : memref<!tpu.dma_semaphore, #tpu.memory_space<semaphore_mem>>) src(%dma_wait3A_403 : memref<80x128xf32, #tpu.memory_space<vmem>>) dst(%dma_wait3A_409 : memref<10240x128xf32, #tpu.memory_space<vmem_shared>>)
        tpu.yield
      }) : () -> ()
      %add3A_263 = arith.constant 3 : i32
      %add3A_264 = arith.addi %add3A_241, %add3A_263 : i32
      %mul3A_265 = arith.constant 80 : i32
      %mul3A_266 = arith.muli %add3A_264, %mul3A_265 : i32
      %dma_start3A_267 = arith.constant 0 : i32
      %dma_start3A_268 = arith.constant 0 : i32
      %dma_start3A_269 = arith.constant 0 : i32
      %dma_start3A_270 = tpu.memref_slice %arg8[%dma_start3A_267, %dma_start3A_268, %dma_start3A_269] : memref<3x80x128xf32, #tpu.memory_space<vmem>> -> memref<1x80x128xf32, #tpu.memory_space<vmem>>
      %dma_start3A_271 = tpu.memref_squeeze %dma_start3A_270 : memref<1x80x128xf32, #tpu.memory_space<vmem>> -> memref<80x128xf32, #tpu.memory_space<vmem>>
      %dma_start3A_272 = tpu.memref_slice %arg6[%mul3A_266] : memref<10000xi32, #tpu.memory_space<vmem>> -> memref<80xi32, #tpu.memory_space<vmem>>
      %dma_start3A_273 = arith.constant 0 : i32
      %dma_start3A_274 = arith.constant 0 : i32
      %dma_start3A_275 = tpu.memref_slice %arg2[%dma_start3A_273, %dma_start3A_274] : memref<10000x128xf32, #tpu.memory_space<hbm>> -> memref<10000x128xf32, #tpu.memory_space<hbm>>
      tpu.enqueue_indirect_dma source(%dma_start3A_275 : memref<10000x128xf32, #tpu.memory_space<hbm>>) target(%dma_start3A_271 : memref<80x128xf32, #tpu.memory_space<vmem>>) offsets(%dma_start3A_272 : memref<80xi32, #tpu.memory_space<vmem>>) semaphore(%arg10 : memref<!tpu.dma_semaphore, #tpu.memory_space<semaphore_mem>>)
      %mul3A_276 = arith.constant 80 : i32
      %mul3A_277 = arith.muli %add3A_264, %mul3A_276 : i32
      %add3A_278 = arith.addi %mul3A_3, %mul3A_277 : i32
      %dma_start3A_279 = arith.constant 0 : i32
      %dma_start3A_280 = arith.constant 0 : i32
      %dma_start3A_281 = tpu.memref_slice %arg7[%dma_start3A_279, %dma_start3A_280] : memref<3x80xi32, #tpu.memory_space<vmem>> -> memref<1x80xi32, #tpu.memory_space<vmem>>
      %dma_start3A_282 = tpu.memref_squeeze %dma_start3A_281 : memref<1x80xi32, #tpu.memory_space<vmem>> -> memref<80xi32, #tpu.memory_space<vmem>>
      %dma_start3A_283 = tpu.memref_slice %arg4[%add3A_278] : memref<320000xi32, #tpu.memory_space<hbm>> -> memref<80xi32, #tpu.memory_space<hbm>>
      %dma_start3A_284 = arith.constant 0 : i32
      %dma_start3A_285 = tpu.memref_slice %arg7[%dma_start3A_279, %dma_start3A_284] : memref<3x80xi32, #tpu.memory_space<vmem>> -> memref<1x80xi32, #tpu.memory_space<vmem>>
      %dma_start3A_286 = tpu.memref_squeeze %dma_start3A_285 : memref<1x80xi32, #tpu.memory_space<vmem>> -> memref<80xi32, #tpu.memory_space<vmem>>
      %dma_start3A_287 = tpu.memref_slice %arg4[%add3A_278] : memref<320000xi32, #tpu.memory_space<hbm>> -> memref<80xi32, #tpu.memory_space<hbm>>
      tpu.enqueue_dma source(%dma_start3A_287 : memref<80xi32, #tpu.memory_space<hbm>>) target(%dma_start3A_286 : memref<80xi32, #tpu.memory_space<vmem>>) target_semaphore(%arg13 : memref<!tpu.dma_semaphore, #tpu.memory_space<semaphore_mem>>)
      %mul3A_288 = arith.constant 3 : i32
      %mul3A_289 = arith.muli %scan3A_236, %mul3A_288 : i32
      %add3A_290 = arith.constant 1 : i32
      %add3A_291 = arith.addi %mul3A_289, %add3A_290 : i32
      %dma_wait3A_292 = arith.constant 1 : i32
      %dma_wait3A_293 = arith.constant 0 : i32
      %dma_wait3A_294 = arith.constant 0 : i32
      %dma_wait3A_295 = tpu.memref_slice %arg8[%dma_wait3A_292, %dma_wait3A_293, %dma_wait3A_294] : memref<3x80x128xf32, #tpu.memory_space<vmem>> -> memref<1x80x128xf32, #tpu.memory_space<vmem>>
      %dma_wait3A_296 = tpu.memref_squeeze %dma_wait3A_295 : memref<1x80x128xf32, #tpu.memory_space<vmem>> -> memref<80x128xf32, #tpu.memory_space<vmem>>
      %dma_wait3A_297 = arith.constant 0 : i32
      %dma_wait3A_298 = tpu.memref_slice %arg6[%dma_wait3A_297] : memref<10000xi32, #tpu.memory_space<vmem>> -> memref<80xi32, #tpu.memory_space<vmem>>
      %dma_wait3A_299 = arith.constant 0 : i32
      %dma_wait3A_300 = arith.constant 0 : i32
      %dma_wait3A_301 = tpu.memref_slice %arg2[%dma_wait3A_299, %dma_wait3A_300] : memref<10000x128xf32, #tpu.memory_space<hbm>> -> memref<10000x128xf32, #tpu.memory_space<hbm>>
      tpu.wait_indirect_dma semaphore(%arg11 : memref<!tpu.dma_semaphore, #tpu.memory_space<semaphore_mem>>) src(%dma_wait3A_301 : memref<10000x128xf32, #tpu.memory_space<hbm>>) dst(%dma_wait3A_296 : memref<80x128xf32, #tpu.memory_space<vmem>>)
      %dma_wait3A_302 = arith.constant 1 : i32
      %dma_wait3A_303 = arith.constant 0 : i32
      %dma_wait3A_304 = tpu.memref_slice %arg7[%dma_wait3A_302, %dma_wait3A_303] : memref<3x80xi32, #tpu.memory_space<vmem>> -> memref<1x80xi32, #tpu.memory_space<vmem>>
      %dma_wait3A_305 = tpu.memref_squeeze %dma_wait3A_304 : memref<1x80xi32, #tpu.memory_space<vmem>> -> memref<80xi32, #tpu.memory_space<vmem>>
      %dma_wait3A_306 = tpu.memref_slice %arg4[%mul3A_3] : memref<320000xi32, #tpu.memory_space<hbm>> -> memref<80xi32, #tpu.memory_space<hbm>>
      %dma_wait3A_307 = arith.constant 0 : i32
      %dma_wait3A_308 = tpu.memref_slice %arg7[%dma_wait3A_302, %dma_wait3A_307] : memref<3x80xi32, #tpu.memory_space<vmem>> -> memref<1x80xi32, #tpu.memory_space<vmem>>
      %dma_wait3A_309 = tpu.memref_squeeze %dma_wait3A_308 : memref<1x80xi32, #tpu.memory_space<vmem>> -> memref<80xi32, #tpu.memory_space<vmem>>
      %dma_wait3A_310 = tpu.memref_slice %arg4[%mul3A_3] : memref<320000xi32, #tpu.memory_space<hbm>> -> memref<80xi32, #tpu.memory_space<hbm>>
      tpu.wait_dma2 semaphore(%arg14 : memref<!tpu.dma_semaphore, #tpu.memory_space<semaphore_mem>>) src(%dma_wait3A_310 : memref<80xi32, #tpu.memory_space<hbm>>) dst(%dma_wait3A_309 : memref<80xi32, #tpu.memory_space<vmem>>)
      %run_scoped3A_311 = arith.constant 1 : i32
      %run_scoped3A_312 = arith.constant 1 : i32
      "tpu.region"() ({
        %run_scoped3A_389 = tpu.sem_alloc : memref<!tpu.dma_semaphore, #tpu.memory_space<semaphore_mem>>
        %dma_start3A_390 = arith.constant 0 : i32
        %dma_start3A_391 = arith.constant 0 : i32
        %dma_start3A_392 = tpu.memref_slice %arg8[%run_scoped3A_311, %dma_start3A_390, %dma_start3A_391] : memref<3x80x128xf32, #tpu.memory_space<vmem>> -> memref<1x80x128xf32, #tpu.memory_space<vmem>>
        %dma_start3A_393 = tpu.memref_squeeze %dma_start3A_392 : memref<1x80x128xf32, #tpu.memory_space<vmem>> -> memref<80x128xf32, #tpu.memory_space<vmem>>
        %dma_start3A_394 = arith.constant 0 : i32
        %dma_start3A_395 = tpu.memref_slice %arg7[%run_scoped3A_312, %dma_start3A_394] : memref<3x80xi32, #tpu.memory_space<vmem>> -> memref<1x80xi32, #tpu.memory_space<vmem>>
        %dma_start3A_396 = tpu.memref_squeeze %dma_start3A_395 : memref<1x80xi32, #tpu.memory_space<vmem>> -> memref<80xi32, #tpu.memory_space<vmem>>
        %dma_start3A_397 = arith.constant 0 : i32
        %dma_start3A_398 = arith.constant 0 : i32
        %dma_start3A_399 = tpu.memref_slice %arg9[%dma_start3A_397, %dma_start3A_398] : memref<10240x128xf32, #tpu.memory_space<vmem_shared>> -> memref<10240x128xf32, #tpu.memory_space<vmem_shared>>
        tpu.enqueue_indirect_dma source(%dma_start3A_393 : memref<80x128xf32, #tpu.memory_space<vmem>>) target(%dma_start3A_399 : memref<10240x128xf32, #tpu.memory_space<vmem_shared>>) offsets(%dma_start3A_396 : memref<80xi32, #tpu.memory_space<vmem>>) semaphore(%run_scoped3A_389 : memref<!tpu.dma_semaphore, #tpu.memory_space<semaphore_mem>>) {add = true}
        %dma_wait3A_400 = arith.constant 0 : i32
        %dma_wait3A_401 = arith.constant 0 : i32
        %dma_wait3A_402 = tpu.memref_slice %arg8[%run_scoped3A_311, %dma_wait3A_400, %dma_wait3A_401] : memref<3x80x128xf32, #tpu.memory_space<vmem>> -> memref<1x80x128xf32, #tpu.memory_space<vmem>>
        %dma_wait3A_403 = tpu.memref_squeeze %dma_wait3A_402 : memref<1x80x128xf32, #tpu.memory_space<vmem>> -> memref<80x128xf32, #tpu.memory_space<vmem>>
        %dma_wait3A_404 = arith.constant 0 : i32
        %dma_wait3A_405 = tpu.memref_slice %arg7[%run_scoped3A_312, %dma_wait3A_404] : memref<3x80xi32, #tpu.memory_space<vmem>> -> memref<1x80xi32, #tpu.memory_space<vmem>>
        %dma_wait3A_406 = tpu.memref_squeeze %dma_wait3A_405 : memref<1x80xi32, #tpu.memory_space<vmem>> -> memref<80xi32, #tpu.memory_space<vmem>>
        %dma_wait3A_407 = arith.constant 0 : i32
        %dma_wait3A_408 = arith.constant 0 : i32
        %dma_wait3A_409 = tpu.memref_slice %arg9[%dma_wait3A_407, %dma_wait3A_408] : memref<10240x128xf32, #tpu.memory_space<vmem_shared>> -> memref<10240x128xf32, #tpu.memory_space<vmem_shared>>
        tpu.wait_indirect_dma semaphore(%run_scoped3A_389 : memref<!tpu.dma_semaphore, #tpu.memory_space<semaphore_mem>>) src(%dma_wait3A_403 : memref<80x128xf32, #tpu.memory_space<vmem>>) dst(%dma_wait3A_409 : memref<10240x128xf32, #tpu.memory_space<vmem_shared>>)
        tpu.yield
      }) : () -> ()
      %add3A_313 = arith.constant 3 : i32
      %add3A_314 = arith.addi %add3A_291, %add3A_313 : i32
      %mul3A_315 = arith.constant 80 : i32
      %mul3A_316 = arith.muli %add3A_314, %mul3A_315 : i32
      %dma_start3A_317 = arith.constant 1 : i32
      %dma_start3A_318 = arith.constant 0 : i32
      %dma_start3A_319 = arith.constant 0 : i32
      %dma_start3A_320 = tpu.memref_slice %arg8[%dma_start3A_317, %dma_start3A_318, %dma_start3A_319] : memref<3x80x128xf32, #tpu.memory_space<vmem>> -> memref<1x80x128xf32, #tpu.memory_space<vmem>>
      %dma_start3A_321 = tpu.memref_squeeze %dma_start3A_320 : memref<1x80x128xf32, #tpu.memory_space<vmem>> -> memref<80x128xf32, #tpu.memory_space<vmem>>
      %dma_start3A_322 = tpu.memref_slice %arg6[%mul3A_316] : memref<10000xi32, #tpu.memory_space<vmem>> -> memref<80xi32, #tpu.memory_space<vmem>>
      %dma_start3A_323 = arith.constant 0 : i32
      %dma_start3A_324 = arith.constant 0 : i32
      %dma_start3A_325 = tpu.memref_slice %arg2[%dma_start3A_323, %dma_start3A_324] : memref<10000x128xf32, #tpu.memory_space<hbm>> -> memref<10000x128xf32, #tpu.memory_space<hbm>>
      tpu.enqueue_indirect_dma source(%dma_start3A_325 : memref<10000x128xf32, #tpu.memory_space<hbm>>) target(%dma_start3A_321 : memref<80x128xf32, #tpu.memory_space<vmem>>) offsets(%dma_start3A_322 : memref<80xi32, #tpu.memory_space<vmem>>) semaphore(%arg11 : memref<!tpu.dma_semaphore, #tpu.memory_space<semaphore_mem>>)
      %mul3A_326 = arith.constant 80 : i32
      %mul3A_327 = arith.muli %add3A_314, %mul3A_326 : i32
      %add3A_328 = arith.addi %mul3A_3, %mul3A_327 : i32
      %dma_start3A_329 = arith.constant 1 : i32
      %dma_start3A_330 = arith.constant 0 : i32
      %dma_start3A_331 = tpu.memref_slice %arg7[%dma_start3A_329, %dma_start3A_330] : memref<3x80xi32, #tpu.memory_space<vmem>> -> memref<1x80xi32, #tpu.memory_space<vmem>>
      %dma_start3A_332 = tpu.memref_squeeze %dma_start3A_331 : memref<1x80xi32, #tpu.memory_space<vmem>> -> memref<80xi32, #tpu.memory_space<vmem>>
      %dma_start3A_333 = tpu.memref_slice %arg4[%add3A_328] : memref<320000xi32, #tpu.memory_space<hbm>> -> memref<80xi32, #tpu.memory_space<hbm>>
      %dma_start3A_334 = arith.constant 0 : i32
      %dma_start3A_335 = tpu.memref_slice %arg7[%dma_start3A_329, %dma_start3A_334] : memref<3x80xi32, #tpu.memory_space<vmem>> -> memref<1x80xi32, #tpu.memory_space<vmem>>
      %dma_start3A_336 = tpu.memref_squeeze %dma_start3A_335 : memref<1x80xi32, #tpu.memory_space<vmem>> -> memref<80xi32, #tpu.memory_space<vmem>>
      %dma_start3A_337 = tpu.memref_slice %arg4[%add3A_328] : memref<320000xi32, #tpu.memory_space<hbm>> -> memref<80xi32, #tpu.memory_space<hbm>>
      tpu.enqueue_dma source(%dma_start3A_337 : memref<80xi32, #tpu.memory_space<hbm>>) target(%dma_start3A_336 : memref<80xi32, #tpu.memory_space<vmem>>) target_semaphore(%arg14 : memref<!tpu.dma_semaphore, #tpu.memory_space<semaphore_mem>>)
      %mul3A_338 = arith.constant 3 : i32
      %mul3A_339 = arith.muli %scan3A_236, %mul3A_338 : i32
      %add3A_340 = arith.constant 2 : i32
      %add3A_341 = arith.addi %mul3A_339, %add3A_340 : i32
      %dma_wait3A_342 = arith.constant 2 : i32
      %dma_wait3A_343 = arith.constant 0 : i32
      %dma_wait3A_344 = arith.constant 0 : i32
      %dma_wait3A_345 = tpu.memref_slice %arg8[%dma_wait3A_342, %dma_wait3A_343, %dma_wait3A_344] : memref<3x80x128xf32, #tpu.memory_space<vmem>> -> memref<1x80x128xf32, #tpu.memory_space<vmem>>
      %dma_wait3A_346 = tpu.memref_squeeze %dma_wait3A_345 : memref<1x80x128xf32, #tpu.memory_space<vmem>> -> memref<80x128xf32, #tpu.memory_space<vmem>>
      %dma_wait3A_347 = arith.constant 0 : i32
      %dma_wait3A_348 = tpu.memref_slice %arg6[%dma_wait3A_347] : memref<10000xi32, #tpu.memory_space<vmem>> -> memref<80xi32, #tpu.memory_space<vmem>>
      %dma_wait3A_349 = arith.constant 0 : i32
      %dma_wait3A_350 = arith.constant 0 : i32
      %dma_wait3A_351 = tpu.memref_slice %arg2[%dma_wait3A_349, %dma_wait3A_350] : memref<10000x128xf32, #tpu.memory_space<hbm>> -> memref<10000x128xf32, #tpu.memory_space<hbm>>
      tpu.wait_indirect_dma semaphore(%arg12 : memref<!tpu.dma_semaphore, #tpu.memory_space<semaphore_mem>>) src(%dma_wait3A_351 : memref<10000x128xf32, #tpu.memory_space<hbm>>) dst(%dma_wait3A_346 : memref<80x128xf32, #tpu.memory_space<vmem>>)
      %dma_wait3A_352 = arith.constant 2 : i32
      %dma_wait3A_353 = arith.constant 0 : i32
      %dma_wait3A_354 = tpu.memref_slice %arg7[%dma_wait3A_352, %dma_wait3A_353] : memref<3x80xi32, #tpu.memory_space<vmem>> -> memref<1x80xi32, #tpu.memory_space<vmem>>
      %dma_wait3A_355 = tpu.memref_squeeze %dma_wait3A_354 : memref<1x80xi32, #tpu.memory_space<vmem>> -> memref<80xi32, #tpu.memory_space<vmem>>
      %dma_wait3A_356 = tpu.memref_slice %arg4[%mul3A_3] : memref<320000xi32, #tpu.memory_space<hbm>> -> memref<80xi32, #tpu.memory_space<hbm>>
      %dma_wait3A_357 = arith.constant 0 : i32
      %dma_wait3A_358 = tpu.memref_slice %arg7[%dma_wait3A_352, %dma_wait3A_357] : memref<3x80xi32, #tpu.memory_space<vmem>> -> memref<1x80xi32, #tpu.memory_space<vmem>>
      %dma_wait3A_359 = tpu.memref_squeeze %dma_wait3A_358 : memref<1x80xi32, #tpu.memory_space<vmem>> -> memref<80xi32, #tpu.memory_space<vmem>>
      %dma_wait3A_360 = tpu.memref_slice %arg4[%mul3A_3] : memref<320000xi32, #tpu.memory_space<hbm>> -> memref<80xi32, #tpu.memory_space<hbm>>
      tpu.wait_dma2 semaphore(%arg15 : memref<!tpu.dma_semaphore, #tpu.memory_space<semaphore_mem>>) src(%dma_wait3A_360 : memref<80xi32, #tpu.memory_space<hbm>>) dst(%dma_wait3A_359 : memref<80xi32, #tpu.memory_space<vmem>>)
      %run_scoped3A_361 = arith.constant 2 : i32
      %run_scoped3A_362 = arith.constant 2 : i32
      "tpu.region"() ({
        %run_scoped3A_389 = tpu.sem_alloc : memref<!tpu.dma_semaphore, #tpu.memory_space<semaphore_mem>>
        %dma_start3A_390 = arith.constant 0 : i32
        %dma_start3A_391 = arith.constant 0 : i32
        %dma_start3A_392 = tpu.memref_slice %arg8[%run_scoped3A_361, %dma_start3A_390, %dma_start3A_391] : memref<3x80x128xf32, #tpu.memory_space<vmem>> -> memref<1x80x128xf32, #tpu.memory_space<vmem>>
        %dma_start3A_393 = tpu.memref_squeeze %dma_start3A_392 : memref<1x80x128xf32, #tpu.memory_space<vmem>> -> memref<80x128xf32, #tpu.memory_space<vmem>>
        %dma_start3A_394 = arith.constant 0 : i32
        %dma_start3A_395 = tpu.memref_slice %arg7[%run_scoped3A_362, %dma_start3A_394] : memref<3x80xi32, #tpu.memory_space<vmem>> -> memref<1x80xi32, #tpu.memory_space<vmem>>
        %dma_start3A_396 = tpu.memref_squeeze %dma_start3A_395 : memref<1x80xi32, #tpu.memory_space<vmem>> -> memref<80xi32, #tpu.memory_space<vmem>>
        %dma_start3A_397 = arith.constant 0 : i32
        %dma_start3A_398 = arith.constant 0 : i32
        %dma_start3A_399 = tpu.memref_slice %arg9[%dma_start3A_397, %dma_start3A_398] : memref<10240x128xf32, #tpu.memory_space<vmem_shared>> -> memref<10240x128xf32, #tpu.memory_space<vmem_shared>>
        tpu.enqueue_indirect_dma source(%dma_start3A_393 : memref<80x128xf32, #tpu.memory_space<vmem>>) target(%dma_start3A_399 : memref<10240x128xf32, #tpu.memory_space<vmem_shared>>) offsets(%dma_start3A_396 : memref<80xi32, #tpu.memory_space<vmem>>) semaphore(%run_scoped3A_389 : memref<!tpu.dma_semaphore, #tpu.memory_space<semaphore_mem>>) {add = true}
        %dma_wait3A_400 = arith.constant 0 : i32
        %dma_wait3A_401 = arith.constant 0 : i32
        %dma_wait3A_402 = tpu.memref_slice %arg8[%run_scoped3A_361, %dma_wait3A_400, %dma_wait3A_401] : memref<3x80x128xf32, #tpu.memory_space<vmem>> -> memref<1x80x128xf32, #tpu.memory_space<vmem>>
        %dma_wait3A_403 = tpu.memref_squeeze %dma_wait3A_402 : memref<1x80x128xf32, #tpu.memory_space<vmem>> -> memref<80x128xf32, #tpu.memory_space<vmem>>
        %dma_wait3A_404 = arith.constant 0 : i32
        %dma_wait3A_405 = tpu.memref_slice %arg7[%run_scoped3A_362, %dma_wait3A_404] : memref<3x80xi32, #tpu.memory_space<vmem>> -> memref<1x80xi32, #tpu.memory_space<vmem>>
        %dma_wait3A_406 = tpu.memref_squeeze %dma_wait3A_405 : memref<1x80xi32, #tpu.memory_space<vmem>> -> memref<80xi32, #tpu.memory_space<vmem>>
        %dma_wait3A_407 = arith.constant 0 : i32
        %dma_wait3A_408 = arith.constant 0 : i32
        %dma_wait3A_409 = tpu.memref_slice %arg9[%dma_wait3A_407, %dma_wait3A_408] : memref<10240x128xf32, #tpu.memory_space<vmem_shared>> -> memref<10240x128xf32, #tpu.memory_space<vmem_shared>>
        tpu.wait_indirect_dma semaphore(%run_scoped3A_389 : memref<!tpu.dma_semaphore, #tpu.memory_space<semaphore_mem>>) src(%dma_wait3A_403 : memref<80x128xf32, #tpu.memory_space<vmem>>) dst(%dma_wait3A_409 : memref<10240x128xf32, #tpu.memory_space<vmem_shared>>)
        tpu.yield
      }) : () -> ()
      %add3A_363 = arith.constant 3 : i32
      %add3A_364 = arith.addi %add3A_341, %add3A_363 : i32
      %mul3A_365 = arith.constant 80 : i32
      %mul3A_366 = arith.muli %add3A_364, %mul3A_365 : i32
      %dma_start3A_367 = arith.constant 2 : i32
      %dma_start3A_368 = arith.constant 0 : i32
      %dma_start3A_369 = arith.constant 0 : i32
      %dma_start3A_370 = tpu.memref_slice %arg8[%dma_start3A_367, %dma_start3A_368, %dma_start3A_369] : memref<3x80x128xf32, #tpu.memory_space<vmem>> -> memref<1x80x128xf32, #tpu.memory_space<vmem>>
      %dma_start3A_371 = tpu.memref_squeeze %dma_start3A_370 : memref<1x80x128xf32, #tpu.memory_space<vmem>> -> memref<80x128xf32, #tpu.memory_space<vmem>>
      %dma_start3A_372 = tpu.memref_slice %arg6[%mul3A_366] : memref<10000xi32, #tpu.memory_space<vmem>> -> memref<80xi32, #tpu.memory_space<vmem>>
      %dma_start3A_373 = arith.constant 0 : i32
      %dma_start3A_374 = arith.constant 0 : i32
      %dma_start3A_375 = tpu.memref_slice %arg2[%dma_start3A_373, %dma_start3A_374] : memref<10000x128xf32, #tpu.memory_space<hbm>> -> memref<10000x128xf32, #tpu.memory_space<hbm>>
      tpu.enqueue_indirect_dma source(%dma_start3A_375 : memref<10000x128xf32, #tpu.memory_space<hbm>>) target(%dma_start3A_371 : memref<80x128xf32, #tpu.memory_space<vmem>>) offsets(%dma_start3A_372 : memref<80xi32, #tpu.memory_space<vmem>>) semaphore(%arg12 : memref<!tpu.dma_semaphore, #tpu.memory_space<semaphore_mem>>)
      %mul3A_376 = arith.constant 80 : i32
      %mul3A_377 = arith.muli %add3A_364, %mul3A_376 : i32
      %add3A_378 = arith.addi %mul3A_3, %mul3A_377 : i32
      %dma_start3A_379 = arith.constant 2 : i32
      %dma_start3A_380 = arith.constant 0 : i32
      %dma_start3A_381 = tpu.memref_slice %arg7[%dma_start3A_379, %dma_start3A_380] : memref<3x80xi32, #tpu.memory_space<vmem>> -> memref<1x80xi32, #tpu.memory_space<vmem>>
      %dma_start3A_382 = tpu.memref_squeeze %dma_start3A_381 : memref<1x80xi32, #tpu.memory_space<vmem>> -> memref<80xi32, #tpu.memory_space<vmem>>
      %dma_start3A_383 = tpu.memref_slice %arg4[%add3A_378] : memref<320000xi32, #tpu.memory_space<hbm>> -> memref<80xi32, #tpu.memory_space<hbm>>
      %dma_start3A_384 = arith.constant 0 : i32
      %dma_start3A_385 = tpu.memref_slice %arg7[%dma_start3A_379, %dma_start3A_384] : memref<3x80xi32, #tpu.memory_space<vmem>> -> memref<1x80xi32, #tpu.memory_space<vmem>>
      %dma_start3A_386 = tpu.memref_squeeze %dma_start3A_385 : memref<1x80xi32, #tpu.memory_space<vmem>> -> memref<80xi32, #tpu.memory_space<vmem>>
      %dma_start3A_387 = tpu.memref_slice %arg4[%add3A_378] : memref<320000xi32, #tpu.memory_space<hbm>> -> memref<80xi32, #tpu.memory_space<hbm>>
      tpu.enqueue_dma source(%dma_start3A_387 : memref<80xi32, #tpu.memory_space<hbm>>) target(%dma_start3A_386 : memref<80xi32, #tpu.memory_space<vmem>>) target_semaphore(%arg15 : memref<!tpu.dma_semaphore, #tpu.memory_space<semaphore_mem>>)
      %scan3A_388 = arith.constant 0 : i32
      scf.yield %scan3A_388 : i32
    }
    %scan3A_85 = arith.constant 40 : i32
    %dma_wait3A = arith.constant 0 : i32
    %dma_wait3A_86 = arith.constant 0 : i32
    %dma_wait3A_87 = arith.constant 0 : i32
    %dma_wait3A_88 = tpu.memref_slice %arg8[%dma_wait3A, %dma_wait3A_86, %dma_wait3A_87] : memref<3x80x128xf32, #tpu.memory_space<vmem>> -> memref<1x80x128xf32, #tpu.memory_space<vmem>>
    %dma_wait3A_89 = tpu.memref_squeeze %dma_wait3A_88 : memref<1x80x128xf32, #tpu.memory_space<vmem>> -> memref<80x128xf32, #tpu.memory_space<vmem>>
    %dma_wait3A_90 = arith.constant 0 : i32
    %dma_wait3A_91 = tpu.memref_slice %arg6[%dma_wait3A_90] : memref<10000xi32, #tpu.memory_space<vmem>> -> memref<80xi32, #tpu.memory_space<vmem>>
    %dma_wait3A_92 = arith.constant 0 : i32
    %dma_wait3A_93 = arith.constant 0 : i32
    %dma_wait3A_94 = tpu.memref_slice %arg2[%dma_wait3A_92, %dma_wait3A_93] : memref<10000x128xf32, #tpu.memory_space<hbm>> -> memref<10000x128xf32, #tpu.memory_space<hbm>>
    tpu.wait_indirect_dma semaphore(%arg10 : memref<!tpu.dma_semaphore, #tpu.memory_space<semaphore_mem>>) src(%dma_wait3A_94 : memref<10000x128xf32, #tpu.memory_space<hbm>>) dst(%dma_wait3A_89 : memref<80x128xf32, #tpu.memory_space<vmem>>)
    %dma_wait3A_95 = arith.constant 0 : i32
    %dma_wait3A_96 = arith.constant 0 : i32
    %dma_wait3A_97 = tpu.memref_slice %arg7[%dma_wait3A_95, %dma_wait3A_96] : memref<3x80xi32, #tpu.memory_space<vmem>> -> memref<1x80xi32, #tpu.memory_space<vmem>>
    %dma_wait3A_98 = tpu.memref_squeeze %dma_wait3A_97 : memref<1x80xi32, #tpu.memory_space<vmem>> -> memref<80xi32, #tpu.memory_space<vmem>>
    %dma_wait3A_99 = tpu.memref_slice %arg4[%mul3A_3] : memref<320000xi32, #tpu.memory_space<hbm>> -> memref<80xi32, #tpu.memory_space<hbm>>
    %dma_wait3A_100 = arith.constant 0 : i32
    %dma_wait3A_101 = tpu.memref_slice %arg7[%dma_wait3A_95, %dma_wait3A_100] : memref<3x80xi32, #tpu.memory_space<vmem>> -> memref<1x80xi32, #tpu.memory_space<vmem>>
    %dma_wait3A_102 = tpu.memref_squeeze %dma_wait3A_101 : memref<1x80xi32, #tpu.memory_space<vmem>> -> memref<80xi32, #tpu.memory_space<vmem>>
    %dma_wait3A_103 = tpu.memref_slice %arg4[%mul3A_3] : memref<320000xi32, #tpu.memory_space<hbm>> -> memref<80xi32, #tpu.memory_space<hbm>>
    tpu.wait_dma2 semaphore(%arg13 : memref<!tpu.dma_semaphore, #tpu.memory_space<semaphore_mem>>) src(%dma_wait3A_103 : memref<80xi32, #tpu.memory_space<hbm>>) dst(%dma_wait3A_102 : memref<80xi32, #tpu.memory_space<vmem>>)
    %run_scoped3A = arith.constant 0 : i32
    %run_scoped3A_104 = arith.constant 0 : i32
    "tpu.region"() ({
      %run_scoped3A_236 = tpu.sem_alloc : memref<!tpu.dma_semaphore, #tpu.memory_space<semaphore_mem>>
      %dma_start3A_237 = arith.constant 0 : i32
      %dma_start3A_238 = arith.constant 0 : i32
      %dma_start3A_239 = tpu.memref_slice %arg8[%run_scoped3A, %dma_start3A_237, %dma_start3A_238] : memref<3x80x128xf32, #tpu.memory_space<vmem>> -> memref<1x80x128xf32, #tpu.memory_space<vmem>>
      %dma_start3A_240 = tpu.memref_squeeze %dma_start3A_239 : memref<1x80x128xf32, #tpu.memory_space<vmem>> -> memref<80x128xf32, #tpu.memory_space<vmem>>
      %dma_start3A_241 = arith.constant 0 : i32
      %dma_start3A_242 = tpu.memref_slice %arg7[%run_scoped3A_104, %dma_start3A_241] : memref<3x80xi32, #tpu.memory_space<vmem>> -> memref<1x80xi32, #tpu.memory_space<vmem>>
      %dma_start3A_243 = tpu.memref_squeeze %dma_start3A_242 : memref<1x80xi32, #tpu.memory_space<vmem>> -> memref<80xi32, #tpu.memory_space<vmem>>
      %dma_start3A_244 = arith.constant 0 : i32
      %dma_start3A_245 = arith.constant 0 : i32
      %dma_start3A_246 = tpu.memref_slice %arg9[%dma_start3A_244, %dma_start3A_245] : memref<10240x128xf32, #tpu.memory_space<vmem_shared>> -> memref<10240x128xf32, #tpu.memory_space<vmem_shared>>
      tpu.enqueue_indirect_dma source(%dma_start3A_240 : memref<80x128xf32, #tpu.memory_space<vmem>>) target(%dma_start3A_246 : memref<10240x128xf32, #tpu.memory_space<vmem_shared>>) offsets(%dma_start3A_243 : memref<80xi32, #tpu.memory_space<vmem>>) semaphore(%run_scoped3A_236 : memref<!tpu.dma_semaphore, #tpu.memory_space<semaphore_mem>>) {add = true}
      %dma_wait3A_247 = arith.constant 0 : i32
      %dma_wait3A_248 = arith.constant 0 : i32
      %dma_wait3A_249 = tpu.memref_slice %arg8[%run_scoped3A, %dma_wait3A_247, %dma_wait3A_248] : memref<3x80x128xf32, #tpu.memory_space<vmem>> -> memref<1x80x128xf32, #tpu.memory_space<vmem>>
      %dma_wait3A_250 = tpu.memref_squeeze %dma_wait3A_249 : memref<1x80x128xf32, #tpu.memory_space<vmem>> -> memref<80x128xf32, #tpu.memory_space<vmem>>
      %dma_wait3A_251 = arith.constant 0 : i32
      %dma_wait3A_252 = tpu.memref_slice %arg7[%run_scoped3A_104, %dma_wait3A_251] : memref<3x80xi32, #tpu.memory_space<vmem>> -> memref<1x80xi32, #tpu.memory_space<vmem>>
      %dma_wait3A_253 = tpu.memref_squeeze %dma_wait3A_252 : memref<1x80xi32, #tpu.memory_space<vmem>> -> memref<80xi32, #tpu.memory_space<vmem>>
      %dma_wait3A_254 = arith.constant 0 : i32
      %dma_wait3A_255 = arith.constant 0 : i32
      %dma_wait3A_256 = tpu.memref_slice %arg9[%dma_wait3A_254, %dma_wait3A_255] : memref<10240x128xf32, #tpu.memory_space<vmem_shared>> -> memref<10240x128xf32, #tpu.memory_space<vmem_shared>>
      tpu.wait_indirect_dma semaphore(%run_scoped3A_236 : memref<!tpu.dma_semaphore, #tpu.memory_space<semaphore_mem>>) src(%dma_wait3A_250 : memref<80x128xf32, #tpu.memory_space<vmem>>) dst(%dma_wait3A_256 : memref<10240x128xf32, #tpu.memory_space<vmem_shared>>)
      tpu.yield
    }) : () -> ()
    %dma_start3A_105 = arith.constant 0 : i32
    %dma_start3A_106 = arith.constant 0 : i32
    %dma_start3A_107 = arith.constant 0 : i32
    %dma_start3A_108 = tpu.memref_slice %arg8[%dma_start3A_105, %dma_start3A_106, %dma_start3A_107] : memref<3x80x128xf32, #tpu.memory_space<vmem>> -> memref<1x80x128xf32, #tpu.memory_space<vmem>>
    %dma_start3A_109 = tpu.memref_squeeze %dma_start3A_108 : memref<1x80x128xf32, #tpu.memory_space<vmem>> -> memref<80x128xf32, #tpu.memory_space<vmem>>
    %dma_start3A_110 = arith.constant 9840 : i32
    %dma_start3A_111 = tpu.memref_slice %arg6[%dma_start3A_110] : memref<10000xi32, #tpu.memory_space<vmem>> -> memref<80xi32, #tpu.memory_space<vmem>>
    %dma_start3A_112 = arith.constant 0 : i32
    %dma_start3A_113 = arith.constant 0 : i32
    %dma_start3A_114 = tpu.memref_slice %arg2[%dma_start3A_112, %dma_start3A_113] : memref<10000x128xf32, #tpu.memory_space<hbm>> -> memref<10000x128xf32, #tpu.memory_space<hbm>>
    tpu.enqueue_indirect_dma source(%dma_start3A_114 : memref<10000x128xf32, #tpu.memory_space<hbm>>) target(%dma_start3A_109 : memref<80x128xf32, #tpu.memory_space<vmem>>) offsets(%dma_start3A_111 : memref<80xi32, #tpu.memory_space<vmem>>) semaphore(%arg10 : memref<!tpu.dma_semaphore, #tpu.memory_space<semaphore_mem>>)
    %add3A_115 = arith.constant 9840 : i32
    %add3A_116 = arith.addi %mul3A_3, %add3A_115 : i32
    %dma_start3A_117 = arith.constant 0 : i32
    %dma_start3A_118 = arith.constant 0 : i32
    %dma_start3A_119 = tpu.memref_slice %arg7[%dma_start3A_117, %dma_start3A_118] : memref<3x80xi32, #tpu.memory_space<vmem>> -> memref<1x80xi32, #tpu.memory_space<vmem>>
    %dma_start3A_120 = tpu.memref_squeeze %dma_start3A_119 : memref<1x80xi32, #tpu.memory_space<vmem>> -> memref<80xi32, #tpu.memory_space<vmem>>
    %dma_start3A_121 = tpu.memref_slice %arg4[%add3A_116] : memref<320000xi32, #tpu.memory_space<hbm>> -> memref<80xi32, #tpu.memory_space<hbm>>
    %dma_start3A_122 = arith.constant 0 : i32
    %dma_start3A_123 = tpu.memref_slice %arg7[%dma_start3A_117, %dma_start3A_122] : memref<3x80xi32, #tpu.memory_space<vmem>> -> memref<1x80xi32, #tpu.memory_space<vmem>>
    %dma_start3A_124 = tpu.memref_squeeze %dma_start3A_123 : memref<1x80xi32, #tpu.memory_space<vmem>> -> memref<80xi32, #tpu.memory_space<vmem>>
    %dma_start3A_125 = tpu.memref_slice %arg4[%add3A_116] : memref<320000xi32, #tpu.memory_space<hbm>> -> memref<80xi32, #tpu.memory_space<hbm>>
    tpu.enqueue_dma source(%dma_start3A_125 : memref<80xi32, #tpu.memory_space<hbm>>) target(%dma_start3A_124 : memref<80xi32, #tpu.memory_space<vmem>>) target_semaphore(%arg13 : memref<!tpu.dma_semaphore, #tpu.memory_space<semaphore_mem>>)
    %dma_wait3A_126 = arith.constant 1 : i32
    %dma_wait3A_127 = arith.constant 0 : i32
    %dma_wait3A_128 = arith.constant 0 : i32
    %dma_wait3A_129 = tpu.memref_slice %arg8[%dma_wait3A_126, %dma_wait3A_127, %dma_wait3A_128] : memref<3x80x128xf32, #tpu.memory_space<vmem>> -> memref<1x80x128xf32, #tpu.memory_space<vmem>>
    %dma_wait3A_130 = tpu.memref_squeeze %dma_wait3A_129 : memref<1x80x128xf32, #tpu.memory_space<vmem>> -> memref<80x128xf32, #tpu.memory_space<vmem>>
    %dma_wait3A_131 = arith.constant 0 : i32
    %dma_wait3A_132 = tpu.memref_slice %arg6[%dma_wait3A_131] : memref<10000xi32, #tpu.memory_space<vmem>> -> memref<80xi32, #tpu.memory_space<vmem>>
    %dma_wait3A_133 = arith.constant 0 : i32
    %dma_wait3A_134 = arith.constant 0 : i32
    %dma_wait3A_135 = tpu.memref_slice %arg2[%dma_wait3A_133, %dma_wait3A_134] : memref<10000x128xf32, #tpu.memory_space<hbm>> -> memref<10000x128xf32, #tpu.memory_space<hbm>>
    tpu.wait_indirect_dma semaphore(%arg11 : memref<!tpu.dma_semaphore, #tpu.memory_space<semaphore_mem>>) src(%dma_wait3A_135 : memref<10000x128xf32, #tpu.memory_space<hbm>>) dst(%dma_wait3A_130 : memref<80x128xf32, #tpu.memory_space<vmem>>)
    %dma_wait3A_136 = arith.constant 1 : i32
    %dma_wait3A_137 = arith.constant 0 : i32
    %dma_wait3A_138 = tpu.memref_slice %arg7[%dma_wait3A_136, %dma_wait3A_137] : memref<3x80xi32, #tpu.memory_space<vmem>> -> memref<1x80xi32, #tpu.memory_space<vmem>>
    %dma_wait3A_139 = tpu.memref_squeeze %dma_wait3A_138 : memref<1x80xi32, #tpu.memory_space<vmem>> -> memref<80xi32, #tpu.memory_space<vmem>>
    %dma_wait3A_140 = tpu.memref_slice %arg4[%mul3A_3] : memref<320000xi32, #tpu.memory_space<hbm>> -> memref<80xi32, #tpu.memory_space<hbm>>
    %dma_wait3A_141 = arith.constant 0 : i32
    %dma_wait3A_142 = tpu.memref_slice %arg7[%dma_wait3A_136, %dma_wait3A_141] : memref<3x80xi32, #tpu.memory_space<vmem>> -> memref<1x80xi32, #tpu.memory_space<vmem>>
    %dma_wait3A_143 = tpu.memref_squeeze %dma_wait3A_142 : memref<1x80xi32, #tpu.memory_space<vmem>> -> memref<80xi32, #tpu.memory_space<vmem>>
    %dma_wait3A_144 = tpu.memref_slice %arg4[%mul3A_3] : memref<320000xi32, #tpu.memory_space<hbm>> -> memref<80xi32, #tpu.memory_space<hbm>>
    tpu.wait_dma2 semaphore(%arg14 : memref<!tpu.dma_semaphore, #tpu.memory_space<semaphore_mem>>) src(%dma_wait3A_144 : memref<80xi32, #tpu.memory_space<hbm>>) dst(%dma_wait3A_143 : memref<80xi32, #tpu.memory_space<vmem>>)
    %run_scoped3A_145 = arith.constant 1 : i32
    %run_scoped3A_146 = arith.constant 1 : i32
    "tpu.region"() ({
      %run_scoped3A_236 = tpu.sem_alloc : memref<!tpu.dma_semaphore, #tpu.memory_space<semaphore_mem>>
      %dma_start3A_237 = arith.constant 0 : i32
      %dma_start3A_238 = arith.constant 0 : i32
      %dma_start3A_239 = tpu.memref_slice %arg8[%run_scoped3A_145, %dma_start3A_237, %dma_start3A_238] : memref<3x80x128xf32, #tpu.memory_space<vmem>> -> memref<1x80x128xf32, #tpu.memory_space<vmem>>
      %dma_start3A_240 = tpu.memref_squeeze %dma_start3A_239 : memref<1x80x128xf32, #tpu.memory_space<vmem>> -> memref<80x128xf32, #tpu.memory_space<vmem>>
      %dma_start3A_241 = arith.constant 0 : i32
      %dma_start3A_242 = tpu.memref_slice %arg7[%run_scoped3A_146, %dma_start3A_241] : memref<3x80xi32, #tpu.memory_space<vmem>> -> memref<1x80xi32, #tpu.memory_space<vmem>>
      %dma_start3A_243 = tpu.memref_squeeze %dma_start3A_242 : memref<1x80xi32, #tpu.memory_space<vmem>> -> memref<80xi32, #tpu.memory_space<vmem>>
      %dma_start3A_244 = arith.constant 0 : i32
      %dma_start3A_245 = arith.constant 0 : i32
      %dma_start3A_246 = tpu.memref_slice %arg9[%dma_start3A_244, %dma_start3A_245] : memref<10240x128xf32, #tpu.memory_space<vmem_shared>> -> memref<10240x128xf32, #tpu.memory_space<vmem_shared>>
      tpu.enqueue_indirect_dma source(%dma_start3A_240 : memref<80x128xf32, #tpu.memory_space<vmem>>) target(%dma_start3A_246 : memref<10240x128xf32, #tpu.memory_space<vmem_shared>>) offsets(%dma_start3A_243 : memref<80xi32, #tpu.memory_space<vmem>>) semaphore(%run_scoped3A_236 : memref<!tpu.dma_semaphore, #tpu.memory_space<semaphore_mem>>) {add = true}
      %dma_wait3A_247 = arith.constant 0 : i32
      %dma_wait3A_248 = arith.constant 0 : i32
      %dma_wait3A_249 = tpu.memref_slice %arg8[%run_scoped3A_145, %dma_wait3A_247, %dma_wait3A_248] : memref<3x80x128xf32, #tpu.memory_space<vmem>> -> memref<1x80x128xf32, #tpu.memory_space<vmem>>
      %dma_wait3A_250 = tpu.memref_squeeze %dma_wait3A_249 : memref<1x80x128xf32, #tpu.memory_space<vmem>> -> memref<80x128xf32, #tpu.memory_space<vmem>>
      %dma_wait3A_251 = arith.constant 0 : i32
      %dma_wait3A_252 = tpu.memref_slice %arg7[%run_scoped3A_146, %dma_wait3A_251] : memref<3x80xi32, #tpu.memory_space<vmem>> -> memref<1x80xi32, #tpu.memory_space<vmem>>
      %dma_wait3A_253 = tpu.memref_squeeze %dma_wait3A_252 : memref<1x80xi32, #tpu.memory_space<vmem>> -> memref<80xi32, #tpu.memory_space<vmem>>
      %dma_wait3A_254 = arith.constant 0 : i32
      %dma_wait3A_255 = arith.constant 0 : i32
      %dma_wait3A_256 = tpu.memref_slice %arg9[%dma_wait3A_254, %dma_wait3A_255] : memref<10240x128xf32, #tpu.memory_space<vmem_shared>> -> memref<10240x128xf32, #tpu.memory_space<vmem_shared>>
      tpu.wait_indirect_dma semaphore(%run_scoped3A_236 : memref<!tpu.dma_semaphore, #tpu.memory_space<semaphore_mem>>) src(%dma_wait3A_250 : memref<80x128xf32, #tpu.memory_space<vmem>>) dst(%dma_wait3A_256 : memref<10240x128xf32, #tpu.memory_space<vmem_shared>>)
      tpu.yield
    }) : () -> ()
    %dma_start3A_147 = arith.constant 1 : i32
    %dma_start3A_148 = arith.constant 0 : i32
    %dma_start3A_149 = arith.constant 0 : i32
    %dma_start3A_150 = tpu.memref_slice %arg8[%dma_start3A_147, %dma_start3A_148, %dma_start3A_149] : memref<3x80x128xf32, #tpu.memory_space<vmem>> -> memref<1x80x128xf32, #tpu.memory_space<vmem>>
    %dma_start3A_151 = tpu.memref_squeeze %dma_start3A_150 : memref<1x80x128xf32, #tpu.memory_space<vmem>> -> memref<80x128xf32, #tpu.memory_space<vmem>>
    %dma_start3A_152 = arith.constant 9920 : i32
    %dma_start3A_153 = tpu.memref_slice %arg6[%dma_start3A_152] : memref<10000xi32, #tpu.memory_space<vmem>> -> memref<80xi32, #tpu.memory_space<vmem>>
    %dma_start3A_154 = arith.constant 0 : i32
    %dma_start3A_155 = arith.constant 0 : i32
    %dma_start3A_156 = tpu.memref_slice %arg2[%dma_start3A_154, %dma_start3A_155] : memref<10000x128xf32, #tpu.memory_space<hbm>> -> memref<10000x128xf32, #tpu.memory_space<hbm>>
    tpu.enqueue_indirect_dma source(%dma_start3A_156 : memref<10000x128xf32, #tpu.memory_space<hbm>>) target(%dma_start3A_151 : memref<80x128xf32, #tpu.memory_space<vmem>>) offsets(%dma_start3A_153 : memref<80xi32, #tpu.memory_space<vmem>>) semaphore(%arg11 : memref<!tpu.dma_semaphore, #tpu.memory_space<semaphore_mem>>)
    %add3A_157 = arith.constant 9920 : i32
    %add3A_158 = arith.addi %mul3A_3, %add3A_157 : i32
    %dma_start3A_159 = arith.constant 1 : i32
    %dma_start3A_160 = arith.constant 0 : i32
    %dma_start3A_161 = tpu.memref_slice %arg7[%dma_start3A_159, %dma_start3A_160] : memref<3x80xi32, #tpu.memory_space<vmem>> -> memref<1x80xi32, #tpu.memory_space<vmem>>
    %dma_start3A_162 = tpu.memref_squeeze %dma_start3A_161 : memref<1x80xi32, #tpu.memory_space<vmem>> -> memref<80xi32, #tpu.memory_space<vmem>>
    %dma_start3A_163 = tpu.memref_slice %arg4[%add3A_158] : memref<320000xi32, #tpu.memory_space<hbm>> -> memref<80xi32, #tpu.memory_space<hbm>>
    %dma_start3A_164 = arith.constant 0 : i32
    %dma_start3A_165 = tpu.memref_slice %arg7[%dma_start3A_159, %dma_start3A_164] : memref<3x80xi32, #tpu.memory_space<vmem>> -> memref<1x80xi32, #tpu.memory_space<vmem>>
    %dma_start3A_166 = tpu.memref_squeeze %dma_start3A_165 : memref<1x80xi32, #tpu.memory_space<vmem>> -> memref<80xi32, #tpu.memory_space<vmem>>
    %dma_start3A_167 = tpu.memref_slice %arg4[%add3A_158] : memref<320000xi32, #tpu.memory_space<hbm>> -> memref<80xi32, #tpu.memory_space<hbm>>
    tpu.enqueue_dma source(%dma_start3A_167 : memref<80xi32, #tpu.memory_space<hbm>>) target(%dma_start3A_166 : memref<80xi32, #tpu.memory_space<vmem>>) target_semaphore(%arg14 : memref<!tpu.dma_semaphore, #tpu.memory_space<semaphore_mem>>)
    %dma_wait3A_168 = arith.constant 2 : i32
    %dma_wait3A_169 = arith.constant 0 : i32
    %dma_wait3A_170 = arith.constant 0 : i32
    %dma_wait3A_171 = tpu.memref_slice %arg8[%dma_wait3A_168, %dma_wait3A_169, %dma_wait3A_170] : memref<3x80x128xf32, #tpu.memory_space<vmem>> -> memref<1x80x128xf32, #tpu.memory_space<vmem>>
    %dma_wait3A_172 = tpu.memref_squeeze %dma_wait3A_171 : memref<1x80x128xf32, #tpu.memory_space<vmem>> -> memref<80x128xf32, #tpu.memory_space<vmem>>
    %dma_wait3A_173 = arith.constant 0 : i32
    %dma_wait3A_174 = tpu.memref_slice %arg6[%dma_wait3A_173] : memref<10000xi32, #tpu.memory_space<vmem>> -> memref<80xi32, #tpu.memory_space<vmem>>
    %dma_wait3A_175 = arith.constant 0 : i32
    %dma_wait3A_176 = arith.constant 0 : i32
    %dma_wait3A_177 = tpu.memref_slice %arg2[%dma_wait3A_175, %dma_wait3A_176] : memref<10000x128xf32, #tpu.memory_space<hbm>> -> memref<10000x128xf32, #tpu.memory_space<hbm>>
    tpu.wait_indirect_dma semaphore(%arg12 : memref<!tpu.dma_semaphore, #tpu.memory_space<semaphore_mem>>) src(%dma_wait3A_177 : memref<10000x128xf32, #tpu.memory_space<hbm>>) dst(%dma_wait3A_172 : memref<80x128xf32, #tpu.memory_space<vmem>>)
    %dma_wait3A_178 = arith.constant 2 : i32
    %dma_wait3A_179 = arith.constant 0 : i32
    %dma_wait3A_180 = tpu.memref_slice %arg7[%dma_wait3A_178, %dma_wait3A_179] : memref<3x80xi32, #tpu.memory_space<vmem>> -> memref<1x80xi32, #tpu.memory_space<vmem>>
    %dma_wait3A_181 = tpu.memref_squeeze %dma_wait3A_180 : memref<1x80xi32, #tpu.memory_space<vmem>> -> memref<80xi32, #tpu.memory_space<vmem>>
    %dma_wait3A_182 = tpu.memref_slice %arg4[%mul3A_3] : memref<320000xi32, #tpu.memory_space<hbm>> -> memref<80xi32, #tpu.memory_space<hbm>>
    %dma_wait3A_183 = arith.constant 0 : i32
    %dma_wait3A_184 = tpu.memref_slice %arg7[%dma_wait3A_178, %dma_wait3A_183] : memref<3x80xi32, #tpu.memory_space<vmem>> -> memref<1x80xi32, #tpu.memory_space<vmem>>
    %dma_wait3A_185 = tpu.memref_squeeze %dma_wait3A_184 : memref<1x80xi32, #tpu.memory_space<vmem>> -> memref<80xi32, #tpu.memory_space<vmem>>
    %dma_wait3A_186 = tpu.memref_slice %arg4[%mul3A_3] : memref<320000xi32, #tpu.memory_space<hbm>> -> memref<80xi32, #tpu.memory_space<hbm>>
    tpu.wait_dma2 semaphore(%arg15 : memref<!tpu.dma_semaphore, #tpu.memory_space<semaphore_mem>>) src(%dma_wait3A_186 : memref<80xi32, #tpu.memory_space<hbm>>) dst(%dma_wait3A_185 : memref<80xi32, #tpu.memory_space<vmem>>)
    %run_scoped3A_187 = arith.constant 2 : i32
    %run_scoped3A_188 = arith.constant 2 : i32
    "tpu.region"() ({
      %run_scoped3A_236 = tpu.sem_alloc : memref<!tpu.dma_semaphore, #tpu.memory_space<semaphore_mem>>
      %dma_start3A_237 = arith.constant 0 : i32
      %dma_start3A_238 = arith.constant 0 : i32
      %dma_start3A_239 = tpu.memref_slice %arg8[%run_scoped3A_187, %dma_start3A_237, %dma_start3A_238] : memref<3x80x128xf32, #tpu.memory_space<vmem>> -> memref<1x80x128xf32, #tpu.memory_space<vmem>>
      %dma_start3A_240 = tpu.memref_squeeze %dma_start3A_239 : memref<1x80x128xf32, #tpu.memory_space<vmem>> -> memref<80x128xf32, #tpu.memory_space<vmem>>
      %dma_start3A_241 = arith.constant 0 : i32
      %dma_start3A_242 = tpu.memref_slice %arg7[%run_scoped3A_188, %dma_start3A_241] : memref<3x80xi32, #tpu.memory_space<vmem>> -> memref<1x80xi32, #tpu.memory_space<vmem>>
      %dma_start3A_243 = tpu.memref_squeeze %dma_start3A_242 : memref<1x80xi32, #tpu.memory_space<vmem>> -> memref<80xi32, #tpu.memory_space<vmem>>
      %dma_start3A_244 = arith.constant 0 : i32
      %dma_start3A_245 = arith.constant 0 : i32
      %dma_start3A_246 = tpu.memref_slice %arg9[%dma_start3A_244, %dma_start3A_245] : memref<10240x128xf32, #tpu.memory_space<vmem_shared>> -> memref<10240x128xf32, #tpu.memory_space<vmem_shared>>
      tpu.enqueue_indirect_dma source(%dma_start3A_240 : memref<80x128xf32, #tpu.memory_space<vmem>>) target(%dma_start3A_246 : memref<10240x128xf32, #tpu.memory_space<vmem_shared>>) offsets(%dma_start3A_243 : memref<80xi32, #tpu.memory_space<vmem>>) semaphore(%run_scoped3A_236 : memref<!tpu.dma_semaphore, #tpu.memory_space<semaphore_mem>>) {add = true}
      %dma_wait3A_247 = arith.constant 0 : i32
      %dma_wait3A_248 = arith.constant 0 : i32
      %dma_wait3A_249 = tpu.memref_slice %arg8[%run_scoped3A_187, %dma_wait3A_247, %dma_wait3A_248] : memref<3x80x128xf32, #tpu.memory_space<vmem>> -> memref<1x80x128xf32, #tpu.memory_space<vmem>>
      %dma_wait3A_250 = tpu.memref_squeeze %dma_wait3A_249 : memref<1x80x128xf32, #tpu.memory_space<vmem>> -> memref<80x128xf32, #tpu.memory_space<vmem>>
      %dma_wait3A_251 = arith.constant 0 : i32
      %dma_wait3A_252 = tpu.memref_slice %arg7[%run_scoped3A_188, %dma_wait3A_251] : memref<3x80xi32, #tpu.memory_space<vmem>> -> memref<1x80xi32, #tpu.memory_space<vmem>>
      %dma_wait3A_253 = tpu.memref_squeeze %dma_wait3A_252 : memref<1x80xi32, #tpu.memory_space<vmem>> -> memref<80xi32, #tpu.memory_space<vmem>>
      %dma_wait3A_254 = arith.constant 0 : i32
      %dma_wait3A_255 = arith.constant 0 : i32
      %dma_wait3A_256 = tpu.memref_slice %arg9[%dma_wait3A_254, %dma_wait3A_255] : memref<10240x128xf32, #tpu.memory_space<vmem_shared>> -> memref<10240x128xf32, #tpu.memory_space<vmem_shared>>
      tpu.wait_indirect_dma semaphore(%run_scoped3A_236 : memref<!tpu.dma_semaphore, #tpu.memory_space<semaphore_mem>>) src(%dma_wait3A_250 : memref<80x128xf32, #tpu.memory_space<vmem>>) dst(%dma_wait3A_256 : memref<10240x128xf32, #tpu.memory_space<vmem_shared>>)
      tpu.yield
    }) : () -> ()
    %dma_wait3A_189 = arith.constant 0 : i32
    %dma_wait3A_190 = arith.constant 0 : i32
    %dma_wait3A_191 = arith.constant 0 : i32
    %dma_wait3A_192 = tpu.memref_slice %arg8[%dma_wait3A_189, %dma_wait3A_190, %dma_wait3A_191] : memref<3x80x128xf32, #tpu.memory_space<vmem>> -> memref<1x80x128xf32, #tpu.memory_space<vmem>>
    %dma_wait3A_193 = tpu.memref_squeeze %dma_wait3A_192 : memref<1x80x128xf32, #tpu.memory_space<vmem>> -> memref<80x128xf32, #tpu.memory_space<vmem>>
    %dma_wait3A_194 = arith.constant 0 : i32
    %dma_wait3A_195 = tpu.memref_slice %arg6[%dma_wait3A_194] : memref<10000xi32, #tpu.memory_space<vmem>> -> memref<80xi32, #tpu.memory_space<vmem>>
    %dma_wait3A_196 = arith.constant 0 : i32
    %dma_wait3A_197 = arith.constant 0 : i32
    %dma_wait3A_198 = tpu.memref_slice %arg2[%dma_wait3A_196, %dma_wait3A_197] : memref<10000x128xf32, #tpu.memory_space<hbm>> -> memref<10000x128xf32, #tpu.memory_space<hbm>>
    tpu.wait_indirect_dma semaphore(%arg10 : memref<!tpu.dma_semaphore, #tpu.memory_space<semaphore_mem>>) src(%dma_wait3A_198 : memref<10000x128xf32, #tpu.memory_space<hbm>>) dst(%dma_wait3A_193 : memref<80x128xf32, #tpu.memory_space<vmem>>)
    %dma_wait3A_199 = arith.constant 0 : i32
    %dma_wait3A_200 = arith.constant 0 : i32
    %dma_wait3A_201 = tpu.memref_slice %arg7[%dma_wait3A_199, %dma_wait3A_200] : memref<3x80xi32, #tpu.memory_space<vmem>> -> memref<1x80xi32, #tpu.memory_space<vmem>>
    %dma_wait3A_202 = tpu.memref_squeeze %dma_wait3A_201 : memref<1x80xi32, #tpu.memory_space<vmem>> -> memref<80xi32, #tpu.memory_space<vmem>>
    %dma_wait3A_203 = tpu.memref_slice %arg4[%mul3A_3] : memref<320000xi32, #tpu.memory_space<hbm>> -> memref<80xi32, #tpu.memory_space<hbm>>
    %dma_wait3A_204 = arith.constant 0 : i32
    %dma_wait3A_205 = tpu.memref_slice %arg7[%dma_wait3A_199, %dma_wait3A_204] : memref<3x80xi32, #tpu.memory_space<vmem>> -> memref<1x80xi32, #tpu.memory_space<vmem>>
    %dma_wait3A_206 = tpu.memref_squeeze %dma_wait3A_205 : memref<1x80xi32, #tpu.memory_space<vmem>> -> memref<80xi32, #tpu.memory_space<vmem>>
    %dma_wait3A_207 = tpu.memref_slice %arg4[%mul3A_3] : memref<320000xi32, #tpu.memory_space<hbm>> -> memref<80xi32, #tpu.memory_space<hbm>>
    tpu.wait_dma2 semaphore(%arg13 : memref<!tpu.dma_semaphore, #tpu.memory_space<semaphore_mem>>) src(%dma_wait3A_207 : memref<80xi32, #tpu.memory_space<hbm>>) dst(%dma_wait3A_206 : memref<80xi32, #tpu.memory_space<vmem>>)
    %run_scoped3A_208 = arith.constant 0 : i32
    %run_scoped3A_209 = arith.constant 0 : i32
    "tpu.region"() ({
      %run_scoped3A_236 = tpu.sem_alloc : memref<!tpu.dma_semaphore, #tpu.memory_space<semaphore_mem>>
      %dma_start3A_237 = arith.constant 0 : i32
      %dma_start3A_238 = arith.constant 0 : i32
      %dma_start3A_239 = tpu.memref_slice %arg8[%run_scoped3A_208, %dma_start3A_237, %dma_start3A_238] : memref<3x80x128xf32, #tpu.memory_space<vmem>> -> memref<1x80x128xf32, #tpu.memory_space<vmem>>
      %dma_start3A_240 = tpu.memref_squeeze %dma_start3A_239 : memref<1x80x128xf32, #tpu.memory_space<vmem>> -> memref<80x128xf32, #tpu.memory_space<vmem>>
      %dma_start3A_241 = arith.constant 0 : i32
      %dma_start3A_242 = tpu.memref_slice %arg7[%run_scoped3A_209, %dma_start3A_241] : memref<3x80xi32, #tpu.memory_space<vmem>> -> memref<1x80xi32, #tpu.memory_space<vmem>>
      %dma_start3A_243 = tpu.memref_squeeze %dma_start3A_242 : memref<1x80xi32, #tpu.memory_space<vmem>> -> memref<80xi32, #tpu.memory_space<vmem>>
      %dma_start3A_244 = arith.constant 0 : i32
      %dma_start3A_245 = arith.constant 0 : i32
      %dma_start3A_246 = tpu.memref_slice %arg9[%dma_start3A_244, %dma_start3A_245] : memref<10240x128xf32, #tpu.memory_space<vmem_shared>> -> memref<10240x128xf32, #tpu.memory_space<vmem_shared>>
      tpu.enqueue_indirect_dma source(%dma_start3A_240 : memref<80x128xf32, #tpu.memory_space<vmem>>) target(%dma_start3A_246 : memref<10240x128xf32, #tpu.memory_space<vmem_shared>>) offsets(%dma_start3A_243 : memref<80xi32, #tpu.memory_space<vmem>>) semaphore(%run_scoped3A_236 : memref<!tpu.dma_semaphore, #tpu.memory_space<semaphore_mem>>) {add = true}
      %dma_wait3A_247 = arith.constant 0 : i32
      %dma_wait3A_248 = arith.constant 0 : i32
      %dma_wait3A_249 = tpu.memref_slice %arg8[%run_scoped3A_208, %dma_wait3A_247, %dma_wait3A_248] : memref<3x80x128xf32, #tpu.memory_space<vmem>> -> memref<1x80x128xf32, #tpu.memory_space<vmem>>
      %dma_wait3A_250 = tpu.memref_squeeze %dma_wait3A_249 : memref<1x80x128xf32, #tpu.memory_space<vmem>> -> memref<80x128xf32, #tpu.memory_space<vmem>>
      %dma_wait3A_251 = arith.constant 0 : i32
      %dma_wait3A_252 = tpu.memref_slice %arg7[%run_scoped3A_209, %dma_wait3A_251] : memref<3x80xi32, #tpu.memory_space<vmem>> -> memref<1x80xi32, #tpu.memory_space<vmem>>
      %dma_wait3A_253 = tpu.memref_squeeze %dma_wait3A_252 : memref<1x80xi32, #tpu.memory_space<vmem>> -> memref<80xi32, #tpu.memory_space<vmem>>
      %dma_wait3A_254 = arith.constant 0 : i32
      %dma_wait3A_255 = arith.constant 0 : i32
      %dma_wait3A_256 = tpu.memref_slice %arg9[%dma_wait3A_254, %dma_wait3A_255] : memref<10240x128xf32, #tpu.memory_space<vmem_shared>> -> memref<10240x128xf32, #tpu.memory_space<vmem_shared>>
      tpu.wait_indirect_dma semaphore(%run_scoped3A_236 : memref<!tpu.dma_semaphore, #tpu.memory_space<semaphore_mem>>) src(%dma_wait3A_250 : memref<80x128xf32, #tpu.memory_space<vmem>>) dst(%dma_wait3A_256 : memref<10240x128xf32, #tpu.memory_space<vmem_shared>>)
      tpu.yield
    }) : () -> ()
    %dma_wait3A_210 = arith.constant 1 : i32
    %dma_wait3A_211 = arith.constant 0 : i32
    %dma_wait3A_212 = arith.constant 0 : i32
    %dma_wait3A_213 = tpu.memref_slice %arg8[%dma_wait3A_210, %dma_wait3A_211, %dma_wait3A_212] : memref<3x80x128xf32, #tpu.memory_space<vmem>> -> memref<1x80x128xf32, #tpu.memory_space<vmem>>
    %dma_wait3A_214 = tpu.memref_squeeze %dma_wait3A_213 : memref<1x80x128xf32, #tpu.memory_space<vmem>> -> memref<80x128xf32, #tpu.memory_space<vmem>>
    %dma_wait3A_215 = arith.constant 0 : i32
    %dma_wait3A_216 = tpu.memref_slice %arg6[%dma_wait3A_215] : memref<10000xi32, #tpu.memory_space<vmem>> -> memref<80xi32, #tpu.memory_space<vmem>>
    %dma_wait3A_217 = arith.constant 0 : i32
    %dma_wait3A_218 = arith.constant 0 : i32
    %dma_wait3A_219 = tpu.memref_slice %arg2[%dma_wait3A_217, %dma_wait3A_218] : memref<10000x128xf32, #tpu.memory_space<hbm>> -> memref<10000x128xf32, #tpu.memory_space<hbm>>
    tpu.wait_indirect_dma semaphore(%arg11 : memref<!tpu.dma_semaphore, #tpu.memory_space<semaphore_mem>>) src(%dma_wait3A_219 : memref<10000x128xf32, #tpu.memory_space<hbm>>) dst(%dma_wait3A_214 : memref<80x128xf32, #tpu.memory_space<vmem>>)
    %dma_wait3A_220 = arith.constant 1 : i32
    %dma_wait3A_221 = arith.constant 0 : i32
    %dma_wait3A_222 = tpu.memref_slice %arg7[%dma_wait3A_220, %dma_wait3A_221] : memref<3x80xi32, #tpu.memory_space<vmem>> -> memref<1x80xi32, #tpu.memory_space<vmem>>
    %dma_wait3A_223 = tpu.memref_squeeze %dma_wait3A_222 : memref<1x80xi32, #tpu.memory_space<vmem>> -> memref<80xi32, #tpu.memory_space<vmem>>
    %dma_wait3A_224 = tpu.memref_slice %arg4[%mul3A_3] : memref<320000xi32, #tpu.memory_space<hbm>> -> memref<80xi32, #tpu.memory_space<hbm>>
    %dma_wait3A_225 = arith.constant 0 : i32
    %dma_wait3A_226 = tpu.memref_slice %arg7[%dma_wait3A_220, %dma_wait3A_225] : memref<3x80xi32, #tpu.memory_space<vmem>> -> memref<1x80xi32, #tpu.memory_space<vmem>>
    %dma_wait3A_227 = tpu.memref_squeeze %dma_wait3A_226 : memref<1x80xi32, #tpu.memory_space<vmem>> -> memref<80xi32, #tpu.memory_space<vmem>>
    %dma_wait3A_228 = tpu.memref_slice %arg4[%mul3A_3] : memref<320000xi32, #tpu.memory_space<hbm>> -> memref<80xi32, #tpu.memory_space<hbm>>
    tpu.wait_dma2 semaphore(%arg14 : memref<!tpu.dma_semaphore, #tpu.memory_space<semaphore_mem>>) src(%dma_wait3A_228 : memref<80xi32, #tpu.memory_space<hbm>>) dst(%dma_wait3A_227 : memref<80xi32, #tpu.memory_space<vmem>>)
    %run_scoped3A_229 = arith.constant 1 : i32
    %run_scoped3A_230 = arith.constant 1 : i32
    "tpu.region"() ({
      %run_scoped3A_236 = tpu.sem_alloc : memref<!tpu.dma_semaphore, #tpu.memory_space<semaphore_mem>>
      %dma_start3A_237 = arith.constant 0 : i32
      %dma_start3A_238 = arith.constant 0 : i32
      %dma_start3A_239 = tpu.memref_slice %arg8[%run_scoped3A_229, %dma_start3A_237, %dma_start3A_238] : memref<3x80x128xf32, #tpu.memory_space<vmem>> -> memref<1x80x128xf32, #tpu.memory_space<vmem>>
      %dma_start3A_240 = tpu.memref_squeeze %dma_start3A_239 : memref<1x80x128xf32, #tpu.memory_space<vmem>> -> memref<80x128xf32, #tpu.memory_space<vmem>>
      %dma_start3A_241 = arith.constant 0 : i32
      %dma_start3A_242 = tpu.memref_slice %arg7[%run_scoped3A_230, %dma_start3A_241] : memref<3x80xi32, #tpu.memory_space<vmem>> -> memref<1x80xi32, #tpu.memory_space<vmem>>
      %dma_start3A_243 = tpu.memref_squeeze %dma_start3A_242 : memref<1x80xi32, #tpu.memory_space<vmem>> -> memref<80xi32, #tpu.memory_space<vmem>>
      %dma_start3A_244 = arith.constant 0 : i32
      %dma_start3A_245 = arith.constant 0 : i32
      %dma_start3A_246 = tpu.memref_slice %arg9[%dma_start3A_244, %dma_start3A_245] : memref<10240x128xf32, #tpu.memory_space<vmem_shared>> -> memref<10240x128xf32, #tpu.memory_space<vmem_shared>>
      tpu.enqueue_indirect_dma source(%dma_start3A_240 : memref<80x128xf32, #tpu.memory_space<vmem>>) target(%dma_start3A_246 : memref<10240x128xf32, #tpu.memory_space<vmem_shared>>) offsets(%dma_start3A_243 : memref<80xi32, #tpu.memory_space<vmem>>) semaphore(%run_scoped3A_236 : memref<!tpu.dma_semaphore, #tpu.memory_space<semaphore_mem>>) {add = true}
      %dma_wait3A_247 = arith.constant 0 : i32
      %dma_wait3A_248 = arith.constant 0 : i32
      %dma_wait3A_249 = tpu.memref_slice %arg8[%run_scoped3A_229, %dma_wait3A_247, %dma_wait3A_248] : memref<3x80x128xf32, #tpu.memory_space<vmem>> -> memref<1x80x128xf32, #tpu.memory_space<vmem>>
      %dma_wait3A_250 = tpu.memref_squeeze %dma_wait3A_249 : memref<1x80x128xf32, #tpu.memory_space<vmem>> -> memref<80x128xf32, #tpu.memory_space<vmem>>
      %dma_wait3A_251 = arith.constant 0 : i32
      %dma_wait3A_252 = tpu.memref_slice %arg7[%run_scoped3A_230, %dma_wait3A_251] : memref<3x80xi32, #tpu.memory_space<vmem>> -> memref<1x80xi32, #tpu.memory_space<vmem>>
      %dma_wait3A_253 = tpu.memref_squeeze %dma_wait3A_252 : memref<1x80xi32, #tpu.memory_space<vmem>> -> memref<80xi32, #tpu.memory_space<vmem>>
      %dma_wait3A_254 = arith.constant 0 : i32
      %dma_wait3A_255 = arith.constant 0 : i32
      %dma_wait3A_256 = tpu.memref_slice %arg9[%dma_wait3A_254, %dma_wait3A_255] : memref<10240x128xf32, #tpu.memory_space<vmem_shared>> -> memref<10240x128xf32, #tpu.memory_space<vmem_shared>>
      tpu.wait_indirect_dma semaphore(%run_scoped3A_236 : memref<!tpu.dma_semaphore, #tpu.memory_space<semaphore_mem>>) src(%dma_wait3A_250 : memref<80x128xf32, #tpu.memory_space<vmem>>) dst(%dma_wait3A_256 : memref<10240x128xf32, #tpu.memory_space<vmem_shared>>)
      tpu.yield
    }) : () -> ()
    %barrier3A_231 = arith.constant 0 : index
    tpu.barrier barrier_id(%barrier3A_231)
    %mul3A_232 = arith.constant 640 : i32
    %mul3A_233 = arith.muli %arg1, %mul3A_232 : i32
    %mul3A_234 = arith.constant 640 : i32
    %mul3A_235 = arith.muli %arg1, %mul3A_234 : i32
    "tpu.region"() ({
      %run_scoped3A_236 = tpu.sem_alloc : memref<!tpu.dma_semaphore, #tpu.memory_space<semaphore_mem>>
      %dma_start3A_237 = arith.constant 0 : i32
      %dma_start3A_238 = tpu.memref_slice %arg5[%arg0, %mul3A_235, %dma_start3A_237] : memref<2x10240x128xf32, #tpu.memory_space<hbm>> -> memref<1x640x128xf32, #tpu.memory_space<hbm>>
      %dma_start3A_239 = tpu.memref_squeeze %dma_start3A_238 : memref<1x640x128xf32, #tpu.memory_space<hbm>> -> memref<640x128xf32, #tpu.memory_space<hbm>>
      %dma_start3A_240 = arith.constant 0 : i32
      %dma_start3A_241 = tpu.memref_slice %arg9[%mul3A_233, %dma_start3A_240] : memref<10240x128xf32, #tpu.memory_space<vmem_shared>> -> memref<640x128xf32, #tpu.memory_space<vmem_shared>>
      tpu.enqueue_dma source(%dma_start3A_241 : memref<640x128xf32, #tpu.memory_space<vmem_shared>>) target(%dma_start3A_239 : memref<640x128xf32, #tpu.memory_space<hbm>>) target_semaphore(%run_scoped3A_236 : memref<!tpu.dma_semaphore, #tpu.memory_space<semaphore_mem>>)
      %dma_wait3A_242 = arith.constant 0 : i32
      %dma_wait3A_243 = tpu.memref_slice %arg5[%arg0, %mul3A_235, %dma_wait3A_242] : memref<2x10240x128xf32, #tpu.memory_space<hbm>> -> memref<1x640x128xf32, #tpu.memory_space<hbm>>
      %dma_wait3A_244 = tpu.memref_squeeze %dma_wait3A_243 : memref<1x640x128xf32, #tpu.memory_space<hbm>> -> memref<640x128xf32, #tpu.memory_space<hbm>>
      %dma_wait3A_245 = arith.constant 0 : i32
      %dma_wait3A_246 = tpu.memref_slice %arg9[%mul3A_233, %dma_wait3A_245] : memref<10240x128xf32, #tpu.memory_space<vmem_shared>> -> memref<640x128xf32, #tpu.memory_space<vmem_shared>>
      tpu.wait_dma2 semaphore(%run_scoped3A_236 : memref<!tpu.dma_semaphore, #tpu.memory_space<semaphore_mem>>) src(%dma_wait3A_246 : memref<640x128xf32, #tpu.memory_space<vmem_shared>>) dst(%dma_wait3A_244 : memref<640x128xf32, #tpu.memory_space<hbm>>)
      tpu.yield
    }) : () -> ()
    return
  }
}

#map = affine_map<(d0, d1) -> (0)>
#map1 = affine_map<(d0, d1) -> (0, 0)>
module attributes {stable_mosaic.version = 14 : i64} {
  func.func @_deg_body(%arg0: i32, %arg1: i32, %arg2: memref<320000xi32, #tpu.memory_space<hbm>>, %arg3: memref<2x10240xf32, #tpu.memory_space<hbm>>, %arg4: memref<5x80xi32, #tpu.memory_space<vmem>>, %arg5: memref<80xf32, #tpu.memory_space<vmem>>, %arg6: memref<640xf32, #tpu.memory_space<vmem>>, %arg7: memref<10240xf32, #tpu.memory_space<vmem_shared>>, %arg8: memref<!tpu.dma_semaphore, #tpu.memory_space<semaphore_mem>>, %arg9: memref<!tpu.dma_semaphore, #tpu.memory_space<semaphore_mem>>, %arg10: memref<!tpu.dma_semaphore, #tpu.memory_space<semaphore_mem>>, %arg11: memref<!tpu.dma_semaphore, #tpu.memory_space<semaphore_mem>>, %arg12: memref<!tpu.dma_semaphore, #tpu.memory_space<semaphore_mem>>, %arg13: memref<!tpu.dma_semaphore, #tpu.memory_space<semaphore_mem>>, %arg14: memref<!tpu.dma_semaphore, #tpu.memory_space<semaphore_mem>>, %arg15: memref<!tpu.dma_semaphore, #tpu.memory_space<semaphore_mem>>, %arg16: memref<!tpu.dma_semaphore, #tpu.memory_space<semaphore_mem>>, %arg17: memref<!tpu.dma_semaphore, #tpu.memory_space<semaphore_mem>>) attributes {dimension_semantics = [#tpu.dimension_semantics<core_parallel>, #tpu.dimension_semantics<subcore_parallel>], iteration_bounds = array<i64: 2, 16>, scalar_prefetch = 0 : i64, scratch_operands = 14 : i64, tpu.core_type = #tpu.core_type<sc_vector_subcore>, window_params = [{transform_indices = #map}, {transform_indices = #map1}]} {
    %mul3A = arith.constant 2 : i32
    %mul3A_0 = arith.muli %arg1, %mul3A : i32
    %add3A = arith.addi %mul3A_0, %arg0 : i32
    %broadcast_in_dim3A = arith.constant 1.000000e+00 : f32
    %broadcast_in_dim3A_1 = vector.broadcast %broadcast_in_dim3A : f32 to vector<16xf32>
    %broadcast_in_dim3A_2 = arith.constant 0.000000e+00 : f32
    %broadcast_in_dim3A_3 = vector.broadcast %broadcast_in_dim3A_2 : f32 to vector<16xf32>
    %mul3A_4 = arith.constant 10000 : i32
    %mul3A_5 = arith.muli %add3A, %mul3A_4 : i32
    %scan3A = arith.constant 0 : i32
    %scan3A_6 = arith.constant 0 : i32
    %scan3A_7 = arith.constant 5 : i32
    %scan3A_8 = arith.addi %scan3A_6, %scan3A_7 : i32
    %scan3A_9 = arith.constant 1 : i32
    %scan3A_10 = scf.for %scan3A_191 = %scan3A_6 to %scan3A_8 step %scan3A_9 iter_args(%scan3A_192 = %scan3A) -> (i32)  : i32 {
      %mul3A_193 = arith.constant 16 : i32
      %mul3A_194 = arith.muli %scan3A_191, %mul3A_193 : i32
      %swap3A = arith.index_cast %mul3A_194 : i32 to index
      %swap3A_195 = tpu.vector_load %arg5[%swap3A] {strides = array<i32>} : memref<80xf32, #tpu.memory_space<vmem>>, vector<16xf32>,
      %swap3A_196 = vector.shape_cast %swap3A_195 : vector<16xf32> to vector<16xf32>
      %swap3A_197 = vector.shape_cast %broadcast_in_dim3A_1 : vector<16xf32> to vector<16xf32>
      tpu.vector_store %arg5[%swap3A], %swap3A_197 {strides = array<i32>} : memref<80xf32, #tpu.memory_space<vmem>>, vector<16xf32>,
      %scan3A_198 = arith.constant 0 : i32
      scf.yield %scan3A_198 : i32
    }
    %scan3A_11 = arith.constant 5 : i32
    %scan3A_12 = arith.constant 0 : i32
    %scan3A_13 = arith.constant 0 : i32
    %scan3A_14 = arith.constant 40 : i32
    %scan3A_15 = arith.addi %scan3A_13, %scan3A_14 : i32
    %scan3A_16 = arith.constant 1 : i32
    %scan3A_17 = scf.for %scan3A_191 = %scan3A_13 to %scan3A_15 step %scan3A_16 iter_args(%scan3A_192 = %scan3A_12) -> (i32)  : i32 {
      %mul3A_193 = arith.constant 16 : i32
      %mul3A_194 = arith.muli %scan3A_191, %mul3A_193 : i32
      %swap3A = arith.index_cast %mul3A_194 : i32 to index
      %swap3A_195 = tpu.vector_load %arg6[%swap3A] {strides = array<i32>} : memref<640xf32, #tpu.memory_space<vmem>>, vector<16xf32>,
      %swap3A_196 = vector.shape_cast %swap3A_195 : vector<16xf32> to vector<16xf32>
      %swap3A_197 = vector.shape_cast %broadcast_in_dim3A_3 : vector<16xf32> to vector<16xf32>
      tpu.vector_store %arg6[%swap3A], %swap3A_197 {strides = array<i32>} : memref<640xf32, #tpu.memory_space<vmem>>, vector<16xf32>,
      %scan3A_198 = arith.constant 0 : i32
      scf.yield %scan3A_198 : i32
    }
    %scan3A_18 = arith.constant 40 : i32
    %mul3A_19 = arith.constant 640 : i32
    %mul3A_20 = arith.muli %arg1, %mul3A_19 : i32
    "tpu.region"() ({
      %run_scoped3A = tpu.sem_alloc : memref<!tpu.dma_semaphore, #tpu.memory_space<semaphore_mem>>
      %dma_start3A_191 = tpu.memref_slice %arg7[%mul3A_20] : memref<10240xf32, #tpu.memory_space<vmem_shared>> -> memref<640xf32, #tpu.memory_space<vmem_shared>>
      %dma_start3A_192 = tpu.memref_slice %arg7[%mul3A_20] : memref<10240xf32, #tpu.memory_space<vmem_shared>> -> memref<640xf32, #tpu.memory_space<vmem_shared>>
      tpu.enqueue_dma source(%arg6 : memref<640xf32, #tpu.memory_space<vmem>>) target(%dma_start3A_192 : memref<640xf32, #tpu.memory_space<vmem_shared>>) target_semaphore(%run_scoped3A : memref<!tpu.dma_semaphore, #tpu.memory_space<semaphore_mem>>)
      %dma_wait3A_193 = tpu.memref_slice %arg7[%mul3A_20] : memref<10240xf32, #tpu.memory_space<vmem_shared>> -> memref<640xf32, #tpu.memory_space<vmem_shared>>
      %dma_wait3A_194 = tpu.memref_slice %arg7[%mul3A_20] : memref<10240xf32, #tpu.memory_space<vmem_shared>> -> memref<640xf32, #tpu.memory_space<vmem_shared>>
      tpu.wait_dma2 semaphore(%run_scoped3A : memref<!tpu.dma_semaphore, #tpu.memory_space<semaphore_mem>>) src(%arg6 : memref<640xf32, #tpu.memory_space<vmem>>) dst(%dma_wait3A_194 : memref<640xf32, #tpu.memory_space<vmem_shared>>)
      tpu.yield
    }) : () -> ()
    %barrier3A = arith.constant 0 : index
    tpu.barrier barrier_id(%barrier3A)
    %add3A_21 = arith.constant 0 : i32
    %add3A_22 = arith.addi %mul3A_5, %add3A_21 : i32
    %dma_start3A = arith.constant 0 : i32
    %dma_start3A_23 = arith.constant 0 : i32
    %dma_start3A_24 = tpu.memref_slice %arg4[%dma_start3A, %dma_start3A_23] : memref<5x80xi32, #tpu.memory_space<vmem>> -> memref<1x80xi32, #tpu.memory_space<vmem>>
    %dma_start3A_25 = tpu.memref_squeeze %dma_start3A_24 : memref<1x80xi32, #tpu.memory_space<vmem>> -> memref<80xi32, #tpu.memory_space<vmem>>
    %dma_start3A_26 = tpu.memref_slice %arg2[%add3A_22] : memref<320000xi32, #tpu.memory_space<hbm>> -> memref<80xi32, #tpu.memory_space<hbm>>
    %dma_start3A_27 = arith.constant 0 : i32
    %dma_start3A_28 = tpu.memref_slice %arg4[%dma_start3A, %dma_start3A_27] : memref<5x80xi32, #tpu.memory_space<vmem>> -> memref<1x80xi32, #tpu.memory_space<vmem>>
    %dma_start3A_29 = tpu.memref_squeeze %dma_start3A_28 : memref<1x80xi32, #tpu.memory_space<vmem>> -> memref<80xi32, #tpu.memory_space<vmem>>
    %dma_start3A_30 = tpu.memref_slice %arg2[%add3A_22] : memref<320000xi32, #tpu.memory_space<hbm>> -> memref<80xi32, #tpu.memory_space<hbm>>
    tpu.enqueue_dma source(%dma_start3A_30 : memref<80xi32, #tpu.memory_space<hbm>>) target(%dma_start3A_29 : memref<80xi32, #tpu.memory_space<vmem>>) target_semaphore(%arg8 : memref<!tpu.dma_semaphore, #tpu.memory_space<semaphore_mem>>)
    %add3A_31 = arith.constant 80 : i32
    %add3A_32 = arith.addi %mul3A_5, %add3A_31 : i32
    %dma_start3A_33 = arith.constant 1 : i32
    %dma_start3A_34 = arith.constant 0 : i32
    %dma_start3A_35 = tpu.memref_slice %arg4[%dma_start3A_33, %dma_start3A_34] : memref<5x80xi32, #tpu.memory_space<vmem>> -> memref<1x80xi32, #tpu.memory_space<vmem>>
    %dma_start3A_36 = tpu.memref_squeeze %dma_start3A_35 : memref<1x80xi32, #tpu.memory_space<vmem>> -> memref<80xi32, #tpu.memory_space<vmem>>
    %dma_start3A_37 = tpu.memref_slice %arg2[%add3A_32] : memref<320000xi32, #tpu.memory_space<hbm>> -> memref<80xi32, #tpu.memory_space<hbm>>
    %dma_start3A_38 = arith.constant 0 : i32
    %dma_start3A_39 = tpu.memref_slice %arg4[%dma_start3A_33, %dma_start3A_38] : memref<5x80xi32, #tpu.memory_space<vmem>> -> memref<1x80xi32, #tpu.memory_space<vmem>>
    %dma_start3A_40 = tpu.memref_squeeze %dma_start3A_39 : memref<1x80xi32, #tpu.memory_space<vmem>> -> memref<80xi32, #tpu.memory_space<vmem>>
    %dma_start3A_41 = tpu.memref_slice %arg2[%add3A_32] : memref<320000xi32, #tpu.memory_space<hbm>> -> memref<80xi32, #tpu.memory_space<hbm>>
    tpu.enqueue_dma source(%dma_start3A_41 : memref<80xi32, #tpu.memory_space<hbm>>) target(%dma_start3A_40 : memref<80xi32, #tpu.memory_space<vmem>>) target_semaphore(%arg9 : memref<!tpu.dma_semaphore, #tpu.memory_space<semaphore_mem>>)
    %add3A_42 = arith.constant 160 : i32
    %add3A_43 = arith.addi %mul3A_5, %add3A_42 : i32
    %dma_start3A_44 = arith.constant 2 : i32
    %dma_start3A_45 = arith.constant 0 : i32
    %dma_start3A_46 = tpu.memref_slice %arg4[%dma_start3A_44, %dma_start3A_45] : memref<5x80xi32, #tpu.memory_space<vmem>> -> memref<1x80xi32, #tpu.memory_space<vmem>>
    %dma_start3A_47 = tpu.memref_squeeze %dma_start3A_46 : memref<1x80xi32, #tpu.memory_space<vmem>> -> memref<80xi32, #tpu.memory_space<vmem>>
    %dma_start3A_48 = tpu.memref_slice %arg2[%add3A_43] : memref<320000xi32, #tpu.memory_space<hbm>> -> memref<80xi32, #tpu.memory_space<hbm>>
    %dma_start3A_49 = arith.constant 0 : i32
    %dma_start3A_50 = tpu.memref_slice %arg4[%dma_start3A_44, %dma_start3A_49] : memref<5x80xi32, #tpu.memory_space<vmem>> -> memref<1x80xi32, #tpu.memory_space<vmem>>
    %dma_start3A_51 = tpu.memref_squeeze %dma_start3A_50 : memref<1x80xi32, #tpu.memory_space<vmem>> -> memref<80xi32, #tpu.memory_space<vmem>>
    %dma_start3A_52 = tpu.memref_slice %arg2[%add3A_43] : memref<320000xi32, #tpu.memory_space<hbm>> -> memref<80xi32, #tpu.memory_space<hbm>>
    tpu.enqueue_dma source(%dma_start3A_52 : memref<80xi32, #tpu.memory_space<hbm>>) target(%dma_start3A_51 : memref<80xi32, #tpu.memory_space<vmem>>) target_semaphore(%arg10 : memref<!tpu.dma_semaphore, #tpu.memory_space<semaphore_mem>>)
    %add3A_53 = arith.constant 240 : i32
    %add3A_54 = arith.addi %mul3A_5, %add3A_53 : i32
    %dma_start3A_55 = arith.constant 3 : i32
    %dma_start3A_56 = arith.constant 0 : i32
    %dma_start3A_57 = tpu.memref_slice %arg4[%dma_start3A_55, %dma_start3A_56] : memref<5x80xi32, #tpu.memory_space<vmem>> -> memref<1x80xi32, #tpu.memory_space<vmem>>
    %dma_start3A_58 = tpu.memref_squeeze %dma_start3A_57 : memref<1x80xi32, #tpu.memory_space<vmem>> -> memref<80xi32, #tpu.memory_space<vmem>>
    %dma_start3A_59 = tpu.memref_slice %arg2[%add3A_54] : memref<320000xi32, #tpu.memory_space<hbm>> -> memref<80xi32, #tpu.memory_space<hbm>>
    %dma_start3A_60 = arith.constant 0 : i32
    %dma_start3A_61 = tpu.memref_slice %arg4[%dma_start3A_55, %dma_start3A_60] : memref<5x80xi32, #tpu.memory_space<vmem>> -> memref<1x80xi32, #tpu.memory_space<vmem>>
    %dma_start3A_62 = tpu.memref_squeeze %dma_start3A_61 : memref<1x80xi32, #tpu.memory_space<vmem>> -> memref<80xi32, #tpu.memory_space<vmem>>
    %dma_start3A_63 = tpu.memref_slice %arg2[%add3A_54] : memref<320000xi32, #tpu.memory_space<hbm>> -> memref<80xi32, #tpu.memory_space<hbm>>
    tpu.enqueue_dma source(%dma_start3A_63 : memref<80xi32, #tpu.memory_space<hbm>>) target(%dma_start3A_62 : memref<80xi32, #tpu.memory_space<vmem>>) target_semaphore(%arg11 : memref<!tpu.dma_semaphore, #tpu.memory_space<semaphore_mem>>)
    %add3A_64 = arith.constant 320 : i32
    %add3A_65 = arith.addi %mul3A_5, %add3A_64 : i32
    %dma_start3A_66 = arith.constant 4 : i32
    %dma_start3A_67 = arith.constant 0 : i32
    %dma_start3A_68 = tpu.memref_slice %arg4[%dma_start3A_66, %dma_start3A_67] : memref<5x80xi32, #tpu.memory_space<vmem>> -> memref<1x80xi32, #tpu.memory_space<vmem>>
    %dma_start3A_69 = tpu.memref_squeeze %dma_start3A_68 : memref<1x80xi32, #tpu.memory_space<vmem>> -> memref<80xi32, #tpu.memory_space<vmem>>
    %dma_start3A_70 = tpu.memref_slice %arg2[%add3A_65] : memref<320000xi32, #tpu.memory_space<hbm>> -> memref<80xi32, #tpu.memory_space<hbm>>
    %dma_start3A_71 = arith.constant 0 : i32
    %dma_start3A_72 = tpu.memref_slice %arg4[%dma_start3A_66, %dma_start3A_71] : memref<5x80xi32, #tpu.memory_space<vmem>> -> memref<1x80xi32, #tpu.memory_space<vmem>>
    %dma_start3A_73 = tpu.memref_squeeze %dma_start3A_72 : memref<1x80xi32, #tpu.memory_space<vmem>> -> memref<80xi32, #tpu.memory_space<vmem>>
    %dma_start3A_74 = tpu.memref_slice %arg2[%add3A_65] : memref<320000xi32, #tpu.memory_space<hbm>> -> memref<80xi32, #tpu.memory_space<hbm>>
    tpu.enqueue_dma source(%dma_start3A_74 : memref<80xi32, #tpu.memory_space<hbm>>) target(%dma_start3A_73 : memref<80xi32, #tpu.memory_space<vmem>>) target_semaphore(%arg12 : memref<!tpu.dma_semaphore, #tpu.memory_space<semaphore_mem>>)
    %scan3A_75 = arith.constant 0 : i32
    %scan3A_76 = arith.constant 0 : i32
    %scan3A_77 = arith.constant 24 : i32
    %scan3A_78 = arith.addi %scan3A_76, %scan3A_77 : i32
    %scan3A_79 = arith.constant 1 : i32
    %scan3A_80 = scf.for %scan3A_191 = %scan3A_76 to %scan3A_78 step %scan3A_79 iter_args(%scan3A_192 = %scan3A_75) -> (i32)  : i32 {
      %mul3A_193 = arith.constant 5 : i32
      %mul3A_194 = arith.muli %scan3A_191, %mul3A_193 : i32
      %add3A_195 = arith.constant 0 : i32
      %add3A_196 = arith.addi %mul3A_194, %add3A_195 : i32
      %dma_wait3A_197 = arith.constant 0 : i32
      %dma_wait3A_198 = arith.constant 0 : i32
      %dma_wait3A_199 = tpu.memref_slice %arg4[%dma_wait3A_197, %dma_wait3A_198] : memref<5x80xi32, #tpu.memory_space<vmem>> -> memref<1x80xi32, #tpu.memory_space<vmem>>
      %dma_wait3A_200 = tpu.memref_squeeze %dma_wait3A_199 : memref<1x80xi32, #tpu.memory_space<vmem>> -> memref<80xi32, #tpu.memory_space<vmem>>
      %dma_wait3A_201 = tpu.memref_slice %arg2[%mul3A_5] : memref<320000xi32, #tpu.memory_space<hbm>> -> memref<80xi32, #tpu.memory_space<hbm>>
      %dma_wait3A_202 = arith.constant 0 : i32
      %dma_wait3A_203 = tpu.memref_slice %arg4[%dma_wait3A_197, %dma_wait3A_202] : memref<5x80xi32, #tpu.memory_space<vmem>> -> memref<1x80xi32, #tpu.memory_space<vmem>>
      %dma_wait3A_204 = tpu.memref_squeeze %dma_wait3A_203 : memref<1x80xi32, #tpu.memory_space<vmem>> -> memref<80xi32, #tpu.memory_space<vmem>>
      %dma_wait3A_205 = tpu.memref_slice %arg2[%mul3A_5] : memref<320000xi32, #tpu.memory_space<hbm>> -> memref<80xi32, #tpu.memory_space<hbm>>
      tpu.wait_dma2 semaphore(%arg8 : memref<!tpu.dma_semaphore, #tpu.memory_space<semaphore_mem>>) src(%dma_wait3A_205 : memref<80xi32, #tpu.memory_space<hbm>>) dst(%dma_wait3A_204 : memref<80xi32, #tpu.memory_space<vmem>>)
      %dma_start3A_206 = arith.constant 0 : i32
      %dma_start3A_207 = arith.constant 0 : i32
      %dma_start3A_208 = tpu.memref_slice %arg4[%dma_start3A_206, %dma_start3A_207] : memref<5x80xi32, #tpu.memory_space<vmem>> -> memref<1x80xi32, #tpu.memory_space<vmem>>
      %dma_start3A_209 = tpu.memref_squeeze %dma_start3A_208 : memref<1x80xi32, #tpu.memory_space<vmem>> -> memref<80xi32, #tpu.memory_space<vmem>>
      %dma_start3A_210 = arith.constant 0 : i32
      %dma_start3A_211 = tpu.memref_slice %arg7[%dma_start3A_210] : memref<10240xf32, #tpu.memory_space<vmem_shared>> -> memref<10240xf32, #tpu.memory_space<vmem_shared>>
      tpu.enqueue_indirect_dma source(%arg5 : memref<80xf32, #tpu.memory_space<vmem>>) target(%dma_start3A_211 : memref<10240xf32, #tpu.memory_space<vmem_shared>>) offsets(%dma_start3A_209 : memref<80xi32, #tpu.memory_space<vmem>>) semaphore(%arg13 : memref<!tpu.dma_semaphore, #tpu.memory_space<semaphore_mem>>) {add = true}
      %dma_wait3A_212 = arith.constant 0 : i32
      %dma_wait3A_213 = arith.constant 0 : i32
      %dma_wait3A_214 = tpu.memref_slice %arg4[%dma_wait3A_212, %dma_wait3A_213] : memref<5x80xi32, #tpu.memory_space<vmem>> -> memref<1x80xi32, #tpu.memory_space<vmem>>
      %dma_wait3A_215 = tpu.memref_squeeze %dma_wait3A_214 : memref<1x80xi32, #tpu.memory_space<vmem>> -> memref<80xi32, #tpu.memory_space<vmem>>
      %dma_wait3A_216 = arith.constant 0 : i32
      %dma_wait3A_217 = tpu.memref_slice %arg7[%dma_wait3A_216] : memref<10240xf32, #tpu.memory_space<vmem_shared>> -> memref<10240xf32, #tpu.memory_space<vmem_shared>>
      tpu.wait_indirect_dma semaphore(%arg13 : memref<!tpu.dma_semaphore, #tpu.memory_space<semaphore_mem>>) src(%arg5 : memref<80xf32, #tpu.memory_space<vmem>>) dst(%dma_wait3A_217 : memref<10240xf32, #tpu.memory_space<vmem_shared>>)
      %add3A_218 = arith.constant 5 : i32
      %add3A_219 = arith.addi %add3A_196, %add3A_218 : i32
      %mul3A_220 = arith.constant 80 : i32
      %mul3A_221 = arith.muli %add3A_219, %mul3A_220 : i32
      %add3A_222 = arith.addi %mul3A_5, %mul3A_221 : i32
      %dma_start3A_223 = arith.constant 0 : i32
      %dma_start3A_224 = arith.constant 0 : i32
      %dma_start3A_225 = tpu.memref_slice %arg4[%dma_start3A_223, %dma_start3A_224] : memref<5x80xi32, #tpu.memory_space<vmem>> -> memref<1x80xi32, #tpu.memory_space<vmem>>
      %dma_start3A_226 = tpu.memref_squeeze %dma_start3A_225 : memref<1x80xi32, #tpu.memory_space<vmem>> -> memref<80xi32, #tpu.memory_space<vmem>>
      %dma_start3A_227 = tpu.memref_slice %arg2[%add3A_222] : memref<320000xi32, #tpu.memory_space<hbm>> -> memref<80xi32, #tpu.memory_space<hbm>>
      %dma_start3A_228 = arith.constant 0 : i32
      %dma_start3A_229 = tpu.memref_slice %arg4[%dma_start3A_223, %dma_start3A_228] : memref<5x80xi32, #tpu.memory_space<vmem>> -> memref<1x80xi32, #tpu.memory_space<vmem>>
      %dma_start3A_230 = tpu.memref_squeeze %dma_start3A_229 : memref<1x80xi32, #tpu.memory_space<vmem>> -> memref<80xi32, #tpu.memory_space<vmem>>
      %dma_start3A_231 = tpu.memref_slice %arg2[%add3A_222] : memref<320000xi32, #tpu.memory_space<hbm>> -> memref<80xi32, #tpu.memory_space<hbm>>
      tpu.enqueue_dma source(%dma_start3A_231 : memref<80xi32, #tpu.memory_space<hbm>>) target(%dma_start3A_230 : memref<80xi32, #tpu.memory_space<vmem>>) target_semaphore(%arg8 : memref<!tpu.dma_semaphore, #tpu.memory_space<semaphore_mem>>)
      %mul3A_232 = arith.constant 5 : i32
      %mul3A_233 = arith.muli %scan3A_191, %mul3A_232 : i32
      %add3A_234 = arith.constant 1 : i32
      %add3A_235 = arith.addi %mul3A_233, %add3A_234 : i32
      %dma_wait3A_236 = arith.constant 1 : i32
      %dma_wait3A_237 = arith.constant 0 : i32
      %dma_wait3A_238 = tpu.memref_slice %arg4[%dma_wait3A_236, %dma_wait3A_237] : memref<5x80xi32, #tpu.memory_space<vmem>> -> memref<1x80xi32, #tpu.memory_space<vmem>>
      %dma_wait3A_239 = tpu.memref_squeeze %dma_wait3A_238 : memref<1x80xi32, #tpu.memory_space<vmem>> -> memref<80xi32, #tpu.memory_space<vmem>>
      %dma_wait3A_240 = tpu.memref_slice %arg2[%mul3A_5] : memref<320000xi32, #tpu.memory_space<hbm>> -> memref<80xi32, #tpu.memory_space<hbm>>
      %dma_wait3A_241 = arith.constant 0 : i32
      %dma_wait3A_242 = tpu.memref_slice %arg4[%dma_wait3A_236, %dma_wait3A_241] : memref<5x80xi32, #tpu.memory_space<vmem>> -> memref<1x80xi32, #tpu.memory_space<vmem>>
      %dma_wait3A_243 = tpu.memref_squeeze %dma_wait3A_242 : memref<1x80xi32, #tpu.memory_space<vmem>> -> memref<80xi32, #tpu.memory_space<vmem>>
      %dma_wait3A_244 = tpu.memref_slice %arg2[%mul3A_5] : memref<320000xi32, #tpu.memory_space<hbm>> -> memref<80xi32, #tpu.memory_space<hbm>>
      tpu.wait_dma2 semaphore(%arg9 : memref<!tpu.dma_semaphore, #tpu.memory_space<semaphore_mem>>) src(%dma_wait3A_244 : memref<80xi32, #tpu.memory_space<hbm>>) dst(%dma_wait3A_243 : memref<80xi32, #tpu.memory_space<vmem>>)
      %dma_start3A_245 = arith.constant 1 : i32
      %dma_start3A_246 = arith.constant 0 : i32
      %dma_start3A_247 = tpu.memref_slice %arg4[%dma_start3A_245, %dma_start3A_246] : memref<5x80xi32, #tpu.memory_space<vmem>> -> memref<1x80xi32, #tpu.memory_space<vmem>>
      %dma_start3A_248 = tpu.memref_squeeze %dma_start3A_247 : memref<1x80xi32, #tpu.memory_space<vmem>> -> memref<80xi32, #tpu.memory_space<vmem>>
      %dma_start3A_249 = arith.constant 0 : i32
      %dma_start3A_250 = tpu.memref_slice %arg7[%dma_start3A_249] : memref<10240xf32, #tpu.memory_space<vmem_shared>> -> memref<10240xf32, #tpu.memory_space<vmem_shared>>
      tpu.enqueue_indirect_dma source(%arg5 : memref<80xf32, #tpu.memory_space<vmem>>) target(%dma_start3A_250 : memref<10240xf32, #tpu.memory_space<vmem_shared>>) offsets(%dma_start3A_248 : memref<80xi32, #tpu.memory_space<vmem>>) semaphore(%arg14 : memref<!tpu.dma_semaphore, #tpu.memory_space<semaphore_mem>>) {add = true}
      %dma_wait3A_251 = arith.constant 1 : i32
      %dma_wait3A_252 = arith.constant 0 : i32
      %dma_wait3A_253 = tpu.memref_slice %arg4[%dma_wait3A_251, %dma_wait3A_252] : memref<5x80xi32, #tpu.memory_space<vmem>> -> memref<1x80xi32, #tpu.memory_space<vmem>>
      %dma_wait3A_254 = tpu.memref_squeeze %dma_wait3A_253 : memref<1x80xi32, #tpu.memory_space<vmem>> -> memref<80xi32, #tpu.memory_space<vmem>>
      %dma_wait3A_255 = arith.constant 0 : i32
      %dma_wait3A_256 = tpu.memref_slice %arg7[%dma_wait3A_255] : memref<10240xf32, #tpu.memory_space<vmem_shared>> -> memref<10240xf32, #tpu.memory_space<vmem_shared>>
      tpu.wait_indirect_dma semaphore(%arg14 : memref<!tpu.dma_semaphore, #tpu.memory_space<semaphore_mem>>) src(%arg5 : memref<80xf32, #tpu.memory_space<vmem>>) dst(%dma_wait3A_256 : memref<10240xf32, #tpu.memory_space<vmem_shared>>)
      %add3A_257 = arith.constant 5 : i32
      %add3A_258 = arith.addi %add3A_235, %add3A_257 : i32
      %mul3A_259 = arith.constant 80 : i32
      %mul3A_260 = arith.muli %add3A_258, %mul3A_259 : i32
      %add3A_261 = arith.addi %mul3A_5, %mul3A_260 : i32
      %dma_start3A_262 = arith.constant 1 : i32
      %dma_start3A_263 = arith.constant 0 : i32
      %dma_start3A_264 = tpu.memref_slice %arg4[%dma_start3A_262, %dma_start3A_263] : memref<5x80xi32, #tpu.memory_space<vmem>> -> memref<1x80xi32, #tpu.memory_space<vmem>>
      %dma_start3A_265 = tpu.memref_squeeze %dma_start3A_264 : memref<1x80xi32, #tpu.memory_space<vmem>> -> memref<80xi32, #tpu.memory_space<vmem>>
      %dma_start3A_266 = tpu.memref_slice %arg2[%add3A_261] : memref<320000xi32, #tpu.memory_space<hbm>> -> memref<80xi32, #tpu.memory_space<hbm>>
      %dma_start3A_267 = arith.constant 0 : i32
      %dma_start3A_268 = tpu.memref_slice %arg4[%dma_start3A_262, %dma_start3A_267] : memref<5x80xi32, #tpu.memory_space<vmem>> -> memref<1x80xi32, #tpu.memory_space<vmem>>
      %dma_start3A_269 = tpu.memref_squeeze %dma_start3A_268 : memref<1x80xi32, #tpu.memory_space<vmem>> -> memref<80xi32, #tpu.memory_space<vmem>>
      %dma_start3A_270 = tpu.memref_slice %arg2[%add3A_261] : memref<320000xi32, #tpu.memory_space<hbm>> -> memref<80xi32, #tpu.memory_space<hbm>>
      tpu.enqueue_dma source(%dma_start3A_270 : memref<80xi32, #tpu.memory_space<hbm>>) target(%dma_start3A_269 : memref<80xi32, #tpu.memory_space<vmem>>) target_semaphore(%arg9 : memref<!tpu.dma_semaphore, #tpu.memory_space<semaphore_mem>>)
      %mul3A_271 = arith.constant 5 : i32
      %mul3A_272 = arith.muli %scan3A_191, %mul3A_271 : i32
      %add3A_273 = arith.constant 2 : i32
      %add3A_274 = arith.addi %mul3A_272, %add3A_273 : i32
      %dma_wait3A_275 = arith.constant 2 : i32
      %dma_wait3A_276 = arith.constant 0 : i32
      %dma_wait3A_277 = tpu.memref_slice %arg4[%dma_wait3A_275, %dma_wait3A_276] : memref<5x80xi32, #tpu.memory_space<vmem>> -> memref<1x80xi32, #tpu.memory_space<vmem>>
      %dma_wait3A_278 = tpu.memref_squeeze %dma_wait3A_277 : memref<1x80xi32, #tpu.memory_space<vmem>> -> memref<80xi32, #tpu.memory_space<vmem>>
      %dma_wait3A_279 = tpu.memref_slice %arg2[%mul3A_5] : memref<320000xi32, #tpu.memory_space<hbm>> -> memref<80xi32, #tpu.memory_space<hbm>>
      %dma_wait3A_280 = arith.constant 0 : i32
      %dma_wait3A_281 = tpu.memref_slice %arg4[%dma_wait3A_275, %dma_wait3A_280] : memref<5x80xi32, #tpu.memory_space<vmem>> -> memref<1x80xi32, #tpu.memory_space<vmem>>
      %dma_wait3A_282 = tpu.memref_squeeze %dma_wait3A_281 : memref<1x80xi32, #tpu.memory_space<vmem>> -> memref<80xi32, #tpu.memory_space<vmem>>
      %dma_wait3A_283 = tpu.memref_slice %arg2[%mul3A_5] : memref<320000xi32, #tpu.memory_space<hbm>> -> memref<80xi32, #tpu.memory_space<hbm>>
      tpu.wait_dma2 semaphore(%arg10 : memref<!tpu.dma_semaphore, #tpu.memory_space<semaphore_mem>>) src(%dma_wait3A_283 : memref<80xi32, #tpu.memory_space<hbm>>) dst(%dma_wait3A_282 : memref<80xi32, #tpu.memory_space<vmem>>)
      %dma_start3A_284 = arith.constant 2 : i32
      %dma_start3A_285 = arith.constant 0 : i32
      %dma_start3A_286 = tpu.memref_slice %arg4[%dma_start3A_284, %dma_start3A_285] : memref<5x80xi32, #tpu.memory_space<vmem>> -> memref<1x80xi32, #tpu.memory_space<vmem>>
      %dma_start3A_287 = tpu.memref_squeeze %dma_start3A_286 : memref<1x80xi32, #tpu.memory_space<vmem>> -> memref<80xi32, #tpu.memory_space<vmem>>
      %dma_start3A_288 = arith.constant 0 : i32
      %dma_start3A_289 = tpu.memref_slice %arg7[%dma_start3A_288] : memref<10240xf32, #tpu.memory_space<vmem_shared>> -> memref<10240xf32, #tpu.memory_space<vmem_shared>>
      tpu.enqueue_indirect_dma source(%arg5 : memref<80xf32, #tpu.memory_space<vmem>>) target(%dma_start3A_289 : memref<10240xf32, #tpu.memory_space<vmem_shared>>) offsets(%dma_start3A_287 : memref<80xi32, #tpu.memory_space<vmem>>) semaphore(%arg15 : memref<!tpu.dma_semaphore, #tpu.memory_space<semaphore_mem>>) {add = true}
      %dma_wait3A_290 = arith.constant 2 : i32
      %dma_wait3A_291 = arith.constant 0 : i32
      %dma_wait3A_292 = tpu.memref_slice %arg4[%dma_wait3A_290, %dma_wait3A_291] : memref<5x80xi32, #tpu.memory_space<vmem>> -> memref<1x80xi32, #tpu.memory_space<vmem>>
      %dma_wait3A_293 = tpu.memref_squeeze %dma_wait3A_292 : memref<1x80xi32, #tpu.memory_space<vmem>> -> memref<80xi32, #tpu.memory_space<vmem>>
      %dma_wait3A_294 = arith.constant 0 : i32
      %dma_wait3A_295 = tpu.memref_slice %arg7[%dma_wait3A_294] : memref<10240xf32, #tpu.memory_space<vmem_shared>> -> memref<10240xf32, #tpu.memory_space<vmem_shared>>
      tpu.wait_indirect_dma semaphore(%arg15 : memref<!tpu.dma_semaphore, #tpu.memory_space<semaphore_mem>>) src(%arg5 : memref<80xf32, #tpu.memory_space<vmem>>) dst(%dma_wait3A_295 : memref<10240xf32, #tpu.memory_space<vmem_shared>>)
      %add3A_296 = arith.constant 5 : i32
      %add3A_297 = arith.addi %add3A_274, %add3A_296 : i32
      %mul3A_298 = arith.constant 80 : i32
      %mul3A_299 = arith.muli %add3A_297, %mul3A_298 : i32
      %add3A_300 = arith.addi %mul3A_5, %mul3A_299 : i32
      %dma_start3A_301 = arith.constant 2 : i32
      %dma_start3A_302 = arith.constant 0 : i32
      %dma_start3A_303 = tpu.memref_slice %arg4[%dma_start3A_301, %dma_start3A_302] : memref<5x80xi32, #tpu.memory_space<vmem>> -> memref<1x80xi32, #tpu.memory_space<vmem>>
      %dma_start3A_304 = tpu.memref_squeeze %dma_start3A_303 : memref<1x80xi32, #tpu.memory_space<vmem>> -> memref<80xi32, #tpu.memory_space<vmem>>
      %dma_start3A_305 = tpu.memref_slice %arg2[%add3A_300] : memref<320000xi32, #tpu.memory_space<hbm>> -> memref<80xi32, #tpu.memory_space<hbm>>
      %dma_start3A_306 = arith.constant 0 : i32
      %dma_start3A_307 = tpu.memref_slice %arg4[%dma_start3A_301, %dma_start3A_306] : memref<5x80xi32, #tpu.memory_space<vmem>> -> memref<1x80xi32, #tpu.memory_space<vmem>>
      %dma_start3A_308 = tpu.memref_squeeze %dma_start3A_307 : memref<1x80xi32, #tpu.memory_space<vmem>> -> memref<80xi32, #tpu.memory_space<vmem>>
      %dma_start3A_309 = tpu.memref_slice %arg2[%add3A_300] : memref<320000xi32, #tpu.memory_space<hbm>> -> memref<80xi32, #tpu.memory_space<hbm>>
      tpu.enqueue_dma source(%dma_start3A_309 : memref<80xi32, #tpu.memory_space<hbm>>) target(%dma_start3A_308 : memref<80xi32, #tpu.memory_space<vmem>>) target_semaphore(%arg10 : memref<!tpu.dma_semaphore, #tpu.memory_space<semaphore_mem>>)
      %mul3A_310 = arith.constant 5 : i32
      %mul3A_311 = arith.muli %scan3A_191, %mul3A_310 : i32
      %add3A_312 = arith.constant 3 : i32
      %add3A_313 = arith.addi %mul3A_311, %add3A_312 : i32
      %dma_wait3A_314 = arith.constant 3 : i32
      %dma_wait3A_315 = arith.constant 0 : i32
      %dma_wait3A_316 = tpu.memref_slice %arg4[%dma_wait3A_314, %dma_wait3A_315] : memref<5x80xi32, #tpu.memory_space<vmem>> -> memref<1x80xi32, #tpu.memory_space<vmem>>
      %dma_wait3A_317 = tpu.memref_squeeze %dma_wait3A_316 : memref<1x80xi32, #tpu.memory_space<vmem>> -> memref<80xi32, #tpu.memory_space<vmem>>
      %dma_wait3A_318 = tpu.memref_slice %arg2[%mul3A_5] : memref<320000xi32, #tpu.memory_space<hbm>> -> memref<80xi32, #tpu.memory_space<hbm>>
      %dma_wait3A_319 = arith.constant 0 : i32
      %dma_wait3A_320 = tpu.memref_slice %arg4[%dma_wait3A_314, %dma_wait3A_319] : memref<5x80xi32, #tpu.memory_space<vmem>> -> memref<1x80xi32, #tpu.memory_space<vmem>>
      %dma_wait3A_321 = tpu.memref_squeeze %dma_wait3A_320 : memref<1x80xi32, #tpu.memory_space<vmem>> -> memref<80xi32, #tpu.memory_space<vmem>>
      %dma_wait3A_322 = tpu.memref_slice %arg2[%mul3A_5] : memref<320000xi32, #tpu.memory_space<hbm>> -> memref<80xi32, #tpu.memory_space<hbm>>
      tpu.wait_dma2 semaphore(%arg11 : memref<!tpu.dma_semaphore, #tpu.memory_space<semaphore_mem>>) src(%dma_wait3A_322 : memref<80xi32, #tpu.memory_space<hbm>>) dst(%dma_wait3A_321 : memref<80xi32, #tpu.memory_space<vmem>>)
      %dma_start3A_323 = arith.constant 3 : i32
      %dma_start3A_324 = arith.constant 0 : i32
      %dma_start3A_325 = tpu.memref_slice %arg4[%dma_start3A_323, %dma_start3A_324] : memref<5x80xi32, #tpu.memory_space<vmem>> -> memref<1x80xi32, #tpu.memory_space<vmem>>
      %dma_start3A_326 = tpu.memref_squeeze %dma_start3A_325 : memref<1x80xi32, #tpu.memory_space<vmem>> -> memref<80xi32, #tpu.memory_space<vmem>>
      %dma_start3A_327 = arith.constant 0 : i32
      %dma_start3A_328 = tpu.memref_slice %arg7[%dma_start3A_327] : memref<10240xf32, #tpu.memory_space<vmem_shared>> -> memref<10240xf32, #tpu.memory_space<vmem_shared>>
      tpu.enqueue_indirect_dma source(%arg5 : memref<80xf32, #tpu.memory_space<vmem>>) target(%dma_start3A_328 : memref<10240xf32, #tpu.memory_space<vmem_shared>>) offsets(%dma_start3A_326 : memref<80xi32, #tpu.memory_space<vmem>>) semaphore(%arg16 : memref<!tpu.dma_semaphore, #tpu.memory_space<semaphore_mem>>) {add = true}
      %dma_wait3A_329 = arith.constant 3 : i32
      %dma_wait3A_330 = arith.constant 0 : i32
      %dma_wait3A_331 = tpu.memref_slice %arg4[%dma_wait3A_329, %dma_wait3A_330] : memref<5x80xi32, #tpu.memory_space<vmem>> -> memref<1x80xi32, #tpu.memory_space<vmem>>
      %dma_wait3A_332 = tpu.memref_squeeze %dma_wait3A_331 : memref<1x80xi32, #tpu.memory_space<vmem>> -> memref<80xi32, #tpu.memory_space<vmem>>
      %dma_wait3A_333 = arith.constant 0 : i32
      %dma_wait3A_334 = tpu.memref_slice %arg7[%dma_wait3A_333] : memref<10240xf32, #tpu.memory_space<vmem_shared>> -> memref<10240xf32, #tpu.memory_space<vmem_shared>>
      tpu.wait_indirect_dma semaphore(%arg16 : memref<!tpu.dma_semaphore, #tpu.memory_space<semaphore_mem>>) src(%arg5 : memref<80xf32, #tpu.memory_space<vmem>>) dst(%dma_wait3A_334 : memref<10240xf32, #tpu.memory_space<vmem_shared>>)
      %add3A_335 = arith.constant 5 : i32
      %add3A_336 = arith.addi %add3A_313, %add3A_335 : i32
      %mul3A_337 = arith.constant 80 : i32
      %mul3A_338 = arith.muli %add3A_336, %mul3A_337 : i32
      %add3A_339 = arith.addi %mul3A_5, %mul3A_338 : i32
      %dma_start3A_340 = arith.constant 3 : i32
      %dma_start3A_341 = arith.constant 0 : i32
      %dma_start3A_342 = tpu.memref_slice %arg4[%dma_start3A_340, %dma_start3A_341] : memref<5x80xi32, #tpu.memory_space<vmem>> -> memref<1x80xi32, #tpu.memory_space<vmem>>
      %dma_start3A_343 = tpu.memref_squeeze %dma_start3A_342 : memref<1x80xi32, #tpu.memory_space<vmem>> -> memref<80xi32, #tpu.memory_space<vmem>>
      %dma_start3A_344 = tpu.memref_slice %arg2[%add3A_339] : memref<320000xi32, #tpu.memory_space<hbm>> -> memref<80xi32, #tpu.memory_space<hbm>>
      %dma_start3A_345 = arith.constant 0 : i32
      %dma_start3A_346 = tpu.memref_slice %arg4[%dma_start3A_340, %dma_start3A_345] : memref<5x80xi32, #tpu.memory_space<vmem>> -> memref<1x80xi32, #tpu.memory_space<vmem>>
      %dma_start3A_347 = tpu.memref_squeeze %dma_start3A_346 : memref<1x80xi32, #tpu.memory_space<vmem>> -> memref<80xi32, #tpu.memory_space<vmem>>
      %dma_start3A_348 = tpu.memref_slice %arg2[%add3A_339] : memref<320000xi32, #tpu.memory_space<hbm>> -> memref<80xi32, #tpu.memory_space<hbm>>
      tpu.enqueue_dma source(%dma_start3A_348 : memref<80xi32, #tpu.memory_space<hbm>>) target(%dma_start3A_347 : memref<80xi32, #tpu.memory_space<vmem>>) target_semaphore(%arg11 : memref<!tpu.dma_semaphore, #tpu.memory_space<semaphore_mem>>)
      %mul3A_349 = arith.constant 5 : i32
      %mul3A_350 = arith.muli %scan3A_191, %mul3A_349 : i32
      %add3A_351 = arith.constant 4 : i32
      %add3A_352 = arith.addi %mul3A_350, %add3A_351 : i32
      %dma_wait3A_353 = arith.constant 4 : i32
      %dma_wait3A_354 = arith.constant 0 : i32
      %dma_wait3A_355 = tpu.memref_slice %arg4[%dma_wait3A_353, %dma_wait3A_354] : memref<5x80xi32, #tpu.memory_space<vmem>> -> memref<1x80xi32, #tpu.memory_space<vmem>>
      %dma_wait3A_356 = tpu.memref_squeeze %dma_wait3A_355 : memref<1x80xi32, #tpu.memory_space<vmem>> -> memref<80xi32, #tpu.memory_space<vmem>>
      %dma_wait3A_357 = tpu.memref_slice %arg2[%mul3A_5] : memref<320000xi32, #tpu.memory_space<hbm>> -> memref<80xi32, #tpu.memory_space<hbm>>
      %dma_wait3A_358 = arith.constant 0 : i32
      %dma_wait3A_359 = tpu.memref_slice %arg4[%dma_wait3A_353, %dma_wait3A_358] : memref<5x80xi32, #tpu.memory_space<vmem>> -> memref<1x80xi32, #tpu.memory_space<vmem>>
      %dma_wait3A_360 = tpu.memref_squeeze %dma_wait3A_359 : memref<1x80xi32, #tpu.memory_space<vmem>> -> memref<80xi32, #tpu.memory_space<vmem>>
      %dma_wait3A_361 = tpu.memref_slice %arg2[%mul3A_5] : memref<320000xi32, #tpu.memory_space<hbm>> -> memref<80xi32, #tpu.memory_space<hbm>>
      tpu.wait_dma2 semaphore(%arg12 : memref<!tpu.dma_semaphore, #tpu.memory_space<semaphore_mem>>) src(%dma_wait3A_361 : memref<80xi32, #tpu.memory_space<hbm>>) dst(%dma_wait3A_360 : memref<80xi32, #tpu.memory_space<vmem>>)
      %dma_start3A_362 = arith.constant 4 : i32
      %dma_start3A_363 = arith.constant 0 : i32
      %dma_start3A_364 = tpu.memref_slice %arg4[%dma_start3A_362, %dma_start3A_363] : memref<5x80xi32, #tpu.memory_space<vmem>> -> memref<1x80xi32, #tpu.memory_space<vmem>>
      %dma_start3A_365 = tpu.memref_squeeze %dma_start3A_364 : memref<1x80xi32, #tpu.memory_space<vmem>> -> memref<80xi32, #tpu.memory_space<vmem>>
      %dma_start3A_366 = arith.constant 0 : i32
      %dma_start3A_367 = tpu.memref_slice %arg7[%dma_start3A_366] : memref<10240xf32, #tpu.memory_space<vmem_shared>> -> memref<10240xf32, #tpu.memory_space<vmem_shared>>
      tpu.enqueue_indirect_dma source(%arg5 : memref<80xf32, #tpu.memory_space<vmem>>) target(%dma_start3A_367 : memref<10240xf32, #tpu.memory_space<vmem_shared>>) offsets(%dma_start3A_365 : memref<80xi32, #tpu.memory_space<vmem>>) semaphore(%arg17 : memref<!tpu.dma_semaphore, #tpu.memory_space<semaphore_mem>>) {add = true}
      %dma_wait3A_368 = arith.constant 4 : i32
      %dma_wait3A_369 = arith.constant 0 : i32
      %dma_wait3A_370 = tpu.memref_slice %arg4[%dma_wait3A_368, %dma_wait3A_369] : memref<5x80xi32, #tpu.memory_space<vmem>> -> memref<1x80xi32, #tpu.memory_space<vmem>>
      %dma_wait3A_371 = tpu.memref_squeeze %dma_wait3A_370 : memref<1x80xi32, #tpu.memory_space<vmem>> -> memref<80xi32, #tpu.memory_space<vmem>>
      %dma_wait3A_372 = arith.constant 0 : i32
      %dma_wait3A_373 = tpu.memref_slice %arg7[%dma_wait3A_372] : memref<10240xf32, #tpu.memory_space<vmem_shared>> -> memref<10240xf32, #tpu.memory_space<vmem_shared>>
      tpu.wait_indirect_dma semaphore(%arg17 : memref<!tpu.dma_semaphore, #tpu.memory_space<semaphore_mem>>) src(%arg5 : memref<80xf32, #tpu.memory_space<vmem>>) dst(%dma_wait3A_373 : memref<10240xf32, #tpu.memory_space<vmem_shared>>)
      %add3A_374 = arith.constant 5 : i32
      %add3A_375 = arith.addi %add3A_352, %add3A_374 : i32
      %mul3A_376 = arith.constant 80 : i32
      %mul3A_377 = arith.muli %add3A_375, %mul3A_376 : i32
      %add3A_378 = arith.addi %mul3A_5, %mul3A_377 : i32
      %dma_start3A_379 = arith.constant 4 : i32
      %dma_start3A_380 = arith.constant 0 : i32
      %dma_start3A_381 = tpu.memref_slice %arg4[%dma_start3A_379, %dma_start3A_380] : memref<5x80xi32, #tpu.memory_space<vmem>> -> memref<1x80xi32, #tpu.memory_space<vmem>>
      %dma_start3A_382 = tpu.memref_squeeze %dma_start3A_381 : memref<1x80xi32, #tpu.memory_space<vmem>> -> memref<80xi32, #tpu.memory_space<vmem>>
      %dma_start3A_383 = tpu.memref_slice %arg2[%add3A_378] : memref<320000xi32, #tpu.memory_space<hbm>> -> memref<80xi32, #tpu.memory_space<hbm>>
      %dma_start3A_384 = arith.constant 0 : i32
      %dma_start3A_385 = tpu.memref_slice %arg4[%dma_start3A_379, %dma_start3A_384] : memref<5x80xi32, #tpu.memory_space<vmem>> -> memref<1x80xi32, #tpu.memory_space<vmem>>
      %dma_start3A_386 = tpu.memref_squeeze %dma_start3A_385 : memref<1x80xi32, #tpu.memory_space<vmem>> -> memref<80xi32, #tpu.memory_space<vmem>>
      %dma_start3A_387 = tpu.memref_slice %arg2[%add3A_378] : memref<320000xi32, #tpu.memory_space<hbm>> -> memref<80xi32, #tpu.memory_space<hbm>>
      tpu.enqueue_dma source(%dma_start3A_387 : memref<80xi32, #tpu.memory_space<hbm>>) target(%dma_start3A_386 : memref<80xi32, #tpu.memory_space<vmem>>) target_semaphore(%arg12 : memref<!tpu.dma_semaphore, #tpu.memory_space<semaphore_mem>>)
      %scan3A_388 = arith.constant 0 : i32
      scf.yield %scan3A_388 : i32
    }
    %scan3A_81 = arith.constant 24 : i32
    %dma_wait3A = arith.constant 0 : i32
    %dma_wait3A_82 = arith.constant 0 : i32
    %dma_wait3A_83 = tpu.memref_slice %arg4[%dma_wait3A, %dma_wait3A_82] : memref<5x80xi32, #tpu.memory_space<vmem>> -> memref<1x80xi32, #tpu.memory_space<vmem>>
    %dma_wait3A_84 = tpu.memref_squeeze %dma_wait3A_83 : memref<1x80xi32, #tpu.memory_space<vmem>> -> memref<80xi32, #tpu.memory_space<vmem>>
    %dma_wait3A_85 = tpu.memref_slice %arg2[%mul3A_5] : memref<320000xi32, #tpu.memory_space<hbm>> -> memref<80xi32, #tpu.memory_space<hbm>>
    %dma_wait3A_86 = arith.constant 0 : i32
    %dma_wait3A_87 = tpu.memref_slice %arg4[%dma_wait3A, %dma_wait3A_86] : memref<5x80xi32, #tpu.memory_space<vmem>> -> memref<1x80xi32, #tpu.memory_space<vmem>>
    %dma_wait3A_88 = tpu.memref_squeeze %dma_wait3A_87 : memref<1x80xi32, #tpu.memory_space<vmem>> -> memref<80xi32, #tpu.memory_space<vmem>>
    %dma_wait3A_89 = tpu.memref_slice %arg2[%mul3A_5] : memref<320000xi32, #tpu.memory_space<hbm>> -> memref<80xi32, #tpu.memory_space<hbm>>
    tpu.wait_dma2 semaphore(%arg8 : memref<!tpu.dma_semaphore, #tpu.memory_space<semaphore_mem>>) src(%dma_wait3A_89 : memref<80xi32, #tpu.memory_space<hbm>>) dst(%dma_wait3A_88 : memref<80xi32, #tpu.memory_space<vmem>>)
    %dma_start3A_90 = arith.constant 0 : i32
    %dma_start3A_91 = arith.constant 0 : i32
    %dma_start3A_92 = tpu.memref_slice %arg4[%dma_start3A_90, %dma_start3A_91] : memref<5x80xi32, #tpu.memory_space<vmem>> -> memref<1x80xi32, #tpu.memory_space<vmem>>
    %dma_start3A_93 = tpu.memref_squeeze %dma_start3A_92 : memref<1x80xi32, #tpu.memory_space<vmem>> -> memref<80xi32, #tpu.memory_space<vmem>>
    %dma_start3A_94 = arith.constant 0 : i32
    %dma_start3A_95 = tpu.memref_slice %arg7[%dma_start3A_94] : memref<10240xf32, #tpu.memory_space<vmem_shared>> -> memref<10240xf32, #tpu.memory_space<vmem_shared>>
    tpu.enqueue_indirect_dma source(%arg5 : memref<80xf32, #tpu.memory_space<vmem>>) target(%dma_start3A_95 : memref<10240xf32, #tpu.memory_space<vmem_shared>>) offsets(%dma_start3A_93 : memref<80xi32, #tpu.memory_space<vmem>>) semaphore(%arg13 : memref<!tpu.dma_semaphore, #tpu.memory_space<semaphore_mem>>) {add = true}
    %dma_wait3A_96 = arith.constant 0 : i32
    %dma_wait3A_97 = arith.constant 0 : i32
    %dma_wait3A_98 = tpu.memref_slice %arg4[%dma_wait3A_96, %dma_wait3A_97] : memref<5x80xi32, #tpu.memory_space<vmem>> -> memref<1x80xi32, #tpu.memory_space<vmem>>
    %dma_wait3A_99 = tpu.memref_squeeze %dma_wait3A_98 : memref<1x80xi32, #tpu.memory_space<vmem>> -> memref<80xi32, #tpu.memory_space<vmem>>
    %dma_wait3A_100 = arith.constant 0 : i32
    %dma_wait3A_101 = tpu.memref_slice %arg7[%dma_wait3A_100] : memref<10240xf32, #tpu.memory_space<vmem_shared>> -> memref<10240xf32, #tpu.memory_space<vmem_shared>>
    tpu.wait_indirect_dma semaphore(%arg13 : memref<!tpu.dma_semaphore, #tpu.memory_space<semaphore_mem>>) src(%arg5 : memref<80xf32, #tpu.memory_space<vmem>>) dst(%dma_wait3A_101 : memref<10240xf32, #tpu.memory_space<vmem_shared>>)
    %dma_wait3A_102 = arith.constant 1 : i32
    %dma_wait3A_103 = arith.constant 0 : i32
    %dma_wait3A_104 = tpu.memref_slice %arg4[%dma_wait3A_102, %dma_wait3A_103] : memref<5x80xi32, #tpu.memory_space<vmem>> -> memref<1x80xi32, #tpu.memory_space<vmem>>
    %dma_wait3A_105 = tpu.memref_squeeze %dma_wait3A_104 : memref<1x80xi32, #tpu.memory_space<vmem>> -> memref<80xi32, #tpu.memory_space<vmem>>
    %dma_wait3A_106 = tpu.memref_slice %arg2[%mul3A_5] : memref<320000xi32, #tpu.memory_space<hbm>> -> memref<80xi32, #tpu.memory_space<hbm>>
    %dma_wait3A_107 = arith.constant 0 : i32
    %dma_wait3A_108 = tpu.memref_slice %arg4[%dma_wait3A_102, %dma_wait3A_107] : memref<5x80xi32, #tpu.memory_space<vmem>> -> memref<1x80xi32, #tpu.memory_space<vmem>>
    %dma_wait3A_109 = tpu.memref_squeeze %dma_wait3A_108 : memref<1x80xi32, #tpu.memory_space<vmem>> -> memref<80xi32, #tpu.memory_space<vmem>>
    %dma_wait3A_110 = tpu.memref_slice %arg2[%mul3A_5] : memref<320000xi32, #tpu.memory_space<hbm>> -> memref<80xi32, #tpu.memory_space<hbm>>
    tpu.wait_dma2 semaphore(%arg9 : memref<!tpu.dma_semaphore, #tpu.memory_space<semaphore_mem>>) src(%dma_wait3A_110 : memref<80xi32, #tpu.memory_space<hbm>>) dst(%dma_wait3A_109 : memref<80xi32, #tpu.memory_space<vmem>>)
    %dma_start3A_111 = arith.constant 1 : i32
    %dma_start3A_112 = arith.constant 0 : i32
    %dma_start3A_113 = tpu.memref_slice %arg4[%dma_start3A_111, %dma_start3A_112] : memref<5x80xi32, #tpu.memory_space<vmem>> -> memref<1x80xi32, #tpu.memory_space<vmem>>
    %dma_start3A_114 = tpu.memref_squeeze %dma_start3A_113 : memref<1x80xi32, #tpu.memory_space<vmem>> -> memref<80xi32, #tpu.memory_space<vmem>>
    %dma_start3A_115 = arith.constant 0 : i32
    %dma_start3A_116 = tpu.memref_slice %arg7[%dma_start3A_115] : memref<10240xf32, #tpu.memory_space<vmem_shared>> -> memref<10240xf32, #tpu.memory_space<vmem_shared>>
    tpu.enqueue_indirect_dma source(%arg5 : memref<80xf32, #tpu.memory_space<vmem>>) target(%dma_start3A_116 : memref<10240xf32, #tpu.memory_space<vmem_shared>>) offsets(%dma_start3A_114 : memref<80xi32, #tpu.memory_space<vmem>>) semaphore(%arg14 : memref<!tpu.dma_semaphore, #tpu.memory_space<semaphore_mem>>) {add = true}
    %dma_wait3A_117 = arith.constant 1 : i32
    %dma_wait3A_118 = arith.constant 0 : i32
    %dma_wait3A_119 = tpu.memref_slice %arg4[%dma_wait3A_117, %dma_wait3A_118] : memref<5x80xi32, #tpu.memory_space<vmem>> -> memref<1x80xi32, #tpu.memory_space<vmem>>
    %dma_wait3A_120 = tpu.memref_squeeze %dma_wait3A_119 : memref<1x80xi32, #tpu.memory_space<vmem>> -> memref<80xi32, #tpu.memory_space<vmem>>
    %dma_wait3A_121 = arith.constant 0 : i32
    %dma_wait3A_122 = tpu.memref_slice %arg7[%dma_wait3A_121] : memref<10240xf32, #tpu.memory_space<vmem_shared>> -> memref<10240xf32, #tpu.memory_space<vmem_shared>>
    tpu.wait_indirect_dma semaphore(%arg14 : memref<!tpu.dma_semaphore, #tpu.memory_space<semaphore_mem>>) src(%arg5 : memref<80xf32, #tpu.memory_space<vmem>>) dst(%dma_wait3A_122 : memref<10240xf32, #tpu.memory_space<vmem_shared>>)
    %dma_wait3A_123 = arith.constant 2 : i32
    %dma_wait3A_124 = arith.constant 0 : i32
    %dma_wait3A_125 = tpu.memref_slice %arg4[%dma_wait3A_123, %dma_wait3A_124] : memref<5x80xi32, #tpu.memory_space<vmem>> -> memref<1x80xi32, #tpu.memory_space<vmem>>
    %dma_wait3A_126 = tpu.memref_squeeze %dma_wait3A_125 : memref<1x80xi32, #tpu.memory_space<vmem>> -> memref<80xi32, #tpu.memory_space<vmem>>
    %dma_wait3A_127 = tpu.memref_slice %arg2[%mul3A_5] : memref<320000xi32, #tpu.memory_space<hbm>> -> memref<80xi32, #tpu.memory_space<hbm>>
    %dma_wait3A_128 = arith.constant 0 : i32
    %dma_wait3A_129 = tpu.memref_slice %arg4[%dma_wait3A_123, %dma_wait3A_128] : memref<5x80xi32, #tpu.memory_space<vmem>> -> memref<1x80xi32, #tpu.memory_space<vmem>>
    %dma_wait3A_130 = tpu.memref_squeeze %dma_wait3A_129 : memref<1x80xi32, #tpu.memory_space<vmem>> -> memref<80xi32, #tpu.memory_space<vmem>>
    %dma_wait3A_131 = tpu.memref_slice %arg2[%mul3A_5] : memref<320000xi32, #tpu.memory_space<hbm>> -> memref<80xi32, #tpu.memory_space<hbm>>
    tpu.wait_dma2 semaphore(%arg10 : memref<!tpu.dma_semaphore, #tpu.memory_space<semaphore_mem>>) src(%dma_wait3A_131 : memref<80xi32, #tpu.memory_space<hbm>>) dst(%dma_wait3A_130 : memref<80xi32, #tpu.memory_space<vmem>>)
    %dma_start3A_132 = arith.constant 2 : i32
    %dma_start3A_133 = arith.constant 0 : i32
    %dma_start3A_134 = tpu.memref_slice %arg4[%dma_start3A_132, %dma_start3A_133] : memref<5x80xi32, #tpu.memory_space<vmem>> -> memref<1x80xi32, #tpu.memory_space<vmem>>
    %dma_start3A_135 = tpu.memref_squeeze %dma_start3A_134 : memref<1x80xi32, #tpu.memory_space<vmem>> -> memref<80xi32, #tpu.memory_space<vmem>>
    %dma_start3A_136 = arith.constant 0 : i32
    %dma_start3A_137 = tpu.memref_slice %arg7[%dma_start3A_136] : memref<10240xf32, #tpu.memory_space<vmem_shared>> -> memref<10240xf32, #tpu.memory_space<vmem_shared>>
    tpu.enqueue_indirect_dma source(%arg5 : memref<80xf32, #tpu.memory_space<vmem>>) target(%dma_start3A_137 : memref<10240xf32, #tpu.memory_space<vmem_shared>>) offsets(%dma_start3A_135 : memref<80xi32, #tpu.memory_space<vmem>>) semaphore(%arg15 : memref<!tpu.dma_semaphore, #tpu.memory_space<semaphore_mem>>) {add = true}
    %dma_wait3A_138 = arith.constant 2 : i32
    %dma_wait3A_139 = arith.constant 0 : i32
    %dma_wait3A_140 = tpu.memref_slice %arg4[%dma_wait3A_138, %dma_wait3A_139] : memref<5x80xi32, #tpu.memory_space<vmem>> -> memref<1x80xi32, #tpu.memory_space<vmem>>
    %dma_wait3A_141 = tpu.memref_squeeze %dma_wait3A_140 : memref<1x80xi32, #tpu.memory_space<vmem>> -> memref<80xi32, #tpu.memory_space<vmem>>
    %dma_wait3A_142 = arith.constant 0 : i32
    %dma_wait3A_143 = tpu.memref_slice %arg7[%dma_wait3A_142] : memref<10240xf32, #tpu.memory_space<vmem_shared>> -> memref<10240xf32, #tpu.memory_space<vmem_shared>>
    tpu.wait_indirect_dma semaphore(%arg15 : memref<!tpu.dma_semaphore, #tpu.memory_space<semaphore_mem>>) src(%arg5 : memref<80xf32, #tpu.memory_space<vmem>>) dst(%dma_wait3A_143 : memref<10240xf32, #tpu.memory_space<vmem_shared>>)
    %dma_wait3A_144 = arith.constant 3 : i32
    %dma_wait3A_145 = arith.constant 0 : i32
    %dma_wait3A_146 = tpu.memref_slice %arg4[%dma_wait3A_144, %dma_wait3A_145] : memref<5x80xi32, #tpu.memory_space<vmem>> -> memref<1x80xi32, #tpu.memory_space<vmem>>
    %dma_wait3A_147 = tpu.memref_squeeze %dma_wait3A_146 : memref<1x80xi32, #tpu.memory_space<vmem>> -> memref<80xi32, #tpu.memory_space<vmem>>
    %dma_wait3A_148 = tpu.memref_slice %arg2[%mul3A_5] : memref<320000xi32, #tpu.memory_space<hbm>> -> memref<80xi32, #tpu.memory_space<hbm>>
    %dma_wait3A_149 = arith.constant 0 : i32
    %dma_wait3A_150 = tpu.memref_slice %arg4[%dma_wait3A_144, %dma_wait3A_149] : memref<5x80xi32, #tpu.memory_space<vmem>> -> memref<1x80xi32, #tpu.memory_space<vmem>>
    %dma_wait3A_151 = tpu.memref_squeeze %dma_wait3A_150 : memref<1x80xi32, #tpu.memory_space<vmem>> -> memref<80xi32, #tpu.memory_space<vmem>>
    %dma_wait3A_152 = tpu.memref_slice %arg2[%mul3A_5] : memref<320000xi32, #tpu.memory_space<hbm>> -> memref<80xi32, #tpu.memory_space<hbm>>
    tpu.wait_dma2 semaphore(%arg11 : memref<!tpu.dma_semaphore, #tpu.memory_space<semaphore_mem>>) src(%dma_wait3A_152 : memref<80xi32, #tpu.memory_space<hbm>>) dst(%dma_wait3A_151 : memref<80xi32, #tpu.memory_space<vmem>>)
    %dma_start3A_153 = arith.constant 3 : i32
    %dma_start3A_154 = arith.constant 0 : i32
    %dma_start3A_155 = tpu.memref_slice %arg4[%dma_start3A_153, %dma_start3A_154] : memref<5x80xi32, #tpu.memory_space<vmem>> -> memref<1x80xi32, #tpu.memory_space<vmem>>
    %dma_start3A_156 = tpu.memref_squeeze %dma_start3A_155 : memref<1x80xi32, #tpu.memory_space<vmem>> -> memref<80xi32, #tpu.memory_space<vmem>>
    %dma_start3A_157 = arith.constant 0 : i32
    %dma_start3A_158 = tpu.memref_slice %arg7[%dma_start3A_157] : memref<10240xf32, #tpu.memory_space<vmem_shared>> -> memref<10240xf32, #tpu.memory_space<vmem_shared>>
    tpu.enqueue_indirect_dma source(%arg5 : memref<80xf32, #tpu.memory_space<vmem>>) target(%dma_start3A_158 : memref<10240xf32, #tpu.memory_space<vmem_shared>>) offsets(%dma_start3A_156 : memref<80xi32, #tpu.memory_space<vmem>>) semaphore(%arg16 : memref<!tpu.dma_semaphore, #tpu.memory_space<semaphore_mem>>) {add = true}
    %dma_wait3A_159 = arith.constant 3 : i32
    %dma_wait3A_160 = arith.constant 0 : i32
    %dma_wait3A_161 = tpu.memref_slice %arg4[%dma_wait3A_159, %dma_wait3A_160] : memref<5x80xi32, #tpu.memory_space<vmem>> -> memref<1x80xi32, #tpu.memory_space<vmem>>
    %dma_wait3A_162 = tpu.memref_squeeze %dma_wait3A_161 : memref<1x80xi32, #tpu.memory_space<vmem>> -> memref<80xi32, #tpu.memory_space<vmem>>
    %dma_wait3A_163 = arith.constant 0 : i32
    %dma_wait3A_164 = tpu.memref_slice %arg7[%dma_wait3A_163] : memref<10240xf32, #tpu.memory_space<vmem_shared>> -> memref<10240xf32, #tpu.memory_space<vmem_shared>>
    tpu.wait_indirect_dma semaphore(%arg16 : memref<!tpu.dma_semaphore, #tpu.memory_space<semaphore_mem>>) src(%arg5 : memref<80xf32, #tpu.memory_space<vmem>>) dst(%dma_wait3A_164 : memref<10240xf32, #tpu.memory_space<vmem_shared>>)
    %dma_wait3A_165 = arith.constant 4 : i32
    %dma_wait3A_166 = arith.constant 0 : i32
    %dma_wait3A_167 = tpu.memref_slice %arg4[%dma_wait3A_165, %dma_wait3A_166] : memref<5x80xi32, #tpu.memory_space<vmem>> -> memref<1x80xi32, #tpu.memory_space<vmem>>
    %dma_wait3A_168 = tpu.memref_squeeze %dma_wait3A_167 : memref<1x80xi32, #tpu.memory_space<vmem>> -> memref<80xi32, #tpu.memory_space<vmem>>
    %dma_wait3A_169 = tpu.memref_slice %arg2[%mul3A_5] : memref<320000xi32, #tpu.memory_space<hbm>> -> memref<80xi32, #tpu.memory_space<hbm>>
    %dma_wait3A_170 = arith.constant 0 : i32
    %dma_wait3A_171 = tpu.memref_slice %arg4[%dma_wait3A_165, %dma_wait3A_170] : memref<5x80xi32, #tpu.memory_space<vmem>> -> memref<1x80xi32, #tpu.memory_space<vmem>>
    %dma_wait3A_172 = tpu.memref_squeeze %dma_wait3A_171 : memref<1x80xi32, #tpu.memory_space<vmem>> -> memref<80xi32, #tpu.memory_space<vmem>>
    %dma_wait3A_173 = tpu.memref_slice %arg2[%mul3A_5] : memref<320000xi32, #tpu.memory_space<hbm>> -> memref<80xi32, #tpu.memory_space<hbm>>
    tpu.wait_dma2 semaphore(%arg12 : memref<!tpu.dma_semaphore, #tpu.memory_space<semaphore_mem>>) src(%dma_wait3A_173 : memref<80xi32, #tpu.memory_space<hbm>>) dst(%dma_wait3A_172 : memref<80xi32, #tpu.memory_space<vmem>>)
    %dma_start3A_174 = arith.constant 4 : i32
    %dma_start3A_175 = arith.constant 0 : i32
    %dma_start3A_176 = tpu.memref_slice %arg4[%dma_start3A_174, %dma_start3A_175] : memref<5x80xi32, #tpu.memory_space<vmem>> -> memref<1x80xi32, #tpu.memory_space<vmem>>
    %dma_start3A_177 = tpu.memref_squeeze %dma_start3A_176 : memref<1x80xi32, #tpu.memory_space<vmem>> -> memref<80xi32, #tpu.memory_space<vmem>>
    %dma_start3A_178 = arith.constant 0 : i32
    %dma_start3A_179 = tpu.memref_slice %arg7[%dma_start3A_178] : memref<10240xf32, #tpu.memory_space<vmem_shared>> -> memref<10240xf32, #tpu.memory_space<vmem_shared>>
    tpu.enqueue_indirect_dma source(%arg5 : memref<80xf32, #tpu.memory_space<vmem>>) target(%dma_start3A_179 : memref<10240xf32, #tpu.memory_space<vmem_shared>>) offsets(%dma_start3A_177 : memref<80xi32, #tpu.memory_space<vmem>>) semaphore(%arg17 : memref<!tpu.dma_semaphore, #tpu.memory_space<semaphore_mem>>) {add = true}
    %dma_wait3A_180 = arith.constant 4 : i32
    %dma_wait3A_181 = arith.constant 0 : i32
    %dma_wait3A_182 = tpu.memref_slice %arg4[%dma_wait3A_180, %dma_wait3A_181] : memref<5x80xi32, #tpu.memory_space<vmem>> -> memref<1x80xi32, #tpu.memory_space<vmem>>
    %dma_wait3A_183 = tpu.memref_squeeze %dma_wait3A_182 : memref<1x80xi32, #tpu.memory_space<vmem>> -> memref<80xi32, #tpu.memory_space<vmem>>
    %dma_wait3A_184 = arith.constant 0 : i32
    %dma_wait3A_185 = tpu.memref_slice %arg7[%dma_wait3A_184] : memref<10240xf32, #tpu.memory_space<vmem_shared>> -> memref<10240xf32, #tpu.memory_space<vmem_shared>>
    tpu.wait_indirect_dma semaphore(%arg17 : memref<!tpu.dma_semaphore, #tpu.memory_space<semaphore_mem>>) src(%arg5 : memref<80xf32, #tpu.memory_space<vmem>>) dst(%dma_wait3A_185 : memref<10240xf32, #tpu.memory_space<vmem_shared>>)
    %barrier3A_186 = arith.constant 0 : index
    tpu.barrier barrier_id(%barrier3A_186)
    %mul3A_187 = arith.constant 640 : i32
    %mul3A_188 = arith.muli %arg1, %mul3A_187 : i32
    %mul3A_189 = arith.constant 640 : i32
    %mul3A_190 = arith.muli %arg1, %mul3A_189 : i32
    "tpu.region"() ({
      %run_scoped3A = tpu.sem_alloc : memref<!tpu.dma_semaphore, #tpu.memory_space<semaphore_mem>>
      %dma_start3A_191 = tpu.memref_slice %arg3[%arg0, %mul3A_190] : memref<2x10240xf32, #tpu.memory_space<hbm>> -> memref<1x640xf32, #tpu.memory_space<hbm>>
      %dma_start3A_192 = tpu.memref_squeeze %dma_start3A_191 : memref<1x640xf32, #tpu.memory_space<hbm>> -> memref<640xf32, #tpu.memory_space<hbm>>
      %dma_start3A_193 = tpu.memref_slice %arg7[%mul3A_188] : memref<10240xf32, #tpu.memory_space<vmem_shared>> -> memref<640xf32, #tpu.memory_space<vmem_shared>>
      tpu.enqueue_dma source(%dma_start3A_193 : memref<640xf32, #tpu.memory_space<vmem_shared>>) target(%dma_start3A_192 : memref<640xf32, #tpu.memory_space<hbm>>) target_semaphore(%run_scoped3A : memref<!tpu.dma_semaphore, #tpu.memory_space<semaphore_mem>>)
      %dma_wait3A_194 = tpu.memref_slice %arg3[%arg0, %mul3A_190] : memref<2x10240xf32, #tpu.memory_space<hbm>> -> memref<1x640xf32, #tpu.memory_space<hbm>>
      %dma_wait3A_195 = tpu.memref_squeeze %dma_wait3A_194 : memref<1x640xf32, #tpu.memory_space<hbm>> -> memref<640xf32, #tpu.memory_space<hbm>>
      %dma_wait3A_196 = tpu.memref_slice %arg7[%mul3A_188] : memref<10240xf32, #tpu.memory_space<vmem_shared>> -> memref<640xf32, #tpu.memory_space<vmem_shared>>
      tpu.wait_dma2 semaphore(%run_scoped3A : memref<!tpu.dma_semaphore, #tpu.memory_space<semaphore_mem>>) src(%dma_wait3A_196 : memref<640xf32, #tpu.memory_space<vmem_shared>>) dst(%dma_wait3A_195 : memref<640xf32, #tpu.memory_space<hbm>>)
      tpu.yield
    }) : () -> ()
    return
  }
}

module attributes {stable_mosaic.version = 14 : i64} {
  func.func @_scale1_body(%arg0: i32, %arg1: memref<2x1000x1xf32, #tpu.memory_space<vmem>>, %arg2: memref<1000x128xf32, #tpu.memory_space<vmem>>, %arg3: memref<1000x1xf32, #tpu.memory_space<vmem>>, %arg4: memref<1000x128xf32, #tpu.memory_space<vmem>>) attributes {dimension_semantics = [#tpu.dimension_semantics<arbitrary>], iteration_bounds = array<i64: 10>, scalar_prefetch = 0 : i64, scratch_operands = 0 : i64, tpu.core_type = #tpu.core_type<tc>, window_params = [{transform_indices = @transform_0, window_bounds = array<i64: 2, 1000, 1>}, {transform_indices = @transform_1, window_bounds = array<i64: 1000, 128>}, {transform_indices = @transform_2, window_bounds = array<i64: 1000, 1>}, {transform_indices = @transform_3, window_bounds = array<i64: 1000, 128>}]} {
    %get3A = arith.constant 0 : index
    %get3A_0 = arith.constant 0 : index
    %get3A_1 = arith.constant 0 : index
    %get3A_2 = vector.load %arg1[%get3A, %get3A_0, %get3A_1] : memref<2x1000x1xf32, #tpu.memory_space<vmem>>, vector<1x1000x1xf32>
    %get3A_3 = vector.shape_cast %get3A_2 : vector<1x1000x1xf32> to vector<1000x1xf32>
    %get3A_4 = arith.constant 1 : index
    %get3A_5 = arith.constant 0 : index
    %get3A_6 = arith.constant 0 : index
    %get3A_7 = vector.load %arg1[%get3A_4, %get3A_5, %get3A_6] : memref<2x1000x1xf32, #tpu.memory_space<vmem>>, vector<1x1000x1xf32>
    %get3A_8 = vector.shape_cast %get3A_7 : vector<1x1000x1xf32> to vector<1000x1xf32>
    %add3A = arith.addf %get3A_3, %get3A_8 : vector<1000x1xf32>
    %max3A = arith.constant 1.000000e+00 : f32
    %max3A_9 = vector.broadcast %max3A : f32 to vector<1000x1xf32>
    %max3A_10 = arith.maximumf %add3A, %max3A_9 : vector<1000x1xf32>
    %rsqrt3A = math.rsqrt %max3A_10 : vector<1000x1xf32>
    %swap3A = arith.constant 0 : index
    %swap3A_11 = arith.constant 0 : index
    %swap3A_12 = vector.load %arg3[%swap3A, %swap3A_11] : memref<1000x1xf32, #tpu.memory_space<vmem>>, vector<1000x1xf32>
    tpu.vector_store %arg3[%swap3A, %swap3A_11], %rsqrt3A {strides = array<i32>} : memref<1000x1xf32, #tpu.memory_space<vmem>>, vector<1000x1xf32>,
    %get3A_13 = arith.constant 0 : index
    %get3A_14 = arith.constant 0 : index
    %get3A_15 = vector.load %arg2[%get3A_13, %get3A_14] : memref<1000x128xf32, #tpu.memory_space<vmem>>, vector<1000x128xf32>
    %mul3A = vector.broadcast %rsqrt3A : vector<1000x1xf32> to vector<1000x128xf32>
    %mul3A_16 = arith.mulf %get3A_15, %mul3A : vector<1000x128xf32>
    %swap3A_17 = arith.constant 0 : index
    %swap3A_18 = arith.constant 0 : index
    %swap3A_19 = vector.load %arg4[%swap3A_17, %swap3A_18] : memref<1000x128xf32, #tpu.memory_space<vmem>>, vector<1000x128xf32>
    tpu.vector_store %arg4[%swap3A_17, %swap3A_18], %mul3A_16 {strides = array<i32>} : memref<1000x128xf32, #tpu.memory_space<vmem>>, vector<1000x128xf32>,
    return
  }
  func.func @transform_0(%arg0: i32) -> (i32, i32, i32) {
    %c0_i32 = arith.constant 0 : i32
    %c0_i32_0 = arith.constant 0 : i32
    %c0_i32_1 = arith.constant 0 : i32
    return %c0_i32, %arg0, %c0_i32_0 : i32, i32, i32
  }
  func.func @transform_1(%arg0: i32) -> (i32, i32) {
    %c0_i32 = arith.constant 0 : i32
    %c0_i32_0 = arith.constant 0 : i32
    return %arg0, %c0_i32 : i32, i32
  }
  func.func @transform_2(%arg0: i32) -> (i32, i32) {
    %c0_i32 = arith.constant 0 : i32
    %c0_i32_0 = arith.constant 0 : i32
    return %arg0, %c0_i32 : i32, i32
  }
  func.func @transform_3(%arg0: i32) -> (i32, i32) {
    %c0_i32 = arith.constant 0 : i32
    %c0_i32_0 = arith.constant 0 : i32
    return %arg0, %c0_i32 : i32, i32
  }
}

module attributes {stable_mosaic.version = 14 : i64} {
  func.func @_scale2_body(%arg0: i32, %arg1: memref<2x1000x128xf32, #tpu.memory_space<vmem>>, %arg2: memref<1000x1xf32, #tpu.memory_space<vmem>>, %arg3: memref<1000x128xf32, #tpu.memory_space<vmem>>, %arg4: memref<1000x128xf32, #tpu.memory_space<vmem>>) attributes {dimension_semantics = [#tpu.dimension_semantics<arbitrary>], iteration_bounds = array<i64: 10>, scalar_prefetch = 0 : i64, scratch_operands = 0 : i64, tpu.core_type = #tpu.core_type<tc>, window_params = [{transform_indices = @transform_0, window_bounds = array<i64: 2, 1000, 128>}, {transform_indices = @transform_1, window_bounds = array<i64: 1000, 1>}, {transform_indices = @transform_2, window_bounds = array<i64: 1000, 128>}, {transform_indices = @transform_3, window_bounds = array<i64: 1000, 128>}]} {
    %get3A = arith.constant 0 : index
    %get3A_0 = arith.constant 0 : index
    %get3A_1 = vector.load %arg2[%get3A, %get3A_0] : memref<1000x1xf32, #tpu.memory_space<vmem>>, vector<1000x1xf32>
    %get3A_2 = arith.constant 0 : index
    %get3A_3 = arith.constant 0 : index
    %get3A_4 = arith.constant 0 : index
    %get3A_5 = vector.load %arg1[%get3A_2, %get3A_3, %get3A_4] : memref<2x1000x128xf32, #tpu.memory_space<vmem>>, vector<1x1000x128xf32>
    %get3A_6 = vector.shape_cast %get3A_5 : vector<1x1000x128xf32> to vector<1000x128xf32>
    %get3A_7 = arith.constant 1 : index
    %get3A_8 = arith.constant 0 : index
    %get3A_9 = arith.constant 0 : index
    %get3A_10 = vector.load %arg1[%get3A_7, %get3A_8, %get3A_9] : memref<2x1000x128xf32, #tpu.memory_space<vmem>>, vector<1x1000x128xf32>
    %get3A_11 = vector.shape_cast %get3A_10 : vector<1x1000x128xf32> to vector<1000x128xf32>
    %add3A = arith.addf %get3A_6, %get3A_11 : vector<1000x128xf32>
    %mul3A = vector.broadcast %get3A_1 : vector<1000x1xf32> to vector<1000x128xf32>
    %mul3A_12 = arith.mulf %mul3A, %add3A : vector<1000x128xf32>
    %neg3A = arith.constant 0.000000e+00 : f32
    %neg3A_13 = vector.broadcast %neg3A : f32 to vector<1000x128xf32>
    %neg3A_14 = arith.subf %neg3A_13, %mul3A_12 : vector<1000x128xf32>
    %swap3A = arith.constant 0 : index
    %swap3A_15 = arith.constant 0 : index
    %swap3A_16 = vector.load %arg3[%swap3A, %swap3A_15] : memref<1000x128xf32, #tpu.memory_space<vmem>>, vector<1000x128xf32>
    tpu.vector_store %arg3[%swap3A, %swap3A_15], %neg3A_14 {strides = array<i32>} : memref<1000x128xf32, #tpu.memory_space<vmem>>, vector<1000x128xf32>,
    %mul3A_17 = vector.broadcast %get3A_1 : vector<1000x1xf32> to vector<1000x128xf32>
    %mul3A_18 = arith.mulf %mul3A_17, %neg3A_14 : vector<1000x128xf32>
    %swap3A_19 = arith.constant 0 : index
    %swap3A_20 = arith.constant 0 : index
    %swap3A_21 = vector.load %arg4[%swap3A_19, %swap3A_20] : memref<1000x128xf32, #tpu.memory_space<vmem>>, vector<1000x128xf32>
    tpu.vector_store %arg4[%swap3A_19, %swap3A_20], %mul3A_18 {strides = array<i32>} : memref<1000x128xf32, #tpu.memory_space<vmem>>, vector<1000x128xf32>,
    return
  }
  func.func @transform_0(%arg0: i32) -> (i32, i32, i32) {
    %c0_i32 = arith.constant 0 : i32
    %c0_i32_0 = arith.constant 0 : i32
    %c0_i32_1 = arith.constant 0 : i32
    return %c0_i32, %arg0, %c0_i32_0 : i32, i32, i32
  }
  func.func @transform_1(%arg0: i32) -> (i32, i32) {
    %c0_i32 = arith.constant 0 : i32
    %c0_i32_0 = arith.constant 0 : i32
    return %arg0, %c0_i32 : i32, i32
  }
  func.func @transform_2(%arg0: i32) -> (i32, i32) {
    %c0_i32 = arith.constant 0 : i32
    %c0_i32_0 = arith.constant 0 : i32
    return %arg0, %c0_i32 : i32, i32
  }
  func.func @transform_3(%arg0: i32) -> (i32, i32) {
    %c0_i32 = arith.constant 0 : i32
    %c0_i32_0 = arith.constant 0 : i32
    return %arg0, %c0_i32 : i32, i32
  }
}

module attributes {stable_mosaic.version = 14 : i64} {
  func.func @_final_body(%arg0: i32, %arg1: memref<1000x128xf32, #tpu.memory_space<vmem>>, %arg2: memref<1000x128xf32, #tpu.memory_space<vmem>>, %arg3: memref<2x1000x128xf32, #tpu.memory_space<vmem>>, %arg4: memref<1000x1xf32, #tpu.memory_space<vmem>>, %arg5: memref<1000x3xf32, #tpu.memory_space<vmem>>, %arg6: memref<3x128x128xf32, #tpu.memory_space<vmem>>, %arg7: memref<1x128xf32, #tpu.memory_space<vmem>>, %arg8: memref<1000x128xf32, #tpu.memory_space<vmem>>) attributes {dimension_semantics = [#tpu.dimension_semantics<arbitrary>], iteration_bounds = array<i64: 10>, scalar_prefetch = 0 : i64, scratch_operands = 0 : i64, tpu.core_type = #tpu.core_type<tc>, window_params = [{transform_indices = @transform_0, window_bounds = array<i64: 1000, 128>}, {transform_indices = @transform_1, window_bounds = array<i64: 1000, 128>}, {transform_indices = @transform_2, window_bounds = array<i64: 2, 1000, 128>}, {transform_indices = @transform_3, window_bounds = array<i64: 1000, 1>}, {transform_indices = @transform_4, window_bounds = array<i64: 1000, 3>}, {pipeline_mode = #tpu.pipeline_mode<synchronous>, transform_indices = @transform_5, window_bounds = array<i64: 3, 128, 128>}, {pipeline_mode = #tpu.pipeline_mode<synchronous>, transform_indices = @transform_6, window_bounds = array<i64: 1, 128>}, {transform_indices = @transform_7, window_bounds = array<i64: 1000, 128>}]} {
    %get3A = arith.constant 0 : index
    %get3A_0 = arith.constant 0 : index
    %get3A_1 = vector.load %arg1[%get3A, %get3A_0] : memref<1000x128xf32, #tpu.memory_space<vmem>>, vector<1000x128xf32>
    %get3A_2 = arith.constant 0 : index
    %get3A_3 = arith.constant 0 : index
    %get3A_4 = vector.load %arg2[%get3A_2, %get3A_3] : memref<1000x128xf32, #tpu.memory_space<vmem>>, vector<1000x128xf32>
    %get3A_5 = arith.constant 0 : index
    %get3A_6 = arith.constant 0 : index
    %get3A_7 = vector.load %arg4[%get3A_5, %get3A_6] : memref<1000x1xf32, #tpu.memory_space<vmem>>, vector<1000x1xf32>
    %mul3A = arith.constant -2.000000e+00 : f32
    %mul3A_8 = vector.broadcast %mul3A : f32 to vector<1000x1xf32>
    %mul3A_9 = arith.mulf %mul3A_8, %get3A_7 : vector<1000x1xf32>
    %get3A_10 = arith.constant 0 : index
    %get3A_11 = arith.constant 0 : index
    %get3A_12 = arith.constant 0 : index
    %get3A_13 = vector.load %arg3[%get3A_10, %get3A_11, %get3A_12] : memref<2x1000x128xf32, #tpu.memory_space<vmem>>, vector<1x1000x128xf32>
    %get3A_14 = vector.shape_cast %get3A_13 : vector<1x1000x128xf32> to vector<1000x128xf32>
    %get3A_15 = arith.constant 1 : index
    %get3A_16 = arith.constant 0 : index
    %get3A_17 = arith.constant 0 : index
    %get3A_18 = vector.load %arg3[%get3A_15, %get3A_16, %get3A_17] : memref<2x1000x128xf32, #tpu.memory_space<vmem>>, vector<1x1000x128xf32>
    %get3A_19 = vector.shape_cast %get3A_18 : vector<1x1000x128xf32> to vector<1000x128xf32>
    %add3A = arith.addf %get3A_14, %get3A_19 : vector<1000x128xf32>
    %mul3A_20 = vector.broadcast %mul3A_9 : vector<1000x1xf32> to vector<1000x128xf32>
    %mul3A_21 = arith.mulf %mul3A_20, %add3A : vector<1000x128xf32>
    %sub3A = arith.subf %mul3A_21, %get3A_1 : vector<1000x128xf32>
    %get3A_22 = arith.constant 0 : index
    %get3A_23 = arith.constant 0 : index
    %get3A_24 = vector.load %arg5[%get3A_22, %get3A_23] : memref<1000x3xf32, #tpu.memory_space<vmem>>, vector<1000x3xf32>
    %slice3A = vector.extract_strided_slice %get3A_24 {offsets = [0, 0], sizes = [1000, 1], strides = [1, 1]} : vector<1000x3xf32> to vector<1000x1xf32>
    %mul3A_25 = vector.broadcast %slice3A : vector<1000x1xf32> to vector<1000x128xf32>
    %mul3A_26 = arith.mulf %mul3A_25, %get3A_1 : vector<1000x128xf32>
    %get3A_27 = arith.constant 0 : index
    %get3A_28 = arith.constant 0 : index
    %get3A_29 = arith.constant 0 : index
    %get3A_30 = vector.load %arg6[%get3A_27, %get3A_28, %get3A_29] : memref<3x128x128xf32, #tpu.memory_space<vmem>>, vector<1x128x128xf32>
    %get3A_31 = vector.shape_cast %get3A_30 : vector<1x128x128xf32> to vector<128x128xf32>
    %dot_general3A = arith.constant dense<0.000000e+00> : vector<1000x128xf32>
    %dot_general3A_32 = tpu.matmul %mul3A_26, %get3A_31, %dot_general3A {dimension_numbers = #tpu.dot_dimension_numbers<[1], [0], [0], [1], [0, 0, 1, 1], [], []>, transpose_lhs_hint = false} : vector<1000x128xf32>, vector<128x128xf32>, vector<1000x128xf32> -> vector<1000x128xf32>
    %slice3A_33 = vector.extract_strided_slice %get3A_24 {offsets = [0, 1], sizes = [1000, 1], strides = [1, 1]} : vector<1000x3xf32> to vector<1000x1xf32>
    %mul3A_34 = vector.broadcast %slice3A_33 : vector<1000x1xf32> to vector<1000x128xf32>
    %mul3A_35 = arith.mulf %mul3A_34, %get3A_4 : vector<1000x128xf32>
    %get3A_36 = arith.constant 1 : index
    %get3A_37 = arith.constant 0 : index
    %get3A_38 = arith.constant 0 : index
    %get3A_39 = vector.load %arg6[%get3A_36, %get3A_37, %get3A_38] : memref<3x128x128xf32, #tpu.memory_space<vmem>>, vector<1x128x128xf32>
    %get3A_40 = vector.shape_cast %get3A_39 : vector<1x128x128xf32> to vector<128x128xf32>
    %dot_general3A_41 = arith.constant dense<0.000000e+00> : vector<1000x128xf32>
    %dot_general3A_42 = tpu.matmul %mul3A_35, %get3A_40, %dot_general3A_41 {dimension_numbers = #tpu.dot_dimension_numbers<[1], [0], [0], [1], [0, 0, 1, 1], [], []>, transpose_lhs_hint = false} : vector<1000x128xf32>, vector<128x128xf32>, vector<1000x128xf32> -> vector<1000x128xf32>
    %add3A_43 = arith.addf %dot_general3A_32, %dot_general3A_42 : vector<1000x128xf32>
    %slice3A_44 = vector.extract_strided_slice %get3A_24 {offsets = [0, 2], sizes = [1000, 1], strides = [1, 1]} : vector<1000x3xf32> to vector<1000x1xf32>
    %mul3A_45 = vector.broadcast %slice3A_44 : vector<1000x1xf32> to vector<1000x128xf32>
    %mul3A_46 = arith.mulf %mul3A_45, %sub3A : vector<1000x128xf32>
    %get3A_47 = arith.constant 2 : index
    %get3A_48 = arith.constant 0 : index
    %get3A_49 = arith.constant 0 : index
    %get3A_50 = vector.load %arg6[%get3A_47, %get3A_48, %get3A_49] : memref<3x128x128xf32, #tpu.memory_space<vmem>>, vector<1x128x128xf32>
    %get3A_51 = vector.shape_cast %get3A_50 : vector<1x128x128xf32> to vector<128x128xf32>
    %dot_general3A_52 = arith.constant dense<0.000000e+00> : vector<1000x128xf32>
    %dot_general3A_53 = tpu.matmul %mul3A_46, %get3A_51, %dot_general3A_52 {dimension_numbers = #tpu.dot_dimension_numbers<[1], [0], [0], [1], [0, 0, 1, 1], [], []>, transpose_lhs_hint = false} : vector<1000x128xf32>, vector<128x128xf32>, vector<1000x128xf32> -> vector<1000x128xf32>
    %add3A_54 = arith.addf %add3A_43, %dot_general3A_53 : vector<1000x128xf32>
    %get3A_55 = arith.constant 0 : index
    %get3A_56 = arith.constant 0 : index
    %get3A_57 = vector.load %arg7[%get3A_55, %get3A_56] : memref<1x128xf32, #tpu.memory_space<vmem>>, vector<1x128xf32>
    %add3A_58 = vector.broadcast %get3A_57 : vector<1x128xf32> to vector<1000x128xf32>
    %add3A_59 = arith.addf %add3A_54, %add3A_58 : vector<1000x128xf32>
    %swap3A = arith.constant 0 : index
    %swap3A_60 = arith.constant 0 : index
    %swap3A_61 = vector.load %arg8[%swap3A, %swap3A_60] : memref<1000x128xf32, #tpu.memory_space<vmem>>, vector<1000x128xf32>
    tpu.vector_store %arg8[%swap3A, %swap3A_60], %add3A_59 {strides = array<i32>} : memref<1000x128xf32, #tpu.memory_space<vmem>>, vector<1000x128xf32>,
    return
  }
  func.func @transform_0(%arg0: i32) -> (i32, i32) {
    %c0_i32 = arith.constant 0 : i32
    %c0_i32_0 = arith.constant 0 : i32
    return %arg0, %c0_i32 : i32, i32
  }
  func.func @transform_1(%arg0: i32) -> (i32, i32) {
    %c0_i32 = arith.constant 0 : i32
    %c0_i32_0 = arith.constant 0 : i32
    return %arg0, %c0_i32 : i32, i32
  }
  func.func @transform_2(%arg0: i32) -> (i32, i32, i32) {
    %c0_i32 = arith.constant 0 : i32
    %c0_i32_0 = arith.constant 0 : i32
    %c0_i32_1 = arith.constant 0 : i32
    return %c0_i32, %arg0, %c0_i32_0 : i32, i32, i32
  }
  func.func @transform_3(%arg0: i32) -> (i32, i32) {
    %c0_i32 = arith.constant 0 : i32
    %c0_i32_0 = arith.constant 0 : i32
    return %arg0, %c0_i32 : i32, i32
  }
  func.func @transform_4(%arg0: i32) -> (i32, i32) {
    %c0_i32 = arith.constant 0 : i32
    %c0_i32_0 = arith.constant 0 : i32
    return %arg0, %c0_i32 : i32, i32
  }
  func.func @transform_5(%arg0: i32) -> (i32, i32, i32) {
    %c0_i32 = arith.constant 0 : i32
    %c0_i32_0 = arith.constant 0 : i32
    %c0_i32_1 = arith.constant 0 : i32
    %c0_i32_2 = arith.constant 0 : i32
    return %c0_i32, %c0_i32_0, %c0_i32_1 : i32, i32, i32
  }
  func.func @transform_6(%arg0: i32) -> (i32, i32) {
    %c0_i32 = arith.constant 0 : i32
    %c0_i32_0 = arith.constant 0 : i32
    %c0_i32_1 = arith.constant 0 : i32
    return %c0_i32, %c0_i32_0 : i32, i32
  }
  func.func @transform_7(%arg0: i32) -> (i32, i32) {
    %c0_i32 = arith.constant 0 : i32
    %c0_i32_0 = arith.constant 0 : i32
    return %arg0, %c0_i32 : i32, i32
  }
}

</mosaic_0001>

<sc_bundles>
// kernel: kernel.11.cloned.1.call-start
scs
__scs_entry_jumppad:
0x0: {  	(pc) =	sbr.rel $0x88, $3  }
0x1: {  	(tag) =	ssettag $0x0;
	lr =	simm.s32 $0x1  }
0x2: {  	[smem:$0x3F9C] =	sst lr;
	_ =	strace $0xD0000000  }
0x3: {  	_ = 	snop  }
0x4: {  	_ = 	snop  }
0x5: {  	_ = 	snop  }
0x6: {  	_ = 	snop  }
0x7: {  	_ = 	snop  }
__scs_overlays_trampoline_lowered:
0x8: {  	[smem:$0x3FAB] =	sst s0  }
0x9: {  	[smem:$0x3FAC] =	sst s1  }
0xa: {  	[smem:$0x3FAD] =	sst s2  }
0xb: {  	[smem:$0x3FAE] =	sst s3  }
0xc: {  	[smem:$0x3FAF] =	sst s4  }
0xd: {  	[smem:$0x3FB0] =	sst s5  }
0xe: {  	[smem:$0x3FB1] =	sst s6  }
0xf: {  	[smem:$0x3FB2] =	sst s7  }
0x10: {  	[smem:$0x3FB3] =	sst s8  }
0x11: {  	[smem:$0x3FB4] =	sst s9;
	s0 =	simm.s32 @!p0 $0x0  }
0x12: {  	s1 =	sld [smem:$0x3F9A];
	s0 =	simm.s32 @p0 $0x1  }
0x13: {  	[smem:$0x3FB5] =	sst s0;
	s0 =	simm.s32 @!p1 $0x0  }
0x14: {  	s2 =	sld [smem:$0x3F99];
	s0 =	simm.s32 @p1 $0x1  }
0x15: {  	[smem:$0x3FB6] =	sst s0;
	s0 =	simm.s32 @!p2 $0x0  }
0x16: {  	s3 =	sld [smem:$0x3FDB];
	s0 =	simm.s32 @p2 $0x1  }
0x17: {  	s4 =	simm.s32 $0x1BF5;
	[smem:$0x3FB8] =	sst s0  }
0x18: {  	s0 =	sld [smem:$0x3F9B];
	_ =	swait.ge [sflag:s4], $0x0  }
0x19: {  	s7 =	sld [smem:$0x3F9C]  }
0x1a: {  	s8 =	sadd.s32 $0xFFFFE003, lr  }
0x1b: {  	s9 =	sadd.s32 $0xFFFFFEF7, lr;
	s5 =	simm.s32 $0xFFFFFFFF;
	p2 =	slt.u32 s8, $0xFFFFF086  }
0x1c: {  	p1 =	slt.u32 s9, $0xF7A;
	s5 =	simm.s32 @!p2 $0x0  }
0x1d: {  	s5 =	simm.s32 @p1 $0x1;
	p0 =	seq.s32 s7, s2  }
0x1e: {  	s7 =	smul.u32 @!p0 $0xF7A, s2;
	p2 =	seq.s32 @!p0 s5, $0x0  }
0x1f: {  	s9 =	smul.u32 $0xF7A, s1;
	s8 =	simm.s32 @!p0 $0x1BF5;
	p2 =	por !p2, p0  }
0x20: {  	[sflag:s8] =	ssyncset.s32 @!p0 $0xFFFFF086;
	s6 =	sadd.s32 @!p0 s3, s7;
	s7 =	simm.s32 @!p0 $0x108  }
0x21: {  	s3 =	sadd.s32 s3, s9;
	s6 =	sadd.s32 @!p0 $0x88, s6;
	s7 =	simm.s32 @p2 $0x1082  }
0x22: {  	[simem:s7], [sflag:s8] =	dma.local @!p0 [hbm:s6], $0xF7A  }
0x23: {  	s9 =	sor.u32 $0xD0000000, s2;
	s6 =	simm.s32 $0x108;
	_ =	swait.ge @!p0 [sflag:s8], $0x0  }
0x24: {  	s3 =	sadd.s32 $0x88, s3;
	s6 =	simm.s32 @!p1 $0x1082;
	[sflag:s4] =	ssyncset.s32 $0xFFFFF086  }
0x25: {  	[simem:s6], [sflag:s4] =	dma.local [hbm:s3], $0xF7A  }
0x26: {  	[smem:$0x3F9C] =	sst s1;
	(tag) =	ssettag s2;
	_ =	strace s9  }
0x27: {  	s1 =	sld [smem:$0x3FAC]  }
0x28: {  	s2 =	sld [smem:$0x3FAD]  }
0x29: {  	s4 =	sld [smem:$0x3FAF]  }
0x2a: {  	p0 =	seq.s32 s5, $0x0;
	s5 =	sld [smem:$0x3FB0]  }
0x2b: {  	s6 =	sld [smem:$0x3FB1]  }
0x2c: {  	s7 =	sld [smem:$0x3FB2]  }
0x2d: {  	s3 =	simm.s32 $0x108;
	s8 =	sld [smem:$0x3FB3]  }
0x2e: {  	s3 =	simm.s32 @!p0 $0x1082;
	s9 =	sld [smem:$0x3FB4]  }
0x2f: {  	lr =	sadd.s32 s0, s3;
	s0 =	sld [smem:$0x3FAB]  }
0x30: {  	s3 =	sld [smem:$0x3FAE]  }
0x31: {  	[smem:$0x3FB7] =	sst s10  }
0x32: {  	s10 =	sld [smem:$0x3FB5];
	_ =	sdelay $0x3  }
0x33: {  	p0 =	seq.s32 s10, $0x1;
	s10 =	sld [smem:$0x3FB7];
	_ =	sdelay $0x3  }
0x34: {  	[smem:$0x3FB7] =	sst s10  }
0x35: {  	s10 =	sld [smem:$0x3FB6];
	_ =	sdelay $0x3  }
0x36: {  	p1 =	seq.s32 s10, $0x1;
	s10 =	sld [smem:$0x3FB7];
	_ =	sdelay $0x3  }
0x37: {  	[smem:$0x3FB7] =	sst s10  }
0x38: {  	s10 =	sld [smem:$0x3FB8]  }
0x39: {  	_ = 	snop;
	(pc) =	sbr.ind lr, $3  }
0x3a: {  	_ = 	snop  }
0x3b: {  	_ = 	snop  }
0x3c: {  	p2 =	seq.s32 s10, $0x1;
	s10 =	sld [smem:$0x3FB7]  }
0x3d: {  	_ =	shalt  }
0x3e: {  	_ =	shalt  }
0x3f: {  	_ =	shalt  }
0x40: {  	_ =	shalt  }
0x41: {  	_ =	shalt  }
0x42: {  	_ =	shalt  }
0x43: {  	_ =	shalt  }
0x44: {  	_ =	shalt  }
0x45: {  	_ =	shalt  }
0x46: {  	_ =	shalt  }
0x47: {  	_ =	shalt  }
0x48: {  	_ =	shalt  }
0x49: {  	_ =	shalt  }
0x4a: {  	_ =	shalt  }
0x4b: {  	_ =	shalt  }
0x4c: {  	_ =	shalt  }
0x4d: {  	_ =	shalt  }
0x4e: {  	_ =	shalt  }
0x4f: {  	_ =	shalt  }
0x50: {  	_ =	shalt  }
0x51: {  	_ =	shalt  }
0x52: {  	_ =	shalt  }
0x53: {  	_ =	shalt  }
0x54: {  	_ =	shalt  }
0x55: {  	_ =	shalt  }
0x56: {  	_ =	shalt  }
0x57: {  	_ =	shalt  }
0x58: {  	_ =	shalt  }
0x59: {  	_ =	shalt  }
0x5a: {  	_ =	shalt  }
0x5b: {  	_ =	shalt  }
0x5c: {  	_ =	shalt  }
0x5d: {  	_ =	shalt  }
0x5e: {  	_ =	shalt  }
0x5f: {  	_ =	shalt  }
0x60: {  	_ =	shalt  }
0x61: {  	_ =	shalt  }
0x62: {  	_ =	shalt  }
0x63: {  	_ =	shalt  }
0x64: {  	_ =	shalt  }
0x65: {  	_ =	shalt  }
0x66: {  	_ =	shalt  }
0x67: {  	_ =	shalt  }
0x68: {  	_ =	shalt  }
0x69: {  	_ =	shalt  }
0x6a: {  	_ =	shalt  }
0x6b: {  	_ =	shalt  }
0x6c: {  	_ =	shalt  }
0x6d: {  	_ =	shalt  }
0x6e: {  	_ =	shalt  }
0x6f: {  	_ =	shalt  }
0x70: {  	_ =	shalt  }
0x71: {  	_ =	shalt  }
0x72: {  	_ =	shalt  }
0x73: {  	_ =	shalt  }
0x74: {  	_ =	shalt  }
0x75: {  	_ =	shalt  }
0x76: {  	_ =	shalt  }
0x77: {  	_ =	shalt  }
0x78: {  	_ =	shalt  }
0x79: {  	_ =	shalt  }
0x7a: {  	_ =	shalt  }
0x7b: {  	_ =	shalt  }
0x7c: {  	_ =	shalt  }
0x7d: {  	_ =	shalt  }
0x7e: {  	_ =	shalt  }
0x7f: {  	_ =	shalt  }
0x80: {  	_ =	shalt  }
0x81: {  	_ =	shalt  }
0x82: {  	_ =	shalt  }
0x83: {  	_ =	shalt  }
0x84: {  	_ =	shalt  }
0x85: {  	_ =	shalt  }
0x86: {  	_ =	shalt  }
0x87: {  	_ =	shalt  }
.Lfunc_end0:
.L_simem_size_0:
called_computation.1_lowered:
.L_overlay_start_0:
0x88: {  	s2 =	sld [smem:$0x3FD9]  }
0x89: {  	s3 =	sld [smem:$0x3FFE];
	_ =	sdelay $0x1  }
0x8a: {  	s1 =	srdreg.scid  }
0x8b: {  	s0 =	sand.u32 $0x1, s1  }
0x8c: {  	s17 =	sshll.u32 s0, $0xA;
	s2 =	sadd.s32 s3, s2  }
0x8d: {  	s2 =	sadd.s32 s2, s17  }
0x8e: {  	[smem:$0x3FC3] =	sst s2  }
0x8f: {  	_ = 	snop  }
0x90: {  	s2 =	sld [smem:$0x3FD0];
	(tm) =	ssettm $0x1  }
0x91: {  	s18 =	sld [smem:$0x3FFB];
	_ =	sdelay $0x3  }
0x92: {  	_ =	strace s18  }
0x93: {  	s3 =	sld [smem:$0x3FFC];
	_ =	sdelay $0x3  }
0x94: {  	_ =	strace s3  }
0x95: {  	s3 =	sld [smem:$0x3FFD];
	_ =	sdelay $0x3  }
0x96: {  	_ =	strace s3  }
0x97: {  	_ =	strace $0x8FFFFFFF  }
0x98: {  	s19 =	sld [smem:$0x3FDB];
	_ =	sdelay $0x1  }
0x99: {  	s4 =	simm.s32 $_scs_section_size  }
0x9a: {  	s5 =	simm.s32 $_size__tile_overlayer_lowered;
	s6 =	simm.s32 $_tile_overlayer_lowered  }
0x9b: {  	s22 =	simm.s32 $0x1BFF;
	s21 =	sshll.u32 s6, $0x1;
	s3 =	sadd.s32 s4, s19  }
0x9c: {  	s7 =	simm.s32 $0x0;
	s20 =	sshll.u32 s5, $0x1;
	s5 =	sadd.s32 s21, s3  }
0x9d: {  	[timem:s7], [sflag:s22] =	dma.local [hbm:s5], s20  }
0x9e: {  	_ =	swait.ge [sflag:s22], s20  }
0x9f: {  	s4 =	ssub.s32 $0x0, s20;
	[sflag:s22] =	ssyncset.done $0x0  }
0xa0: {  	[sflag:s22] =	ssyncadd.s32 s4;
	_ =	sdelay $0x1  }
0xa1: {  	s23 =	simm.s32 $0x1B8B  }
0xa2: {  	_ =	swait.ge [sflag:s23], $0x1  }
0xa3: {  	[sflag:s23] =	ssyncset.done $0x0  }
0xa4: {  	s25 =	simm.s32 $0x1B8E;
	s24 =	sld [smem:$0x3FFE];
	[sflag:s23] =	ssyncadd.s32 $0xFFFFFFFF  }
0xa5: {  	s26 =	simm.s32 $execute0_lowered;
	[smem:$0x3FD2] =	sst s25  }
0xa6: {  	s5 =	sshll.u32 s26, $0x1;
	_ =	strace $0x80000049;
	[dreg:$0x1] =	wrdreg $0xFFFFFFFF  }
0xa7: {  	s28 =	simm.s32 $_size_execute0_lowered;
	s3 =	sadd.s32 s3, s5;
	[dreg:$0x0] =	wrdreg $0x0  }
0xa8: {  	s5 =	sshll.u32 s28, $0x1;
	[dreg:$0x2] =	wrdreg s3  }
0xa9: {  	[dreg:$0x3] =	wrdreg s5  }
0xaa: {  	[dreg:$0x4] =	wrdreg $0xC0  }
0xab: {  	_ =	task [dreg:s7], $0x5FFFF  }
0xac: {  	[dreg:$0x1] =	wrdreg $0xFFFFFFFF  }
0xad: {  	[dreg:$0x0] =	wrdreg $0x60  }
0xae: {  	[dreg:$0x2] =	wrdreg s2  }
0xaf: {  	[dreg:$0x3] =	wrdreg s24  }
0xb0: {  	[dreg:$0x4] =	wrdreg $0xA1800  }
0xb1: {  	[dreg:$0x5] =	wrdreg $0x9  }
0xb2: {  	_ =	task.clear_ibuf [dreg:s7], $0x6FFFF;
	_ =	strace $0x90000049  }
0xb3: {  	s29 =	simm.s32 $0x9;
	_ =	strace $0x8000004B  }
0xb4: {  	_ =	swait.ge [sflag:s29], $0x1  }
0xb5: {  	[sflag:s29] =	ssyncadd.s32 $0xFFFFFFFF  }
0xb6: {  	_ =	strace $0x9000004B  }
0xb7: {  	_ =	sfence  }
0xb8: {  	s30 =	sld [smem:$0x0];
	_ =	sdelay $0x2  }
0xb9: {  	s31 =	sshll.u32 s1, $0xD;
	s1 =	sshrl.u32 s1, $0x2  }
0xba: {  	s3 =	sand.u32 $0x4000, s31;
	s1 =	sadd.s32 s1, s30  }
0xbb: {  	s0 =	sor.u32 s3, s0;
	s1 =	sshll.u32 s1, $0x11  }
0xbc: {  	s0 =	sor.u32 s1, s0  }
0xbd: {  	s0 =	sadd.s32 $0x8F2B, s0  }
0xbe: {  	[sflag:s0] =	ssyncadd.remote.s32 $0x1  }
0xbf: {  	_ =	sfence.sel $0xFFFF  }
0xc0: {  	[dreg:$0x0] =	wrdreg $0xFFFFFFFF;
	(pc) =	sbr.abs _section_cstart, $3  }
0xc1: {  	[dreg:$0x1] =	wrdreg $0xFFFFFFFF  }
0xc2: {  	_ =	task.clear_ibuf [dreg:s7], $0x2FFFF;
	_ =	strace $0x9FFFFFFF  }
0xc3: {  	(tm) =	ssettm $0x7FFFFFFF  }
tec
execute0_lowered:
.L_overlay_start_1:
0x0: {  	(tag) =	ssettag $0x1  }
0x1: {  	s1 =	rddreg [dreg:$0x0]  }
0x2: {  	s0 =	srdreg.scid;
	s6 =	rddreg [dreg:$0x1]  }
0x3: {  	s11 =	stileid.u32;
	s3 =	rddreg [dreg:$0x2];
	s4 =	simm.s32 $0x0  }
0x4: {  	s28 =	simm.s32 $0x50;
	s29 =	simm.s32 $0x2780;
	s7 =	smul.u32 $0x14000, s11  }
0x5: {  	s30 =	simm.s32 $0x5180;
	s31 =	simm.s32 $0x2800;
	s13 =	smul.u32 $0x50000, s11  }
0x6: {  	s0 =	sand.u32 $0x1, s0;
	s2 =	sshll.u32 s11, $0x1;
	s17 =	smul.u32 $0x4E20, s11  }
0x7: {  	[smem:$0x7FF] =	sst s4;
	s11 =	simm.s32 $0x3;
	s5 =	smul.u32 $0x140000, s0  }
0x8: {  	s2 =	sor.u32 s0, s2;
	s9 =	ssub.s32 $0x2, s0;
	s0 =	smul.u32 $0x2710, s0  }
0x9: {  	_ =	strace $0x8000004A;
	s2 =	smul.u32 $0x2710, s2;
	s10 =	sshrl.u32 s9, $0x1  }
0xa: {  	s7 =	sadd.s32 s7, s5;
	s5 =	sadd.s32 $0xB800, s6;
	s9 =	ssub.s32 s9, s10  }
0xb: {  	s0 =	sadd.s32 s0, s17;
	s2 =	sshrl.u32 s2, $0x3;
	s18 =	smax.u32 s9, $0x1  }
0xc: {  	s8 =	sadd.s32 s2, s6;
	s26 =	sadd.s32 s5, s2;
	[dreg:$0xb] =	wrdreg s18  }
0xd: {  	s7 =	sshrl.u32 s7, $0x3;
	s10 =	sadd.s32 $0x1A00, s8;
	[dreg:$0x4] =	wrdreg s26  }
0xe: {  	s25 =	sadd.s32 $0x190, s0;
	s12 =	sadd.s32 $0xA, s26;
	[dreg:$0x5] =	wrdreg s10  }
0xf: {  	s9 =	simm.s32 $0x2;
	s14 =	sadd.s32 $0x14, s26;
	[dreg:$0x6] =	wrdreg s12  }
0x10: {  	s7 =	sadd.s32 s7, s6;
	s15 =	sadd.s32 $0x4CE, s26;
	[dreg:$0x7] =	wrdreg s14  }
0x11: {  	s2 =	sshrl.u32 s13, $0x2;
	s6 =	sadd.s32 $0x4D8, s26;
	[dreg:$0x8] =	wrdreg s15  }
0x12: {  	s16 =	sadd.s32 $0x15600, s7;
	s13 =	sadd.s32 s2, s3;
	[dreg:$0x9] =	wrdreg s6  }
0x13: {  	s7 =	sadd.s32 $0x140, s0;
	[dreg:$0xa] =	wrdreg s16;
	s19 =	sadd.s32 $0x2800, s13  }
0x14: {  	s2 =	sshrl.u32 s25, $0x3;
	s20 =	sadd.s32 $0x5000, s13;
	[dreg:$0xc] =	wrdreg s19  }
0x15: {  	s25 =	simm.s32 $0x7;
	s21 =	sadd.s32 $0x7800, s13;
	[dreg:$0xd] =	wrdreg s20  }
0x16: {  	s8 =	simm.s32 $0x4;
	s22 =	sadd.s32 $0xA000, s13;
	[dreg:$0xe] =	wrdreg s21  }
0x17: {  	s23 =	sadd.s32 $0xC800, s13;
	s24 =	sadd.s32 $0xF000, s13;
	[dreg:$0xf] =	wrdreg s22  }
0x18: {  	s26 =	sadd.s32 $0x11800, s13;
	s7 =	sshrl.u32 s7, $0x3;
	[dreg:$0x10] =	wrdreg s23  }
0x19: {  	s10 =	simm.s32 $0x5;
	s12 =	simm.s32 $0x6;
	[dreg:$0x11] =	wrdreg s24  }
0x1a: {  	s14 =	simm.s32 $0x0;
	[dreg:$0x12] =	wrdreg s26;
	s19 =	sadd.s32 s2, s5  }
0x1b: {  	s23 =	sadd.s32 s7, s5;
	s24 =	sadd.s32 $0xF0, s0;
	s26 =	simm.s32 $0x2980  }
0x1c: {  	v0 =	vimm.f32 $0.0e+00;
	s0 =	simm.s32 $0x7980;
	s2 =	simm.s32 $0x2880;
	s7 =	simm.s32 $0x1  }
.LBB2_1:
0x1d: {  	s6 =	rddreg [dreg:$0x5]  }
0x1e: {  	[tilespmem:s4], [sflag:$0x7] =	stream.linear.gather [hbm4b:s6+s4], $0x2710, $0x38;
	[tilespmem:$0x1E180] =	vst v63  }
0x1f: {  	_ =	swait.ge [sflag:s25], $0x2710  }
0x20: {  	[sflag:s25] =	ssyncset.done $0x0  }
0x21: {  	s15 =	simm.s32 $0x0;
	s16 =	simm.s32 $0x200;
	[sflag:s25] =	ssyncadd.s32 $0xFFFFD8F0  }
.LBB2_2:
0x22: {  	p0 =	sne.s32 s16, $0x9E00;
	[tilespmem:s15+$0x79F0] =	vst v0  }
0x23: {  	[tilespmem:s15+$0x2980] =	vst v0  }
0x24: {  	[tilespmem:s15+$0x2990] =	vst v0  }
0x25: {  	[tilespmem:s15+$0x29A0] =	vst v0  }
0x26: {  	[tilespmem:s15+$0x29B0] =	vst v0  }
0x27: {  	[tilespmem:s15+$0x29C0] =	vst v0  }
0x28: {  	[tilespmem:s15+$0x29D0] =	vst v0  }
0x29: {  	[tilespmem:s15+$0x29E0] =	vst v0  }
0x2a: {  	[tilespmem:s15+$0x29F0] =	vst v0  }
0x2b: {  	[tilespmem:s15+$0x5180] =	vst v0  }
0x2c: {  	[tilespmem:s15+$0x5190] =	vst v0  }
0x2d: {  	[tilespmem:s15+$0x51A0] =	vst v0  }
0x2e: {  	[tilespmem:s15+$0x51B0] =	vst v0  }
0x2f: {  	[tilespmem:s15+$0x51C0] =	vst v0  }
0x30: {  	[tilespmem:s15+$0x51D0] =	vst v0  }
0x31: {  	[tilespmem:s15+$0x51E0] =	vst v0  }
0x32: {  	[tilespmem:s15+$0x51F0] =	vst v0  }
0x33: {  	[tilespmem:s15+$0x7980] =	vst v0  }
0x34: {  	[tilespmem:s15+$0x7990] =	vst v0  }
.Ltmp0:
0x35: {  	[tilespmem:s15+$0x79A0] =	vst v0;
	(pc) =	sbr.rel @p0 .LBB2_2-.Ltmp0, $4  }
0x36: {  	[tilespmem:s15+$0x79B0] =	vst v0  }
0x37: {  	[tilespmem:s15+$0x79C0] =	vst v0  }
0x38: {  	[tilespmem:s15+$0x79D0] =	vst v0  }
0x39: {  	[tilespmem:s15+$0x79E0] =	vst v0;
	s15 =	sshra.s32 s16, $0x2;
	s16 =	sadd.s32 $0x200, s16  }
0x3a: {  	[tilespmem:s15+$0x79F0] =	vst v0  }
0x3b: {  	[tilespmem:s15+$0x2980] =	vst v0  }
0x3c: {  	[tilespmem:s15+$0x2990] =	vst v0  }
0x3d: {  	[tilespmem:s15+$0x29A0] =	vst v0  }
0x3e: {  	[tilespmem:s15+$0x29B0] =	vst v0  }
0x3f: {  	[tilespmem:s15+$0x29C0] =	vst v0  }
0x40: {  	[tilespmem:s15+$0x29D0] =	vst v0  }
0x41: {  	[tilespmem:s15+$0x29E0] =	vst v0  }
0x42: {  	[tilespmem:s15+$0x29F0] =	vst v0  }
0x43: {  	[tilespmem:s15+$0x5180] =	vst v0  }
0x44: {  	[tilespmem:s15+$0x5190] =	vst v0  }
0x45: {  	[tilespmem:s15+$0x51A0] =	vst v0  }
0x46: {  	[tilespmem:s15+$0x51B0] =	vst v0  }
0x47: {  	[tilespmem:s15+$0x51C0] =	vst v0  }
0x48: {  	[tilespmem:s15+$0x51D0] =	vst v0  }
0x49: {  	[tilespmem:s15+$0x51E0] =	vst v0  }
0x4a: {  	[tilespmem:s15+$0x51F0] =	vst v0  }
0x4b: {  	[tilespmem:s15+$0x7980] =	vst v0  }
0x4c: {  	[tilespmem:s15+$0x7990] =	vst v0  }
0x4d: {  	[tilespmem:s15+$0x79A0] =	vst v0  }
0x4e: {  	[tilespmem:s15+$0x79B0] =	vst v0  }
0x4f: {  	[tilespmem:s15+$0x79C0] =	vst v0  }
0x50: {  	[tilespmem:s15+$0x79D0] =	vst v0  }
0x51: {  	[tilespmem:s15+$0x79E0] =	vst v0  }
0x52: {  	[spmem:s13] =	stream.linear.scatter [tilespmem:s26], [sflag:$0x7], $0x2800, $0x38;
	[tilespmem:$0x1E180] =	vst v63  }
0x53: {  	_ =	swait.ge [sflag:s25], $0x2800  }
0x54: {  	[sflag:s25] =	ssyncset.done $0x0  }
0x55: {  	s6 =	rddreg [dreg:$0xc];
	[sflag:s25] =	ssyncadd.s32 $0xFFFFD800  }
0x56: {  	[spmem:s6] =	stream.linear.scatter [tilespmem:s26], [sflag:$0x7], $0x2800, $0x38;
	[tilespmem:$0x1E180] =	vst v63  }
0x57: {  	_ =	swait.ge [sflag:s25], $0x2800  }
0x58: {  	[sflag:s25] =	ssyncset.done $0x0  }
0x59: {  	s21 =	rddreg [dreg:$0xd];
	[sflag:s25] =	ssyncadd.s32 $0xFFFFD800  }
0x5a: {  	[spmem:s21] =	stream.linear.scatter [tilespmem:s26], [sflag:$0x7], $0x2800, $0x38;
	[tilespmem:$0x1E180] =	vst v63  }
0x5b: {  	_ =	swait.ge [sflag:s25], $0x2800  }
0x5c: {  	[sflag:s25] =	ssyncset.done $0x0  }
0x5d: {  	s22 =	rddreg [dreg:$0xe];
	[sflag:s25] =	ssyncadd.s32 $0xFFFFD800  }
0x5e: {  	[spmem:s22] =	stream.linear.scatter [tilespmem:s26], [sflag:$0x7], $0x2800, $0x38;
	[tilespmem:$0x1E180] =	vst v63  }
0x5f: {  	_ =	swait.ge [sflag:s25], $0x2800  }
0x60: {  	[sflag:s25] =	ssyncset.done $0x0  }
0x61: {  	s15 =	rddreg [dreg:$0xf];
	[sflag:s25] =	ssyncadd.s32 $0xFFFFD800  }
0x62: {  	[spmem:s15] =	stream.linear.scatter [tilespmem:s26], [sflag:$0x7], $0x2800, $0x38;
	[tilespmem:$0x1E180] =	vst v63  }
0x63: {  	_ =	swait.ge [sflag:s25], $0x2800  }
0x64: {  	[sflag:s25] =	ssyncset.done $0x0  }
0x65: {  	s16 =	rddreg [dreg:$0x10];
	[sflag:s25] =	ssyncadd.s32 $0xFFFFD800  }
0x66: {  	[spmem:s16] =	stream.linear.scatter [tilespmem:s26], [sflag:$0x7], $0x2800, $0x38;
	[tilespmem:$0x1E180] =	vst v63  }
0x67: {  	_ =	swait.ge [sflag:s25], $0x2800  }
0x68: {  	[sflag:s25] =	ssyncset.done $0x0  }
0x69: {  	s17 =	rddreg [dreg:$0x11];
	[sflag:s25] =	ssyncadd.s32 $0xFFFFD800  }
0x6a: {  	[spmem:s17] =	stream.linear.scatter [tilespmem:s26], [sflag:$0x7], $0x2800, $0x38;
	[tilespmem:$0x1E180] =	vst v63  }
0x6b: {  	_ =	swait.ge [sflag:s25], $0x2800  }
0x6c: {  	[sflag:s25] =	ssyncset.done $0x0  }
0x6d: {  	s18 =	rddreg [dreg:$0x12];
	[sflag:s25] =	ssyncadd.s32 $0xFFFFD800  }
0x6e: {  	[spmem:s18] =	stream.linear.scatter [tilespmem:s26], [sflag:$0x7], $0x2800, $0x38;
	[tilespmem:$0x1E180] =	vst v63  }
0x6f: {  	_ =	swait.ge [sflag:s25], $0x2800  }
0x70: {  	[sflag:s25] =	ssyncset.done $0x0  }
0x71: {  	[sflag:s25] =	ssyncadd.s32 $0xFFFFD800  }
0x72: {  	s20 =	simm.s32 $0x0;
	[bflag:$0x0] =	sbarrier.arrive $0xFFFF  }
0x73: {  	[tilespmem:s26], [sflag:$0x1] =	stream.indirect.gather [hbm4b:s1+s28], $0x80, s20, s28, $0xb8;
	[tilespmem:$0x1E180] =	vst v63  }
0x74: {  	s21 =	rddreg [dreg:$0x4]  }
0x75: {  	[tilespmem:s29], [sflag:$0x4] =	stream.linear.gather [hbm4b:s21+s20], $0x50, $0x38;
	[tilespmem:$0x1E180] =	vst v63  }
0x76: {  	_ = 	snop  }
0x77: {  	[tilespmem:s30], [sflag:$0x2] =	stream.indirect.gather [hbm4b:s1+s28], $0x80, s28, s28, $0xb8;
	[tilespmem:$0x1E180] =	vst v63  }
0x78: {  	s22 =	rddreg [dreg:$0x6]  }
0x79: {  	[tilespmem:s31], [sflag:$0x5] =	stream.linear.gather [hbm4b:s22+s20], $0x50, $0x38;
	[tilespmem:$0x1E180] =	vst v63  }
0x7a: {  	s16 =	simm.s32 $0xA0  }
0x7b: {  	[tilespmem:s0], [sflag:$0x3] =	stream.indirect.gather [hbm4b:s1+s28], $0x80, s16, s28, $0xb8;
	[tilespmem:$0x1E180] =	vst v63  }
0x7c: {  	s17 =	rddreg [dreg:$0x7]  }
0x7d: {  	[tilespmem:s2], [sflag:$0x6] =	stream.linear.gather [hbm4b:s17+s20], $0x50, $0x38;
	[tilespmem:$0x1E180] =	vst v63  }
0x7e: {  	_ =	swait.ge [sflag:s7], $0x2800  }
0x7f: {  	[sflag:s7] =	ssyncset.done $0x0  }
0x80: {  	[sflag:s7] =	ssyncadd.s32 $0xFFFFD800  }
0x81: {  	_ =	swait.ge [sflag:s8], $0x50  }
0x82: {  	[sflag:s8] =	ssyncset.done $0x0  }
0x83: {  	[sflag:s8] =	ssyncadd.s32 $0xFFFFFFB0  }
0x84: {  	[spmem:s3] =	stream.indirect.scatter.add.f32 [tilespmem:s26], [sflag:$0x7], $0x80, s29, s28, $0xb8;
	[tilespmem:$0x1E180] =	vst v63  }
0x85: {  	_ =	swait.ge [sflag:s25], $0x2800  }
0x86: {  	[sflag:s25] =	ssyncset.done $0x0  }
0x87: {  	s18 =	simm.s32 $0xF0;
	s16 =	sshrl.u32 s24, $0x3;
	[sflag:s25] =	ssyncadd.s32 $0xFFFFD800  }
0x88: {  	[tilespmem:s26], [sflag:$0x1] =	stream.indirect.gather [hbm4b:s1+s28], $0x80, s18, s28, $0xb8;
	[tilespmem:$0x1E180] =	vst v63  }
0x89: {  	s20 =	sadd.s32 s5, s16  }
0x8a: {  	[tilespmem:s29], [sflag:$0x4] =	stream.linear.gather [hbm4b:s20+s4], $0x50, $0x38;
	[tilespmem:$0x1E180] =	vst v63  }
0x8b: {  	_ =	swait.ge [sflag:s9], $0x2800  }
0x8c: {  	[sflag:s9] =	ssyncset.done $0x0  }
0x8d: {  	[sflag:s9] =	ssyncadd.s32 $0xFFFFD800  }
0x8e: {  	_ =	swait.ge [sflag:s10], $0x50  }
0x8f: {  	[sflag:s10] =	ssyncset.done $0x0  }
0x90: {  	[sflag:s10] =	ssyncadd.s32 $0xFFFFFFB0  }
0x91: {  	[spmem:s3] =	stream.indirect.scatter.add.f32 [tilespmem:s30], [sflag:$0x7], $0x80, s31, s28, $0xb8;
	[tilespmem:$0x1E180] =	vst v63  }
0x92: {  	_ =	swait.ge [sflag:s25], $0x2800  }
0x93: {  	[sflag:s25] =	ssyncset.done $0x0  }
0x94: {  	s21 =	simm.s32 $0x140;
	[sflag:s25] =	ssyncadd.s32 $0xFFFFD800  }
0x95: {  	[tilespmem:s30], [sflag:$0x2] =	stream.indirect.gather [hbm4b:s1+s28], $0x80, s21, s28, $0xb8;
	[tilespmem:$0x1E180] =	vst v63  }
0x96: {  	_ = 	snop  }
0x97: {  	[tilespmem:s31], [sflag:$0x5] =	stream.linear.gather [hbm4b:s23+s4], $0x50, $0x38;
	[tilespmem:$0x1E180] =	vst v63  }
0x98: {  	_ =	swait.ge [sflag:s11], $0x2800  }
0x99: {  	[sflag:s11] =	ssyncset.done $0x0  }
0x9a: {  	[sflag:s11] =	ssyncadd.s32 $0xFFFFD800  }
0x9b: {  	_ =	swait.ge [sflag:s12], $0x50  }
0x9c: {  	[sflag:s12] =	ssyncset.done $0x0  }
0x9d: {  	[sflag:s12] =	ssyncadd.s32 $0xFFFFFFB0  }
0x9e: {  	[spmem:s3] =	stream.indirect.scatter.add.f32 [tilespmem:s0], [sflag:$0x7], $0x80, s2, s28, $0xb8;
	[tilespmem:$0x1E180] =	vst v63  }
0x9f: {  	_ =	swait.ge [sflag:s25], $0x2800  }
0xa0: {  	s15 =	simm.s32 $0x3C0;
	[sflag:s25] =	ssyncset.done $0x0  }
0xa1: {  	s22 =	simm.s32 $0x190;
	s16 =	sadd.s32 $0x1E, s19;
	[sflag:s25] =	ssyncadd.s32 $0xFFFFD800  }
0xa2: {  	[tilespmem:s0], [sflag:$0x3] =	stream.indirect.gather [hbm4b:s1+s28], $0x80, s22, s28, $0xb8;
	[tilespmem:$0x1E180] =	vst v63  }
0xa3: {  	s17 =	sadd.s32 $0x1E, s23;
	s18 =	sadd.s32 $0xF0, s24;
	s22 =	smov.u32 s19  }
.LBB2_4:
0xa4: {  	[tilespmem:s2], [sflag:$0x6] =	stream.linear.gather [hbm4b:s22+s4], $0x50, $0x38;
	[tilespmem:$0x1E180] =	vst v63  }
0xa5: {  	s20 =	smov.u32 s15;
	s22 =	smov.u32 s16  }
0xa6: {  	p0 =	sne.s32 s15, $0x9240;
	s15 =	sadd.s32 $0x3C0, s15;
	_ =	swait.ge [sflag:s7], $0x2800  }
0xa7: {  	[sflag:s7] =	ssyncset.done $0x0  }
0xa8: {  	[sflag:s7] =	ssyncadd.s32 $0xFFFFD800  }
0xa9: {  	_ =	swait.ge [sflag:s8], $0x50  }
0xaa: {  	[sflag:s8] =	ssyncset.done $0x0  }
0xab: {  	[sflag:s8] =	ssyncadd.s32 $0xFFFFFFB0  }
0xac: {  	[spmem:s3] =	stream.indirect.scatter.add.f32 [tilespmem:s26], [sflag:$0x7], $0x80, s29, s28, $0xb8;
	[tilespmem:$0x1E180] =	vst v63  }
0xad: {  	_ =	swait.ge [sflag:s25], $0x2800  }
0xae: {  	s20 =	sshra.s32 s20, $0x2;
	[sflag:s25] =	ssyncset.done $0x0  }
0xaf: {  	s6 =	sshrl.u32 s18, $0x3;
	s21 =	sadd.s32 $0xF0, s20;
	[sflag:s25] =	ssyncadd.s32 $0xFFFFD800  }
0xb0: {  	[tilespmem:s26], [sflag:$0x1] =	stream.indirect.gather [hbm4b:s1+s28], $0x80, s21, s28, $0xb8;
	[tilespmem:$0x1E180] =	vst v63  }
0xb1: {  	s6 =	sadd.s32 s5, s6  }
0xb2: {  	[tilespmem:s29], [sflag:$0x4] =	stream.linear.gather [hbm4b:s6+s4], $0x50, $0x38;
	[tilespmem:$0x1E180] =	vst v63  }
0xb3: {  	_ =	swait.ge [sflag:s9], $0x2800  }
0xb4: {  	[sflag:s9] =	ssyncset.done $0x0  }
0xb5: {  	[sflag:s9] =	ssyncadd.s32 $0xFFFFD800  }
0xb6: {  	_ =	swait.ge [sflag:s10], $0x50  }
0xb7: {  	[sflag:s10] =	ssyncset.done $0x0  }
0xb8: {  	[sflag:s10] =	ssyncadd.s32 $0xFFFFFFB0  }
0xb9: {  	[spmem:s3] =	stream.indirect.scatter.add.f32 [tilespmem:s30], [sflag:$0x7], $0x80, s31, s28, $0xb8;
	[tilespmem:$0x1E180] =	vst v63  }
0xba: {  	_ =	swait.ge [sflag:s25], $0x2800  }
0xbb: {  	[sflag:s25] =	ssyncset.done $0x0  }
0xbc: {  	s6 =	sadd.s32 $0x140, s20;
	[sflag:s25] =	ssyncadd.s32 $0xFFFFD800  }
0xbd: {  	[tilespmem:s30], [sflag:$0x2] =	stream.indirect.gather [hbm4b:s1+s28], $0x80, s6, s28, $0xb8;
	[tilespmem:$0x1E180] =	vst v63  }
0xbe: {  	_ = 	snop  }
0xbf: {  	[tilespmem:s31], [sflag:$0x5] =	stream.linear.gather [hbm4b:s17+s4], $0x50, $0x38;
	[tilespmem:$0x1E180] =	vst v63  }
0xc0: {  	_ =	swait.ge [sflag:s11], $0x2800  }
0xc1: {  	[sflag:s11] =	ssyncset.done $0x0  }
0xc2: {  	[sflag:s11] =	ssyncadd.s32 $0xFFFFD800  }
0xc3: {  	_ =	swait.ge [sflag:s12], $0x50  }
0xc4: {  	[sflag:s12] =	ssyncset.done $0x0  }
0xc5: {  	[sflag:s12] =	ssyncadd.s32 $0xFFFFFFB0  }
0xc6: {  	[spmem:s3] =	stream.indirect.scatter.add.f32 [tilespmem:s0], [sflag:$0x7], $0x80, s2, s28, $0xb8;
	[tilespmem:$0x1E180] =	vst v63  }
.Ltmp1:
0xc7: {  	_ =	swait.ge [sflag:s25], $0x2800;
	(pc) =	sbr.rel @p0 .LBB2_4-.Ltmp1, $4  }
0xc8: {  	[sflag:s25] =	ssyncset.done $0x0  }
0xc9: {  	s6 =	sadd.s32 $0x190, s20;
	[sflag:s25] =	ssyncadd.s32 $0xFFFFD800  }
0xca: {  	[tilespmem:s0], [sflag:$0x3] =	stream.indirect.gather [hbm4b:s1+s28], $0x80, s6, s28, $0xb8;
	[tilespmem:$0x1E180] =	vst v63  }
0xcb: {  	s16 =	sadd.s32 $0x1E, s16;
	s18 =	sadd.s32 $0xF0, s18;
	s17 =	sadd.s32 $0x1E, s17  }
0xcc: {  	[tilespmem:s2], [sflag:$0x6] =	stream.linear.gather [hbm4b:s22+s4], $0x50, $0x38;
	[tilespmem:$0x1E180] =	vst v63  }
0xcd: {  	_ =	swait.ge [sflag:s7], $0x2800  }
0xce: {  	[sflag:s7] =	ssyncset.done $0x0  }
0xcf: {  	[sflag:s7] =	ssyncadd.s32 $0xFFFFD800  }
0xd0: {  	_ =	swait.ge [sflag:s8], $0x50  }
0xd1: {  	[sflag:s8] =	ssyncset.done $0x0  }
0xd2: {  	[sflag:s8] =	ssyncadd.s32 $0xFFFFFFB0  }
0xd3: {  	[spmem:s3] =	stream.indirect.scatter.add.f32 [tilespmem:s26], [sflag:$0x7], $0x80, s29, s28, $0xb8;
	[tilespmem:$0x1E180] =	vst v63  }
0xd4: {  	_ =	swait.ge [sflag:s25], $0x2800  }
0xd5: {  	[sflag:s25] =	ssyncset.done $0x0  }
0xd6: {  	s6 =	simm.s32 $0x2670;
	[sflag:s25] =	ssyncadd.s32 $0xFFFFD800  }
0xd7: {  	[tilespmem:s26], [sflag:$0x1] =	stream.indirect.gather [hbm4b:s1+s28], $0x80, s6, s28, $0xb8;
	[tilespmem:$0x1E180] =	vst v63  }
0xd8: {  	s17 =	rddreg [dreg:$0x8]  }
0xd9: {  	[tilespmem:s29], [sflag:$0x4] =	stream.linear.gather [hbm4b:s17+s4], $0x50, $0x38;
	[tilespmem:$0x1E180] =	vst v63  }
0xda: {  	_ =	swait.ge [sflag:s9], $0x2800  }
0xdb: {  	[sflag:s9] =	ssyncset.done $0x0  }
0xdc: {  	[sflag:s9] =	ssyncadd.s32 $0xFFFFD800  }
0xdd: {  	_ =	swait.ge [sflag:s10], $0x50  }
0xde: {  	[sflag:s10] =	ssyncset.done $0x0  }
0xdf: {  	[sflag:s10] =	ssyncadd.s32 $0xFFFFFFB0  }
0xe0: {  	[spmem:s3] =	stream.indirect.scatter.add.f32 [tilespmem:s30], [sflag:$0x7], $0x80, s31, s28, $0xb8;
	[tilespmem:$0x1E180] =	vst v63  }
0xe1: {  	_ =	swait.ge [sflag:s25], $0x2800  }
0xe2: {  	[sflag:s25] =	ssyncset.done $0x0  }
0xe3: {  	s18 =	simm.s32 $0x26C0;
	[sflag:s25] =	ssyncadd.s32 $0xFFFFD800  }
0xe4: {  	[tilespmem:s30], [sflag:$0x2] =	stream.indirect.gather [hbm4b:s1+s28], $0x80, s18, s28, $0xb8;
	[tilespmem:$0x1E180] =	vst v63  }
0xe5: {  	s20 =	rddreg [dreg:$0x9]  }
0xe6: {  	[tilespmem:s31], [sflag:$0x5] =	stream.linear.gather [hbm4b:s20+s4], $0x50, $0x38;
	[tilespmem:$0x1E180] =	vst v63  }
0xe7: {  	_ =	swait.ge [sflag:s11], $0x2800  }
0xe8: {  	[sflag:s11] =	ssyncset.done $0x0  }
0xe9: {  	[sflag:s11] =	ssyncadd.s32 $0xFFFFD800  }
0xea: {  	_ =	swait.ge [sflag:s12], $0x50  }
0xeb: {  	[sflag:s12] =	ssyncset.done $0x0  }
0xec: {  	[sflag:s12] =	ssyncadd.s32 $0xFFFFFFB0  }
0xed: {  	[spmem:s3] =	stream.indirect.scatter.add.f32 [tilespmem:s0], [sflag:$0x7], $0x80, s2, s28, $0xb8;
	[tilespmem:$0x1E180] =	vst v63  }
0xee: {  	_ =	swait.ge [sflag:s25], $0x2800  }
0xef: {  	[sflag:s25] =	ssyncset.done $0x0  }
0xf0: {  	[sflag:s25] =	ssyncadd.s32 $0xFFFFD800  }
0xf1: {  	_ =	swait.ge [sflag:s7], $0x2800  }
0xf2: {  	[sflag:s7] =	ssyncset.done $0x0  }
0xf3: {  	[sflag:s7] =	ssyncadd.s32 $0xFFFFD800  }
0xf4: {  	_ =	swait.ge [sflag:s8], $0x50  }
0xf5: {  	[sflag:s8] =	ssyncset.done $0x0  }
0xf6: {  	[sflag:s8] =	ssyncadd.s32 $0xFFFFFFB0  }
0xf7: {  	[spmem:s3] =	stream.indirect.scatter.add.f32 [tilespmem:s26], [sflag:$0x7], $0x80, s29, s28, $0xb8;
	[tilespmem:$0x1E180] =	vst v63  }
0xf8: {  	_ =	swait.ge [sflag:s25], $0x2800  }
0xf9: {  	[sflag:s25] =	ssyncset.done $0x0  }
0xfa: {  	[sflag:s25] =	ssyncadd.s32 $0xFFFFD800  }
0xfb: {  	_ =	swait.ge [sflag:s9], $0x2800  }
0xfc: {  	[sflag:s9] =	ssyncset.done $0x0  }
0xfd: {  	[sflag:s9] =	ssyncadd.s32 $0xFFFFD800  }
0xfe: {  	_ =	swait.ge [sflag:s10], $0x50  }
0xff: {  	[sflag:s10] =	ssyncset.done $0x0  }
0x100: {  	[sflag:s10] =	ssyncadd.s32 $0xFFFFFFB0  }
0x101: {  	[spmem:s3] =	stream.indirect.scatter.add.f32 [tilespmem:s30], [sflag:$0x7], $0x80, s31, s28, $0xb8;
	[tilespmem:$0x1E180] =	vst v63  }
0x102: {  	_ =	swait.ge [sflag:s25], $0x2800  }
0x103: {  	[sflag:s25] =	ssyncset.done $0x0  }
0x104: {  	s21 =	stileid.u32;
	[sflag:s25] =	ssyncadd.s32 $0xFFFFD800  }
0x105: {  	s6 =	sshll.u32 s21, $0x6;
	[bflag:$0x0] =	sbarrier.arrive $0xFFFF  }
0x106: {  	s15 =	sshrl.u32 s13, $0x3;
	s6 =	sor.u32 $0x1C07, s6;
	s16 =	rddreg [dreg:$0xa]  }
0x107: {  	[hbm:s16], [sflag:s6] =	dma.local [spmem:s15], $0x2800  }
0x108: {  	_ =	swait.ge [sflag:s25], $0x2800  }
0x109: {  	s14 =	sadd.s32 $0x1, s14;
	s22 =	rddreg [dreg:$0xb]  }
0x10a: {  	p0 =	sne.s32 s14, s22  }
.Ltmp2:
0x10b: {  	_ = 	snop;
	(pc) =	sbr.rel @p0 .LBB2_1-.Ltmp2, $3  }
0x10c: {  	_ =	sdelay $0x1  }
0x10d: {  	[sflag:s25] =	ssyncset.done $0x0  }
0x10e: {  	[sflag:s25] =	ssyncadd.s32 $0xFFFFD800  }
0x10f: {  	_ =	sfence.sel $0x180000  }
0x110: {  	[bflag:$0x0] =	sbarrier.arrive $0xFFFF  }
0x111: {  	_ =	strace $0x9000004A  }
0x112: {  	s0 =	stileid.u32;
	[bflag:$0x2] =	sbarrier.arrive $0xFFFF  }
0x113: {  	p0 =	sne.s32 s0, $0x0;
	s0 =	rddreg [dreg:$0x3]  }
0x114: {  	s0 =	sadd.s32 @!p0 $0x100000, s0  }
0x115: {  	[sflag:s0] =	ssyncadd.tile.s32 @!p0 $0x1;
	_ =	shalt  }
.Lfunc_end2:
_tile_overlayer_lowered:
.L_overlay_start_2:
0x116: {  	(tag) =	ssettag $0x2  }
0x117: {  	s0 =	rddreg [dreg:$0x0];
	s2 =	stileid.u32  }
0x118: {  	s1 =	rddreg [dreg:$0x1];
	p0 =	sne.s32 s2, $0x0  }
0x119: {  	s3 =	rddreg [dreg:$0x2];
	[bflag:$0x3] =	sbarrier.arrive $0xFFFF;
	s2 =	simm.s32 @!p0 $0x1C07  }
0x11a: {  	[timem:s3], [sflag:s2] =	dma.local @!p0 [hbm:s0], s1  }
0x11b: {  	s0 =	simm.s32 @!p0 $0x7  }
0x11c: {  	_ =	swait.ge @!p0 [sflag:s0], s1  }
0x11d: {  	s1 =	ssub.s32 @!p0 $0x0, s1;
	[sflag:s0] =	ssyncset.done @!p0 $0x0  }
0x11e: {  	[sflag:s0] =	ssyncadd.s32 @!p0 s1  }
0x11f: {  	[bflag:$0x3] =	sbarrier.arrive $0xFFFF  }
0x120: {  	_ =	shalt  }

// kernel: kernel.14.cloned.1.call-start
scs
__scs_entry_jumppad:
0x0: {  	(pc) =	sbr.rel $0x88, $3  }
0x1: {  	(tag) =	ssettag $0x0;
	lr =	simm.s32 $0x1  }
0x2: {  	[smem:$0x3F9C] =	sst lr;
	_ =	strace $0xD0000000  }
0x3: {  	_ = 	snop  }
0x4: {  	_ = 	snop  }
0x5: {  	_ = 	snop  }
0x6: {  	_ = 	snop  }
0x7: {  	_ = 	snop  }
__scs_overlays_trampoline_lowered:
0x8: {  	[smem:$0x3FAB] =	sst s0  }
0x9: {  	[smem:$0x3FAC] =	sst s1  }
0xa: {  	[smem:$0x3FAD] =	sst s2  }
0xb: {  	[smem:$0x3FAE] =	sst s3  }
0xc: {  	[smem:$0x3FAF] =	sst s4  }
0xd: {  	[smem:$0x3FB0] =	sst s5  }
0xe: {  	[smem:$0x3FB1] =	sst s6  }
0xf: {  	[smem:$0x3FB2] =	sst s7  }
0x10: {  	[smem:$0x3FB3] =	sst s8  }
0x11: {  	[smem:$0x3FB4] =	sst s9;
	s0 =	simm.s32 @!p0 $0x0  }
0x12: {  	s1 =	sld [smem:$0x3F9A];
	s0 =	simm.s32 @p0 $0x1  }
0x13: {  	[smem:$0x3FB5] =	sst s0;
	s0 =	simm.s32 @!p1 $0x0  }
0x14: {  	s2 =	sld [smem:$0x3F99];
	s0 =	simm.s32 @p1 $0x1  }
0x15: {  	[smem:$0x3FB6] =	sst s0;
	s0 =	simm.s32 @!p2 $0x0  }
0x16: {  	s3 =	sld [smem:$0x3FDB];
	s0 =	simm.s32 @p2 $0x1  }
0x17: {  	s4 =	simm.s32 $0x1BF5;
	[smem:$0x3FB8] =	sst s0  }
0x18: {  	s0 =	sld [smem:$0x3F9B];
	_ =	swait.ge [sflag:s4], $0x0  }
0x19: {  	s7 =	sld [smem:$0x3F9C]  }
0x1a: {  	s8 =	sadd.s32 $0xFFFFE003, lr  }
0x1b: {  	s9 =	sadd.s32 $0xFFFFFEF7, lr;
	s5 =	simm.s32 $0xFFFFFFFF;
	p2 =	slt.u32 s8, $0xFFFFF086  }
0x1c: {  	p1 =	slt.u32 s9, $0xF7A;
	s5 =	simm.s32 @!p2 $0x0  }
0x1d: {  	s5 =	simm.s32 @p1 $0x1;
	p0 =	seq.s32 s7, s2  }
0x1e: {  	s7 =	smul.u32 @!p0 $0xF7A, s2;
	p2 =	seq.s32 @!p0 s5, $0x0  }
0x1f: {  	s9 =	smul.u32 $0xF7A, s1;
	s8 =	simm.s32 @!p0 $0x1BF5;
	p2 =	por !p2, p0  }
0x20: {  	[sflag:s8] =	ssyncset.s32 @!p0 $0xFFFFF086;
	s6 =	sadd.s32 @!p0 s3, s7;
	s7 =	simm.s32 @!p0 $0x108  }
0x21: {  	s3 =	sadd.s32 s3, s9;
	s6 =	sadd.s32 @!p0 $0x88, s6;
	s7 =	simm.s32 @p2 $0x1082  }
0x22: {  	[simem:s7], [sflag:s8] =	dma.local @!p0 [hbm:s6], $0xF7A  }
0x23: {  	s9 =	sor.u32 $0xD0000000, s2;
	s6 =	simm.s32 $0x108;
	_ =	swait.ge @!p0 [sflag:s8], $0x0  }
0x24: {  	s3 =	sadd.s32 $0x88, s3;
	s6 =	simm.s32 @!p1 $0x1082;
	[sflag:s4] =	ssyncset.s32 $0xFFFFF086  }
0x25: {  	[simem:s6], [sflag:s4] =	dma.local [hbm:s3], $0xF7A  }
0x26: {  	[smem:$0x3F9C] =	sst s1;
	(tag) =	ssettag s2;
	_ =	strace s9  }
0x27: {  	s1 =	sld [smem:$0x3FAC]  }
0x28: {  	s2 =	sld [smem:$0x3FAD]  }
0x29: {  	s4 =	sld [smem:$0x3FAF]  }
0x2a: {  	p0 =	seq.s32 s5, $0x0;
	s5 =	sld [smem:$0x3FB0]  }
0x2b: {  	s6 =	sld [smem:$0x3FB1]  }
0x2c: {  	s7 =	sld [smem:$0x3FB2]  }
0x2d: {  	s3 =	simm.s32 $0x108;
	s8 =	sld [smem:$0x3FB3]  }
0x2e: {  	s3 =	simm.s32 @!p0 $0x1082;
	s9 =	sld [smem:$0x3FB4]  }
0x2f: {  	lr =	sadd.s32 s0, s3;
	s0 =	sld [smem:$0x3FAB]  }
0x30: {  	s3 =	sld [smem:$0x3FAE]  }
0x31: {  	[smem:$0x3FB7] =	sst s10  }
0x32: {  	s10 =	sld [smem:$0x3FB5];
	_ =	sdelay $0x3  }
0x33: {  	p0 =	seq.s32 s10, $0x1;
	s10 =	sld [smem:$0x3FB7];
	_ =	sdelay $0x3  }
0x34: {  	[smem:$0x3FB7] =	sst s10  }
0x35: {  	s10 =	sld [smem:$0x3FB6];
	_ =	sdelay $0x3  }
0x36: {  	p1 =	seq.s32 s10, $0x1;
	s10 =	sld [smem:$0x3FB7];
	_ =	sdelay $0x3  }
0x37: {  	[smem:$0x3FB7] =	sst s10  }
0x38: {  	s10 =	sld [smem:$0x3FB8]  }
0x39: {  	_ = 	snop;
	(pc) =	sbr.ind lr, $3  }
0x3a: {  	_ = 	snop  }
0x3b: {  	_ = 	snop  }
0x3c: {  	p2 =	seq.s32 s10, $0x1;
	s10 =	sld [smem:$0x3FB7]  }
0x3d: {  	_ =	shalt  }
0x3e: {  	_ =	shalt  }
0x3f: {  	_ =	shalt  }
0x40: {  	_ =	shalt  }
0x41: {  	_ =	shalt  }
0x42: {  	_ =	shalt  }
0x43: {  	_ =	shalt  }
0x44: {  	_ =	shalt  }
0x45: {  	_ =	shalt  }
0x46: {  	_ =	shalt  }
0x47: {  	_ =	shalt  }
0x48: {  	_ =	shalt  }
0x49: {  	_ =	shalt  }
0x4a: {  	_ =	shalt  }
0x4b: {  	_ =	shalt  }
0x4c: {  	_ =	shalt  }
0x4d: {  	_ =	shalt  }
0x4e: {  	_ =	shalt  }
0x4f: {  	_ =	shalt  }
0x50: {  	_ =	shalt  }
0x51: {  	_ =	shalt  }
0x52: {  	_ =	shalt  }
0x53: {  	_ =	shalt  }
0x54: {  	_ =	shalt  }
0x55: {  	_ =	shalt  }
0x56: {  	_ =	shalt  }
0x57: {  	_ =	shalt  }
0x58: {  	_ =	shalt  }
0x59: {  	_ =	shalt  }
0x5a: {  	_ =	shalt  }
0x5b: {  	_ =	shalt  }
0x5c: {  	_ =	shalt  }
0x5d: {  	_ =	shalt  }
0x5e: {  	_ =	shalt  }
0x5f: {  	_ =	shalt  }
0x60: {  	_ =	shalt  }
0x61: {  	_ =	shalt  }
0x62: {  	_ =	shalt  }
0x63: {  	_ =	shalt  }
0x64: {  	_ =	shalt  }
0x65: {  	_ =	shalt  }
0x66: {  	_ =	shalt  }
0x67: {  	_ =	shalt  }
0x68: {  	_ =	shalt  }
0x69: {  	_ =	shalt  }
0x6a: {  	_ =	shalt  }
0x6b: {  	_ =	shalt  }
0x6c: {  	_ =	shalt  }
0x6d: {  	_ =	shalt  }
0x6e: {  	_ =	shalt  }
0x6f: {  	_ =	shalt  }
0x70: {  	_ =	shalt  }
0x71: {  	_ =	shalt  }
0x72: {  	_ =	shalt  }
0x73: {  	_ =	shalt  }
0x74: {  	_ =	shalt  }
0x75: {  	_ =	shalt  }
0x76: {  	_ =	shalt  }
0x77: {  	_ =	shalt  }
0x78: {  	_ =	shalt  }
0x79: {  	_ =	shalt  }
0x7a: {  	_ =	shalt  }
0x7b: {  	_ =	shalt  }
0x7c: {  	_ =	shalt  }
0x7d: {  	_ =	shalt  }
0x7e: {  	_ =	shalt  }
0x7f: {  	_ =	shalt  }
0x80: {  	_ =	shalt  }
0x81: {  	_ =	shalt  }
0x82: {  	_ =	shalt  }
0x83: {  	_ =	shalt  }
0x84: {  	_ =	shalt  }
0x85: {  	_ =	shalt  }
0x86: {  	_ =	shalt  }
0x87: {  	_ =	shalt  }
.Lfunc_end0:
.L_simem_size_0:
called_computation.2_lowered:
.L_overlay_start_0:
0x88: {  	s2 =	sld [smem:$0x3FD9]  }
0x89: {  	s3 =	sld [smem:$0x3FFE];
	_ =	sdelay $0x1  }
0x8a: {  	s1 =	srdreg.scid  }
0x8b: {  	s0 =	sand.u32 $0x1, s1  }
0x8c: {  	s17 =	sshll.u32 s0, $0xA;
	s2 =	sadd.s32 s3, s2  }
0x8d: {  	s2 =	sadd.s32 s2, s17  }
0x8e: {  	[smem:$0x3FC3] =	sst s2  }
0x8f: {  	_ = 	snop  }
0x90: {  	s2 =	sld [smem:$0x3FD0];
	(tm) =	ssettm $0x1  }
0x91: {  	s18 =	sld [smem:$0x3FFB];
	_ =	sdelay $0x3  }
0x92: {  	_ =	strace s18  }
0x93: {  	s3 =	sld [smem:$0x3FFC];
	_ =	sdelay $0x3  }
0x94: {  	_ =	strace s3  }
0x95: {  	s3 =	sld [smem:$0x3FFD];
	_ =	sdelay $0x3  }
0x96: {  	_ =	strace s3  }
0x97: {  	_ =	strace $0x8FFFFFFF  }
0x98: {  	s19 =	sld [smem:$0x3FDB];
	_ =	sdelay $0x1  }
0x99: {  	s4 =	simm.s32 $_scs_section_size  }
0x9a: {  	s5 =	simm.s32 $_size__tile_overlayer_lowered;
	s6 =	simm.s32 $_tile_overlayer_lowered  }
0x9b: {  	s22 =	simm.s32 $0x1BFF;
	s21 =	sshll.u32 s6, $0x1;
	s3 =	sadd.s32 s4, s19  }
0x9c: {  	s7 =	simm.s32 $0x0;
	s20 =	sshll.u32 s5, $0x1;
	s5 =	sadd.s32 s21, s3  }
0x9d: {  	[timem:s7], [sflag:s22] =	dma.local [hbm:s5], s20  }
0x9e: {  	_ =	swait.ge [sflag:s22], s20  }
0x9f: {  	s4 =	ssub.s32 $0x0, s20;
	[sflag:s22] =	ssyncset.done $0x0  }
0xa0: {  	[sflag:s22] =	ssyncadd.s32 s4;
	_ =	sdelay $0x1  }
0xa1: {  	s23 =	simm.s32 $0x1B8B  }
0xa2: {  	_ =	swait.ge [sflag:s23], $0x1  }
0xa3: {  	[sflag:s23] =	ssyncset.done $0x0  }
0xa4: {  	s25 =	simm.s32 $0x1B8E;
	s24 =	sld [smem:$0x3FFE];
	[sflag:s23] =	ssyncadd.s32 $0xFFFFFFFF  }
0xa5: {  	s26 =	simm.s32 $execute0_lowered;
	[smem:$0x3FD2] =	sst s25  }
0xa6: {  	s5 =	sshll.u32 s26, $0x1;
	_ =	strace $0x8000004C;
	[dreg:$0x1] =	wrdreg $0xFFFFFFFF  }
0xa7: {  	s28 =	simm.s32 $_size_execute0_lowered;
	s3 =	sadd.s32 s3, s5;
	[dreg:$0x0] =	wrdreg $0x0  }
0xa8: {  	s5 =	sshll.u32 s28, $0x1;
	[dreg:$0x2] =	wrdreg s3  }
0xa9: {  	[dreg:$0x3] =	wrdreg s5  }
0xaa: {  	[dreg:$0x4] =	wrdreg $0xC0  }
0xab: {  	_ =	task [dreg:s7], $0x5FFFF  }
0xac: {  	[dreg:$0x1] =	wrdreg $0xFFFFFFFF  }
0xad: {  	[dreg:$0x0] =	wrdreg $0x60  }
0xae: {  	[dreg:$0x2] =	wrdreg s2  }
0xaf: {  	[dreg:$0x3] =	wrdreg s24  }
0xb0: {  	[dreg:$0x4] =	wrdreg $0xA1800  }
0xb1: {  	[dreg:$0x5] =	wrdreg $0x9  }
0xb2: {  	_ =	task.clear_ibuf [dreg:s7], $0x6FFFF;
	_ =	strace $0x9000004C  }
0xb3: {  	s29 =	simm.s32 $0x9;
	_ =	strace $0x8000004E  }
0xb4: {  	_ =	swait.ge [sflag:s29], $0x1  }
0xb5: {  	[sflag:s29] =	ssyncadd.s32 $0xFFFFFFFF  }
0xb6: {  	_ =	strace $0x9000004E  }
0xb7: {  	_ =	sfence  }
0xb8: {  	s30 =	sld [smem:$0x0];
	_ =	sdelay $0x2  }
0xb9: {  	s31 =	sshll.u32 s1, $0xD;
	s1 =	sshrl.u32 s1, $0x2  }
0xba: {  	s3 =	sand.u32 $0x4000, s31;
	s1 =	sadd.s32 s1, s30  }
0xbb: {  	s0 =	sor.u32 s3, s0;
	s1 =	sshll.u32 s1, $0x11  }
0xbc: {  	s0 =	sor.u32 s1, s0  }
0xbd: {  	s0 =	sadd.s32 $0x8F2B, s0  }
0xbe: {  	[sflag:s0] =	ssyncadd.remote.s32 $0x1  }
0xbf: {  	_ =	sfence.sel $0xFFFF  }
0xc0: {  	[dreg:$0x0] =	wrdreg $0xFFFFFFFF;
	(pc) =	sbr.abs _section_cstart, $3  }
0xc1: {  	[dreg:$0x1] =	wrdreg $0xFFFFFFFF  }
0xc2: {  	_ =	task.clear_ibuf [dreg:s7], $0x2FFFF;
	_ =	strace $0x9FFFFFFF  }
0xc3: {  	(tm) =	ssettm $0x7FFFFFFF  }
tec
execute0_lowered:
.L_overlay_start_1:
0x0: {  	(tag) =	ssettag $0x1  }
0x1: {  	s1 =	rddreg [dreg:$0x0]  }
0x2: {  	s0 =	srdreg.scid;
	s6 =	rddreg [dreg:$0x1]  }
0x3: {  	s11 =	stileid.u32;
	s3 =	rddreg [dreg:$0x2];
	s4 =	simm.s32 $0x0  }
0x4: {  	s28 =	simm.s32 $0x50;
	s29 =	simm.s32 $0x2780;
	s7 =	smul.u32 $0x14000, s11  }
0x5: {  	s30 =	simm.s32 $0x5180;
	s31 =	simm.s32 $0x2800;
	s13 =	smul.u32 $0x50000, s11  }
0x6: {  	s0 =	sand.u32 $0x1, s0;
	s2 =	sshll.u32 s11, $0x1;
	s17 =	smul.u32 $0x4E20, s11  }
0x7: {  	[smem:$0x7FF] =	sst s4;
	s11 =	simm.s32 $0x3;
	s5 =	smul.u32 $0x140000, s0  }
0x8: {  	s2 =	sor.u32 s0, s2;
	s9 =	ssub.s32 $0x2, s0;
	s0 =	smul.u32 $0x2710, s0  }
0x9: {  	_ =	strace $0x8000004D;
	s2 =	smul.u32 $0x2710, s2;
	s10 =	sshrl.u32 s9, $0x1  }
0xa: {  	s7 =	sadd.s32 s7, s5;
	s5 =	sadd.s32 $0xB800, s6;
	s9 =	ssub.s32 s9, s10  }
0xb: {  	s0 =	sadd.s32 s0, s17;
	s2 =	sshrl.u32 s2, $0x3;
	s18 =	smax.u32 s9, $0x1  }
0xc: {  	s8 =	sadd.s32 s2, s6;
	s26 =	sadd.s32 s5, s2;
	[dreg:$0xb] =	wrdreg s18  }
0xd: {  	s7 =	sshrl.u32 s7, $0x3;
	s10 =	sadd.s32 $0x1A00, s8;
	[dreg:$0x4] =	wrdreg s26  }
0xe: {  	s25 =	sadd.s32 $0x190, s0;
	s12 =	sadd.s32 $0xA, s26;
	[dreg:$0x5] =	wrdreg s10  }
0xf: {  	s9 =	simm.s32 $0x2;
	s14 =	sadd.s32 $0x14, s26;
	[dreg:$0x6] =	wrdreg s12  }
0x10: {  	s7 =	sadd.s32 s7, s6;
	s15 =	sadd.s32 $0x4CE, s26;
	[dreg:$0x7] =	wrdreg s14  }
0x11: {  	s2 =	sshrl.u32 s13, $0x2;
	s6 =	sadd.s32 $0x4D8, s26;
	[dreg:$0x8] =	wrdreg s15  }
0x12: {  	s16 =	sadd.s32 $0x15600, s7;
	s13 =	sadd.s32 s2, s3;
	[dreg:$0x9] =	wrdreg s6  }
0x13: {  	s7 =	sadd.s32 $0x140, s0;
	[dreg:$0xa] =	wrdreg s16;
	s19 =	sadd.s32 $0x2800, s13  }
0x14: {  	s2 =	sshrl.u32 s25, $0x3;
	s20 =	sadd.s32 $0x5000, s13;
	[dreg:$0xc] =	wrdreg s19  }
0x15: {  	s25 =	simm.s32 $0x7;
	s21 =	sadd.s32 $0x7800, s13;
	[dreg:$0xd] =	wrdreg s20  }
0x16: {  	s8 =	simm.s32 $0x4;
	s22 =	sadd.s32 $0xA000, s13;
	[dreg:$0xe] =	wrdreg s21  }
0x17: {  	s23 =	sadd.s32 $0xC800, s13;
	s24 =	sadd.s32 $0xF000, s13;
	[dreg:$0xf] =	wrdreg s22  }
0x18: {  	s26 =	sadd.s32 $0x11800, s13;
	s7 =	sshrl.u32 s7, $0x3;
	[dreg:$0x10] =	wrdreg s23  }
0x19: {  	s10 =	simm.s32 $0x5;
	s12 =	simm.s32 $0x6;
	[dreg:$0x11] =	wrdreg s24  }
0x1a: {  	s14 =	simm.s32 $0x0;
	[dreg:$0x12] =	wrdreg s26;
	s19 =	sadd.s32 s2, s5  }
0x1b: {  	s23 =	sadd.s32 s7, s5;
	s24 =	sadd.s32 $0xF0, s0;
	s26 =	simm.s32 $0x2980  }
0x1c: {  	v0 =	vimm.f32 $0.0e+00;
	s0 =	simm.s32 $0x7980;
	s2 =	simm.s32 $0x2880;
	s7 =	simm.s32 $0x1  }
.LBB2_1:
0x1d: {  	s6 =	rddreg [dreg:$0x5]  }
0x1e: {  	[tilespmem:s4], [sflag:$0x7] =	stream.linear.gather [hbm4b:s6+s4], $0x2710, $0x38;
	[tilespmem:$0x1E180] =	vst v63  }
0x1f: {  	_ =	swait.ge [sflag:s25], $0x2710  }
0x20: {  	[sflag:s25] =	ssyncset.done $0x0  }
0x21: {  	s15 =	simm.s32 $0x0;
	s16 =	simm.s32 $0x200;
	[sflag:s25] =	ssyncadd.s32 $0xFFFFD8F0  }
.LBB2_2:
0x22: {  	p0 =	sne.s32 s16, $0x9E00;
	[tilespmem:s15+$0x79F0] =	vst v0  }
0x23: {  	[tilespmem:s15+$0x2980] =	vst v0  }
0x24: {  	[tilespmem:s15+$0x2990] =	vst v0  }
0x25: {  	[tilespmem:s15+$0x29A0] =	vst v0  }
0x26: {  	[tilespmem:s15+$0x29B0] =	vst v0  }
0x27: {  	[tilespmem:s15+$0x29C0] =	vst v0  }
0x28: {  	[tilespmem:s15+$0x29D0] =	vst v0  }
0x29: {  	[tilespmem:s15+$0x29E0] =	vst v0  }
0x2a: {  	[tilespmem:s15+$0x29F0] =	vst v0  }
0x2b: {  	[tilespmem:s15+$0x5180] =	vst v0  }
0x2c: {  	[tilespmem:s15+$0x5190] =	vst v0  }
0x2d: {  	[tilespmem:s15+$0x51A0] =	vst v0  }
0x2e: {  	[tilespmem:s15+$0x51B0] =	vst v0  }
0x2f: {  	[tilespmem:s15+$0x51C0] =	vst v0  }
0x30: {  	[tilespmem:s15+$0x51D0] =	vst v0  }
0x31: {  	[tilespmem:s15+$0x51E0] =	vst v0  }
0x32: {  	[tilespmem:s15+$0x51F0] =	vst v0  }
0x33: {  	[tilespmem:s15+$0x7980] =	vst v0  }
0x34: {  	[tilespmem:s15+$0x7990] =	vst v0  }
.Ltmp0:
0x35: {  	[tilespmem:s15+$0x79A0] =	vst v0;
	(pc) =	sbr.rel @p0 .LBB2_2-.Ltmp0, $4  }
0x36: {  	[tilespmem:s15+$0x79B0] =	vst v0  }
0x37: {  	[tilespmem:s15+$0x79C0] =	vst v0  }
0x38: {  	[tilespmem:s15+$0x79D0] =	vst v0  }
0x39: {  	[tilespmem:s15+$0x79E0] =	vst v0;
	s15 =	sshra.s32 s16, $0x2;
	s16 =	sadd.s32 $0x200, s16  }
0x3a: {  	[tilespmem:s15+$0x79F0] =	vst v0  }
0x3b: {  	[tilespmem:s15+$0x2980] =	vst v0  }
0x3c: {  	[tilespmem:s15+$0x2990] =	vst v0  }
0x3d: {  	[tilespmem:s15+$0x29A0] =	vst v0  }
0x3e: {  	[tilespmem:s15+$0x29B0] =	vst v0  }
0x3f: {  	[tilespmem:s15+$0x29C0] =	vst v0  }
0x40: {  	[tilespmem:s15+$0x29D0] =	vst v0  }
0x41: {  	[tilespmem:s15+$0x29E0] =	vst v0  }
0x42: {  	[tilespmem:s15+$0x29F0] =	vst v0  }
0x43: {  	[tilespmem:s15+$0x5180] =	vst v0  }
0x44: {  	[tilespmem:s15+$0x5190] =	vst v0  }
0x45: {  	[tilespmem:s15+$0x51A0] =	vst v0  }
0x46: {  	[tilespmem:s15+$0x51B0] =	vst v0  }
0x47: {  	[tilespmem:s15+$0x51C0] =	vst v0  }
0x48: {  	[tilespmem:s15+$0x51D0] =	vst v0  }
0x49: {  	[tilespmem:s15+$0x51E0] =	vst v0  }
0x4a: {  	[tilespmem:s15+$0x51F0] =	vst v0  }
0x4b: {  	[tilespmem:s15+$0x7980] =	vst v0  }
0x4c: {  	[tilespmem:s15+$0x7990] =	vst v0  }
0x4d: {  	[tilespmem:s15+$0x79A0] =	vst v0  }
0x4e: {  	[tilespmem:s15+$0x79B0] =	vst v0  }
0x4f: {  	[tilespmem:s15+$0x79C0] =	vst v0  }
0x50: {  	[tilespmem:s15+$0x79D0] =	vst v0  }
0x51: {  	[tilespmem:s15+$0x79E0] =	vst v0  }
0x52: {  	[spmem:s13] =	stream.linear.scatter [tilespmem:s26], [sflag:$0x7], $0x2800, $0x38;
	[tilespmem:$0x1E180] =	vst v63  }
0x53: {  	_ =	swait.ge [sflag:s25], $0x2800  }
0x54: {  	[sflag:s25] =	ssyncset.done $0x0  }
0x55: {  	s6 =	rddreg [dreg:$0xc];
	[sflag:s25] =	ssyncadd.s32 $0xFFFFD800  }
0x56: {  	[spmem:s6] =	stream.linear.scatter [tilespmem:s26], [sflag:$0x7], $0x2800, $0x38;
	[tilespmem:$0x1E180] =	vst v63  }
0x57: {  	_ =	swait.ge [sflag:s25], $0x2800  }
0x58: {  	[sflag:s25] =	ssyncset.done $0x0  }
0x59: {  	s21 =	rddreg [dreg:$0xd];
	[sflag:s25] =	ssyncadd.s32 $0xFFFFD800  }
0x5a: {  	[spmem:s21] =	stream.linear.scatter [tilespmem:s26], [sflag:$0x7], $0x2800, $0x38;
	[tilespmem:$0x1E180] =	vst v63  }
0x5b: {  	_ =	swait.ge [sflag:s25], $0x2800  }
0x5c: {  	[sflag:s25] =	ssyncset.done $0x0  }
0x5d: {  	s22 =	rddreg [dreg:$0xe];
	[sflag:s25] =	ssyncadd.s32 $0xFFFFD800  }
0x5e: {  	[spmem:s22] =	stream.linear.scatter [tilespmem:s26], [sflag:$0x7], $0x2800, $0x38;
	[tilespmem:$0x1E180] =	vst v63  }
0x5f: {  	_ =	swait.ge [sflag:s25], $0x2800  }
0x60: {  	[sflag:s25] =	ssyncset.done $0x0  }
0x61: {  	s15 =	rddreg [dreg:$0xf];
	[sflag:s25] =	ssyncadd.s32 $0xFFFFD800  }
0x62: {  	[spmem:s15] =	stream.linear.scatter [tilespmem:s26], [sflag:$0x7], $0x2800, $0x38;
	[tilespmem:$0x1E180] =	vst v63  }
0x63: {  	_ =	swait.ge [sflag:s25], $0x2800  }
0x64: {  	[sflag:s25] =	ssyncset.done $0x0  }
0x65: {  	s16 =	rddreg [dreg:$0x10];
	[sflag:s25] =	ssyncadd.s32 $0xFFFFD800  }
0x66: {  	[spmem:s16] =	stream.linear.scatter [tilespmem:s26], [sflag:$0x7], $0x2800, $0x38;
	[tilespmem:$0x1E180] =	vst v63  }
0x67: {  	_ =	swait.ge [sflag:s25], $0x2800  }
0x68: {  	[sflag:s25] =	ssyncset.done $0x0  }
0x69: {  	s17 =	rddreg [dreg:$0x11];
	[sflag:s25] =	ssyncadd.s32 $0xFFFFD800  }
0x6a: {  	[spmem:s17] =	stream.linear.scatter [tilespmem:s26], [sflag:$0x7], $0x2800, $0x38;
	[tilespmem:$0x1E180] =	vst v63  }
0x6b: {  	_ =	swait.ge [sflag:s25], $0x2800  }
0x6c: {  	[sflag:s25] =	ssyncset.done $0x0  }
0x6d: {  	s18 =	rddreg [dreg:$0x12];
	[sflag:s25] =	ssyncadd.s32 $0xFFFFD800  }
0x6e: {  	[spmem:s18] =	stream.linear.scatter [tilespmem:s26], [sflag:$0x7], $0x2800, $0x38;
	[tilespmem:$0x1E180] =	vst v63  }
0x6f: {  	_ =	swait.ge [sflag:s25], $0x2800  }
0x70: {  	[sflag:s25] =	ssyncset.done $0x0  }
0x71: {  	[sflag:s25] =	ssyncadd.s32 $0xFFFFD800  }
0x72: {  	s20 =	simm.s32 $0x0;
	[bflag:$0x0] =	sbarrier.arrive $0xFFFF  }
0x73: {  	[tilespmem:s26], [sflag:$0x1] =	stream.indirect.gather [hbm4b:s1+s28], $0x80, s20, s28, $0xb8;
	[tilespmem:$0x1E180] =	vst v63  }
0x74: {  	s21 =	rddreg [dreg:$0x4]  }
0x75: {  	[tilespmem:s29], [sflag:$0x4] =	stream.linear.gather [hbm4b:s21+s20], $0x50, $0x38;
	[tilespmem:$0x1E180] =	vst v63  }
0x76: {  	_ = 	snop  }
0x77: {  	[tilespmem:s30], [sflag:$0x2] =	stream.indirect.gather [hbm4b:s1+s28], $0x80, s28, s28, $0xb8;
	[tilespmem:$0x1E180] =	vst v63  }
0x78: {  	s22 =	rddreg [dreg:$0x6]  }
0x79: {  	[tilespmem:s31], [sflag:$0x5] =	stream.linear.gather [hbm4b:s22+s20], $0x50, $0x38;
	[tilespmem:$0x1E180] =	vst v63  }
0x7a: {  	s16 =	simm.s32 $0xA0  }
0x7b: {  	[tilespmem:s0], [sflag:$0x3] =	stream.indirect.gather [hbm4b:s1+s28], $0x80, s16, s28, $0xb8;
	[tilespmem:$0x1E180] =	vst v63  }
0x7c: {  	s17 =	rddreg [dreg:$0x7]  }
0x7d: {  	[tilespmem:s2], [sflag:$0x6] =	stream.linear.gather [hbm4b:s17+s20], $0x50, $0x38;
	[tilespmem:$0x1E180] =	vst v63  }
0x7e: {  	_ =	swait.ge [sflag:s7], $0x2800  }
0x7f: {  	[sflag:s7] =	ssyncset.done $0x0  }
0x80: {  	[sflag:s7] =	ssyncadd.s32 $0xFFFFD800  }
0x81: {  	_ =	swait.ge [sflag:s8], $0x50  }
0x82: {  	[sflag:s8] =	ssyncset.done $0x0  }
0x83: {  	[sflag:s8] =	ssyncadd.s32 $0xFFFFFFB0  }
0x84: {  	[spmem:s3] =	stream.indirect.scatter.add.f32 [tilespmem:s26], [sflag:$0x7], $0x80, s29, s28, $0xb8;
	[tilespmem:$0x1E180] =	vst v63  }
0x85: {  	_ =	swait.ge [sflag:s25], $0x2800  }
0x86: {  	[sflag:s25] =	ssyncset.done $0x0  }
0x87: {  	s18 =	simm.s32 $0xF0;
	s16 =	sshrl.u32 s24, $0x3;
	[sflag:s25] =	ssyncadd.s32 $0xFFFFD800  }
0x88: {  	[tilespmem:s26], [sflag:$0x1] =	stream.indirect.gather [hbm4b:s1+s28], $0x80, s18, s28, $0xb8;
	[tilespmem:$0x1E180] =	vst v63  }
0x89: {  	s20 =	sadd.s32 s5, s16  }
0x8a: {  	[tilespmem:s29], [sflag:$0x4] =	stream.linear.gather [hbm4b:s20+s4], $0x50, $0x38;
	[tilespmem:$0x1E180] =	vst v63  }
0x8b: {  	_ =	swait.ge [sflag:s9], $0x2800  }
0x8c: {  	[sflag:s9] =	ssyncset.done $0x0  }
0x8d: {  	[sflag:s9] =	ssyncadd.s32 $0xFFFFD800  }
0x8e: {  	_ =	swait.ge [sflag:s10], $0x50  }
0x8f: {  	[sflag:s10] =	ssyncset.done $0x0  }
0x90: {  	[sflag:s10] =	ssyncadd.s32 $0xFFFFFFB0  }
0x91: {  	[spmem:s3] =	stream.indirect.scatter.add.f32 [tilespmem:s30], [sflag:$0x7], $0x80, s31, s28, $0xb8;
	[tilespmem:$0x1E180] =	vst v63  }
0x92: {  	_ =	swait.ge [sflag:s25], $0x2800  }
0x93: {  	[sflag:s25] =	ssyncset.done $0x0  }
0x94: {  	s21 =	simm.s32 $0x140;
	[sflag:s25] =	ssyncadd.s32 $0xFFFFD800  }
0x95: {  	[tilespmem:s30], [sflag:$0x2] =	stream.indirect.gather [hbm4b:s1+s28], $0x80, s21, s28, $0xb8;
	[tilespmem:$0x1E180] =	vst v63  }
0x96: {  	_ = 	snop  }
0x97: {  	[tilespmem:s31], [sflag:$0x5] =	stream.linear.gather [hbm4b:s23+s4], $0x50, $0x38;
	[tilespmem:$0x1E180] =	vst v63  }
0x98: {  	_ =	swait.ge [sflag:s11], $0x2800  }
0x99: {  	[sflag:s11] =	ssyncset.done $0x0  }
0x9a: {  	[sflag:s11] =	ssyncadd.s32 $0xFFFFD800  }
0x9b: {  	_ =	swait.ge [sflag:s12], $0x50  }
0x9c: {  	[sflag:s12] =	ssyncset.done $0x0  }
0x9d: {  	[sflag:s12] =	ssyncadd.s32 $0xFFFFFFB0  }
0x9e: {  	[spmem:s3] =	stream.indirect.scatter.add.f32 [tilespmem:s0], [sflag:$0x7], $0x80, s2, s28, $0xb8;
	[tilespmem:$0x1E180] =	vst v63  }
0x9f: {  	_ =	swait.ge [sflag:s25], $0x2800  }
0xa0: {  	s15 =	simm.s32 $0x3C0;
	[sflag:s25] =	ssyncset.done $0x0  }
0xa1: {  	s22 =	simm.s32 $0x190;
	s16 =	sadd.s32 $0x1E, s19;
	[sflag:s25] =	ssyncadd.s32 $0xFFFFD800  }
0xa2: {  	[tilespmem:s0], [sflag:$0x3] =	stream.indirect.gather [hbm4b:s1+s28], $0x80, s22, s28, $0xb8;
	[tilespmem:$0x1E180] =	vst v63  }
0xa3: {  	s17 =	sadd.s32 $0x1E, s23;
	s18 =	sadd.s32 $0xF0, s24;
	s22 =	smov.u32 s19  }
.LBB2_4:
0xa4: {  	[tilespmem:s2], [sflag:$0x6] =	stream.linear.gather [hbm4b:s22+s4], $0x50, $0x38;
	[tilespmem:$0x1E180] =	vst v63  }
0xa5: {  	s20 =	smov.u32 s15;
	s22 =	smov.u32 s16  }
0xa6: {  	p0 =	sne.s32 s15, $0x9240;
	s15 =	sadd.s32 $0x3C0, s15;
	_ =	swait.ge [sflag:s7], $0x2800  }
0xa7: {  	[sflag:s7] =	ssyncset.done $0x0  }
0xa8: {  	[sflag:s7] =	ssyncadd.s32 $0xFFFFD800  }
0xa9: {  	_ =	swait.ge [sflag:s8], $0x50  }
0xaa: {  	[sflag:s8] =	ssyncset.done $0x0  }
0xab: {  	[sflag:s8] =	ssyncadd.s32 $0xFFFFFFB0  }
0xac: {  	[spmem:s3] =	stream.indirect.scatter.add.f32 [tilespmem:s26], [sflag:$0x7], $0x80, s29, s28, $0xb8;
	[tilespmem:$0x1E180] =	vst v63  }
0xad: {  	_ =	swait.ge [sflag:s25], $0x2800  }
0xae: {  	s20 =	sshra.s32 s20, $0x2;
	[sflag:s25] =	ssyncset.done $0x0  }
0xaf: {  	s6 =	sshrl.u32 s18, $0x3;
	s21 =	sadd.s32 $0xF0, s20;
	[sflag:s25] =	ssyncadd.s32 $0xFFFFD800  }
0xb0: {  	[tilespmem:s26], [sflag:$0x1] =	stream.indirect.gather [hbm4b:s1+s28], $0x80, s21, s28, $0xb8;
	[tilespmem:$0x1E180] =	vst v63  }
0xb1: {  	s6 =	sadd.s32 s5, s6  }
0xb2: {  	[tilespmem:s29], [sflag:$0x4] =	stream.linear.gather [hbm4b:s6+s4], $0x50, $0x38;
	[tilespmem:$0x1E180] =	vst v63  }
0xb3: {  	_ =	swait.ge [sflag:s9], $0x2800  }
0xb4: {  	[sflag:s9] =	ssyncset.done $0x0  }
0xb5: {  	[sflag:s9] =	ssyncadd.s32 $0xFFFFD800  }
0xb6: {  	_ =	swait.ge [sflag:s10], $0x50  }
0xb7: {  	[sflag:s10] =	ssyncset.done $0x0  }
0xb8: {  	[sflag:s10] =	ssyncadd.s32 $0xFFFFFFB0  }
0xb9: {  	[spmem:s3] =	stream.indirect.scatter.add.f32 [tilespmem:s30], [sflag:$0x7], $0x80, s31, s28, $0xb8;
	[tilespmem:$0x1E180] =	vst v63  }
0xba: {  	_ =	swait.ge [sflag:s25], $0x2800  }
0xbb: {  	[sflag:s25] =	ssyncset.done $0x0  }
0xbc: {  	s6 =	sadd.s32 $0x140, s20;
	[sflag:s25] =	ssyncadd.s32 $0xFFFFD800  }
0xbd: {  	[tilespmem:s30], [sflag:$0x2] =	stream.indirect.gather [hbm4b:s1+s28], $0x80, s6, s28, $0xb8;
	[tilespmem:$0x1E180] =	vst v63  }
0xbe: {  	_ = 	snop  }
0xbf: {  	[tilespmem:s31], [sflag:$0x5] =	stream.linear.gather [hbm4b:s17+s4], $0x50, $0x38;
	[tilespmem:$0x1E180] =	vst v63  }
0xc0: {  	_ =	swait.ge [sflag:s11], $0x2800  }
0xc1: {  	[sflag:s11] =	ssyncset.done $0x0  }
0xc2: {  	[sflag:s11] =	ssyncadd.s32 $0xFFFFD800  }
0xc3: {  	_ =	swait.ge [sflag:s12], $0x50  }
0xc4: {  	[sflag:s12] =	ssyncset.done $0x0  }
0xc5: {  	[sflag:s12] =	ssyncadd.s32 $0xFFFFFFB0  }
0xc6: {  	[spmem:s3] =	stream.indirect.scatter.add.f32 [tilespmem:s0], [sflag:$0x7], $0x80, s2, s28, $0xb8;
	[tilespmem:$0x1E180] =	vst v63  }
.Ltmp1:
0xc7: {  	_ =	swait.ge [sflag:s25], $0x2800;
	(pc) =	sbr.rel @p0 .LBB2_4-.Ltmp1, $4  }
0xc8: {  	[sflag:s25] =	ssyncset.done $0x0  }
0xc9: {  	s6 =	sadd.s32 $0x190, s20;
	[sflag:s25] =	ssyncadd.s32 $0xFFFFD800  }
0xca: {  	[tilespmem:s0], [sflag:$0x3] =	stream.indirect.gather [hbm4b:s1+s28], $0x80, s6, s28, $0xb8;
	[tilespmem:$0x1E180] =	vst v63  }
0xcb: {  	s16 =	sadd.s32 $0x1E, s16;
	s18 =	sadd.s32 $0xF0, s18;
	s17 =	sadd.s32 $0x1E, s17  }
0xcc: {  	[tilespmem:s2], [sflag:$0x6] =	stream.linear.gather [hbm4b:s22+s4], $0x50, $0x38;
	[tilespmem:$0x1E180] =	vst v63  }
0xcd: {  	_ =	swait.ge [sflag:s7], $0x2800  }
0xce: {  	[sflag:s7] =	ssyncset.done $0x0  }
0xcf: {  	[sflag:s7] =	ssyncadd.s32 $0xFFFFD800  }
0xd0: {  	_ =	swait.ge [sflag:s8], $0x50  }
0xd1: {  	[sflag:s8] =	ssyncset.done $0x0  }
0xd2: {  	[sflag:s8] =	ssyncadd.s32 $0xFFFFFFB0  }
0xd3: {  	[spmem:s3] =	stream.indirect.scatter.add.f32 [tilespmem:s26], [sflag:$0x7], $0x80, s29, s28, $0xb8;
	[tilespmem:$0x1E180] =	vst v63  }
0xd4: {  	_ =	swait.ge [sflag:s25], $0x2800  }
0xd5: {  	[sflag:s25] =	ssyncset.done $0x0  }
0xd6: {  	s6 =	simm.s32 $0x2670;
	[sflag:s25] =	ssyncadd.s32 $0xFFFFD800  }
0xd7: {  	[tilespmem:s26], [sflag:$0x1] =	stream.indirect.gather [hbm4b:s1+s28], $0x80, s6, s28, $0xb8;
	[tilespmem:$0x1E180] =	vst v63  }
0xd8: {  	s17 =	rddreg [dreg:$0x8]  }
0xd9: {  	[tilespmem:s29], [sflag:$0x4] =	stream.linear.gather [hbm4b:s17+s4], $0x50, $0x38;
	[tilespmem:$0x1E180] =	vst v63  }
0xda: {  	_ =	swait.ge [sflag:s9], $0x2800  }
0xdb: {  	[sflag:s9] =	ssyncset.done $0x0  }
0xdc: {  	[sflag:s9] =	ssyncadd.s32 $0xFFFFD800  }
0xdd: {  	_ =	swait.ge [sflag:s10], $0x50  }
0xde: {  	[sflag:s10] =	ssyncset.done $0x0  }
0xdf: {  	[sflag:s10] =	ssyncadd.s32 $0xFFFFFFB0  }
0xe0: {  	[spmem:s3] =	stream.indirect.scatter.add.f32 [tilespmem:s30], [sflag:$0x7], $0x80, s31, s28, $0xb8;
	[tilespmem:$0x1E180] =	vst v63  }
0xe1: {  	_ =	swait.ge [sflag:s25], $0x2800  }
0xe2: {  	[sflag:s25] =	ssyncset.done $0x0  }
0xe3: {  	s18 =	simm.s32 $0x26C0;
	[sflag:s25] =	ssyncadd.s32 $0xFFFFD800  }
0xe4: {  	[tilespmem:s30], [sflag:$0x2] =	stream.indirect.gather [hbm4b:s1+s28], $0x80, s18, s28, $0xb8;
	[tilespmem:$0x1E180] =	vst v63  }
0xe5: {  	s20 =	rddreg [dreg:$0x9]  }
0xe6: {  	[tilespmem:s31], [sflag:$0x5] =	stream.linear.gather [hbm4b:s20+s4], $0x50, $0x38;
	[tilespmem:$0x1E180] =	vst v63  }
0xe7: {  	_ =	swait.ge [sflag:s11], $0x2800  }
0xe8: {  	[sflag:s11] =	ssyncset.done $0x0  }
0xe9: {  	[sflag:s11] =	ssyncadd.s32 $0xFFFFD800  }
0xea: {  	_ =	swait.ge [sflag:s12], $0x50  }
0xeb: {  	[sflag:s12] =	ssyncset.done $0x0  }
0xec: {  	[sflag:s12] =	ssyncadd.s32 $0xFFFFFFB0  }
0xed: {  	[spmem:s3] =	stream.indirect.scatter.add.f32 [tilespmem:s0], [sflag:$0x7], $0x80, s2, s28, $0xb8;
	[tilespmem:$0x1E180] =	vst v63  }
0xee: {  	_ =	swait.ge [sflag:s25], $0x2800  }
0xef: {  	[sflag:s25] =	ssyncset.done $0x0  }
0xf0: {  	[sflag:s25] =	ssyncadd.s32 $0xFFFFD800  }
0xf1: {  	_ =	swait.ge [sflag:s7], $0x2800  }
0xf2: {  	[sflag:s7] =	ssyncset.done $0x0  }
0xf3: {  	[sflag:s7] =	ssyncadd.s32 $0xFFFFD800  }
0xf4: {  	_ =	swait.ge [sflag:s8], $0x50  }
0xf5: {  	[sflag:s8] =	ssyncset.done $0x0  }
0xf6: {  	[sflag:s8] =	ssyncadd.s32 $0xFFFFFFB0  }
0xf7: {  	[spmem:s3] =	stream.indirect.scatter.add.f32 [tilespmem:s26], [sflag:$0x7], $0x80, s29, s28, $0xb8;
	[tilespmem:$0x1E180] =	vst v63  }
0xf8: {  	_ =	swait.ge [sflag:s25], $0x2800  }
0xf9: {  	[sflag:s25] =	ssyncset.done $0x0  }
0xfa: {  	[sflag:s25] =	ssyncadd.s32 $0xFFFFD800  }
0xfb: {  	_ =	swait.ge [sflag:s9], $0x2800  }
0xfc: {  	[sflag:s9] =	ssyncset.done $0x0  }
0xfd: {  	[sflag:s9] =	ssyncadd.s32 $0xFFFFD800  }
0xfe: {  	_ =	swait.ge [sflag:s10], $0x50  }
0xff: {  	[sflag:s10] =	ssyncset.done $0x0  }
0x100: {  	[sflag:s10] =	ssyncadd.s32 $0xFFFFFFB0  }
0x101: {  	[spmem:s3] =	stream.indirect.scatter.add.f32 [tilespmem:s30], [sflag:$0x7], $0x80, s31, s28, $0xb8;
	[tilespmem:$0x1E180] =	vst v63  }
0x102: {  	_ =	swait.ge [sflag:s25], $0x2800  }
0x103: {  	[sflag:s25] =	ssyncset.done $0x0  }
0x104: {  	s21 =	stileid.u32;
	[sflag:s25] =	ssyncadd.s32 $0xFFFFD800  }
0x105: {  	s6 =	sshll.u32 s21, $0x6;
	[bflag:$0x0] =	sbarrier.arrive $0xFFFF  }
0x106: {  	s15 =	sshrl.u32 s13, $0x3;
	s6 =	sor.u32 $0x1C07, s6;
	s16 =	rddreg [dreg:$0xa]  }
0x107: {  	[hbm:s16], [sflag:s6] =	dma.local [spmem:s15], $0x2800  }
0x108: {  	_ =	swait.ge [sflag:s25], $0x2800  }
0x109: {  	s14 =	sadd.s32 $0x1, s14;
	s22 =	rddreg [dreg:$0xb]  }
0x10a: {  	p0 =	sne.s32 s14, s22  }
.Ltmp2:
0x10b: {  	_ = 	snop;
	(pc) =	sbr.rel @p0 .LBB2_1-.Ltmp2, $3  }
0x10c: {  	_ =	sdelay $0x1  }
0x10d: {  	[sflag:s25] =	ssyncset.done $0x0  }
0x10e: {  	[sflag:s25] =	ssyncadd.s32 $0xFFFFD800  }
0x10f: {  	_ =	sfence.sel $0x180000  }
0x110: {  	[bflag:$0x0] =	sbarrier.arrive $0xFFFF  }
0x111: {  	_ =	strace $0x9000004D  }
0x112: {  	s0 =	stileid.u32;
	[bflag:$0x2] =	sbarrier.arrive $0xFFFF  }
0x113: {  	p0 =	sne.s32 s0, $0x0;
	s0 =	rddreg [dreg:$0x3]  }
0x114: {  	s0 =	sadd.s32 @!p0 $0x100000, s0  }
0x115: {  	[sflag:s0] =	ssyncadd.tile.s32 @!p0 $0x1;
	_ =	shalt  }
.Lfunc_end2:
_tile_overlayer_lowered:
.L_overlay_start_2:
0x116: {  	(tag) =	ssettag $0x2  }
0x117: {  	s0 =	rddreg [dreg:$0x0];
	s2 =	stileid.u32  }
0x118: {  	s1 =	rddreg [dreg:$0x1];
	p0 =	sne.s32 s2, $0x0  }
0x119: {  	s3 =	rddreg [dreg:$0x2];
	[bflag:$0x3] =	sbarrier.arrive $0xFFFF;
	s2 =	simm.s32 @!p0 $0x1C07  }
0x11a: {  	[timem:s3], [sflag:s2] =	dma.local @!p0 [hbm:s0], s1  }
0x11b: {  	s0 =	simm.s32 @!p0 $0x7  }
0x11c: {  	_ =	swait.ge @!p0 [sflag:s0], s1  }
0x11d: {  	s1 =	ssub.s32 @!p0 $0x0, s1;
	[sflag:s0] =	ssyncset.done @!p0 $0x0  }
0x11e: {  	[sflag:s0] =	ssyncadd.s32 @!p0 s1  }
0x11f: {  	[bflag:$0x3] =	sbarrier.arrive $0xFFFF  }
0x120: {  	_ =	shalt  }

// kernel: kernel.8.cloned.1.call-start
scs
__scs_entry_jumppad:
0x0: {  	(pc) =	sbr.rel $0x88, $3  }
0x1: {  	(tag) =	ssettag $0x0;
	lr =	simm.s32 $0x1  }
0x2: {  	[smem:$0x3F9C] =	sst lr;
	_ =	strace $0xD0000000  }
0x3: {  	_ = 	snop  }
0x4: {  	_ = 	snop  }
0x5: {  	_ = 	snop  }
0x6: {  	_ = 	snop  }
0x7: {  	_ = 	snop  }
__scs_overlays_trampoline_lowered:
0x8: {  	[smem:$0x3FAB] =	sst s0  }
0x9: {  	[smem:$0x3FAC] =	sst s1  }
0xa: {  	[smem:$0x3FAD] =	sst s2  }
0xb: {  	[smem:$0x3FAE] =	sst s3  }
0xc: {  	[smem:$0x3FAF] =	sst s4  }
0xd: {  	[smem:$0x3FB0] =	sst s5  }
0xe: {  	[smem:$0x3FB1] =	sst s6  }
0xf: {  	[smem:$0x3FB2] =	sst s7  }
0x10: {  	[smem:$0x3FB3] =	sst s8  }
0x11: {  	[smem:$0x3FB4] =	sst s9;
	s0 =	simm.s32 @!p0 $0x0  }
0x12: {  	s1 =	sld [smem:$0x3F9A];
	s0 =	simm.s32 @p0 $0x1  }
0x13: {  	[smem:$0x3FB5] =	sst s0;
	s0 =	simm.s32 @!p1 $0x0  }
0x14: {  	s2 =	sld [smem:$0x3F99];
	s0 =	simm.s32 @p1 $0x1  }
0x15: {  	[smem:$0x3FB6] =	sst s0;
	s0 =	simm.s32 @!p2 $0x0  }
0x16: {  	s3 =	sld [smem:$0x3FDB];
	s0 =	simm.s32 @p2 $0x1  }
0x17: {  	s4 =	simm.s32 $0x1BF5;
	[smem:$0x3FB8] =	sst s0  }
0x18: {  	s0 =	sld [smem:$0x3F9B];
	_ =	swait.ge [sflag:s4], $0x0  }
0x19: {  	s7 =	sld [smem:$0x3F9C]  }
0x1a: {  	s8 =	sadd.s32 $0xFFFFE003, lr  }
0x1b: {  	s9 =	sadd.s32 $0xFFFFFEF7, lr;
	s5 =	simm.s32 $0xFFFFFFFF;
	p2 =	slt.u32 s8, $0xFFFFF086  }
0x1c: {  	p1 =	slt.u32 s9, $0xF7A;
	s5 =	simm.s32 @!p2 $0x0  }
0x1d: {  	s5 =	simm.s32 @p1 $0x1;
	p0 =	seq.s32 s7, s2  }
0x1e: {  	s7 =	smul.u32 @!p0 $0xF7A, s2;
	p2 =	seq.s32 @!p0 s5, $0x0  }
0x1f: {  	s9 =	smul.u32 $0xF7A, s1;
	s8 =	simm.s32 @!p0 $0x1BF5;
	p2 =	por !p2, p0  }
0x20: {  	[sflag:s8] =	ssyncset.s32 @!p0 $0xFFFFF086;
	s6 =	sadd.s32 @!p0 s3, s7;
	s7 =	simm.s32 @!p0 $0x108  }
0x21: {  	s3 =	sadd.s32 s3, s9;
	s6 =	sadd.s32 @!p0 $0x88, s6;
	s7 =	simm.s32 @p2 $0x1082  }
0x22: {  	[simem:s7], [sflag:s8] =	dma.local @!p0 [hbm:s6], $0xF7A  }
0x23: {  	s9 =	sor.u32 $0xD0000000, s2;
	s6 =	simm.s32 $0x108;
	_ =	swait.ge @!p0 [sflag:s8], $0x0  }
0x24: {  	s3 =	sadd.s32 $0x88, s3;
	s6 =	simm.s32 @!p1 $0x1082;
	[sflag:s4] =	ssyncset.s32 $0xFFFFF086  }
0x25: {  	[simem:s6], [sflag:s4] =	dma.local [hbm:s3], $0xF7A  }
0x26: {  	[smem:$0x3F9C] =	sst s1;
	(tag) =	ssettag s2;
	_ =	strace s9  }
0x27: {  	s1 =	sld [smem:$0x3FAC]  }
0x28: {  	s2 =	sld [smem:$0x3FAD]  }
0x29: {  	s4 =	sld [smem:$0x3FAF]  }
0x2a: {  	p0 =	seq.s32 s5, $0x0;
	s5 =	sld [smem:$0x3FB0]  }
0x2b: {  	s6 =	sld [smem:$0x3FB1]  }
0x2c: {  	s7 =	sld [smem:$0x3FB2]  }
0x2d: {  	s3 =	simm.s32 $0x108;
	s8 =	sld [smem:$0x3FB3]  }
0x2e: {  	s3 =	simm.s32 @!p0 $0x1082;
	s9 =	sld [smem:$0x3FB4]  }
0x2f: {  	lr =	sadd.s32 s0, s3;
	s0 =	sld [smem:$0x3FAB]  }
0x30: {  	s3 =	sld [smem:$0x3FAE]  }
0x31: {  	[smem:$0x3FB7] =	sst s10  }
0x32: {  	s10 =	sld [smem:$0x3FB5];
	_ =	sdelay $0x3  }
0x33: {  	p0 =	seq.s32 s10, $0x1;
	s10 =	sld [smem:$0x3FB7];
	_ =	sdelay $0x3  }
0x34: {  	[smem:$0x3FB7] =	sst s10  }
0x35: {  	s10 =	sld [smem:$0x3FB6];
	_ =	sdelay $0x3  }
0x36: {  	p1 =	seq.s32 s10, $0x1;
	s10 =	sld [smem:$0x3FB7];
	_ =	sdelay $0x3  }
0x37: {  	[smem:$0x3FB7] =	sst s10  }
0x38: {  	s10 =	sld [smem:$0x3FB8]  }
0x39: {  	_ = 	snop;
	(pc) =	sbr.ind lr, $3  }
0x3a: {  	_ = 	snop  }
0x3b: {  	_ = 	snop  }
0x3c: {  	p2 =	seq.s32 s10, $0x1;
	s10 =	sld [smem:$0x3FB7]  }
0x3d: {  	_ =	shalt  }
0x3e: {  	_ =	shalt  }
0x3f: {  	_ =	shalt  }
0x40: {  	_ =	shalt  }
0x41: {  	_ =	shalt  }
0x42: {  	_ =	shalt  }
0x43: {  	_ =	shalt  }
0x44: {  	_ =	shalt  }
0x45: {  	_ =	shalt  }
0x46: {  	_ =	shalt  }
0x47: {  	_ =	shalt  }
0x48: {  	_ =	shalt  }
0x49: {  	_ =	shalt  }
0x4a: {  	_ =	shalt  }
0x4b: {  	_ =	shalt  }
0x4c: {  	_ =	shalt  }
0x4d: {  	_ =	shalt  }
0x4e: {  	_ =	shalt  }
0x4f: {  	_ =	shalt  }
0x50: {  	_ =	shalt  }
0x51: {  	_ =	shalt  }
0x52: {  	_ =	shalt  }
0x53: {  	_ =	shalt  }
0x54: {  	_ =	shalt  }
0x55: {  	_ =	shalt  }
0x56: {  	_ =	shalt  }
0x57: {  	_ =	shalt  }
0x58: {  	_ =	shalt  }
0x59: {  	_ =	shalt  }
0x5a: {  	_ =	shalt  }
0x5b: {  	_ =	shalt  }
0x5c: {  	_ =	shalt  }
0x5d: {  	_ =	shalt  }
0x5e: {  	_ =	shalt  }
0x5f: {  	_ =	shalt  }
0x60: {  	_ =	shalt  }
0x61: {  	_ =	shalt  }
0x62: {  	_ =	shalt  }
0x63: {  	_ =	shalt  }
0x64: {  	_ =	shalt  }
0x65: {  	_ =	shalt  }
0x66: {  	_ =	shalt  }
0x67: {  	_ =	shalt  }
0x68: {  	_ =	shalt  }
0x69: {  	_ =	shalt  }
0x6a: {  	_ =	shalt  }
0x6b: {  	_ =	shalt  }
0x6c: {  	_ =	shalt  }
0x6d: {  	_ =	shalt  }
0x6e: {  	_ =	shalt  }
0x6f: {  	_ =	shalt  }
0x70: {  	_ =	shalt  }
0x71: {  	_ =	shalt  }
0x72: {  	_ =	shalt  }
0x73: {  	_ =	shalt  }
0x74: {  	_ =	shalt  }
0x75: {  	_ =	shalt  }
0x76: {  	_ =	shalt  }
0x77: {  	_ =	shalt  }
0x78: {  	_ =	shalt  }
0x79: {  	_ =	shalt  }
0x7a: {  	_ =	shalt  }
0x7b: {  	_ =	shalt  }
0x7c: {  	_ =	shalt  }
0x7d: {  	_ =	shalt  }
0x7e: {  	_ =	shalt  }
0x7f: {  	_ =	shalt  }
0x80: {  	_ =	shalt  }
0x81: {  	_ =	shalt  }
0x82: {  	_ =	shalt  }
0x83: {  	_ =	shalt  }
0x84: {  	_ =	shalt  }
0x85: {  	_ =	shalt  }
0x86: {  	_ =	shalt  }
0x87: {  	_ =	shalt  }
.Lfunc_end0:
.L_simem_size_0:
called_computation_lowered:
.L_overlay_start_0:
0x88: {  	s2 =	sld [smem:$0x3FD9]  }
0x89: {  	s3 =	sld [smem:$0x3FFE];
	_ =	sdelay $0x1  }
0x8a: {  	s1 =	srdreg.scid  }
0x8b: {  	s0 =	sand.u32 $0x1, s1  }
0x8c: {  	s17 =	sshll.u32 s0, $0xA;
	s2 =	sadd.s32 s3, s2  }
0x8d: {  	s2 =	sadd.s32 s2, s17  }
0x8e: {  	[smem:$0x3FC3] =	sst s2  }
0x8f: {  	_ = 	snop  }
0x90: {  	s2 =	sld [smem:$0x3FD0];
	(tm) =	ssettm $0x1  }
0x91: {  	s18 =	sld [smem:$0x3FFB];
	_ =	sdelay $0x3  }
0x92: {  	_ =	strace s18  }
0x93: {  	s3 =	sld [smem:$0x3FFC];
	_ =	sdelay $0x3  }
0x94: {  	_ =	strace s3  }
0x95: {  	s3 =	sld [smem:$0x3FFD];
	_ =	sdelay $0x3  }
0x96: {  	_ =	strace s3  }
0x97: {  	_ =	strace $0x8FFFFFFF  }
0x98: {  	s19 =	sld [smem:$0x3FDB];
	_ =	sdelay $0x1  }
0x99: {  	s4 =	simm.s32 $_scs_section_size  }
0x9a: {  	s5 =	simm.s32 $_size__tile_overlayer_lowered;
	s6 =	simm.s32 $_tile_overlayer_lowered  }
0x9b: {  	s22 =	simm.s32 $0x1BFF;
	s21 =	sshll.u32 s6, $0x1;
	s3 =	sadd.s32 s4, s19  }
0x9c: {  	s7 =	simm.s32 $0x0;
	s20 =	sshll.u32 s5, $0x1;
	s5 =	sadd.s32 s21, s3  }
0x9d: {  	[timem:s7], [sflag:s22] =	dma.local [hbm:s5], s20  }
0x9e: {  	_ =	swait.ge [sflag:s22], s20  }
0x9f: {  	s4 =	ssub.s32 $0x0, s20;
	[sflag:s22] =	ssyncset.done $0x0  }
0xa0: {  	[sflag:s22] =	ssyncadd.s32 s4;
	_ =	sdelay $0x1  }
0xa1: {  	s23 =	simm.s32 $0x1B8B  }
0xa2: {  	_ =	swait.ge [sflag:s23], $0x1  }
0xa3: {  	[sflag:s23] =	ssyncset.done $0x0  }
0xa4: {  	s25 =	simm.s32 $0x1B8E;
	s24 =	sld [smem:$0x3FFE];
	[sflag:s23] =	ssyncadd.s32 $0xFFFFFFFF  }
0xa5: {  	s26 =	simm.s32 $execute0_lowered;
	[smem:$0x3FD2] =	sst s25  }
0xa6: {  	s5 =	sshll.u32 s26, $0x1;
	_ =	strace $0x80000046;
	[dreg:$0x1] =	wrdreg $0xFFFFFFFF  }
0xa7: {  	s28 =	simm.s32 $_size_execute0_lowered;
	s3 =	sadd.s32 s3, s5;
	[dreg:$0x0] =	wrdreg $0x0  }
0xa8: {  	s5 =	sshll.u32 s28, $0x1;
	[dreg:$0x2] =	wrdreg s3  }
0xa9: {  	[dreg:$0x3] =	wrdreg s5  }
0xaa: {  	[dreg:$0x4] =	wrdreg $0xC0  }
0xab: {  	_ =	task [dreg:s7], $0x5FFFF  }
0xac: {  	[dreg:$0x1] =	wrdreg $0xFFFFFFFF  }
0xad: {  	[dreg:$0x0] =	wrdreg $0x60  }
0xae: {  	[dreg:$0x2] =	wrdreg s24  }
0xaf: {  	[dreg:$0x3] =	wrdreg s2  }
0xb0: {  	[dreg:$0x4] =	wrdreg $0x7000  }
0xb1: {  	[dreg:$0x5] =	wrdreg $0x9  }
0xb2: {  	_ =	task.clear_ibuf [dreg:s7], $0x6FFFF;
	_ =	strace $0x90000046  }
0xb3: {  	s29 =	simm.s32 $0x9;
	_ =	strace $0x80000048  }
0xb4: {  	_ =	swait.ge [sflag:s29], $0x1  }
0xb5: {  	[sflag:s29] =	ssyncadd.s32 $0xFFFFFFFF  }
0xb6: {  	_ =	strace $0x90000048  }
0xb7: {  	_ =	sfence  }
0xb8: {  	s30 =	sld [smem:$0x0];
	_ =	sdelay $0x2  }
0xb9: {  	s31 =	sshll.u32 s1, $0xD;
	s1 =	sshrl.u32 s1, $0x2  }
0xba: {  	s3 =	sand.u32 $0x4000, s31;
	s1 =	sadd.s32 s1, s30  }
0xbb: {  	s0 =	sor.u32 s3, s0;
	s1 =	sshll.u32 s1, $0x11  }
0xbc: {  	s0 =	sor.u32 s1, s0  }
0xbd: {  	s0 =	sadd.s32 $0x8F2B, s0  }
0xbe: {  	[sflag:s0] =	ssyncadd.remote.s32 $0x1  }
0xbf: {  	_ =	sfence.sel $0xFFFF  }
0xc0: {  	[dreg:$0x0] =	wrdreg $0xFFFFFFFF;
	(pc) =	sbr.abs _section_cstart, $3  }
0xc1: {  	[dreg:$0x1] =	wrdreg $0xFFFFFFFF  }
0xc2: {  	_ =	task.clear_ibuf [dreg:s7], $0x2FFFF;
	_ =	strace $0x9FFFFFFF  }
0xc3: {  	(tm) =	ssettm $0x7FFFFFFF  }
tec
execute0_lowered:
.L_overlay_start_1:
0x0: {  	(tag) =	ssettag $0x1  }
0x1: {  	s0 =	rddreg [dreg:$0x0]  }
0x2: {  	s1 =	rddreg [dreg:$0x1]  }
0x3: {  	s3 =	srdreg.scid;
	s10 =	stileid.u32  }
0x4: {  	s2 =	rddreg [dreg:$0x2];
	s28 =	simm.s32 $0x2;
	s29 =	simm.s32 $0x7  }
0x5: {  	s30 =	simm.s32 $0x3;
	s31 =	simm.s32 $0x8;
	s9 =	smul.u32 $0xA00, s10  }
0x6: {  	s7 =	sand.u32 $0x1, s3;
	s4 =	sshll.u32 s10, $0x1;
	s14 =	smul.u32 $0x4E20, s10  }
0x7: {  	s3 =	simm.s32 $0x0;
	s10 =	smul.u32 $0x500, s10;
	s4 =	sor.u32 s7, s4  }
0x8: {  	[smem:$0x7FF] =	sst s3;
	s5 =	ssub.s32 $0x2, s7;
	s16 =	smul.u32 $0x2710, s7  }
0x9: {  	s7 =	sshll.u32 s7, $0x7;
	s6 =	smul.u32 $0x2710, s4;
	_ =	strace $0x80000047  }
0xa: {  	s8 =	sshrl.u32 s5, $0x1;
	s4 =	sadd.s32 $0xB800, s0;
	s15 =	sshrl.u32 s9, $0x2  }
0xb: {  	s7 =	sor.u32 s7, s10;
	s13 =	ssub.s32 s5, s8;
	s5 =	sadd.s32 s15, s2  }
0xc: {  	s8 =	sadd.s32 s16, s14;
	s7 =	sshrl.u32 s7, $0x3;
	s6 =	sshrl.u32 s6, $0x3  }
0xd: {  	s18 =	sadd.s32 $0x2D0, s8;
	s1 =	sadd.s32 s1, s7;
	s0 =	smax.u32 s13, $0x1  }
0xe: {  	s22 =	sadd.s32 $0x280, s8;
	s23 =	sadd.s32 $0x230, s8;
	s24 =	sadd.s32 $0x1E0, s8  }
0xf: {  	s16 =	sadd.s32 $0x190, s8;
	s7 =	simm.s32 $0xA;
	s8 =	simm.s32 $0x0  }
0x10: {  	s6 =	sadd.s32 s4, s6;
	s9 =	sshrl.u32 s18, $0x3;
	[dreg:$0x9] =	wrdreg s1  }
0x11: {  	[dreg:$0xa] =	wrdreg s0;
	s0 =	sshrl.u32 s22, $0x3;
	s25 =	sshrl.u32 s23, $0x3  }
0x12: {  	s26 =	sshrl.u32 s24, $0x3;
	s18 =	simm.s32 $0xB;
	s22 =	simm.s32 $0x200  }
0x13: {  	s23 =	simm.s32 $0x1;
	s24 =	simm.s32 $0x50;
	s1 =	simm.s32 $0x4  }
0x14: {  	s11 =	sadd.s32 $0xA, s6;
	s17 =	sadd.s32 $0x14, s6;
	[dreg:$0xb] =	wrdreg s6  }
0x15: {  	s19 =	sadd.s32 $0x1E, s6;
	s20 =	sadd.s32 $0x28, s6;
	[dreg:$0x5] =	wrdreg s11  }
0x16: {  	s21 =	sadd.s32 s9, s4;
	s13 =	sadd.s32 s0, s4;
	[dreg:$0x6] =	wrdreg s17  }
0x17: {  	s14 =	sadd.s32 s25, s4;
	s15 =	sadd.s32 s26, s4;
	[dreg:$0x7] =	wrdreg s19  }
0x18: {  	s25 =	simm.s32 $0x400;
	s26 =	simm.s32 $0x6;
	[dreg:$0x8] =	wrdreg s20  }
0x19: {  	s0 =	simm.s32 $0x9;
	[dreg:$0x4] =	wrdreg s21;
	s19 =	simm.s32 $0x80  }
0x1a: {  	v0 =	vimm.f32 $1.000000000e+00;
	v1 =	vimm.f32 $0.0e+00;
	s20 =	simm.s32 $0x100;
	s21 =	simm.s32 $0x180;
	s17 =	simm.s32 $0x5  }
.LBB2_1:
0x1b: {  	[tilespmem:$0x400] =	vst v0  }
0x1c: {  	[tilespmem:$0x410] =	vst v0  }
0x1d: {  	[tilespmem:$0x420] =	vst v0  }
0x1e: {  	[tilespmem:$0x430] =	vst v0  }
0x1f: {  	[tilespmem:$0x440] =	vst v0  }
0x20: {  	[tilespmem:$0x480] =	vst v1  }
0x21: {  	[tilespmem:$0x490] =	vst v1  }
0x22: {  	[tilespmem:$0x4A0] =	vst v1  }
0x23: {  	[tilespmem:$0x4B0] =	vst v1  }
0x24: {  	[tilespmem:$0x4C0] =	vst v1  }
0x25: {  	[tilespmem:$0x4D0] =	vst v1  }
0x26: {  	[tilespmem:$0x4E0] =	vst v1  }
0x27: {  	[tilespmem:$0x4F0] =	vst v1  }
0x28: {  	[tilespmem:$0x500] =	vst v1  }
0x29: {  	[tilespmem:$0x510] =	vst v1  }
0x2a: {  	[tilespmem:$0x520] =	vst v1  }
0x2b: {  	[tilespmem:$0x530] =	vst v1  }
0x2c: {  	[tilespmem:$0x540] =	vst v1  }
0x2d: {  	[tilespmem:$0x550] =	vst v1  }
0x2e: {  	[tilespmem:$0x560] =	vst v1  }
0x2f: {  	[tilespmem:$0x570] =	vst v1  }
0x30: {  	[tilespmem:$0x580] =	vst v1  }
0x31: {  	[tilespmem:$0x590] =	vst v1  }
0x32: {  	[tilespmem:$0x5A0] =	vst v1  }
0x33: {  	[tilespmem:$0x5B0] =	vst v1  }
0x34: {  	[tilespmem:$0x5C0] =	vst v1  }
0x35: {  	[tilespmem:$0x5D0] =	vst v1  }
0x36: {  	[tilespmem:$0x5E0] =	vst v1  }
0x37: {  	[tilespmem:$0x5F0] =	vst v1  }
0x38: {  	[tilespmem:$0x600] =	vst v1  }
0x39: {  	[tilespmem:$0x610] =	vst v1  }
0x3a: {  	[tilespmem:$0x620] =	vst v1  }
0x3b: {  	[tilespmem:$0x630] =	vst v1  }
0x3c: {  	[tilespmem:$0x640] =	vst v1  }
0x3d: {  	[tilespmem:$0x650] =	vst v1  }
0x3e: {  	[tilespmem:$0x660] =	vst v1  }
0x3f: {  	[tilespmem:$0x670] =	vst v1  }
0x40: {  	[tilespmem:$0x680] =	vst v1  }
0x41: {  	[tilespmem:$0x690] =	vst v1  }
0x42: {  	[tilespmem:$0x6A0] =	vst v1  }
0x43: {  	[tilespmem:$0x6B0] =	vst v1  }
0x44: {  	[tilespmem:$0x6C0] =	vst v1  }
0x45: {  	[tilespmem:$0x6D0] =	vst v1  }
0x46: {  	[tilespmem:$0x6E0] =	vst v1  }
0x47: {  	[tilespmem:$0x6F0] =	vst v1;
	s9 =	simm.s32 $0x480  }
0x48: {  	[spmem:s5] =	stream.linear.scatter [tilespmem:s9], [sflag:$0xB], $0x280, $0x38;
	[tilespmem:$0x980] =	vst v63  }
0x49: {  	_ =	swait.ge [sflag:s18], $0x280  }
0x4a: {  	[sflag:s18] =	ssyncset.done $0x0  }
0x4b: {  	[sflag:s18] =	ssyncadd.s32 $0xFFFFFD80  }
0x4c: {  	[bflag:$0x0] =	sbarrier.arrive $0xFFFF  }
0x4d: {  	s6 =	rddreg [dreg:$0xb]  }
0x4e: {  	[tilespmem:s3], [sflag:$0x1] =	stream.linear.gather [hbm4b:s6+s3], $0x50, $0x38;
	[tilespmem:$0x980] =	vst v63  }
0x4f: {  	s6 =	rddreg [dreg:$0x5]  }
0x50: {  	[tilespmem:s19], [sflag:$0x2] =	stream.linear.gather [hbm4b:s6+s3], $0x50, $0x38;
	[tilespmem:$0x980] =	vst v63  }
0x51: {  	s10 =	rddreg [dreg:$0x6]  }
0x52: {  	[tilespmem:s20], [sflag:$0x3] =	stream.linear.gather [hbm4b:s10+s3], $0x50, $0x38;
	[tilespmem:$0x980] =	vst v63  }
0x53: {  	s11 =	rddreg [dreg:$0x7]  }
0x54: {  	[tilespmem:s21], [sflag:$0x4] =	stream.linear.gather [hbm4b:s11+s3], $0x50, $0x38;
	[tilespmem:$0x980] =	vst v63  }
0x55: {  	s12 =	rddreg [dreg:$0x8]  }
0x56: {  	[tilespmem:s22], [sflag:$0x5] =	stream.linear.gather [hbm4b:s12+s3], $0x50, $0x38;
	[tilespmem:$0x980] =	vst v63  }
0x57: {  	_ =	swait.ge [sflag:s23], $0x50  }
0x58: {  	[sflag:s23] =	ssyncset.done $0x0  }
0x59: {  	[sflag:s23] =	ssyncadd.s32 $0xFFFFFFB0  }
0x5a: {  	[spmem:s2] =	stream.indirect.scatter.add.f32 [tilespmem:s25], [sflag:$0x6], $0x1, s3, s24, $0xb8;
	[tilespmem:$0x980] =	vst v63  }
0x5b: {  	_ =	swait.ge [sflag:s26], $0x50  }
0x5c: {  	s6 =	sshrl.u32 s16, $0x3;
	[sflag:s26] =	ssyncset.done $0x0  }
0x5d: {  	s9 =	sadd.s32 s4, s6;
	[sflag:s26] =	ssyncadd.s32 $0xFFFFFFB0  }
0x5e: {  	[tilespmem:s3], [sflag:$0x1] =	stream.linear.gather [hbm4b:s9+s3], $0x50, $0x38;
	[tilespmem:$0x980] =	vst v63  }
0x5f: {  	_ =	swait.ge [sflag:s28], $0x50  }
0x60: {  	[sflag:s28] =	ssyncset.done $0x0  }
0x61: {  	[sflag:s28] =	ssyncadd.s32 $0xFFFFFFB0  }
0x62: {  	[spmem:s2] =	stream.indirect.scatter.add.f32 [tilespmem:s25], [sflag:$0x7], $0x1, s19, s24, $0xb8;
	[tilespmem:$0x980] =	vst v63  }
0x63: {  	_ =	swait.ge [sflag:s29], $0x50  }
0x64: {  	[sflag:s29] =	ssyncset.done $0x0  }
0x65: {  	s10 =	sadd.s32 $0x0, s15;
	[sflag:s29] =	ssyncadd.s32 $0xFFFFFFB0  }
0x66: {  	[tilespmem:s19], [sflag:$0x2] =	stream.linear.gather [hbm4b:s10+s3], $0x50, $0x38;
	[tilespmem:$0x980] =	vst v63  }
0x67: {  	_ =	swait.ge [sflag:s30], $0x50  }
0x68: {  	[sflag:s30] =	ssyncset.done $0x0  }
0x69: {  	[sflag:s30] =	ssyncadd.s32 $0xFFFFFFB0  }
0x6a: {  	[spmem:s2] =	stream.indirect.scatter.add.f32 [tilespmem:s25], [sflag:$0x8], $0x1, s20, s24, $0xb8;
	[tilespmem:$0x980] =	vst v63  }
0x6b: {  	_ =	swait.ge [sflag:s31], $0x50  }
0x6c: {  	[sflag:s31] =	ssyncset.done $0x0  }
0x6d: {  	s11 =	sadd.s32 $0x0, s14;
	[sflag:s31] =	ssyncadd.s32 $0xFFFFFFB0  }
0x6e: {  	[tilespmem:s20], [sflag:$0x3] =	stream.linear.gather [hbm4b:s11+s3], $0x50, $0x38;
	[tilespmem:$0x980] =	vst v63  }
0x6f: {  	_ =	swait.ge [sflag:s1], $0x50  }
0x70: {  	[sflag:s1] =	ssyncset.done $0x0  }
0x71: {  	[sflag:s1] =	ssyncadd.s32 $0xFFFFFFB0  }
0x72: {  	[spmem:s2] =	stream.indirect.scatter.add.f32 [tilespmem:s25], [sflag:$0x9], $0x1, s21, s24, $0xb8;
	[tilespmem:$0x980] =	vst v63  }
0x73: {  	_ =	swait.ge [sflag:s0], $0x50  }
0x74: {  	[sflag:s0] =	ssyncset.done $0x0  }
0x75: {  	s12 =	sadd.s32 $0x0, s13;
	[sflag:s0] =	ssyncadd.s32 $0xFFFFFFB0  }
0x76: {  	[tilespmem:s21], [sflag:$0x4] =	stream.linear.gather [hbm4b:s12+s3], $0x50, $0x38;
	[tilespmem:$0x980] =	vst v63  }
0x77: {  	_ =	swait.ge [sflag:s17], $0x50  }
0x78: {  	[sflag:s17] =	ssyncset.done $0x0  }
0x79: {  	[sflag:s17] =	ssyncadd.s32 $0xFFFFFFB0  }
0x7a: {  	[spmem:s2] =	stream.indirect.scatter.add.f32 [tilespmem:s25], [sflag:$0xA], $0x1, s22, s24, $0xb8;
	[tilespmem:$0x980] =	vst v63  }
0x7b: {  	_ =	swait.ge [sflag:s7], $0x50  }
0x7c: {  	s9 =	simm.s32 $0x32;
	s10 =	rddreg [dreg:$0x4];
	[sflag:s7] =	ssyncset.done $0x0  }
0x7d: {  	[sflag:s7] =	ssyncadd.s32 $0xFFFFFFB0;
	s11 =	sadd.s32 $0x0, s10;
	s10 =	sadd.s32 $0x190, s16  }
.LBB2_2:
0x7e: {  	[tilespmem:s22], [sflag:$0x5] =	stream.linear.gather [hbm4b:s11+s3], $0x50, $0x38;
	[tilespmem:$0x980] =	vst v63  }
0x7f: {  	_ =	swait.ge [sflag:s23], $0x50  }
0x80: {  	[sflag:s23] =	ssyncset.done $0x0  }
0x81: {  	[sflag:s23] =	ssyncadd.s32 $0xFFFFFFB0  }
0x82: {  	[spmem:s2] =	stream.indirect.scatter.add.f32 [tilespmem:s25], [sflag:$0x6], $0x1, s3, s24, $0xb8;
	[tilespmem:$0x980] =	vst v63  }
0x83: {  	_ =	swait.ge [sflag:s26], $0x50  }
0x84: {  	s12 =	sshrl.u32 s10, $0x3;
	[sflag:s26] =	ssyncset.done $0x0  }
0x85: {  	s12 =	sadd.s32 s4, s12;
	[sflag:s26] =	ssyncadd.s32 $0xFFFFFFB0  }
0x86: {  	[tilespmem:s3], [sflag:$0x1] =	stream.linear.gather [hbm4b:s12+s3], $0x50, $0x38;
	[tilespmem:$0x980] =	vst v63  }
0x87: {  	_ =	swait.ge [sflag:s28], $0x50  }
0x88: {  	[sflag:s28] =	ssyncset.done $0x0  }
0x89: {  	[sflag:s28] =	ssyncadd.s32 $0xFFFFFFB0  }
0x8a: {  	[spmem:s2] =	stream.indirect.scatter.add.f32 [tilespmem:s25], [sflag:$0x7], $0x1, s19, s24, $0xb8;
	[tilespmem:$0x980] =	vst v63  }
0x8b: {  	_ =	swait.ge [sflag:s29], $0x50  }
0x8c: {  	s11 =	smov.u32 s9;
	[sflag:s29] =	ssyncset.done $0x0  }
0x8d: {  	s6 =	sadd.s32 s11, s15;
	[sflag:s29] =	ssyncadd.s32 $0xFFFFFFB0  }
0x8e: {  	[tilespmem:s19], [sflag:$0x2] =	stream.linear.gather [hbm4b:s6+s3], $0x50, $0x38;
	[tilespmem:$0x980] =	vst v63  }
0x8f: {  	_ =	swait.ge [sflag:s30], $0x50  }
0x90: {  	[sflag:s30] =	ssyncset.done $0x0  }
0x91: {  	[sflag:s30] =	ssyncadd.s32 $0xFFFFFFB0  }
0x92: {  	[spmem:s2] =	stream.indirect.scatter.add.f32 [tilespmem:s25], [sflag:$0x8], $0x1, s20, s24, $0xb8;
	[tilespmem:$0x980] =	vst v63  }
0x93: {  	_ =	swait.ge [sflag:s31], $0x50  }
0x94: {  	[sflag:s31] =	ssyncset.done $0x0  }
0x95: {  	s6 =	sadd.s32 s11, s14;
	[sflag:s31] =	ssyncadd.s32 $0xFFFFFFB0  }
0x96: {  	[tilespmem:s20], [sflag:$0x3] =	stream.linear.gather [hbm4b:s6+s3], $0x50, $0x38;
	[tilespmem:$0x980] =	vst v63  }
0x97: {  	_ =	swait.ge [sflag:s1], $0x50  }
0x98: {  	[sflag:s1] =	ssyncset.done $0x0  }
0x99: {  	[sflag:s1] =	ssyncadd.s32 $0xFFFFFFB0  }
0x9a: {  	[spmem:s2] =	stream.indirect.scatter.add.f32 [tilespmem:s25], [sflag:$0x9], $0x1, s21, s24, $0xb8;
	[tilespmem:$0x980] =	vst v63  }
0x9b: {  	_ =	swait.ge [sflag:s0], $0x50  }
0x9c: {  	[sflag:s0] =	ssyncset.done $0x0  }
0x9d: {  	s6 =	sadd.s32 s11, s13;
	[sflag:s0] =	ssyncadd.s32 $0xFFFFFFB0  }
0x9e: {  	[tilespmem:s21], [sflag:$0x4] =	stream.linear.gather [hbm4b:s6+s3], $0x50, $0x38;
	[tilespmem:$0x980] =	vst v63  }
0x9f: {  	_ =	swait.ge [sflag:s17], $0x50  }
0xa0: {  	p0 =	sne.s32 s9, $0x47E;
	[sflag:s17] =	ssyncset.done $0x0  }
.Ltmp0:
0xa1: {  	[sflag:s17] =	ssyncadd.s32 $0xFFFFFFB0;
	(pc) =	sbr.rel @p0 .LBB2_2-.Ltmp0, $4  }
0xa2: {  	[spmem:s2] =	stream.indirect.scatter.add.f32 [tilespmem:s25], [sflag:$0xA], $0x1, s22, s24, $0xb8;
	[tilespmem:$0x980] =	vst v63  }
0xa3: {  	_ =	swait.ge [sflag:s7], $0x50  }
0xa4: {  	s9 =	sadd.s32 $0x32, s9;
	[sflag:s7] =	ssyncset.done $0x0;
	s6 =	rddreg [dreg:$0x4]  }
0xa5: {  	s10 =	sadd.s32 $0x190, s10;
	[sflag:s7] =	ssyncadd.s32 $0xFFFFFFB0;
	s11 =	sadd.s32 s11, s6  }
0xa6: {  	[tilespmem:s22], [sflag:$0x5] =	stream.linear.gather [hbm4b:s11+s3], $0x50, $0x38;
	[tilespmem:$0x980] =	vst v63  }
0xa7: {  	_ =	swait.ge [sflag:s23], $0x50  }
0xa8: {  	[sflag:s23] =	ssyncset.done $0x0  }
0xa9: {  	[sflag:s23] =	ssyncadd.s32 $0xFFFFFFB0  }
0xaa: {  	[spmem:s2] =	stream.indirect.scatter.add.f32 [tilespmem:s25], [sflag:$0x6], $0x1, s3, s24, $0xb8;
	[tilespmem:$0x980] =	vst v63  }
0xab: {  	_ =	swait.ge [sflag:s26], $0x50  }
0xac: {  	[sflag:s26] =	ssyncset.done $0x0  }
0xad: {  	[sflag:s26] =	ssyncadd.s32 $0xFFFFFFB0  }
0xae: {  	_ =	swait.ge [sflag:s28], $0x50  }
0xaf: {  	[sflag:s28] =	ssyncset.done $0x0  }
0xb0: {  	[sflag:s28] =	ssyncadd.s32 $0xFFFFFFB0  }
0xb1: {  	[spmem:s2] =	stream.indirect.scatter.add.f32 [tilespmem:s25], [sflag:$0x7], $0x1, s19, s24, $0xb8;
	[tilespmem:$0x980] =	vst v63  }
0xb2: {  	_ =	swait.ge [sflag:s29], $0x50  }
0xb3: {  	[sflag:s29] =	ssyncset.done $0x0  }
0xb4: {  	[sflag:s29] =	ssyncadd.s32 $0xFFFFFFB0  }
0xb5: {  	_ =	swait.ge [sflag:s30], $0x50  }
0xb6: {  	[sflag:s30] =	ssyncset.done $0x0  }
0xb7: {  	[sflag:s30] =	ssyncadd.s32 $0xFFFFFFB0  }
0xb8: {  	[spmem:s2] =	stream.indirect.scatter.add.f32 [tilespmem:s25], [sflag:$0x8], $0x1, s20, s24, $0xb8;
	[tilespmem:$0x980] =	vst v63  }
0xb9: {  	_ =	swait.ge [sflag:s31], $0x50  }
0xba: {  	[sflag:s31] =	ssyncset.done $0x0  }
0xbb: {  	[sflag:s31] =	ssyncadd.s32 $0xFFFFFFB0  }
0xbc: {  	_ =	swait.ge [sflag:s1], $0x50  }
0xbd: {  	[sflag:s1] =	ssyncset.done $0x0  }
0xbe: {  	[sflag:s1] =	ssyncadd.s32 $0xFFFFFFB0  }
0xbf: {  	[spmem:s2] =	stream.indirect.scatter.add.f32 [tilespmem:s25], [sflag:$0x9], $0x1, s21, s24, $0xb8;
	[tilespmem:$0x980] =	vst v63  }
0xc0: {  	_ =	swait.ge [sflag:s0], $0x50  }
0xc1: {  	[sflag:s0] =	ssyncset.done $0x0  }
0xc2: {  	[sflag:s0] =	ssyncadd.s32 $0xFFFFFFB0  }
0xc3: {  	_ =	swait.ge [sflag:s17], $0x50  }
0xc4: {  	[sflag:s17] =	ssyncset.done $0x0  }
0xc5: {  	[sflag:s17] =	ssyncadd.s32 $0xFFFFFFB0  }
0xc6: {  	[spmem:s2] =	stream.indirect.scatter.add.f32 [tilespmem:s25], [sflag:$0xA], $0x1, s22, s24, $0xb8;
	[tilespmem:$0x980] =	vst v63  }
0xc7: {  	_ =	swait.ge [sflag:s7], $0x50  }
0xc8: {  	[sflag:s7] =	ssyncset.done $0x0  }
0xc9: {  	s9 =	stileid.u32;
	s10 =	sshrl.u32 s5, $0x3;
	[sflag:s7] =	ssyncadd.s32 $0xFFFFFFB0  }
0xca: {  	s12 =	simm.s32 $0x20;
	s9 =	sshll.u32 s9, $0x6;
	[bflag:$0x0] =	sbarrier.arrive $0xFFFF  }
0xcb: {  	s6 =	simm.s32 $0x10;
	s9 =	sor.u32 $0x1C0B, s9;
	s11 =	rddreg [dreg:$0x9]  }
0xcc: {  	[hbm:s11@s12], [sflag:s9] =	dma.strided [spmem:s10@s6], $0x50, s23, $0x10   }
0xcd: {  	_ =	swait.ge [sflag:s18], $0x50  }
0xce: {  	s8 =	sadd.s32 $0x1, s8;
	s12 =	rddreg [dreg:$0xa]  }
0xcf: {  	p0 =	sne.s32 s8, s12  }
.Ltmp1:
0xd0: {  	_ = 	snop;
	(pc) =	sbr.rel @p0 .LBB2_1-.Ltmp1, $3  }
0xd1: {  	_ =	sdelay $0x1  }
0xd2: {  	[sflag:s18] =	ssyncset.done $0x0  }
0xd3: {  	[sflag:s18] =	ssyncadd.s32 $0xFFFFFFB0  }
0xd4: {  	_ =	sfence.sel $0x180000  }
0xd5: {  	[bflag:$0x0] =	sbarrier.arrive $0xFFFF  }
0xd6: {  	_ =	strace $0x90000047  }
0xd7: {  	s0 =	stileid.u32;
	[bflag:$0x2] =	sbarrier.arrive $0xFFFF  }
0xd8: {  	p0 =	sne.s32 s0, $0x0;
	s0 =	rddreg [dreg:$0x3]  }
0xd9: {  	s0 =	sadd.s32 @!p0 $0x100000, s0  }
0xda: {  	[sflag:s0] =	ssyncadd.tile.s32 @!p0 $0x1;
	_ =	shalt  }
.Lfunc_end2:
_tile_overlayer_lowered:
.L_overlay_start_2:
0xdb: {  	(tag) =	ssettag $0x2  }
0xdc: {  	s0 =	rddreg [dreg:$0x0];
	s2 =	stileid.u32  }
0xdd: {  	s1 =	rddreg [dreg:$0x1];
	p0 =	sne.s32 s2, $0x0  }
0xde: {  	s3 =	rddreg [dreg:$0x2];
	[bflag:$0x3] =	sbarrier.arrive $0xFFFF;
	s2 =	simm.s32 @!p0 $0x1C0B  }
0xdf: {  	[timem:s3], [sflag:s2] =	dma.local @!p0 [hbm:s0], s1  }
0xe0: {  	s0 =	simm.s32 @!p0 $0xB  }
0xe1: {  	_ =	swait.ge @!p0 [sflag:s0], s1  }
0xe2: {  	s1 =	ssub.s32 @!p0 $0x0, s1;
	[sflag:s0] =	ssyncset.done @!p0 $0x0  }
0xe3: {  	[sflag:s0] =	ssyncadd.s32 @!p0 s1  }
0xe4: {  	[bflag:$0x3] =	sbarrier.arrive $0xFFFF  }
0xe5: {  	_ =	shalt  }

</sc_bundles>
